<compile_context>
chip_gen: v7x
topology: tpu7x:2x2x1
jax: 0.10.2.dev20260603
libtpu: 0.0.44.dev20260713+nightly
codegen_flags: <defaults>
</compile_context>

<pallas_src>
import dataclasses
import functools

import jax
import jax.numpy as jnp
from jax import lax
from jax.experimental import pallas as pl
from jax.experimental.pallas import tpu as pltpu
from jax.experimental.pallas import tpu_sc as plsc

N = 10000
E = 320000
IN = 128
HID = 256
OUT = 128

NC = 2
NS = 16
NW = NC * NS
CH = 128
NCHUNK = 160
GS = 8
NG = NCHUNK // GS
EPW = CH * NCHUNK
EPAD = NS * EPW
DH = 64
NP = 10112
RPS = NP // NS
D = 128

_sc_mesh = plsc.VectorSubcoreMesh(core_axis_name="c", subcore_axis_name="s")


def _sc_agg_body(with_counts, *refs):
    if with_counts:
        (feat2, srcp, dstp, part, cnt_out,
         acc_sh, feat_sh, src_h, dst_h, rows0, rows1, cnt_v,
         sem0, sem1, isem) = refs
    else:
        (feat2, srcp, dstp, part,
         acc_sh, feat_sh, src_h, dst_h, rows0, rows1,
         sem0, sem1, isem) = refs
        cnt_v = cnt_out = None

    cid = lax.axis_index("c")
    sid = lax.axis_index("s")
    wid = sid * NC + cid

    base = sid * RPS
    sl = pl.ds(base, RPS)
    tail = RPS % CH

    pltpu.sync_copy(feat2.at[cid].at[sl], feat_sh.at[sl])

    zvec = jnp.zeros((16,), jnp.float32)

    @pl.loop(0, CH)
    def _(r):
        @pl.loop(0, DH, step=16)
        def _(j):
            rows0[r, pl.ds(j, 16)] = zvec

    if cnt_v is not None:
        @pl.loop(0, NP, step=16)
        def _(j):
            cnt_v[pl.ds(j, 16)] = zvec

    @pl.loop(0, RPS - CH + 1, step=CH)
    def _(r0):
        pltpu.sync_copy(rows0, acc_sh.at[pl.ds(base + r0, CH)])

    if tail:
        pltpu.sync_copy(rows0.at[pl.ds(0, tail)],
                        acc_sh.at[pl.ds(base + RPS - tail, tail)])

    plsc.subcore_barrier()

    ones = jnp.ones((16,), jnp.float32)

    def idx_dma(g, h):
        gsl = pl.ds(g * GS, GS)
        pltpu.async_copy(srcp.at[sid].at[gsl], src_h.at[h], isem)
        pltpu.async_copy(dstp.at[sid].at[gsl], dst_h.at[h], isem)

    def idx_wait(h):
        pltpu.make_async_copy(srcp.at[sid].at[pl.ds(0, GS)],
                              src_h.at[h], isem).wait()
        pltpu.make_async_copy(dstp.at[sid].at[pl.ds(0, GS)],
                              dst_h.at[h], isem).wait()

    def gather_start(h, i, rows, sem):
        pltpu.async_copy(feat_sh.at[src_h.at[h, i]], rows, sem)

    def gather_wait(h, i, rows, sem):
        pltpu.make_async_copy(feat_sh.at[src_h.at[h, i]], rows, sem).wait()

    def chunk_work(h, i, rows, sem):
        gather_wait(h, i, rows, sem)
        pltpu.sync_copy(rows, acc_sh.at[dst_h.at[h, i]], add=True)
        if cnt_v is not None:
            for j in range(0, CH, 16):
                plsc.addupdate_scatter(
                    cnt_v, [dst_h[h, i, pl.ds(j, 16)]], ones)

    rb = (rows0, rows1)
    sb = (sem0, sem1)

    idx_dma(0, 0)
    idx_dma(1, 1)
    idx_wait(0)
    gather_start(0, 0, rows0, sem0)

    def group(g, h, nh, prefetch_group, last):
        for i in range(GS):
            if i < GS - 1:
                if i == GS - 2 and not last:
                    idx_wait(nh)
                gather_start(h, i + 1, rb[(i + 1) % 2], sb[(i + 1) % 2])
            elif not last:
                gather_start(nh, 0, rb[0], sb[0])
            chunk_work(h, i, rb[i % 2], sb[i % 2])
        if prefetch_group is not None:
            idx_dma(prefetch_group, h)

    @pl.loop(0, NG - 2)
    def _(g):
        h = lax.rem(g, 2)
        group(g, h, 1 - h, g + 2, last=False)

    hl = (NG - 2) % 2
    group(NG - 2, hl, 1 - hl, None, last=False)
    group(NG - 1, 1 - hl, hl, None, last=True)

    plsc.subcore_barrier()

    pltpu.sync_copy(acc_sh.at[sl], part.at[cid].at[sl])
    if cnt_v is not None:
        pltpu.sync_copy(cnt_v, cnt_out.at[wid])


def _make_sc_agg(with_counts):
    cp = pltpu.CompilerParams()
    if "needs_layout_passes" in pltpu.CompilerParams.__dataclass_fields__:
        cp = dataclasses.replace(cp, needs_layout_passes=False)
    out_type = [jax.ShapeDtypeStruct((NC, NP, DH), jnp.float32)]
    scratch = [
        pltpu.VMEM_SHARED((NP, DH), jnp.float32),
        pltpu.VMEM_SHARED((NP, DH), jnp.float32),
        pltpu.VMEM((2, GS, CH), jnp.int32),
        pltpu.VMEM((2, GS, CH), jnp.int32),
        pltpu.VMEM((CH, DH), jnp.float32),
        pltpu.VMEM((CH, DH), jnp.float32),
    ]
    if with_counts:
        out_type.append(jax.ShapeDtypeStruct((NW, NP), jnp.float32))
        scratch.append(pltpu.VMEM((NP,), jnp.float32))
    scratch.append(pltpu.SemaphoreType.DMA)
    scratch.append(pltpu.SemaphoreType.DMA)
    scratch.append(pltpu.SemaphoreType.DMA)
    return pl.kernel(
        functools.partial(_sc_agg_body, with_counts),
        out_type=tuple(out_type),
        mesh=_sc_mesh,
        scratch_types=scratch,
        compiler_params=cp,
    )


_sc_agg1 = _make_sc_agg(True)
_sc_agg2 = _make_sc_agg(False)



BLK = 1264


def _dot_t(a, w):
    return jax.lax.dot_general(
        a.astype(jnp.bfloat16), w.astype(jnp.bfloat16),
        (((1,), (1,)), ((), ())), preferred_element_type=jnp.float32)


def _tc_layer1_body(part, cntp, x, W1l, b1, W1r, W2l, W2r, b2,
                    p_out, q_out, inv_out):
    agg = jnp.concatenate([part[0], part[1]], axis=1)
    cnt = jnp.sum(cntp[...], axis=0) * 0.5
    inv = 1.0 / jnp.maximum(cnt, 1.0)
    mean = agg * inv[:, None]
    h = _dot_t(mean, W1l[...]) + b1[...] + _dot_t(x[...], W1r[...])
    h = jnp.maximum(h, 0.0)
    p_out[0] = _dot_t(h, W2l[...][:DH])
    p_out[1] = _dot_t(h, W2l[...][DH:])
    q_out[...] = _dot_t(h, W2r[...]) + b2[...]
    inv_out[...] = inv[:, None]


def _tc_layer1(part, cntp, x, W1l, b1, W1r, W2l, b2, W2r):
    return pl.pallas_call(
        _tc_layer1_body,
        out_shape=[
            jax.ShapeDtypeStruct((NC, NP, DH), jnp.float32),
            jax.ShapeDtypeStruct((NP, OUT), jnp.float32),
            jax.ShapeDtypeStruct((NP, 1), jnp.float32),
        ],
    )(part, cntp, x, W1l, b1, W1r, W2l, W2r, b2)


def _tc_final_body(part, inv, q, out):
    agg = jnp.concatenate([part[0, :N], part[1, :N]], axis=1)
    out[...] = agg * inv[...][:N] + q[...][:N]


def _tc_final(part, inv, q):
    return pl.pallas_call(
        _tc_final_body,
        out_shape=jax.ShapeDtypeStruct((N, OUT), jnp.float32),
    )(part, inv, q)


@jax.jit
def _run(x, edge_index, W1l, b1, W1r, W2l, b2, W2r):
    src = edge_index[0]
    dst = edge_index[1]
    srcp = jnp.pad(src, (0, EPAD - E)).reshape(NS, NCHUNK, CH)
    dstp = jnp.pad(dst, (0, EPAD - E),
                   constant_values=N).reshape(NS, NCHUNK, CH)
    xp = jnp.pad(x, ((0, NP - N), (0, 0)))
    x2 = jnp.stack([xp[:, :DH], xp[:, DH:]])

    part1, cntp = _sc_agg1(x2, srcp, dstp)
    p2, q, inv = _tc_layer1(part1, cntp, xp, W1l, b1, W1r, W2l, b2, W2r)
    (part2,) = _sc_agg2(p2, srcp, dstp)
    return _tc_final(part2, inv, q)


def kernel(x, edge_index, W1l, b1, W1r, W2l, b2, W2r):
    return _run(x, edge_index, W1l, b1, W1r, W2l, b2, W2r)

# --- scband reference (transcript-rebuilt; emitter-appended) ---
"""Pipeline reference for scband-graph-sagenet-64888365908158 (READ-ONLY COPY).

The authoritative reference and input builder live on the scoring server;
editing this copy changes nothing except your own understanding.
"""

import jax, jax.numpy as jnp
import numpy as np

N = 10000
E = 320000
IN = 128
HID = 256
OUT = 128


def _sage_conv(x, src, dst, Wl, b, Wr, n_nodes):
    # PyG SAGEConv (mean aggr): out = lin_l(mean_j x_j) + lin_r(x_i); lin_l has bias, lin_r bias=False
    msg = x[src]
    agg = jax.ops.segment_sum(msg, dst, num_segments=n_nodes)
    cnt = jax.ops.segment_sum(jnp.ones((src.shape[0],), dtype=jnp.float32), dst, num_segments=n_nodes)
    mean = agg / jnp.maximum(cnt, 1.0)[:, None]
    return mean @ Wl.T + b + x @ Wr.T


def setup_inputs(seed: int = 0) -> dict:
    key = jax.random.key(seed)
    ks = jax.random.split(key, 8)
    x = jax.random.normal(ks[0], (N, IN), dtype=jnp.float32)
    edge_index = jax.random.randint(ks[1], (2, E), 0, N, dtype=jnp.int32)
    s1 = 1.0 / np.sqrt(IN)
    s2 = 1.0 / np.sqrt(HID)
    W1l = jax.random.uniform(ks[2], (HID, IN), dtype=jnp.float32, minval=-s1, maxval=s1)
    b1 = jax.random.uniform(ks[3], (HID,), dtype=jnp.float32, minval=-s1, maxval=s1)
    W1r = jax.random.uniform(ks[4], (HID, IN), dtype=jnp.float32, minval=-s1, maxval=s1)
    W2l = jax.random.uniform(ks[5], (OUT, HID), dtype=jnp.float32, minval=-s2, maxval=s2)
    b2 = jax.random.uniform(ks[6], (OUT,), dtype=jnp.float32, minval=-s2, maxval=s2)
    W2r = jax.random.uniform(ks[7], (OUT, HID), dtype=jnp.float32, minval=-s2, maxval=s2)
    return {"x": x, "edge_index": edge_index, "W1l": W1l, "b1": b1, "W1r": W1r, "W2l": W2l, "b2": b2, "W2r": W2r}


def reference(x, edge_index, W1l, b1, W1r, W2l, b2, W2r):
    src = edge_index[0]
    dst = edge_index[1]
    h = _sage_conv(x, src, dst, W1l, b1, W1r, N)
    h = jax.nn.relu(h)
    # F.dropout with training=False (eval mode) -> identity
    out = _sage_conv(h, src, dst, W2l, b2, W2r, N)
    return out

if __name__ == "__main__":
    import jax
    _d = setup_inputs()
    print(jax.jit(kernel)(*tuple(_d.values())))

</pallas_src>

<mosaic_0001>
#map = affine_map<(d0, d1) -> (0, 0, 0)>
#map1 = affine_map<(d0, d1) -> (0, 0)>
module attributes {stable_mosaic.version = 14 : i64} {
  func.func @_sc_agg_body(%arg0: i32, %arg1: i32, %arg2: memref<2x10112x64xf32, #tpu.memory_space<hbm>>, %arg3: memref<16x160x128xi32, #tpu.memory_space<hbm>>, %arg4: memref<16x160x128xi32, #tpu.memory_space<hbm>>, %arg5: memref<2x10112x64xf32, #tpu.memory_space<hbm>>, %arg6: memref<32x10112xf32, #tpu.memory_space<hbm>>, %arg7: memref<10112x64xf32, #tpu.memory_space<vmem_shared>>, %arg8: memref<10112x64xf32, #tpu.memory_space<vmem_shared>>, %arg9: memref<2x8x128xi32, #tpu.memory_space<vmem>>, %arg10: memref<2x8x128xi32, #tpu.memory_space<vmem>>, %arg11: memref<128x64xf32, #tpu.memory_space<vmem>>, %arg12: memref<128x64xf32, #tpu.memory_space<vmem>>, %arg13: memref<10112xf32, #tpu.memory_space<vmem>>, %arg14: memref<!tpu.dma_semaphore, #tpu.memory_space<semaphore_mem>>, %arg15: memref<!tpu.dma_semaphore, #tpu.memory_space<semaphore_mem>>, %arg16: memref<!tpu.dma_semaphore, #tpu.memory_space<semaphore_mem>>) attributes {dimension_semantics = [#tpu.dimension_semantics<core_parallel>, #tpu.dimension_semantics<subcore_parallel>], iteration_bounds = array<i64: 2, 16>, scalar_prefetch = 0 : i64, scratch_operands = 10 : i64, tpu.core_type = #tpu.core_type<sc_vector_subcore>, window_params = [{transform_indices = #map}, {transform_indices = #map}, {transform_indices = #map}, {transform_indices = #map}, {transform_indices = #map1}]} {
    %mul3A = arith.constant 2 : i32
    %mul3A_0 = arith.muli %arg1, %mul3A : i32
    %add3A = arith.addi %mul3A_0, %arg0 : i32
    %mul3A_1 = arith.constant 632 : i32
    %mul3A_2 = arith.muli %arg1, %mul3A_1 : i32
    "tpu.region"() ({
      %run_scoped3A_1265 = tpu.sem_alloc : memref<!tpu.dma_semaphore, #tpu.memory_space<semaphore_mem>>
      %dma_start3A_1266 = arith.constant 0 : i32
      %dma_start3A_1267 = tpu.memref_slice %arg8[%mul3A_2, %dma_start3A_1266] : memref<10112x64xf32, #tpu.memory_space<vmem_shared>> -> memref<632x64xf32, #tpu.memory_space<vmem_shared>>
      %dma_start3A_1268 = arith.constant 0 : i32
      %dma_start3A_1269 = arith.constant 0 : i32
      %dma_start3A_1270 = tpu.memref_slice %arg2[%arg0, %dma_start3A_1268, %dma_start3A_1269] : memref<2x10112x64xf32, #tpu.memory_space<hbm>> -> memref<1x10112x64xf32, #tpu.memory_space<hbm>>
      %dma_start3A_1271 = tpu.memref_squeeze %dma_start3A_1270 : memref<1x10112x64xf32, #tpu.memory_space<hbm>> -> memref<10112x64xf32, #tpu.memory_space<hbm>>
      %dma_start3A_1272 = arith.constant 0 : i32
      %dma_start3A_1273 = tpu.memref_slice %dma_start3A_1271[%mul3A_2, %dma_start3A_1272] : memref<10112x64xf32, #tpu.memory_space<hbm>> -> memref<632x64xf32, #tpu.memory_space<hbm>>
      tpu.enqueue_dma source(%dma_start3A_1273 : memref<632x64xf32, #tpu.memory_space<hbm>>) target(%dma_start3A_1267 : memref<632x64xf32, #tpu.memory_space<vmem_shared>>) target_semaphore(%run_scoped3A_1265 : memref<!tpu.dma_semaphore, #tpu.memory_space<semaphore_mem>>)
      %dma_wait3A_1274 = arith.constant 0 : i32
      %dma_wait3A_1275 = tpu.memref_slice %arg8[%mul3A_2, %dma_wait3A_1274] : memref<10112x64xf32, #tpu.memory_space<vmem_shared>> -> memref<632x64xf32, #tpu.memory_space<vmem_shared>>
      %dma_wait3A_1276 = arith.constant 0 : i32
      %dma_wait3A_1277 = arith.constant 0 : i32
      %dma_wait3A_1278 = tpu.memref_slice %arg2[%arg0, %dma_wait3A_1276, %dma_wait3A_1277] : memref<2x10112x64xf32, #tpu.memory_space<hbm>> -> memref<1x10112x64xf32, #tpu.memory_space<hbm>>
      %dma_wait3A_1279 = tpu.memref_squeeze %dma_wait3A_1278 : memref<1x10112x64xf32, #tpu.memory_space<hbm>> -> memref<10112x64xf32, #tpu.memory_space<hbm>>
      %dma_wait3A_1280 = arith.constant 0 : i32
      %dma_wait3A_1281 = tpu.memref_slice %dma_wait3A_1279[%mul3A_2, %dma_wait3A_1280] : memref<10112x64xf32, #tpu.memory_space<hbm>> -> memref<632x64xf32, #tpu.memory_space<hbm>>
      tpu.wait_dma2 semaphore(%run_scoped3A_1265 : memref<!tpu.dma_semaphore, #tpu.memory_space<semaphore_mem>>) src(%dma_wait3A_1281 : memref<632x64xf32, #tpu.memory_space<hbm>>) dst(%dma_wait3A_1275 : memref<632x64xf32, #tpu.memory_space<vmem_shared>>)
      tpu.yield
    }) : () -> ()
    %broadcast_in_dim3A = arith.constant 0.000000e+00 : f32
    %broadcast_in_dim3A_3 = vector.broadcast %broadcast_in_dim3A : f32 to vector<16xf32>
    %scan3A = arith.constant 0 : i32
    %scan3A_4 = arith.constant 128 : i32
    %scan3A_5 = arith.addi %scan3A, %scan3A_4 : i32
    %scan3A_6 = arith.constant 1 : i32
    scf.for %scan3A_1265 = %scan3A to %scan3A_5 step %scan3A_6  : i32 {
      %mul3A_1266 = arith.constant 1 : i32
      %mul3A_1267 = arith.muli %scan3A_1265, %mul3A_1266 : i32
      %add3A_1268 = arith.constant 0 : i32
      %add3A_1269 = arith.addi %add3A_1268, %mul3A_1267 : i32
      %scan3A_1270 = arith.constant 0 : i32
      %scan3A_1271 = arith.constant 4 : i32
      %scan3A_1272 = arith.addi %scan3A_1270, %scan3A_1271 : i32
      %scan3A_1273 = arith.constant 1 : i32
      scf.for %scan3A_1275 = %scan3A_1270 to %scan3A_1272 step %scan3A_1273  : i32 {
        %mul3A_1276 = arith.constant 16 : i32
        %mul3A_1277 = arith.muli %scan3A_1275, %mul3A_1276 : i32
        %add3A_1278 = arith.constant 0 : i32
        %add3A_1279 = arith.addi %add3A_1278, %mul3A_1277 : i32
        %swap3A = arith.index_cast %add3A_1269 : i32 to index
        %swap3A_1280 = arith.index_cast %add3A_1279 : i32 to index
        %swap3A_1281 = tpu.vector_load %arg11[%swap3A, %swap3A_1280] {strides = array<i32>} : memref<128x64xf32, #tpu.memory_space<vmem>>, vector<16xf32>,
        tpu.vector_store %arg11[%swap3A, %swap3A_1280], %broadcast_in_dim3A_3 {strides = array<i32>} : memref<128x64xf32, #tpu.memory_space<vmem>>, vector<16xf32>,
      }
      %scan3A_1274 = arith.constant 4 : i32
    }
    %scan3A_7 = arith.constant 128 : i32
    %scan3A_8 = arith.constant 0 : i32
    %scan3A_9 = arith.constant 632 : i32
    %scan3A_10 = arith.addi %scan3A_8, %scan3A_9 : i32
    %scan3A_11 = arith.constant 1 : i32
    scf.for %scan3A_1265 = %scan3A_8 to %scan3A_10 step %scan3A_11  : i32 {
      %mul3A_1266 = arith.constant 16 : i32
      %mul3A_1267 = arith.muli %scan3A_1265, %mul3A_1266 : i32
      %add3A_1268 = arith.constant 0 : i32
      %add3A_1269 = arith.addi %add3A_1268, %mul3A_1267 : i32
      %swap3A = arith.index_cast %add3A_1269 : i32 to index
      %swap3A_1270 = tpu.vector_load %arg13[%swap3A] {strides = array<i32>} : memref<10112xf32, #tpu.memory_space<vmem>>, vector<16xf32>,
      tpu.vector_store %arg13[%swap3A], %broadcast_in_dim3A_3 {strides = array<i32>} : memref<10112xf32, #tpu.memory_space<vmem>>, vector<16xf32>,
    }
    %scan3A_12 = arith.constant 632 : i32
    %scan3A_13 = arith.constant 0 : i32
    %scan3A_14 = arith.constant 4 : i32
    %scan3A_15 = arith.addi %scan3A_13, %scan3A_14 : i32
    %scan3A_16 = arith.constant 1 : i32
    scf.for %scan3A_1265 = %scan3A_13 to %scan3A_15 step %scan3A_16  : i32 {
      %mul3A_1266 = arith.constant 128 : i32
      %mul3A_1267 = arith.muli %scan3A_1265, %mul3A_1266 : i32
      %add3A_1268 = arith.constant 0 : i32
      %add3A_1269 = arith.addi %add3A_1268, %mul3A_1267 : i32
      %add3A_1270 = arith.addi %mul3A_2, %add3A_1269 : i32
      "tpu.region"() ({
        %run_scoped3A_1271 = tpu.sem_alloc : memref<!tpu.dma_semaphore, #tpu.memory_space<semaphore_mem>>
        %dma_start3A_1272 = arith.constant 0 : i32
        %dma_start3A_1273 = tpu.memref_slice %arg7[%add3A_1270, %dma_start3A_1272] : memref<10112x64xf32, #tpu.memory_space<vmem_shared>> -> memref<128x64xf32, #tpu.memory_space<vmem_shared>>
        %dma_start3A_1274 = arith.constant 0 : i32
        %dma_start3A_1275 = tpu.memref_slice %arg7[%add3A_1270, %dma_start3A_1274] : memref<10112x64xf32, #tpu.memory_space<vmem_shared>> -> memref<128x64xf32, #tpu.memory_space<vmem_shared>>
        tpu.enqueue_dma source(%arg11 : memref<128x64xf32, #tpu.memory_space<vmem>>) target(%dma_start3A_1275 : memref<128x64xf32, #tpu.memory_space<vmem_shared>>) target_semaphore(%run_scoped3A_1271 : memref<!tpu.dma_semaphore, #tpu.memory_space<semaphore_mem>>)
        %dma_wait3A_1276 = arith.constant 0 : i32
        %dma_wait3A_1277 = tpu.memref_slice %arg7[%add3A_1270, %dma_wait3A_1276] : memref<10112x64xf32, #tpu.memory_space<vmem_shared>> -> memref<128x64xf32, #tpu.memory_space<vmem_shared>>
        %dma_wait3A_1278 = arith.constant 0 : i32
        %dma_wait3A_1279 = tpu.memref_slice %arg7[%add3A_1270, %dma_wait3A_1278] : memref<10112x64xf32, #tpu.memory_space<vmem_shared>> -> memref<128x64xf32, #tpu.memory_space<vmem_shared>>
        tpu.wait_dma2 semaphore(%run_scoped3A_1271 : memref<!tpu.dma_semaphore, #tpu.memory_space<semaphore_mem>>) src(%arg11 : memref<128x64xf32, #tpu.memory_space<vmem>>) dst(%dma_wait3A_1279 : memref<128x64xf32, #tpu.memory_space<vmem_shared>>)
        tpu.yield
      }) : () -> ()
    }
    %scan3A_17 = arith.constant 4 : i32
    %add3A_18 = arith.constant 632 : i32
    %add3A_19 = arith.addi %mul3A_2, %add3A_18 : i32
    %sub3A = arith.constant 120 : i32
    %sub3A_20 = arith.subi %add3A_19, %sub3A : i32
    "tpu.region"() ({
      %run_scoped3A_1265 = tpu.sem_alloc : memref<!tpu.dma_semaphore, #tpu.memory_space<semaphore_mem>>
      %dma_start3A_1266 = arith.constant 0 : i32
      %dma_start3A_1267 = arith.constant 0 : i32
      %dma_start3A_1268 = tpu.memref_slice %arg11[%dma_start3A_1266, %dma_start3A_1267] : memref<128x64xf32, #tpu.memory_space<vmem>> -> memref<120x64xf32, #tpu.memory_space<vmem>>
      %dma_start3A_1269 = arith.constant 0 : i32
      %dma_start3A_1270 = tpu.memref_slice %arg7[%sub3A_20, %dma_start3A_1269] : memref<10112x64xf32, #tpu.memory_space<vmem_shared>> -> memref<120x64xf32, #tpu.memory_space<vmem_shared>>
      %dma_start3A_1271 = arith.constant 0 : i32
      %dma_start3A_1272 = tpu.memref_slice %arg7[%sub3A_20, %dma_start3A_1271] : memref<10112x64xf32, #tpu.memory_space<vmem_shared>> -> memref<120x64xf32, #tpu.memory_space<vmem_shared>>
      %dma_start3A_1273 = arith.constant 0 : i32
      %dma_start3A_1274 = arith.constant 0 : i32
      %dma_start3A_1275 = tpu.memref_slice %arg11[%dma_start3A_1273, %dma_start3A_1274] : memref<128x64xf32, #tpu.memory_space<vmem>> -> memref<120x64xf32, #tpu.memory_space<vmem>>
      tpu.enqueue_dma source(%dma_start3A_1275 : memref<120x64xf32, #tpu.memory_space<vmem>>) target(%dma_start3A_1272 : memref<120x64xf32, #tpu.memory_space<vmem_shared>>) target_semaphore(%run_scoped3A_1265 : memref<!tpu.dma_semaphore, #tpu.memory_space<semaphore_mem>>)
      %dma_wait3A_1276 = arith.constant 0 : i32
      %dma_wait3A_1277 = arith.constant 0 : i32
      %dma_wait3A_1278 = tpu.memref_slice %arg11[%dma_wait3A_1276, %dma_wait3A_1277] : memref<128x64xf32, #tpu.memory_space<vmem>> -> memref<120x64xf32, #tpu.memory_space<vmem>>
      %dma_wait3A_1279 = arith.constant 0 : i32
      %dma_wait3A_1280 = tpu.memref_slice %arg7[%sub3A_20, %dma_wait3A_1279] : memref<10112x64xf32, #tpu.memory_space<vmem_shared>> -> memref<120x64xf32, #tpu.memory_space<vmem_shared>>
      %dma_wait3A_1281 = arith.constant 0 : i32
      %dma_wait3A_1282 = tpu.memref_slice %arg7[%sub3A_20, %dma_wait3A_1281] : memref<10112x64xf32, #tpu.memory_space<vmem_shared>> -> memref<120x64xf32, #tpu.memory_space<vmem_shared>>
      %dma_wait3A_1283 = arith.constant 0 : i32
      %dma_wait3A_1284 = arith.constant 0 : i32
      %dma_wait3A_1285 = tpu.memref_slice %arg11[%dma_wait3A_1283, %dma_wait3A_1284] : memref<128x64xf32, #tpu.memory_space<vmem>> -> memref<120x64xf32, #tpu.memory_space<vmem>>
      tpu.wait_dma2 semaphore(%run_scoped3A_1265 : memref<!tpu.dma_semaphore, #tpu.memory_space<semaphore_mem>>) src(%dma_wait3A_1285 : memref<120x64xf32, #tpu.memory_space<vmem>>) dst(%dma_wait3A_1282 : memref<120x64xf32, #tpu.memory_space<vmem_shared>>)
      tpu.yield
    }) : () -> ()
    %barrier3A = arith.constant 0 : index
    tpu.barrier barrier_id(%barrier3A)
    %broadcast_in_dim3A_21 = arith.constant 1.000000e+00 : f32
    %broadcast_in_dim3A_22 = vector.broadcast %broadcast_in_dim3A_21 : f32 to vector<16xf32>
    %dma_start3A = arith.constant 0 : i32
    %dma_start3A_23 = arith.constant 0 : i32
    %dma_start3A_24 = arith.constant 0 : i32
    %dma_start3A_25 = tpu.memref_slice %arg9[%dma_start3A, %dma_start3A_23, %dma_start3A_24] : memref<2x8x128xi32, #tpu.memory_space<vmem>> -> memref<1x8x128xi32, #tpu.memory_space<vmem>>
    %dma_start3A_26 = tpu.memref_squeeze %dma_start3A_25 : memref<1x8x128xi32, #tpu.memory_space<vmem>> -> memref<8x128xi32, #tpu.memory_space<vmem>>
    %dma_start3A_27 = arith.constant 0 : i32
    %dma_start3A_28 = arith.constant 0 : i32
    %dma_start3A_29 = tpu.memref_slice %arg3[%arg1, %dma_start3A_27, %dma_start3A_28] : memref<16x160x128xi32, #tpu.memory_space<hbm>> -> memref<1x160x128xi32, #tpu.memory_space<hbm>>
    %dma_start3A_30 = tpu.memref_squeeze %dma_start3A_29 : memref<1x160x128xi32, #tpu.memory_space<hbm>> -> memref<160x128xi32, #tpu.memory_space<hbm>>
    %dma_start3A_31 = arith.constant 0 : i32
    %dma_start3A_32 = arith.constant 0 : i32
    %dma_start3A_33 = tpu.memref_slice %dma_start3A_30[%dma_start3A_31, %dma_start3A_32] : memref<160x128xi32, #tpu.memory_space<hbm>> -> memref<8x128xi32, #tpu.memory_space<hbm>>
    %dma_start3A_34 = arith.constant 0 : i32
    %dma_start3A_35 = arith.constant 0 : i32
    %dma_start3A_36 = tpu.memref_slice %arg9[%dma_start3A, %dma_start3A_34, %dma_start3A_35] : memref<2x8x128xi32, #tpu.memory_space<vmem>> -> memref<1x8x128xi32, #tpu.memory_space<vmem>>
    %dma_start3A_37 = tpu.memref_squeeze %dma_start3A_36 : memref<1x8x128xi32, #tpu.memory_space<vmem>> -> memref<8x128xi32, #tpu.memory_space<vmem>>
    %dma_start3A_38 = arith.constant 0 : i32
    %dma_start3A_39 = arith.constant 0 : i32
    %dma_start3A_40 = tpu.memref_slice %arg3[%arg1, %dma_start3A_38, %dma_start3A_39] : memref<16x160x128xi32, #tpu.memory_space<hbm>> -> memref<1x160x128xi32, #tpu.memory_space<hbm>>
    %dma_start3A_41 = tpu.memref_squeeze %dma_start3A_40 : memref<1x160x128xi32, #tpu.memory_space<hbm>> -> memref<160x128xi32, #tpu.memory_space<hbm>>
    %dma_start3A_42 = arith.constant 0 : i32
    %dma_start3A_43 = arith.constant 0 : i32
    %dma_start3A_44 = tpu.memref_slice %dma_start3A_41[%dma_start3A_42, %dma_start3A_43] : memref<160x128xi32, #tpu.memory_space<hbm>> -> memref<8x128xi32, #tpu.memory_space<hbm>>
    tpu.enqueue_dma source(%dma_start3A_44 : memref<8x128xi32, #tpu.memory_space<hbm>>) target(%dma_start3A_37 : memref<8x128xi32, #tpu.memory_space<vmem>>) target_semaphore(%arg16 : memref<!tpu.dma_semaphore, #tpu.memory_space<semaphore_mem>>)
    %dma_start3A_45 = arith.constant 0 : i32
    %dma_start3A_46 = arith.constant 0 : i32
    %dma_start3A_47 = arith.constant 0 : i32
    %dma_start3A_48 = tpu.memref_slice %arg10[%dma_start3A_45, %dma_start3A_46, %dma_start3A_47] : memref<2x8x128xi32, #tpu.memory_space<vmem>> -> memref<1x8x128xi32, #tpu.memory_space<vmem>>
    %dma_start3A_49 = tpu.memref_squeeze %dma_start3A_48 : memref<1x8x128xi32, #tpu.memory_space<vmem>> -> memref<8x128xi32, #tpu.memory_space<vmem>>
    %dma_start3A_50 = arith.constant 0 : i32
    %dma_start3A_51 = arith.constant 0 : i32
    %dma_start3A_52 = tpu.memref_slice %arg4[%arg1, %dma_start3A_50, %dma_start3A_51] : memref<16x160x128xi32, #tpu.memory_space<hbm>> -> memref<1x160x128xi32, #tpu.memory_space<hbm>>
    %dma_start3A_53 = tpu.memref_squeeze %dma_start3A_52 : memref<1x160x128xi32, #tpu.memory_space<hbm>> -> memref<160x128xi32, #tpu.memory_space<hbm>>
    %dma_start3A_54 = arith.constant 0 : i32
    %dma_start3A_55 = arith.constant 0 : i32
    %dma_start3A_56 = tpu.memref_slice %dma_start3A_53[%dma_start3A_54, %dma_start3A_55] : memref<160x128xi32, #tpu.memory_space<hbm>> -> memref<8x128xi32, #tpu.memory_space<hbm>>
    %dma_start3A_57 = arith.constant 0 : i32
    %dma_start3A_58 = arith.constant 0 : i32
    %dma_start3A_59 = tpu.memref_slice %arg10[%dma_start3A_45, %dma_start3A_57, %dma_start3A_58] : memref<2x8x128xi32, #tpu.memory_space<vmem>> -> memref<1x8x128xi32, #tpu.memory_space<vmem>>
    %dma_start3A_60 = tpu.memref_squeeze %dma_start3A_59 : memref<1x8x128xi32, #tpu.memory_space<vmem>> -> memref<8x128xi32, #tpu.memory_space<vmem>>
    %dma_start3A_61 = arith.constant 0 : i32
    %dma_start3A_62 = arith.constant 0 : i32
    %dma_start3A_63 = tpu.memref_slice %arg4[%arg1, %dma_start3A_61, %dma_start3A_62] : memref<16x160x128xi32, #tpu.memory_space<hbm>> -> memref<1x160x128xi32, #tpu.memory_space<hbm>>
    %dma_start3A_64 = tpu.memref_squeeze %dma_start3A_63 : memref<1x160x128xi32, #tpu.memory_space<hbm>> -> memref<160x128xi32, #tpu.memory_space<hbm>>
    %dma_start3A_65 = arith.constant 0 : i32
    %dma_start3A_66 = arith.constant 0 : i32
    %dma_start3A_67 = tpu.memref_slice %dma_start3A_64[%dma_start3A_65, %dma_start3A_66] : memref<160x128xi32, #tpu.memory_space<hbm>> -> memref<8x128xi32, #tpu.memory_space<hbm>>
    tpu.enqueue_dma source(%dma_start3A_67 : memref<8x128xi32, #tpu.memory_space<hbm>>) target(%dma_start3A_60 : memref<8x128xi32, #tpu.memory_space<vmem>>) target_semaphore(%arg16 : memref<!tpu.dma_semaphore, #tpu.memory_space<semaphore_mem>>)
    %dma_start3A_68 = arith.constant 1 : i32
    %dma_start3A_69 = arith.constant 0 : i32
    %dma_start3A_70 = arith.constant 0 : i32
    %dma_start3A_71 = tpu.memref_slice %arg9[%dma_start3A_68, %dma_start3A_69, %dma_start3A_70] : memref<2x8x128xi32, #tpu.memory_space<vmem>> -> memref<1x8x128xi32, #tpu.memory_space<vmem>>
    %dma_start3A_72 = tpu.memref_squeeze %dma_start3A_71 : memref<1x8x128xi32, #tpu.memory_space<vmem>> -> memref<8x128xi32, #tpu.memory_space<vmem>>
    %dma_start3A_73 = arith.constant 0 : i32
    %dma_start3A_74 = arith.constant 0 : i32
    %dma_start3A_75 = tpu.memref_slice %arg3[%arg1, %dma_start3A_73, %dma_start3A_74] : memref<16x160x128xi32, #tpu.memory_space<hbm>> -> memref<1x160x128xi32, #tpu.memory_space<hbm>>
    %dma_start3A_76 = tpu.memref_squeeze %dma_start3A_75 : memref<1x160x128xi32, #tpu.memory_space<hbm>> -> memref<160x128xi32, #tpu.memory_space<hbm>>
    %dma_start3A_77 = arith.constant 8 : i32
    %dma_start3A_78 = arith.constant 0 : i32
    %dma_start3A_79 = tpu.memref_slice %dma_start3A_76[%dma_start3A_77, %dma_start3A_78] : memref<160x128xi32, #tpu.memory_space<hbm>> -> memref<8x128xi32, #tpu.memory_space<hbm>>
    %dma_start3A_80 = arith.constant 0 : i32
    %dma_start3A_81 = arith.constant 0 : i32
    %dma_start3A_82 = tpu.memref_slice %arg9[%dma_start3A_68, %dma_start3A_80, %dma_start3A_81] : memref<2x8x128xi32, #tpu.memory_space<vmem>> -> memref<1x8x128xi32, #tpu.memory_space<vmem>>
    %dma_start3A_83 = tpu.memref_squeeze %dma_start3A_82 : memref<1x8x128xi32, #tpu.memory_space<vmem>> -> memref<8x128xi32, #tpu.memory_space<vmem>>
    %dma_start3A_84 = arith.constant 0 : i32
    %dma_start3A_85 = arith.constant 0 : i32
    %dma_start3A_86 = tpu.memref_slice %arg3[%arg1, %dma_start3A_84, %dma_start3A_85] : memref<16x160x128xi32, #tpu.memory_space<hbm>> -> memref<1x160x128xi32, #tpu.memory_space<hbm>>
    %dma_start3A_87 = tpu.memref_squeeze %dma_start3A_86 : memref<1x160x128xi32, #tpu.memory_space<hbm>> -> memref<160x128xi32, #tpu.memory_space<hbm>>
    %dma_start3A_88 = arith.constant 8 : i32
    %dma_start3A_89 = arith.constant 0 : i32
    %dma_start3A_90 = tpu.memref_slice %dma_start3A_87[%dma_start3A_88, %dma_start3A_89] : memref<160x128xi32, #tpu.memory_space<hbm>> -> memref<8x128xi32, #tpu.memory_space<hbm>>
    tpu.enqueue_dma source(%dma_start3A_90 : memref<8x128xi32, #tpu.memory_space<hbm>>) target(%dma_start3A_83 : memref<8x128xi32, #tpu.memory_space<vmem>>) target_semaphore(%arg16 : memref<!tpu.dma_semaphore, #tpu.memory_space<semaphore_mem>>)
    %dma_start3A_91 = arith.constant 1 : i32
    %dma_start3A_92 = arith.constant 0 : i32
    %dma_start3A_93 = arith.constant 0 : i32
    %dma_start3A_94 = tpu.memref_slice %arg10[%dma_start3A_91, %dma_start3A_92, %dma_start3A_93] : memref<2x8x128xi32, #tpu.memory_space<vmem>> -> memref<1x8x128xi32, #tpu.memory_space<vmem>>
    %dma_start3A_95 = tpu.memref_squeeze %dma_start3A_94 : memref<1x8x128xi32, #tpu.memory_space<vmem>> -> memref<8x128xi32, #tpu.memory_space<vmem>>
    %dma_start3A_96 = arith.constant 0 : i32
    %dma_start3A_97 = arith.constant 0 : i32
    %dma_start3A_98 = tpu.memref_slice %arg4[%arg1, %dma_start3A_96, %dma_start3A_97] : memref<16x160x128xi32, #tpu.memory_space<hbm>> -> memref<1x160x128xi32, #tpu.memory_space<hbm>>
    %dma_start3A_99 = tpu.memref_squeeze %dma_start3A_98 : memref<1x160x128xi32, #tpu.memory_space<hbm>> -> memref<160x128xi32, #tpu.memory_space<hbm>>
    %dma_start3A_100 = arith.constant 8 : i32
    %dma_start3A_101 = arith.constant 0 : i32
    %dma_start3A_102 = tpu.memref_slice %dma_start3A_99[%dma_start3A_100, %dma_start3A_101] : memref<160x128xi32, #tpu.memory_space<hbm>> -> memref<8x128xi32, #tpu.memory_space<hbm>>
    %dma_start3A_103 = arith.constant 0 : i32
    %dma_start3A_104 = arith.constant 0 : i32
    %dma_start3A_105 = tpu.memref_slice %arg10[%dma_start3A_91, %dma_start3A_103, %dma_start3A_104] : memref<2x8x128xi32, #tpu.memory_space<vmem>> -> memref<1x8x128xi32, #tpu.memory_space<vmem>>
    %dma_start3A_106 = tpu.memref_squeeze %dma_start3A_105 : memref<1x8x128xi32, #tpu.memory_space<vmem>> -> memref<8x128xi32, #tpu.memory_space<vmem>>
    %dma_start3A_107 = arith.constant 0 : i32
    %dma_start3A_108 = arith.constant 0 : i32
    %dma_start3A_109 = tpu.memref_slice %arg4[%arg1, %dma_start3A_107, %dma_start3A_108] : memref<16x160x128xi32, #tpu.memory_space<hbm>> -> memref<1x160x128xi32, #tpu.memory_space<hbm>>
    %dma_start3A_110 = tpu.memref_squeeze %dma_start3A_109 : memref<1x160x128xi32, #tpu.memory_space<hbm>> -> memref<160x128xi32, #tpu.memory_space<hbm>>
    %dma_start3A_111 = arith.constant 8 : i32
    %dma_start3A_112 = arith.constant 0 : i32
    %dma_start3A_113 = tpu.memref_slice %dma_start3A_110[%dma_start3A_111, %dma_start3A_112] : memref<160x128xi32, #tpu.memory_space<hbm>> -> memref<8x128xi32, #tpu.memory_space<hbm>>
    tpu.enqueue_dma source(%dma_start3A_113 : memref<8x128xi32, #tpu.memory_space<hbm>>) target(%dma_start3A_106 : memref<8x128xi32, #tpu.memory_space<vmem>>) target_semaphore(%arg16 : memref<!tpu.dma_semaphore, #tpu.memory_space<semaphore_mem>>)
    %dma_wait3A = arith.constant 0 : i32
    %dma_wait3A_114 = arith.constant 0 : i32
    %dma_wait3A_115 = arith.constant 0 : i32
    %dma_wait3A_116 = tpu.memref_slice %arg9[%dma_wait3A, %dma_wait3A_114, %dma_wait3A_115] : memref<2x8x128xi32, #tpu.memory_space<vmem>> -> memref<1x8x128xi32, #tpu.memory_space<vmem>>
    %dma_wait3A_117 = tpu.memref_squeeze %dma_wait3A_116 : memref<1x8x128xi32, #tpu.memory_space<vmem>> -> memref<8x128xi32, #tpu.memory_space<vmem>>
    %dma_wait3A_118 = arith.constant 0 : i32
    %dma_wait3A_119 = arith.constant 0 : i32
    %dma_wait3A_120 = tpu.memref_slice %arg3[%arg1, %dma_wait3A_118, %dma_wait3A_119] : memref<16x160x128xi32, #tpu.memory_space<hbm>> -> memref<1x160x128xi32, #tpu.memory_space<hbm>>
    %dma_wait3A_121 = tpu.memref_squeeze %dma_wait3A_120 : memref<1x160x128xi32, #tpu.memory_space<hbm>> -> memref<160x128xi32, #tpu.memory_space<hbm>>
    %dma_wait3A_122 = arith.constant 0 : i32
    %dma_wait3A_123 = arith.constant 0 : i32
    %dma_wait3A_124 = tpu.memref_slice %dma_wait3A_121[%dma_wait3A_122, %dma_wait3A_123] : memref<160x128xi32, #tpu.memory_space<hbm>> -> memref<8x128xi32, #tpu.memory_space<hbm>>
    %dma_wait3A_125 = arith.constant 0 : i32
    %dma_wait3A_126 = arith.constant 0 : i32
    %dma_wait3A_127 = tpu.memref_slice %arg9[%dma_wait3A, %dma_wait3A_125, %dma_wait3A_126] : memref<2x8x128xi32, #tpu.memory_space<vmem>> -> memref<1x8x128xi32, #tpu.memory_space<vmem>>
    %dma_wait3A_128 = tpu.memref_squeeze %dma_wait3A_127 : memref<1x8x128xi32, #tpu.memory_space<vmem>> -> memref<8x128xi32, #tpu.memory_space<vmem>>
    %dma_wait3A_129 = arith.constant 0 : i32
    %dma_wait3A_130 = arith.constant 0 : i32
    %dma_wait3A_131 = tpu.memref_slice %arg3[%arg1, %dma_wait3A_129, %dma_wait3A_130] : memref<16x160x128xi32, #tpu.memory_space<hbm>> -> memref<1x160x128xi32, #tpu.memory_space<hbm>>
    %dma_wait3A_132 = tpu.memref_squeeze %dma_wait3A_131 : memref<1x160x128xi32, #tpu.memory_space<hbm>> -> memref<160x128xi32, #tpu.memory_space<hbm>>
    %dma_wait3A_133 = arith.constant 0 : i32
    %dma_wait3A_134 = arith.constant 0 : i32
    %dma_wait3A_135 = tpu.memref_slice %dma_wait3A_132[%dma_wait3A_133, %dma_wait3A_134] : memref<160x128xi32, #tpu.memory_space<hbm>> -> memref<8x128xi32, #tpu.memory_space<hbm>>
    tpu.wait_dma2 semaphore(%arg16 : memref<!tpu.dma_semaphore, #tpu.memory_space<semaphore_mem>>) src(%dma_wait3A_135 : memref<8x128xi32, #tpu.memory_space<hbm>>) dst(%dma_wait3A_128 : memref<8x128xi32, #tpu.memory_space<vmem>>)
    %dma_wait3A_136 = arith.constant 0 : i32
    %dma_wait3A_137 = arith.constant 0 : i32
    %dma_wait3A_138 = arith.constant 0 : i32
    %dma_wait3A_139 = tpu.memref_slice %arg10[%dma_wait3A_136, %dma_wait3A_137, %dma_wait3A_138] : memref<2x8x128xi32, #tpu.memory_space<vmem>> -> memref<1x8x128xi32, #tpu.memory_space<vmem>>
    %dma_wait3A_140 = tpu.memref_squeeze %dma_wait3A_139 : memref<1x8x128xi32, #tpu.memory_space<vmem>> -> memref<8x128xi32, #tpu.memory_space<vmem>>
    %dma_wait3A_141 = arith.constant 0 : i32
    %dma_wait3A_142 = arith.constant 0 : i32
    %dma_wait3A_143 = tpu.memref_slice %arg4[%arg1, %dma_wait3A_141, %dma_wait3A_142] : memref<16x160x128xi32, #tpu.memory_space<hbm>> -> memref<1x160x128xi32, #tpu.memory_space<hbm>>
    %dma_wait3A_144 = tpu.memref_squeeze %dma_wait3A_143 : memref<1x160x128xi32, #tpu.memory_space<hbm>> -> memref<160x128xi32, #tpu.memory_space<hbm>>
    %dma_wait3A_145 = arith.constant 0 : i32
    %dma_wait3A_146 = arith.constant 0 : i32
    %dma_wait3A_147 = tpu.memref_slice %dma_wait3A_144[%dma_wait3A_145, %dma_wait3A_146] : memref<160x128xi32, #tpu.memory_space<hbm>> -> memref<8x128xi32, #tpu.memory_space<hbm>>
    %dma_wait3A_148 = arith.constant 0 : i32
    %dma_wait3A_149 = arith.constant 0 : i32
    %dma_wait3A_150 = tpu.memref_slice %arg10[%dma_wait3A_136, %dma_wait3A_148, %dma_wait3A_149] : memref<2x8x128xi32, #tpu.memory_space<vmem>> -> memref<1x8x128xi32, #tpu.memory_space<vmem>>
    %dma_wait3A_151 = tpu.memref_squeeze %dma_wait3A_150 : memref<1x8x128xi32, #tpu.memory_space<vmem>> -> memref<8x128xi32, #tpu.memory_space<vmem>>
    %dma_wait3A_152 = arith.constant 0 : i32
    %dma_wait3A_153 = arith.constant 0 : i32
    %dma_wait3A_154 = tpu.memref_slice %arg4[%arg1, %dma_wait3A_152, %dma_wait3A_153] : memref<16x160x128xi32, #tpu.memory_space<hbm>> -> memref<1x160x128xi32, #tpu.memory_space<hbm>>
    %dma_wait3A_155 = tpu.memref_squeeze %dma_wait3A_154 : memref<1x160x128xi32, #tpu.memory_space<hbm>> -> memref<160x128xi32, #tpu.memory_space<hbm>>
    %dma_wait3A_156 = arith.constant 0 : i32
    %dma_wait3A_157 = arith.constant 0 : i32
    %dma_wait3A_158 = tpu.memref_slice %dma_wait3A_155[%dma_wait3A_156, %dma_wait3A_157] : memref<160x128xi32, #tpu.memory_space<hbm>> -> memref<8x128xi32, #tpu.memory_space<hbm>>
    tpu.wait_dma2 semaphore(%arg16 : memref<!tpu.dma_semaphore, #tpu.memory_space<semaphore_mem>>) src(%dma_wait3A_158 : memref<8x128xi32, #tpu.memory_space<hbm>>) dst(%dma_wait3A_151 : memref<8x128xi32, #tpu.memory_space<vmem>>)
    %dma_start3A_159 = arith.constant 0 : i32
    %dma_start3A_160 = arith.constant 0 : i32
    %dma_start3A_161 = arith.constant 0 : i32
    %dma_start3A_162 = tpu.memref_slice %arg9[%dma_start3A_159, %dma_start3A_160, %dma_start3A_161] : memref<2x8x128xi32, #tpu.memory_space<vmem>> -> memref<1x1x128xi32, #tpu.memory_space<vmem>>
    %dma_start3A_163 = tpu.memref_squeeze %dma_start3A_162 : memref<1x1x128xi32, #tpu.memory_space<vmem>> -> memref<128xi32, #tpu.memory_space<vmem>>
    %dma_start3A_164 = arith.constant 0 : i32
    %dma_start3A_165 = arith.constant 0 : i32
    %dma_start3A_166 = tpu.memref_slice %arg8[%dma_start3A_164, %dma_start3A_165] : memref<10112x64xf32, #tpu.memory_space<vmem_shared>> -> memref<10112x64xf32, #tpu.memory_space<vmem_shared>>
    tpu.enqueue_indirect_dma source(%dma_start3A_166 : memref<10112x64xf32, #tpu.memory_space<vmem_shared>>) target(%arg11 : memref<128x64xf32, #tpu.memory_space<vmem>>) offsets(%dma_start3A_163 : memref<128xi32, #tpu.memory_space<vmem>>) semaphore(%arg14 : memref<!tpu.dma_semaphore, #tpu.memory_space<semaphore_mem>>)
    %scan3A_167 = arith.constant 0 : i32
    %scan3A_168 = arith.constant 18 : i32
    %scan3A_169 = arith.addi %scan3A_167, %scan3A_168 : i32
    %scan3A_170 = arith.constant 1 : i32
    scf.for %scan3A_1265 = %scan3A_167 to %scan3A_169 step %scan3A_170  : i32 {
      %mul3A_1266 = arith.constant 1 : i32
      %mul3A_1267 = arith.muli %scan3A_1265, %mul3A_1266 : i32
      %add3A_1268 = arith.constant 0 : i32
      %add3A_1269 = arith.addi %add3A_1268, %mul3A_1267 : i32
      %rem3A = arith.constant 2 : i32
      %rem3A_1270 = arith.remsi %add3A_1269, %rem3A : i32
      %sub3A_1271 = arith.constant 1 : i32
      %sub3A_1272 = arith.subi %sub3A_1271, %rem3A_1270 : i32
      %add3A_1273 = arith.constant 2 : i32
      %add3A_1274 = arith.addi %add3A_1269, %add3A_1273 : i32
      %dma_start3A_1275 = arith.constant 1 : i32
      %dma_start3A_1276 = arith.constant 0 : i32
      %dma_start3A_1277 = tpu.memref_slice %arg9[%rem3A_1270, %dma_start3A_1275, %dma_start3A_1276] : memref<2x8x128xi32, #tpu.memory_space<vmem>> -> memref<1x1x128xi32, #tpu.memory_space<vmem>>
      %dma_start3A_1278 = tpu.memref_squeeze %dma_start3A_1277 : memref<1x1x128xi32, #tpu.memory_space<vmem>> -> memref<128xi32, #tpu.memory_space<vmem>>
      %dma_start3A_1279 = arith.constant 0 : i32
      %dma_start3A_1280 = arith.constant 0 : i32
      %dma_start3A_1281 = tpu.memref_slice %arg8[%dma_start3A_1279, %dma_start3A_1280] : memref<10112x64xf32, #tpu.memory_space<vmem_shared>> -> memref<10112x64xf32, #tpu.memory_space<vmem_shared>>
      tpu.enqueue_indirect_dma source(%dma_start3A_1281 : memref<10112x64xf32, #tpu.memory_space<vmem_shared>>) target(%arg12 : memref<128x64xf32, #tpu.memory_space<vmem>>) offsets(%dma_start3A_1278 : memref<128xi32, #tpu.memory_space<vmem>>) semaphore(%arg15 : memref<!tpu.dma_semaphore, #tpu.memory_space<semaphore_mem>>)
      %dma_wait3A_1282 = arith.constant 0 : i32
      %dma_wait3A_1283 = arith.constant 0 : i32
      %dma_wait3A_1284 = tpu.memref_slice %arg9[%rem3A_1270, %dma_wait3A_1282, %dma_wait3A_1283] : memref<2x8x128xi32, #tpu.memory_space<vmem>> -> memref<1x1x128xi32, #tpu.memory_space<vmem>>
      %dma_wait3A_1285 = tpu.memref_squeeze %dma_wait3A_1284 : memref<1x1x128xi32, #tpu.memory_space<vmem>> -> memref<128xi32, #tpu.memory_space<vmem>>
      %dma_wait3A_1286 = arith.constant 0 : i32
      %dma_wait3A_1287 = arith.constant 0 : i32
      %dma_wait3A_1288 = tpu.memref_slice %arg8[%dma_wait3A_1286, %dma_wait3A_1287] : memref<10112x64xf32, #tpu.memory_space<vmem_shared>> -> memref<10112x64xf32, #tpu.memory_space<vmem_shared>>
      tpu.wait_indirect_dma semaphore(%arg14 : memref<!tpu.dma_semaphore, #tpu.memory_space<semaphore_mem>>) src(%dma_wait3A_1288 : memref<10112x64xf32, #tpu.memory_space<vmem_shared>>) dst(%arg11 : memref<128x64xf32, #tpu.memory_space<vmem>>)
      %run_scoped3A_1289 = arith.constant 0 : i32
      "tpu.region"() ({
        %run_scoped3A_1801 = tpu.sem_alloc : memref<!tpu.dma_semaphore, #tpu.memory_space<semaphore_mem>>
        %dma_start3A_1802 = arith.constant 0 : i32
        %dma_start3A_1803 = tpu.memref_slice %arg10[%rem3A_1270, %run_scoped3A_1289, %dma_start3A_1802] : memref<2x8x128xi32, #tpu.memory_space<vmem>> -> memref<1x1x128xi32, #tpu.memory_space<vmem>>
        %dma_start3A_1804 = tpu.memref_squeeze %dma_start3A_1803 : memref<1x1x128xi32, #tpu.memory_space<vmem>> -> memref<128xi32, #tpu.memory_space<vmem>>
        %dma_start3A_1805 = arith.constant 0 : i32
        %dma_start3A_1806 = arith.constant 0 : i32
        %dma_start3A_1807 = tpu.memref_slice %arg7[%dma_start3A_1805, %dma_start3A_1806] : memref<10112x64xf32, #tpu.memory_space<vmem_shared>> -> memref<10112x64xf32, #tpu.memory_space<vmem_shared>>
        tpu.enqueue_indirect_dma source(%arg11 : memref<128x64xf32, #tpu.memory_space<vmem>>) target(%dma_start3A_1807 : memref<10112x64xf32, #tpu.memory_space<vmem_shared>>) offsets(%dma_start3A_1804 : memref<128xi32, #tpu.memory_space<vmem>>) semaphore(%run_scoped3A_1801 : memref<!tpu.dma_semaphore, #tpu.memory_space<semaphore_mem>>) {add = true}
        %dma_wait3A_1808 = arith.constant 0 : i32
        %dma_wait3A_1809 = tpu.memref_slice %arg10[%rem3A_1270, %run_scoped3A_1289, %dma_wait3A_1808] : memref<2x8x128xi32, #tpu.memory_space<vmem>> -> memref<1x1x128xi32, #tpu.memory_space<vmem>>
        %dma_wait3A_1810 = tpu.memref_squeeze %dma_wait3A_1809 : memref<1x1x128xi32, #tpu.memory_space<vmem>> -> memref<128xi32, #tpu.memory_space<vmem>>
        %dma_wait3A_1811 = arith.constant 0 : i32
        %dma_wait3A_1812 = arith.constant 0 : i32
        %dma_wait3A_1813 = tpu.memref_slice %arg7[%dma_wait3A_1811, %dma_wait3A_1812] : memref<10112x64xf32, #tpu.memory_space<vmem_shared>> -> memref<10112x64xf32, #tpu.memory_space<vmem_shared>>
        tpu.wait_indirect_dma semaphore(%run_scoped3A_1801 : memref<!tpu.dma_semaphore, #tpu.memory_space<semaphore_mem>>) src(%arg11 : memref<128x64xf32, #tpu.memory_space<vmem>>) dst(%dma_wait3A_1813 : memref<10112x64xf32, #tpu.memory_space<vmem_shared>>)
        tpu.yield
      }) : () -> ()
      %get3A_1290 = arith.constant 0 : i32
      %get3A_1291 = arith.index_cast %rem3A_1270 : i32 to index
      %get3A_1292 = arith.index_cast %get3A_1290 : i32 to index
      %get3A_1293 = arith.constant 0 : index
      %get3A_1294 = tpu.vector_load %arg10[%get3A_1291, %get3A_1292, %get3A_1293] {strides = array<i32>} : memref<2x8x128xi32, #tpu.memory_space<vmem>>, vector<16xi32>,
      tpu.vector_store_idx %arg13[%get3A_1294], %broadcast_in_dim3A_22 {add = true} : memref<10112xf32, #tpu.memory_space<vmem>>[vector<16xi32>], vector<16xf32>,
      %get3A_1295 = arith.constant 0 : i32
      %get3A_1296 = arith.index_cast %rem3A_1270 : i32 to index
      %get3A_1297 = arith.index_cast %get3A_1295 : i32 to index
      %get3A_1298 = arith.constant 16 : index
      %get3A_1299 = tpu.vector_load %arg10[%get3A_1296, %get3A_1297, %get3A_1298] {strides = array<i32>} : memref<2x8x128xi32, #tpu.memory_space<vmem>>, vector<16xi32>,
      tpu.vector_store_idx %arg13[%get3A_1299], %broadcast_in_dim3A_22 {add = true} : memref<10112xf32, #tpu.memory_space<vmem>>[vector<16xi32>], vector<16xf32>,
      %get3A_1300 = arith.constant 0 : i32
      %get3A_1301 = arith.index_cast %rem3A_1270 : i32 to index
      %get3A_1302 = arith.index_cast %get3A_1300 : i32 to index
      %get3A_1303 = arith.constant 32 : index
      %get3A_1304 = tpu.vector_load %arg10[%get3A_1301, %get3A_1302, %get3A_1303] {strides = array<i32>} : memref<2x8x128xi32, #tpu.memory_space<vmem>>, vector<16xi32>,
      tpu.vector_store_idx %arg13[%get3A_1304], %broadcast_in_dim3A_22 {add = true} : memref<10112xf32, #tpu.memory_space<vmem>>[vector<16xi32>], vector<16xf32>,
      %get3A_1305 = arith.constant 0 : i32
      %get3A_1306 = arith.index_cast %rem3A_1270 : i32 to index
      %get3A_1307 = arith.index_cast %get3A_1305 : i32 to index
      %get3A_1308 = arith.constant 48 : index
      %get3A_1309 = tpu.vector_load %arg10[%get3A_1306, %get3A_1307, %get3A_1308] {strides = array<i32>} : memref<2x8x128xi32, #tpu.memory_space<vmem>>, vector<16xi32>,
      tpu.vector_store_idx %arg13[%get3A_1309], %broadcast_in_dim3A_22 {add = true} : memref<10112xf32, #tpu.memory_space<vmem>>[vector<16xi32>], vector<16xf32>,
      %get3A_1310 = arith.constant 0 : i32
      %get3A_1311 = arith.index_cast %rem3A_1270 : i32 to index
      %get3A_1312 = arith.index_cast %get3A_1310 : i32 to index
      %get3A_1313 = arith.constant 64 : index
      %get3A_1314 = tpu.vector_load %arg10[%get3A_1311, %get3A_1312, %get3A_1313] {strides = array<i32>} : memref<2x8x128xi32, #tpu.memory_space<vmem>>, vector<16xi32>,
      tpu.vector_store_idx %arg13[%get3A_1314], %broadcast_in_dim3A_22 {add = true} : memref<10112xf32, #tpu.memory_space<vmem>>[vector<16xi32>], vector<16xf32>,
      %get3A_1315 = arith.constant 0 : i32
      %get3A_1316 = arith.index_cast %rem3A_1270 : i32 to index
      %get3A_1317 = arith.index_cast %get3A_1315 : i32 to index
      %get3A_1318 = arith.constant 80 : index
      %get3A_1319 = tpu.vector_load %arg10[%get3A_1316, %get3A_1317, %get3A_1318] {strides = array<i32>} : memref<2x8x128xi32, #tpu.memory_space<vmem>>, vector<16xi32>,
      tpu.vector_store_idx %arg13[%get3A_1319], %broadcast_in_dim3A_22 {add = true} : memref<10112xf32, #tpu.memory_space<vmem>>[vector<16xi32>], vector<16xf32>,
      %get3A_1320 = arith.constant 0 : i32
      %get3A_1321 = arith.index_cast %rem3A_1270 : i32 to index
      %get3A_1322 = arith.index_cast %get3A_1320 : i32 to index
      %get3A_1323 = arith.constant 96 : index
      %get3A_1324 = tpu.vector_load %arg10[%get3A_1321, %get3A_1322, %get3A_1323] {strides = array<i32>} : memref<2x8x128xi32, #tpu.memory_space<vmem>>, vector<16xi32>,
      tpu.vector_store_idx %arg13[%get3A_1324], %broadcast_in_dim3A_22 {add = true} : memref<10112xf32, #tpu.memory_space<vmem>>[vector<16xi32>], vector<16xf32>,
      %get3A_1325 = arith.constant 0 : i32
      %get3A_1326 = arith.index_cast %rem3A_1270 : i32 to index
      %get3A_1327 = arith.index_cast %get3A_1325 : i32 to index
      %get3A_1328 = arith.constant 112 : index
      %get3A_1329 = tpu.vector_load %arg10[%get3A_1326, %get3A_1327, %get3A_1328] {strides = array<i32>} : memref<2x8x128xi32, #tpu.memory_space<vmem>>, vector<16xi32>,
      tpu.vector_store_idx %arg13[%get3A_1329], %broadcast_in_dim3A_22 {add = true} : memref<10112xf32, #tpu.memory_space<vmem>>[vector<16xi32>], vector<16xf32>,
      %dma_start3A_1330 = arith.constant 2 : i32
      %dma_start3A_1331 = arith.constant 0 : i32
      %dma_start3A_1332 = tpu.memref_slice %arg9[%rem3A_1270, %dma_start3A_1330, %dma_start3A_1331] : memref<2x8x128xi32, #tpu.memory_space<vmem>> -> memref<1x1x128xi32, #tpu.memory_space<vmem>>
      %dma_start3A_1333 = tpu.memref_squeeze %dma_start3A_1332 : memref<1x1x128xi32, #tpu.memory_space<vmem>> -> memref<128xi32, #tpu.memory_space<vmem>>
      %dma_start3A_1334 = arith.constant 0 : i32
      %dma_start3A_1335 = arith.constant 0 : i32
      %dma_start3A_1336 = tpu.memref_slice %arg8[%dma_start3A_1334, %dma_start3A_1335] : memref<10112x64xf32, #tpu.memory_space<vmem_shared>> -> memref<10112x64xf32, #tpu.memory_space<vmem_shared>>
      tpu.enqueue_indirect_dma source(%dma_start3A_1336 : memref<10112x64xf32, #tpu.memory_space<vmem_shared>>) target(%arg11 : memref<128x64xf32, #tpu.memory_space<vmem>>) offsets(%dma_start3A_1333 : memref<128xi32, #tpu.memory_space<vmem>>) semaphore(%arg14 : memref<!tpu.dma_semaphore, #tpu.memory_space<semaphore_mem>>)
      %dma_wait3A_1337 = arith.constant 1 : i32
      %dma_wait3A_1338 = arith.constant 0 : i32
      %dma_wait3A_1339 = tpu.memref_slice %arg9[%rem3A_1270, %dma_wait3A_1337, %dma_wait3A_1338] : memref<2x8x128xi32, #tpu.memory_space<vmem>> -> memref<1x1x128xi32, #tpu.memory_space<vmem>>
      %dma_wait3A_1340 = tpu.memref_squeeze %dma_wait3A_1339 : memref<1x1x128xi32, #tpu.memory_space<vmem>> -> memref<128xi32, #tpu.memory_space<vmem>>
      %dma_wait3A_1341 = arith.constant 0 : i32
      %dma_wait3A_1342 = arith.constant 0 : i32
      %dma_wait3A_1343 = tpu.memref_slice %arg8[%dma_wait3A_1341, %dma_wait3A_1342] : memref<10112x64xf32, #tpu.memory_space<vmem_shared>> -> memref<10112x64xf32, #tpu.memory_space<vmem_shared>>
      tpu.wait_indirect_dma semaphore(%arg15 : memref<!tpu.dma_semaphore, #tpu.memory_space<semaphore_mem>>) src(%dma_wait3A_1343 : memref<10112x64xf32, #tpu.memory_space<vmem_shared>>) dst(%arg12 : memref<128x64xf32, #tpu.memory_space<vmem>>)
      %run_scoped3A_1344 = arith.constant 1 : i32
      "tpu.region"() ({
        %run_scoped3A_1801 = tpu.sem_alloc : memref<!tpu.dma_semaphore, #tpu.memory_space<semaphore_mem>>
        %dma_start3A_1802 = arith.constant 0 : i32
        %dma_start3A_1803 = tpu.memref_slice %arg10[%rem3A_1270, %run_scoped3A_1344, %dma_start3A_1802] : memref<2x8x128xi32, #tpu.memory_space<vmem>> -> memref<1x1x128xi32, #tpu.memory_space<vmem>>
        %dma_start3A_1804 = tpu.memref_squeeze %dma_start3A_1803 : memref<1x1x128xi32, #tpu.memory_space<vmem>> -> memref<128xi32, #tpu.memory_space<vmem>>
        %dma_start3A_1805 = arith.constant 0 : i32
        %dma_start3A_1806 = arith.constant 0 : i32
        %dma_start3A_1807 = tpu.memref_slice %arg7[%dma_start3A_1805, %dma_start3A_1806] : memref<10112x64xf32, #tpu.memory_space<vmem_shared>> -> memref<10112x64xf32, #tpu.memory_space<vmem_shared>>
        tpu.enqueue_indirect_dma source(%arg12 : memref<128x64xf32, #tpu.memory_space<vmem>>) target(%dma_start3A_1807 : memref<10112x64xf32, #tpu.memory_space<vmem_shared>>) offsets(%dma_start3A_1804 : memref<128xi32, #tpu.memory_space<vmem>>) semaphore(%run_scoped3A_1801 : memref<!tpu.dma_semaphore, #tpu.memory_space<semaphore_mem>>) {add = true}
        %dma_wait3A_1808 = arith.constant 0 : i32
        %dma_wait3A_1809 = tpu.memref_slice %arg10[%rem3A_1270, %run_scoped3A_1344, %dma_wait3A_1808] : memref<2x8x128xi32, #tpu.memory_space<vmem>> -> memref<1x1x128xi32, #tpu.memory_space<vmem>>
        %dma_wait3A_1810 = tpu.memref_squeeze %dma_wait3A_1809 : memref<1x1x128xi32, #tpu.memory_space<vmem>> -> memref<128xi32, #tpu.memory_space<vmem>>
        %dma_wait3A_1811 = arith.constant 0 : i32
        %dma_wait3A_1812 = arith.constant 0 : i32
        %dma_wait3A_1813 = tpu.memref_slice %arg7[%dma_wait3A_1811, %dma_wait3A_1812] : memref<10112x64xf32, #tpu.memory_space<vmem_shared>> -> memref<10112x64xf32, #tpu.memory_space<vmem_shared>>
        tpu.wait_indirect_dma semaphore(%run_scoped3A_1801 : memref<!tpu.dma_semaphore, #tpu.memory_space<semaphore_mem>>) src(%arg12 : memref<128x64xf32, #tpu.memory_space<vmem>>) dst(%dma_wait3A_1813 : memref<10112x64xf32, #tpu.memory_space<vmem_shared>>)
        tpu.yield
      }) : () -> ()
      %get3A_1345 = arith.constant 1 : i32
      %get3A_1346 = arith.index_cast %rem3A_1270 : i32 to index
      %get3A_1347 = arith.index_cast %get3A_1345 : i32 to index
      %get3A_1348 = arith.constant 0 : index
      %get3A_1349 = tpu.vector_load %arg10[%get3A_1346, %get3A_1347, %get3A_1348] {strides = array<i32>} : memref<2x8x128xi32, #tpu.memory_space<vmem>>, vector<16xi32>,
      tpu.vector_store_idx %arg13[%get3A_1349], %broadcast_in_dim3A_22 {add = true} : memref<10112xf32, #tpu.memory_space<vmem>>[vector<16xi32>], vector<16xf32>,
      %get3A_1350 = arith.constant 1 : i32
      %get3A_1351 = arith.index_cast %rem3A_1270 : i32 to index
      %get3A_1352 = arith.index_cast %get3A_1350 : i32 to index
      %get3A_1353 = arith.constant 16 : index
      %get3A_1354 = tpu.vector_load %arg10[%get3A_1351, %get3A_1352, %get3A_1353] {strides = array<i32>} : memref<2x8x128xi32, #tpu.memory_space<vmem>>, vector<16xi32>,
      tpu.vector_store_idx %arg13[%get3A_1354], %broadcast_in_dim3A_22 {add = true} : memref<10112xf32, #tpu.memory_space<vmem>>[vector<16xi32>], vector<16xf32>,
      %get3A_1355 = arith.constant 1 : i32
      %get3A_1356 = arith.index_cast %rem3A_1270 : i32 to index
      %get3A_1357 = arith.index_cast %get3A_1355 : i32 to index
      %get3A_1358 = arith.constant 32 : index
      %get3A_1359 = tpu.vector_load %arg10[%get3A_1356, %get3A_1357, %get3A_1358] {strides = array<i32>} : memref<2x8x128xi32, #tpu.memory_space<vmem>>, vector<16xi32>,
      tpu.vector_store_idx %arg13[%get3A_1359], %broadcast_in_dim3A_22 {add = true} : memref<10112xf32, #tpu.memory_space<vmem>>[vector<16xi32>], vector<16xf32>,
      %get3A_1360 = arith.constant 1 : i32
      %get3A_1361 = arith.index_cast %rem3A_1270 : i32 to index
      %get3A_1362 = arith.index_cast %get3A_1360 : i32 to index
      %get3A_1363 = arith.constant 48 : index
      %get3A_1364 = tpu.vector_load %arg10[%get3A_1361, %get3A_1362, %get3A_1363] {strides = array<i32>} : memref<2x8x128xi32, #tpu.memory_space<vmem>>, vector<16xi32>,
      tpu.vector_store_idx %arg13[%get3A_1364], %broadcast_in_dim3A_22 {add = true} : memref<10112xf32, #tpu.memory_space<vmem>>[vector<16xi32>], vector<16xf32>,
      %get3A_1365 = arith.constant 1 : i32
      %get3A_1366 = arith.index_cast %rem3A_1270 : i32 to index
      %get3A_1367 = arith.index_cast %get3A_1365 : i32 to index
      %get3A_1368 = arith.constant 64 : index
      %get3A_1369 = tpu.vector_load %arg10[%get3A_1366, %get3A_1367, %get3A_1368] {strides = array<i32>} : memref<2x8x128xi32, #tpu.memory_space<vmem>>, vector<16xi32>,
      tpu.vector_store_idx %arg13[%get3A_1369], %broadcast_in_dim3A_22 {add = true} : memref<10112xf32, #tpu.memory_space<vmem>>[vector<16xi32>], vector<16xf32>,
      %get3A_1370 = arith.constant 1 : i32
      %get3A_1371 = arith.index_cast %rem3A_1270 : i32 to index
      %get3A_1372 = arith.index_cast %get3A_1370 : i32 to index
      %get3A_1373 = arith.constant 80 : index
      %get3A_1374 = tpu.vector_load %arg10[%get3A_1371, %get3A_1372, %get3A_1373] {strides = array<i32>} : memref<2x8x128xi32, #tpu.memory_space<vmem>>, vector<16xi32>,
      tpu.vector_store_idx %arg13[%get3A_1374], %broadcast_in_dim3A_22 {add = true} : memref<10112xf32, #tpu.memory_space<vmem>>[vector<16xi32>], vector<16xf32>,
      %get3A_1375 = arith.constant 1 : i32
      %get3A_1376 = arith.index_cast %rem3A_1270 : i32 to index
      %get3A_1377 = arith.index_cast %get3A_1375 : i32 to index
      %get3A_1378 = arith.constant 96 : index
      %get3A_1379 = tpu.vector_load %arg10[%get3A_1376, %get3A_1377, %get3A_1378] {strides = array<i32>} : memref<2x8x128xi32, #tpu.memory_space<vmem>>, vector<16xi32>,
      tpu.vector_store_idx %arg13[%get3A_1379], %broadcast_in_dim3A_22 {add = true} : memref<10112xf32, #tpu.memory_space<vmem>>[vector<16xi32>], vector<16xf32>,
      %get3A_1380 = arith.constant 1 : i32
      %get3A_1381 = arith.index_cast %rem3A_1270 : i32 to index
      %get3A_1382 = arith.index_cast %get3A_1380 : i32 to index
      %get3A_1383 = arith.constant 112 : index
      %get3A_1384 = tpu.vector_load %arg10[%get3A_1381, %get3A_1382, %get3A_1383] {strides = array<i32>} : memref<2x8x128xi32, #tpu.memory_space<vmem>>, vector<16xi32>,
      tpu.vector_store_idx %arg13[%get3A_1384], %broadcast_in_dim3A_22 {add = true} : memref<10112xf32, #tpu.memory_space<vmem>>[vector<16xi32>], vector<16xf32>,
      %dma_start3A_1385 = arith.constant 3 : i32
      %dma_start3A_1386 = arith.constant 0 : i32
      %dma_start3A_1387 = tpu.memref_slice %arg9[%rem3A_1270, %dma_start3A_1385, %dma_start3A_1386] : memref<2x8x128xi32, #tpu.memory_space<vmem>> -> memref<1x1x128xi32, #tpu.memory_space<vmem>>
      %dma_start3A_1388 = tpu.memref_squeeze %dma_start3A_1387 : memref<1x1x128xi32, #tpu.memory_space<vmem>> -> memref<128xi32, #tpu.memory_space<vmem>>
      %dma_start3A_1389 = arith.constant 0 : i32
      %dma_start3A_1390 = arith.constant 0 : i32
      %dma_start3A_1391 = tpu.memref_slice %arg8[%dma_start3A_1389, %dma_start3A_1390] : memref<10112x64xf32, #tpu.memory_space<vmem_shared>> -> memref<10112x64xf32, #tpu.memory_space<vmem_shared>>
      tpu.enqueue_indirect_dma source(%dma_start3A_1391 : memref<10112x64xf32, #tpu.memory_space<vmem_shared>>) target(%arg12 : memref<128x64xf32, #tpu.memory_space<vmem>>) offsets(%dma_start3A_1388 : memref<128xi32, #tpu.memory_space<vmem>>) semaphore(%arg15 : memref<!tpu.dma_semaphore, #tpu.memory_space<semaphore_mem>>)
      %dma_wait3A_1392 = arith.constant 2 : i32
      %dma_wait3A_1393 = arith.constant 0 : i32
      %dma_wait3A_1394 = tpu.memref_slice %arg9[%rem3A_1270, %dma_wait3A_1392, %dma_wait3A_1393] : memref<2x8x128xi32, #tpu.memory_space<vmem>> -> memref<1x1x128xi32, #tpu.memory_space<vmem>>
      %dma_wait3A_1395 = tpu.memref_squeeze %dma_wait3A_1394 : memref<1x1x128xi32, #tpu.memory_space<vmem>> -> memref<128xi32, #tpu.memory_space<vmem>>
      %dma_wait3A_1396 = arith.constant 0 : i32
      %dma_wait3A_1397 = arith.constant 0 : i32
      %dma_wait3A_1398 = tpu.memref_slice %arg8[%dma_wait3A_1396, %dma_wait3A_1397] : memref<10112x64xf32, #tpu.memory_space<vmem_shared>> -> memref<10112x64xf32, #tpu.memory_space<vmem_shared>>
      tpu.wait_indirect_dma semaphore(%arg14 : memref<!tpu.dma_semaphore, #tpu.memory_space<semaphore_mem>>) src(%dma_wait3A_1398 : memref<10112x64xf32, #tpu.memory_space<vmem_shared>>) dst(%arg11 : memref<128x64xf32, #tpu.memory_space<vmem>>)
      %run_scoped3A_1399 = arith.constant 2 : i32
      "tpu.region"() ({
        %run_scoped3A_1801 = tpu.sem_alloc : memref<!tpu.dma_semaphore, #tpu.memory_space<semaphore_mem>>
        %dma_start3A_1802 = arith.constant 0 : i32
        %dma_start3A_1803 = tpu.memref_slice %arg10[%rem3A_1270, %run_scoped3A_1399, %dma_start3A_1802] : memref<2x8x128xi32, #tpu.memory_space<vmem>> -> memref<1x1x128xi32, #tpu.memory_space<vmem>>
        %dma_start3A_1804 = tpu.memref_squeeze %dma_start3A_1803 : memref<1x1x128xi32, #tpu.memory_space<vmem>> -> memref<128xi32, #tpu.memory_space<vmem>>
        %dma_start3A_1805 = arith.constant 0 : i32
        %dma_start3A_1806 = arith.constant 0 : i32
        %dma_start3A_1807 = tpu.memref_slice %arg7[%dma_start3A_1805, %dma_start3A_1806] : memref<10112x64xf32, #tpu.memory_space<vmem_shared>> -> memref<10112x64xf32, #tpu.memory_space<vmem_shared>>
        tpu.enqueue_indirect_dma source(%arg11 : memref<128x64xf32, #tpu.memory_space<vmem>>) target(%dma_start3A_1807 : memref<10112x64xf32, #tpu.memory_space<vmem_shared>>) offsets(%dma_start3A_1804 : memref<128xi32, #tpu.memory_space<vmem>>) semaphore(%run_scoped3A_1801 : memref<!tpu.dma_semaphore, #tpu.memory_space<semaphore_mem>>) {add = true}
        %dma_wait3A_1808 = arith.constant 0 : i32
        %dma_wait3A_1809 = tpu.memref_slice %arg10[%rem3A_1270, %run_scoped3A_1399, %dma_wait3A_1808] : memref<2x8x128xi32, #tpu.memory_space<vmem>> -> memref<1x1x128xi32, #tpu.memory_space<vmem>>
        %dma_wait3A_1810 = tpu.memref_squeeze %dma_wait3A_1809 : memref<1x1x128xi32, #tpu.memory_space<vmem>> -> memref<128xi32, #tpu.memory_space<vmem>>
        %dma_wait3A_1811 = arith.constant 0 : i32
        %dma_wait3A_1812 = arith.constant 0 : i32
        %dma_wait3A_1813 = tpu.memref_slice %arg7[%dma_wait3A_1811, %dma_wait3A_1812] : memref<10112x64xf32, #tpu.memory_space<vmem_shared>> -> memref<10112x64xf32, #tpu.memory_space<vmem_shared>>
        tpu.wait_indirect_dma semaphore(%run_scoped3A_1801 : memref<!tpu.dma_semaphore, #tpu.memory_space<semaphore_mem>>) src(%arg11 : memref<128x64xf32, #tpu.memory_space<vmem>>) dst(%dma_wait3A_1813 : memref<10112x64xf32, #tpu.memory_space<vmem_shared>>)
        tpu.yield
      }) : () -> ()
      %get3A_1400 = arith.constant 2 : i32
      %get3A_1401 = arith.index_cast %rem3A_1270 : i32 to index
      %get3A_1402 = arith.index_cast %get3A_1400 : i32 to index
      %get3A_1403 = arith.constant 0 : index
      %get3A_1404 = tpu.vector_load %arg10[%get3A_1401, %get3A_1402, %get3A_1403] {strides = array<i32>} : memref<2x8x128xi32, #tpu.memory_space<vmem>>, vector<16xi32>,
      tpu.vector_store_idx %arg13[%get3A_1404], %broadcast_in_dim3A_22 {add = true} : memref<10112xf32, #tpu.memory_space<vmem>>[vector<16xi32>], vector<16xf32>,
      %get3A_1405 = arith.constant 2 : i32
      %get3A_1406 = arith.index_cast %rem3A_1270 : i32 to index
      %get3A_1407 = arith.index_cast %get3A_1405 : i32 to index
      %get3A_1408 = arith.constant 16 : index
      %get3A_1409 = tpu.vector_load %arg10[%get3A_1406, %get3A_1407, %get3A_1408] {strides = array<i32>} : memref<2x8x128xi32, #tpu.memory_space<vmem>>, vector<16xi32>,
      tpu.vector_store_idx %arg13[%get3A_1409], %broadcast_in_dim3A_22 {add = true} : memref<10112xf32, #tpu.memory_space<vmem>>[vector<16xi32>], vector<16xf32>,
      %get3A_1410 = arith.constant 2 : i32
      %get3A_1411 = arith.index_cast %rem3A_1270 : i32 to index
      %get3A_1412 = arith.index_cast %get3A_1410 : i32 to index
      %get3A_1413 = arith.constant 32 : index
      %get3A_1414 = tpu.vector_load %arg10[%get3A_1411, %get3A_1412, %get3A_1413] {strides = array<i32>} : memref<2x8x128xi32, #tpu.memory_space<vmem>>, vector<16xi32>,
      tpu.vector_store_idx %arg13[%get3A_1414], %broadcast_in_dim3A_22 {add = true} : memref<10112xf32, #tpu.memory_space<vmem>>[vector<16xi32>], vector<16xf32>,
      %get3A_1415 = arith.constant 2 : i32
      %get3A_1416 = arith.index_cast %rem3A_1270 : i32 to index
      %get3A_1417 = arith.index_cast %get3A_1415 : i32 to index
      %get3A_1418 = arith.constant 48 : index
      %get3A_1419 = tpu.vector_load %arg10[%get3A_1416, %get3A_1417, %get3A_1418] {strides = array<i32>} : memref<2x8x128xi32, #tpu.memory_space<vmem>>, vector<16xi32>,
      tpu.vector_store_idx %arg13[%get3A_1419], %broadcast_in_dim3A_22 {add = true} : memref<10112xf32, #tpu.memory_space<vmem>>[vector<16xi32>], vector<16xf32>,
      %get3A_1420 = arith.constant 2 : i32
      %get3A_1421 = arith.index_cast %rem3A_1270 : i32 to index
      %get3A_1422 = arith.index_cast %get3A_1420 : i32 to index
      %get3A_1423 = arith.constant 64 : index
      %get3A_1424 = tpu.vector_load %arg10[%get3A_1421, %get3A_1422, %get3A_1423] {strides = array<i32>} : memref<2x8x128xi32, #tpu.memory_space<vmem>>, vector<16xi32>,
      tpu.vector_store_idx %arg13[%get3A_1424], %broadcast_in_dim3A_22 {add = true} : memref<10112xf32, #tpu.memory_space<vmem>>[vector<16xi32>], vector<16xf32>,
      %get3A_1425 = arith.constant 2 : i32
      %get3A_1426 = arith.index_cast %rem3A_1270 : i32 to index
      %get3A_1427 = arith.index_cast %get3A_1425 : i32 to index
      %get3A_1428 = arith.constant 80 : index
      %get3A_1429 = tpu.vector_load %arg10[%get3A_1426, %get3A_1427, %get3A_1428] {strides = array<i32>} : memref<2x8x128xi32, #tpu.memory_space<vmem>>, vector<16xi32>,
      tpu.vector_store_idx %arg13[%get3A_1429], %broadcast_in_dim3A_22 {add = true} : memref<10112xf32, #tpu.memory_space<vmem>>[vector<16xi32>], vector<16xf32>,
      %get3A_1430 = arith.constant 2 : i32
      %get3A_1431 = arith.index_cast %rem3A_1270 : i32 to index
      %get3A_1432 = arith.index_cast %get3A_1430 : i32 to index
      %get3A_1433 = arith.constant 96 : index
      %get3A_1434 = tpu.vector_load %arg10[%get3A_1431, %get3A_1432, %get3A_1433] {strides = array<i32>} : memref<2x8x128xi32, #tpu.memory_space<vmem>>, vector<16xi32>,
      tpu.vector_store_idx %arg13[%get3A_1434], %broadcast_in_dim3A_22 {add = true} : memref<10112xf32, #tpu.memory_space<vmem>>[vector<16xi32>], vector<16xf32>,
      %get3A_1435 = arith.constant 2 : i32
      %get3A_1436 = arith.index_cast %rem3A_1270 : i32 to index
      %get3A_1437 = arith.index_cast %get3A_1435 : i32 to index
      %get3A_1438 = arith.constant 112 : index
      %get3A_1439 = tpu.vector_load %arg10[%get3A_1436, %get3A_1437, %get3A_1438] {strides = array<i32>} : memref<2x8x128xi32, #tpu.memory_space<vmem>>, vector<16xi32>,
      tpu.vector_store_idx %arg13[%get3A_1439], %broadcast_in_dim3A_22 {add = true} : memref<10112xf32, #tpu.memory_space<vmem>>[vector<16xi32>], vector<16xf32>,
      %dma_start3A_1440 = arith.constant 4 : i32
      %dma_start3A_1441 = arith.constant 0 : i32
      %dma_start3A_1442 = tpu.memref_slice %arg9[%rem3A_1270, %dma_start3A_1440, %dma_start3A_1441] : memref<2x8x128xi32, #tpu.memory_space<vmem>> -> memref<1x1x128xi32, #tpu.memory_space<vmem>>
      %dma_start3A_1443 = tpu.memref_squeeze %dma_start3A_1442 : memref<1x1x128xi32, #tpu.memory_space<vmem>> -> memref<128xi32, #tpu.memory_space<vmem>>
      %dma_start3A_1444 = arith.constant 0 : i32
      %dma_start3A_1445 = arith.constant 0 : i32
      %dma_start3A_1446 = tpu.memref_slice %arg8[%dma_start3A_1444, %dma_start3A_1445] : memref<10112x64xf32, #tpu.memory_space<vmem_shared>> -> memref<10112x64xf32, #tpu.memory_space<vmem_shared>>
      tpu.enqueue_indirect_dma source(%dma_start3A_1446 : memref<10112x64xf32, #tpu.memory_space<vmem_shared>>) target(%arg11 : memref<128x64xf32, #tpu.memory_space<vmem>>) offsets(%dma_start3A_1443 : memref<128xi32, #tpu.memory_space<vmem>>) semaphore(%arg14 : memref<!tpu.dma_semaphore, #tpu.memory_space<semaphore_mem>>)
      %dma_wait3A_1447 = arith.constant 3 : i32
      %dma_wait3A_1448 = arith.constant 0 : i32
      %dma_wait3A_1449 = tpu.memref_slice %arg9[%rem3A_1270, %dma_wait3A_1447, %dma_wait3A_1448] : memref<2x8x128xi32, #tpu.memory_space<vmem>> -> memref<1x1x128xi32, #tpu.memory_space<vmem>>
      %dma_wait3A_1450 = tpu.memref_squeeze %dma_wait3A_1449 : memref<1x1x128xi32, #tpu.memory_space<vmem>> -> memref<128xi32, #tpu.memory_space<vmem>>
      %dma_wait3A_1451 = arith.constant 0 : i32
      %dma_wait3A_1452 = arith.constant 0 : i32
      %dma_wait3A_1453 = tpu.memref_slice %arg8[%dma_wait3A_1451, %dma_wait3A_1452] : memref<10112x64xf32, #tpu.memory_space<vmem_shared>> -> memref<10112x64xf32, #tpu.memory_space<vmem_shared>>
      tpu.wait_indirect_dma semaphore(%arg15 : memref<!tpu.dma_semaphore, #tpu.memory_space<semaphore_mem>>) src(%dma_wait3A_1453 : memref<10112x64xf32, #tpu.memory_space<vmem_shared>>) dst(%arg12 : memref<128x64xf32, #tpu.memory_space<vmem>>)
      %run_scoped3A_1454 = arith.constant 3 : i32
      "tpu.region"() ({
        %run_scoped3A_1801 = tpu.sem_alloc : memref<!tpu.dma_semaphore, #tpu.memory_space<semaphore_mem>>
        %dma_start3A_1802 = arith.constant 0 : i32
        %dma_start3A_1803 = tpu.memref_slice %arg10[%rem3A_1270, %run_scoped3A_1454, %dma_start3A_1802] : memref<2x8x128xi32, #tpu.memory_space<vmem>> -> memref<1x1x128xi32, #tpu.memory_space<vmem>>
        %dma_start3A_1804 = tpu.memref_squeeze %dma_start3A_1803 : memref<1x1x128xi32, #tpu.memory_space<vmem>> -> memref<128xi32, #tpu.memory_space<vmem>>
        %dma_start3A_1805 = arith.constant 0 : i32
        %dma_start3A_1806 = arith.constant 0 : i32
        %dma_start3A_1807 = tpu.memref_slice %arg7[%dma_start3A_1805, %dma_start3A_1806] : memref<10112x64xf32, #tpu.memory_space<vmem_shared>> -> memref<10112x64xf32, #tpu.memory_space<vmem_shared>>
        tpu.enqueue_indirect_dma source(%arg12 : memref<128x64xf32, #tpu.memory_space<vmem>>) target(%dma_start3A_1807 : memref<10112x64xf32, #tpu.memory_space<vmem_shared>>) offsets(%dma_start3A_1804 : memref<128xi32, #tpu.memory_space<vmem>>) semaphore(%run_scoped3A_1801 : memref<!tpu.dma_semaphore, #tpu.memory_space<semaphore_mem>>) {add = true}
        %dma_wait3A_1808 = arith.constant 0 : i32
        %dma_wait3A_1809 = tpu.memref_slice %arg10[%rem3A_1270, %run_scoped3A_1454, %dma_wait3A_1808] : memref<2x8x128xi32, #tpu.memory_space<vmem>> -> memref<1x1x128xi32, #tpu.memory_space<vmem>>
        %dma_wait3A_1810 = tpu.memref_squeeze %dma_wait3A_1809 : memref<1x1x128xi32, #tpu.memory_space<vmem>> -> memref<128xi32, #tpu.memory_space<vmem>>
        %dma_wait3A_1811 = arith.constant 0 : i32
        %dma_wait3A_1812 = arith.constant 0 : i32
        %dma_wait3A_1813 = tpu.memref_slice %arg7[%dma_wait3A_1811, %dma_wait3A_1812] : memref<10112x64xf32, #tpu.memory_space<vmem_shared>> -> memref<10112x64xf32, #tpu.memory_space<vmem_shared>>
        tpu.wait_indirect_dma semaphore(%run_scoped3A_1801 : memref<!tpu.dma_semaphore, #tpu.memory_space<semaphore_mem>>) src(%arg12 : memref<128x64xf32, #tpu.memory_space<vmem>>) dst(%dma_wait3A_1813 : memref<10112x64xf32, #tpu.memory_space<vmem_shared>>)
        tpu.yield
      }) : () -> ()
      %get3A_1455 = arith.constant 3 : i32
      %get3A_1456 = arith.index_cast %rem3A_1270 : i32 to index
      %get3A_1457 = arith.index_cast %get3A_1455 : i32 to index
      %get3A_1458 = arith.constant 0 : index
      %get3A_1459 = tpu.vector_load %arg10[%get3A_1456, %get3A_1457, %get3A_1458] {strides = array<i32>} : memref<2x8x128xi32, #tpu.memory_space<vmem>>, vector<16xi32>,
      tpu.vector_store_idx %arg13[%get3A_1459], %broadcast_in_dim3A_22 {add = true} : memref<10112xf32, #tpu.memory_space<vmem>>[vector<16xi32>], vector<16xf32>,
      %get3A_1460 = arith.constant 3 : i32
      %get3A_1461 = arith.index_cast %rem3A_1270 : i32 to index
      %get3A_1462 = arith.index_cast %get3A_1460 : i32 to index
      %get3A_1463 = arith.constant 16 : index
      %get3A_1464 = tpu.vector_load %arg10[%get3A_1461, %get3A_1462, %get3A_1463] {strides = array<i32>} : memref<2x8x128xi32, #tpu.memory_space<vmem>>, vector<16xi32>,
      tpu.vector_store_idx %arg13[%get3A_1464], %broadcast_in_dim3A_22 {add = true} : memref<10112xf32, #tpu.memory_space<vmem>>[vector<16xi32>], vector<16xf32>,
      %get3A_1465 = arith.constant 3 : i32
      %get3A_1466 = arith.index_cast %rem3A_1270 : i32 to index
      %get3A_1467 = arith.index_cast %get3A_1465 : i32 to index
      %get3A_1468 = arith.constant 32 : index
      %get3A_1469 = tpu.vector_load %arg10[%get3A_1466, %get3A_1467, %get3A_1468] {strides = array<i32>} : memref<2x8x128xi32, #tpu.memory_space<vmem>>, vector<16xi32>,
      tpu.vector_store_idx %arg13[%get3A_1469], %broadcast_in_dim3A_22 {add = true} : memref<10112xf32, #tpu.memory_space<vmem>>[vector<16xi32>], vector<16xf32>,
      %get3A_1470 = arith.constant 3 : i32
      %get3A_1471 = arith.index_cast %rem3A_1270 : i32 to index
      %get3A_1472 = arith.index_cast %get3A_1470 : i32 to index
      %get3A_1473 = arith.constant 48 : index
      %get3A_1474 = tpu.vector_load %arg10[%get3A_1471, %get3A_1472, %get3A_1473] {strides = array<i32>} : memref<2x8x128xi32, #tpu.memory_space<vmem>>, vector<16xi32>,
      tpu.vector_store_idx %arg13[%get3A_1474], %broadcast_in_dim3A_22 {add = true} : memref<10112xf32, #tpu.memory_space<vmem>>[vector<16xi32>], vector<16xf32>,
      %get3A_1475 = arith.constant 3 : i32
      %get3A_1476 = arith.index_cast %rem3A_1270 : i32 to index
      %get3A_1477 = arith.index_cast %get3A_1475 : i32 to index
      %get3A_1478 = arith.constant 64 : index
      %get3A_1479 = tpu.vector_load %arg10[%get3A_1476, %get3A_1477, %get3A_1478] {strides = array<i32>} : memref<2x8x128xi32, #tpu.memory_space<vmem>>, vector<16xi32>,
      tpu.vector_store_idx %arg13[%get3A_1479], %broadcast_in_dim3A_22 {add = true} : memref<10112xf32, #tpu.memory_space<vmem>>[vector<16xi32>], vector<16xf32>,
      %get3A_1480 = arith.constant 3 : i32
      %get3A_1481 = arith.index_cast %rem3A_1270 : i32 to index
      %get3A_1482 = arith.index_cast %get3A_1480 : i32 to index
      %get3A_1483 = arith.constant 80 : index
      %get3A_1484 = tpu.vector_load %arg10[%get3A_1481, %get3A_1482, %get3A_1483] {strides = array<i32>} : memref<2x8x128xi32, #tpu.memory_space<vmem>>, vector<16xi32>,
      tpu.vector_store_idx %arg13[%get3A_1484], %broadcast_in_dim3A_22 {add = true} : memref<10112xf32, #tpu.memory_space<vmem>>[vector<16xi32>], vector<16xf32>,
      %get3A_1485 = arith.constant 3 : i32
      %get3A_1486 = arith.index_cast %rem3A_1270 : i32 to index
      %get3A_1487 = arith.index_cast %get3A_1485 : i32 to index
      %get3A_1488 = arith.constant 96 : index
      %get3A_1489 = tpu.vector_load %arg10[%get3A_1486, %get3A_1487, %get3A_1488] {strides = array<i32>} : memref<2x8x128xi32, #tpu.memory_space<vmem>>, vector<16xi32>,
      tpu.vector_store_idx %arg13[%get3A_1489], %broadcast_in_dim3A_22 {add = true} : memref<10112xf32, #tpu.memory_space<vmem>>[vector<16xi32>], vector<16xf32>,
      %get3A_1490 = arith.constant 3 : i32
      %get3A_1491 = arith.index_cast %rem3A_1270 : i32 to index
      %get3A_1492 = arith.index_cast %get3A_1490 : i32 to index
      %get3A_1493 = arith.constant 112 : index
      %get3A_1494 = tpu.vector_load %arg10[%get3A_1491, %get3A_1492, %get3A_1493] {strides = array<i32>} : memref<2x8x128xi32, #tpu.memory_space<vmem>>, vector<16xi32>,
      tpu.vector_store_idx %arg13[%get3A_1494], %broadcast_in_dim3A_22 {add = true} : memref<10112xf32, #tpu.memory_space<vmem>>[vector<16xi32>], vector<16xf32>,
      %dma_start3A_1495 = arith.constant 5 : i32
      %dma_start3A_1496 = arith.constant 0 : i32
      %dma_start3A_1497 = tpu.memref_slice %arg9[%rem3A_1270, %dma_start3A_1495, %dma_start3A_1496] : memref<2x8x128xi32, #tpu.memory_space<vmem>> -> memref<1x1x128xi32, #tpu.memory_space<vmem>>
      %dma_start3A_1498 = tpu.memref_squeeze %dma_start3A_1497 : memref<1x1x128xi32, #tpu.memory_space<vmem>> -> memref<128xi32, #tpu.memory_space<vmem>>
      %dma_start3A_1499 = arith.constant 0 : i32
      %dma_start3A_1500 = arith.constant 0 : i32
      %dma_start3A_1501 = tpu.memref_slice %arg8[%dma_start3A_1499, %dma_start3A_1500] : memref<10112x64xf32, #tpu.memory_space<vmem_shared>> -> memref<10112x64xf32, #tpu.memory_space<vmem_shared>>
      tpu.enqueue_indirect_dma source(%dma_start3A_1501 : memref<10112x64xf32, #tpu.memory_space<vmem_shared>>) target(%arg12 : memref<128x64xf32, #tpu.memory_space<vmem>>) offsets(%dma_start3A_1498 : memref<128xi32, #tpu.memory_space<vmem>>) semaphore(%arg15 : memref<!tpu.dma_semaphore, #tpu.memory_space<semaphore_mem>>)
      %dma_wait3A_1502 = arith.constant 4 : i32
      %dma_wait3A_1503 = arith.constant 0 : i32
      %dma_wait3A_1504 = tpu.memref_slice %arg9[%rem3A_1270, %dma_wait3A_1502, %dma_wait3A_1503] : memref<2x8x128xi32, #tpu.memory_space<vmem>> -> memref<1x1x128xi32, #tpu.memory_space<vmem>>
      %dma_wait3A_1505 = tpu.memref_squeeze %dma_wait3A_1504 : memref<1x1x128xi32, #tpu.memory_space<vmem>> -> memref<128xi32, #tpu.memory_space<vmem>>
      %dma_wait3A_1506 = arith.constant 0 : i32
      %dma_wait3A_1507 = arith.constant 0 : i32
      %dma_wait3A_1508 = tpu.memref_slice %arg8[%dma_wait3A_1506, %dma_wait3A_1507] : memref<10112x64xf32, #tpu.memory_space<vmem_shared>> -> memref<10112x64xf32, #tpu.memory_space<vmem_shared>>
      tpu.wait_indirect_dma semaphore(%arg14 : memref<!tpu.dma_semaphore, #tpu.memory_space<semaphore_mem>>) src(%dma_wait3A_1508 : memref<10112x64xf32, #tpu.memory_space<vmem_shared>>) dst(%arg11 : memref<128x64xf32, #tpu.memory_space<vmem>>)
      %run_scoped3A_1509 = arith.constant 4 : i32
      "tpu.region"() ({
        %run_scoped3A_1801 = tpu.sem_alloc : memref<!tpu.dma_semaphore, #tpu.memory_space<semaphore_mem>>
        %dma_start3A_1802 = arith.constant 0 : i32
        %dma_start3A_1803 = tpu.memref_slice %arg10[%rem3A_1270, %run_scoped3A_1509, %dma_start3A_1802] : memref<2x8x128xi32, #tpu.memory_space<vmem>> -> memref<1x1x128xi32, #tpu.memory_space<vmem>>
        %dma_start3A_1804 = tpu.memref_squeeze %dma_start3A_1803 : memref<1x1x128xi32, #tpu.memory_space<vmem>> -> memref<128xi32, #tpu.memory_space<vmem>>
        %dma_start3A_1805 = arith.constant 0 : i32
        %dma_start3A_1806 = arith.constant 0 : i32
        %dma_start3A_1807 = tpu.memref_slice %arg7[%dma_start3A_1805, %dma_start3A_1806] : memref<10112x64xf32, #tpu.memory_space<vmem_shared>> -> memref<10112x64xf32, #tpu.memory_space<vmem_shared>>
        tpu.enqueue_indirect_dma source(%arg11 : memref<128x64xf32, #tpu.memory_space<vmem>>) target(%dma_start3A_1807 : memref<10112x64xf32, #tpu.memory_space<vmem_shared>>) offsets(%dma_start3A_1804 : memref<128xi32, #tpu.memory_space<vmem>>) semaphore(%run_scoped3A_1801 : memref<!tpu.dma_semaphore, #tpu.memory_space<semaphore_mem>>) {add = true}
        %dma_wait3A_1808 = arith.constant 0 : i32
        %dma_wait3A_1809 = tpu.memref_slice %arg10[%rem3A_1270, %run_scoped3A_1509, %dma_wait3A_1808] : memref<2x8x128xi32, #tpu.memory_space<vmem>> -> memref<1x1x128xi32, #tpu.memory_space<vmem>>
        %dma_wait3A_1810 = tpu.memref_squeeze %dma_wait3A_1809 : memref<1x1x128xi32, #tpu.memory_space<vmem>> -> memref<128xi32, #tpu.memory_space<vmem>>
        %dma_wait3A_1811 = arith.constant 0 : i32
        %dma_wait3A_1812 = arith.constant 0 : i32
        %dma_wait3A_1813 = tpu.memref_slice %arg7[%dma_wait3A_1811, %dma_wait3A_1812] : memref<10112x64xf32, #tpu.memory_space<vmem_shared>> -> memref<10112x64xf32, #tpu.memory_space<vmem_shared>>
        tpu.wait_indirect_dma semaphore(%run_scoped3A_1801 : memref<!tpu.dma_semaphore, #tpu.memory_space<semaphore_mem>>) src(%arg11 : memref<128x64xf32, #tpu.memory_space<vmem>>) dst(%dma_wait3A_1813 : memref<10112x64xf32, #tpu.memory_space<vmem_shared>>)
        tpu.yield
      }) : () -> ()
      %get3A_1510 = arith.constant 4 : i32
      %get3A_1511 = arith.index_cast %rem3A_1270 : i32 to index
      %get3A_1512 = arith.index_cast %get3A_1510 : i32 to index
      %get3A_1513 = arith.constant 0 : index
      %get3A_1514 = tpu.vector_load %arg10[%get3A_1511, %get3A_1512, %get3A_1513] {strides = array<i32>} : memref<2x8x128xi32, #tpu.memory_space<vmem>>, vector<16xi32>,
      tpu.vector_store_idx %arg13[%get3A_1514], %broadcast_in_dim3A_22 {add = true} : memref<10112xf32, #tpu.memory_space<vmem>>[vector<16xi32>], vector<16xf32>,
      %get3A_1515 = arith.constant 4 : i32
      %get3A_1516 = arith.index_cast %rem3A_1270 : i32 to index
      %get3A_1517 = arith.index_cast %get3A_1515 : i32 to index
      %get3A_1518 = arith.constant 16 : index
      %get3A_1519 = tpu.vector_load %arg10[%get3A_1516, %get3A_1517, %get3A_1518] {strides = array<i32>} : memref<2x8x128xi32, #tpu.memory_space<vmem>>, vector<16xi32>,
      tpu.vector_store_idx %arg13[%get3A_1519], %broadcast_in_dim3A_22 {add = true} : memref<10112xf32, #tpu.memory_space<vmem>>[vector<16xi32>], vector<16xf32>,
      %get3A_1520 = arith.constant 4 : i32
      %get3A_1521 = arith.index_cast %rem3A_1270 : i32 to index
      %get3A_1522 = arith.index_cast %get3A_1520 : i32 to index
      %get3A_1523 = arith.constant 32 : index
      %get3A_1524 = tpu.vector_load %arg10[%get3A_1521, %get3A_1522, %get3A_1523] {strides = array<i32>} : memref<2x8x128xi32, #tpu.memory_space<vmem>>, vector<16xi32>,
      tpu.vector_store_idx %arg13[%get3A_1524], %broadcast_in_dim3A_22 {add = true} : memref<10112xf32, #tpu.memory_space<vmem>>[vector<16xi32>], vector<16xf32>,
      %get3A_1525 = arith.constant 4 : i32
      %get3A_1526 = arith.index_cast %rem3A_1270 : i32 to index
      %get3A_1527 = arith.index_cast %get3A_1525 : i32 to index
      %get3A_1528 = arith.constant 48 : index
      %get3A_1529 = tpu.vector_load %arg10[%get3A_1526, %get3A_1527, %get3A_1528] {strides = array<i32>} : memref<2x8x128xi32, #tpu.memory_space<vmem>>, vector<16xi32>,
      tpu.vector_store_idx %arg13[%get3A_1529], %broadcast_in_dim3A_22 {add = true} : memref<10112xf32, #tpu.memory_space<vmem>>[vector<16xi32>], vector<16xf32>,
      %get3A_1530 = arith.constant 4 : i32
      %get3A_1531 = arith.index_cast %rem3A_1270 : i32 to index
      %get3A_1532 = arith.index_cast %get3A_1530 : i32 to index
      %get3A_1533 = arith.constant 64 : index
      %get3A_1534 = tpu.vector_load %arg10[%get3A_1531, %get3A_1532, %get3A_1533] {strides = array<i32>} : memref<2x8x128xi32, #tpu.memory_space<vmem>>, vector<16xi32>,
      tpu.vector_store_idx %arg13[%get3A_1534], %broadcast_in_dim3A_22 {add = true} : memref<10112xf32, #tpu.memory_space<vmem>>[vector<16xi32>], vector<16xf32>,
      %get3A_1535 = arith.constant 4 : i32
      %get3A_1536 = arith.index_cast %rem3A_1270 : i32 to index
      %get3A_1537 = arith.index_cast %get3A_1535 : i32 to index
      %get3A_1538 = arith.constant 80 : index
      %get3A_1539 = tpu.vector_load %arg10[%get3A_1536, %get3A_1537, %get3A_1538] {strides = array<i32>} : memref<2x8x128xi32, #tpu.memory_space<vmem>>, vector<16xi32>,
      tpu.vector_store_idx %arg13[%get3A_1539], %broadcast_in_dim3A_22 {add = true} : memref<10112xf32, #tpu.memory_space<vmem>>[vector<16xi32>], vector<16xf32>,
      %get3A_1540 = arith.constant 4 : i32
      %get3A_1541 = arith.index_cast %rem3A_1270 : i32 to index
      %get3A_1542 = arith.index_cast %get3A_1540 : i32 to index
      %get3A_1543 = arith.constant 96 : index
      %get3A_1544 = tpu.vector_load %arg10[%get3A_1541, %get3A_1542, %get3A_1543] {strides = array<i32>} : memref<2x8x128xi32, #tpu.memory_space<vmem>>, vector<16xi32>,
      tpu.vector_store_idx %arg13[%get3A_1544], %broadcast_in_dim3A_22 {add = true} : memref<10112xf32, #tpu.memory_space<vmem>>[vector<16xi32>], vector<16xf32>,
      %get3A_1545 = arith.constant 4 : i32
      %get3A_1546 = arith.index_cast %rem3A_1270 : i32 to index
      %get3A_1547 = arith.index_cast %get3A_1545 : i32 to index
      %get3A_1548 = arith.constant 112 : index
      %get3A_1549 = tpu.vector_load %arg10[%get3A_1546, %get3A_1547, %get3A_1548] {strides = array<i32>} : memref<2x8x128xi32, #tpu.memory_space<vmem>>, vector<16xi32>,
      tpu.vector_store_idx %arg13[%get3A_1549], %broadcast_in_dim3A_22 {add = true} : memref<10112xf32, #tpu.memory_space<vmem>>[vector<16xi32>], vector<16xf32>,
      %dma_start3A_1550 = arith.constant 6 : i32
      %dma_start3A_1551 = arith.constant 0 : i32
      %dma_start3A_1552 = tpu.memref_slice %arg9[%rem3A_1270, %dma_start3A_1550, %dma_start3A_1551] : memref<2x8x128xi32, #tpu.memory_space<vmem>> -> memref<1x1x128xi32, #tpu.memory_space<vmem>>
      %dma_start3A_1553 = tpu.memref_squeeze %dma_start3A_1552 : memref<1x1x128xi32, #tpu.memory_space<vmem>> -> memref<128xi32, #tpu.memory_space<vmem>>
      %dma_start3A_1554 = arith.constant 0 : i32
      %dma_start3A_1555 = arith.constant 0 : i32
      %dma_start3A_1556 = tpu.memref_slice %arg8[%dma_start3A_1554, %dma_start3A_1555] : memref<10112x64xf32, #tpu.memory_space<vmem_shared>> -> memref<10112x64xf32, #tpu.memory_space<vmem_shared>>
      tpu.enqueue_indirect_dma source(%dma_start3A_1556 : memref<10112x64xf32, #tpu.memory_space<vmem_shared>>) target(%arg11 : memref<128x64xf32, #tpu.memory_space<vmem>>) offsets(%dma_start3A_1553 : memref<128xi32, #tpu.memory_space<vmem>>) semaphore(%arg14 : memref<!tpu.dma_semaphore, #tpu.memory_space<semaphore_mem>>)
      %dma_wait3A_1557 = arith.constant 5 : i32
      %dma_wait3A_1558 = arith.constant 0 : i32
      %dma_wait3A_1559 = tpu.memref_slice %arg9[%rem3A_1270, %dma_wait3A_1557, %dma_wait3A_1558] : memref<2x8x128xi32, #tpu.memory_space<vmem>> -> memref<1x1x128xi32, #tpu.memory_space<vmem>>
      %dma_wait3A_1560 = tpu.memref_squeeze %dma_wait3A_1559 : memref<1x1x128xi32, #tpu.memory_space<vmem>> -> memref<128xi32, #tpu.memory_space<vmem>>
      %dma_wait3A_1561 = arith.constant 0 : i32
      %dma_wait3A_1562 = arith.constant 0 : i32
      %dma_wait3A_1563 = tpu.memref_slice %arg8[%dma_wait3A_1561, %dma_wait3A_1562] : memref<10112x64xf32, #tpu.memory_space<vmem_shared>> -> memref<10112x64xf32, #tpu.memory_space<vmem_shared>>
      tpu.wait_indirect_dma semaphore(%arg15 : memref<!tpu.dma_semaphore, #tpu.memory_space<semaphore_mem>>) src(%dma_wait3A_1563 : memref<10112x64xf32, #tpu.memory_space<vmem_shared>>) dst(%arg12 : memref<128x64xf32, #tpu.memory_space<vmem>>)
      %run_scoped3A_1564 = arith.constant 5 : i32
      "tpu.region"() ({
        %run_scoped3A_1801 = tpu.sem_alloc : memref<!tpu.dma_semaphore, #tpu.memory_space<semaphore_mem>>
        %dma_start3A_1802 = arith.constant 0 : i32
        %dma_start3A_1803 = tpu.memref_slice %arg10[%rem3A_1270, %run_scoped3A_1564, %dma_start3A_1802] : memref<2x8x128xi32, #tpu.memory_space<vmem>> -> memref<1x1x128xi32, #tpu.memory_space<vmem>>
        %dma_start3A_1804 = tpu.memref_squeeze %dma_start3A_1803 : memref<1x1x128xi32, #tpu.memory_space<vmem>> -> memref<128xi32, #tpu.memory_space<vmem>>
        %dma_start3A_1805 = arith.constant 0 : i32
        %dma_start3A_1806 = arith.constant 0 : i32
        %dma_start3A_1807 = tpu.memref_slice %arg7[%dma_start3A_1805, %dma_start3A_1806] : memref<10112x64xf32, #tpu.memory_space<vmem_shared>> -> memref<10112x64xf32, #tpu.memory_space<vmem_shared>>
        tpu.enqueue_indirect_dma source(%arg12 : memref<128x64xf32, #tpu.memory_space<vmem>>) target(%dma_start3A_1807 : memref<10112x64xf32, #tpu.memory_space<vmem_shared>>) offsets(%dma_start3A_1804 : memref<128xi32, #tpu.memory_space<vmem>>) semaphore(%run_scoped3A_1801 : memref<!tpu.dma_semaphore, #tpu.memory_space<semaphore_mem>>) {add = true}
        %dma_wait3A_1808 = arith.constant 0 : i32
        %dma_wait3A_1809 = tpu.memref_slice %arg10[%rem3A_1270, %run_scoped3A_1564, %dma_wait3A_1808] : memref<2x8x128xi32, #tpu.memory_space<vmem>> -> memref<1x1x128xi32, #tpu.memory_space<vmem>>
        %dma_wait3A_1810 = tpu.memref_squeeze %dma_wait3A_1809 : memref<1x1x128xi32, #tpu.memory_space<vmem>> -> memref<128xi32, #tpu.memory_space<vmem>>
        %dma_wait3A_1811 = arith.constant 0 : i32
        %dma_wait3A_1812 = arith.constant 0 : i32
        %dma_wait3A_1813 = tpu.memref_slice %arg7[%dma_wait3A_1811, %dma_wait3A_1812] : memref<10112x64xf32, #tpu.memory_space<vmem_shared>> -> memref<10112x64xf32, #tpu.memory_space<vmem_shared>>
        tpu.wait_indirect_dma semaphore(%run_scoped3A_1801 : memref<!tpu.dma_semaphore, #tpu.memory_space<semaphore_mem>>) src(%arg12 : memref<128x64xf32, #tpu.memory_space<vmem>>) dst(%dma_wait3A_1813 : memref<10112x64xf32, #tpu.memory_space<vmem_shared>>)
        tpu.yield
      }) : () -> ()
      %get3A_1565 = arith.constant 5 : i32
      %get3A_1566 = arith.index_cast %rem3A_1270 : i32 to index
      %get3A_1567 = arith.index_cast %get3A_1565 : i32 to index
      %get3A_1568 = arith.constant 0 : index
      %get3A_1569 = tpu.vector_load %arg10[%get3A_1566, %get3A_1567, %get3A_1568] {strides = array<i32>} : memref<2x8x128xi32, #tpu.memory_space<vmem>>, vector<16xi32>,
      tpu.vector_store_idx %arg13[%get3A_1569], %broadcast_in_dim3A_22 {add = true} : memref<10112xf32, #tpu.memory_space<vmem>>[vector<16xi32>], vector<16xf32>,
      %get3A_1570 = arith.constant 5 : i32
      %get3A_1571 = arith.index_cast %rem3A_1270 : i32 to index
      %get3A_1572 = arith.index_cast %get3A_1570 : i32 to index
      %get3A_1573 = arith.constant 16 : index
      %get3A_1574 = tpu.vector_load %arg10[%get3A_1571, %get3A_1572, %get3A_1573] {strides = array<i32>} : memref<2x8x128xi32, #tpu.memory_space<vmem>>, vector<16xi32>,
      tpu.vector_store_idx %arg13[%get3A_1574], %broadcast_in_dim3A_22 {add = true} : memref<10112xf32, #tpu.memory_space<vmem>>[vector<16xi32>], vector<16xf32>,
      %get3A_1575 = arith.constant 5 : i32
      %get3A_1576 = arith.index_cast %rem3A_1270 : i32 to index
      %get3A_1577 = arith.index_cast %get3A_1575 : i32 to index
      %get3A_1578 = arith.constant 32 : index
      %get3A_1579 = tpu.vector_load %arg10[%get3A_1576, %get3A_1577, %get3A_1578] {strides = array<i32>} : memref<2x8x128xi32, #tpu.memory_space<vmem>>, vector<16xi32>,
      tpu.vector_store_idx %arg13[%get3A_1579], %broadcast_in_dim3A_22 {add = true} : memref<10112xf32, #tpu.memory_space<vmem>>[vector<16xi32>], vector<16xf32>,
      %get3A_1580 = arith.constant 5 : i32
      %get3A_1581 = arith.index_cast %rem3A_1270 : i32 to index
      %get3A_1582 = arith.index_cast %get3A_1580 : i32 to index
      %get3A_1583 = arith.constant 48 : index
      %get3A_1584 = tpu.vector_load %arg10[%get3A_1581, %get3A_1582, %get3A_1583] {strides = array<i32>} : memref<2x8x128xi32, #tpu.memory_space<vmem>>, vector<16xi32>,
      tpu.vector_store_idx %arg13[%get3A_1584], %broadcast_in_dim3A_22 {add = true} : memref<10112xf32, #tpu.memory_space<vmem>>[vector<16xi32>], vector<16xf32>,
      %get3A_1585 = arith.constant 5 : i32
      %get3A_1586 = arith.index_cast %rem3A_1270 : i32 to index
      %get3A_1587 = arith.index_cast %get3A_1585 : i32 to index
      %get3A_1588 = arith.constant 64 : index
      %get3A_1589 = tpu.vector_load %arg10[%get3A_1586, %get3A_1587, %get3A_1588] {strides = array<i32>} : memref<2x8x128xi32, #tpu.memory_space<vmem>>, vector<16xi32>,
      tpu.vector_store_idx %arg13[%get3A_1589], %broadcast_in_dim3A_22 {add = true} : memref<10112xf32, #tpu.memory_space<vmem>>[vector<16xi32>], vector<16xf32>,
      %get3A_1590 = arith.constant 5 : i32
      %get3A_1591 = arith.index_cast %rem3A_1270 : i32 to index
      %get3A_1592 = arith.index_cast %get3A_1590 : i32 to index
      %get3A_1593 = arith.constant 80 : index
      %get3A_1594 = tpu.vector_load %arg10[%get3A_1591, %get3A_1592, %get3A_1593] {strides = array<i32>} : memref<2x8x128xi32, #tpu.memory_space<vmem>>, vector<16xi32>,
      tpu.vector_store_idx %arg13[%get3A_1594], %broadcast_in_dim3A_22 {add = true} : memref<10112xf32, #tpu.memory_space<vmem>>[vector<16xi32>], vector<16xf32>,
      %get3A_1595 = arith.constant 5 : i32
      %get3A_1596 = arith.index_cast %rem3A_1270 : i32 to index
      %get3A_1597 = arith.index_cast %get3A_1595 : i32 to index
      %get3A_1598 = arith.constant 96 : index
      %get3A_1599 = tpu.vector_load %arg10[%get3A_1596, %get3A_1597, %get3A_1598] {strides = array<i32>} : memref<2x8x128xi32, #tpu.memory_space<vmem>>, vector<16xi32>,
      tpu.vector_store_idx %arg13[%get3A_1599], %broadcast_in_dim3A_22 {add = true} : memref<10112xf32, #tpu.memory_space<vmem>>[vector<16xi32>], vector<16xf32>,
      %get3A_1600 = arith.constant 5 : i32
      %get3A_1601 = arith.index_cast %rem3A_1270 : i32 to index
      %get3A_1602 = arith.index_cast %get3A_1600 : i32 to index
      %get3A_1603 = arith.constant 112 : index
      %get3A_1604 = tpu.vector_load %arg10[%get3A_1601, %get3A_1602, %get3A_1603] {strides = array<i32>} : memref<2x8x128xi32, #tpu.memory_space<vmem>>, vector<16xi32>,
      tpu.vector_store_idx %arg13[%get3A_1604], %broadcast_in_dim3A_22 {add = true} : memref<10112xf32, #tpu.memory_space<vmem>>[vector<16xi32>], vector<16xf32>,
      %dma_wait3A_1605 = arith.constant 0 : i32
      %dma_wait3A_1606 = arith.constant 0 : i32
      %dma_wait3A_1607 = tpu.memref_slice %arg9[%sub3A_1272, %dma_wait3A_1605, %dma_wait3A_1606] : memref<2x8x128xi32, #tpu.memory_space<vmem>> -> memref<1x8x128xi32, #tpu.memory_space<vmem>>
      %dma_wait3A_1608 = tpu.memref_squeeze %dma_wait3A_1607 : memref<1x8x128xi32, #tpu.memory_space<vmem>> -> memref<8x128xi32, #tpu.memory_space<vmem>>
      %dma_wait3A_1609 = arith.constant 0 : i32
      %dma_wait3A_1610 = arith.constant 0 : i32
      %dma_wait3A_1611 = tpu.memref_slice %arg3[%arg1, %dma_wait3A_1609, %dma_wait3A_1610] : memref<16x160x128xi32, #tpu.memory_space<hbm>> -> memref<1x160x128xi32, #tpu.memory_space<hbm>>
      %dma_wait3A_1612 = tpu.memref_squeeze %dma_wait3A_1611 : memref<1x160x128xi32, #tpu.memory_space<hbm>> -> memref<160x128xi32, #tpu.memory_space<hbm>>
      %dma_wait3A_1613 = arith.constant 0 : i32
      %dma_wait3A_1614 = arith.constant 0 : i32
      %dma_wait3A_1615 = tpu.memref_slice %dma_wait3A_1612[%dma_wait3A_1613, %dma_wait3A_1614] : memref<160x128xi32, #tpu.memory_space<hbm>> -> memref<8x128xi32, #tpu.memory_space<hbm>>
      %dma_wait3A_1616 = arith.constant 0 : i32
      %dma_wait3A_1617 = arith.constant 0 : i32
      %dma_wait3A_1618 = tpu.memref_slice %arg9[%sub3A_1272, %dma_wait3A_1616, %dma_wait3A_1617] : memref<2x8x128xi32, #tpu.memory_space<vmem>> -> memref<1x8x128xi32, #tpu.memory_space<vmem>>
      %dma_wait3A_1619 = tpu.memref_squeeze %dma_wait3A_1618 : memref<1x8x128xi32, #tpu.memory_space<vmem>> -> memref<8x128xi32, #tpu.memory_space<vmem>>
      %dma_wait3A_1620 = arith.constant 0 : i32
      %dma_wait3A_1621 = arith.constant 0 : i32
      %dma_wait3A_1622 = tpu.memref_slice %arg3[%arg1, %dma_wait3A_1620, %dma_wait3A_1621] : memref<16x160x128xi32, #tpu.memory_space<hbm>> -> memref<1x160x128xi32, #tpu.memory_space<hbm>>
      %dma_wait3A_1623 = tpu.memref_squeeze %dma_wait3A_1622 : memref<1x160x128xi32, #tpu.memory_space<hbm>> -> memref<160x128xi32, #tpu.memory_space<hbm>>
      %dma_wait3A_1624 = arith.constant 0 : i32
      %dma_wait3A_1625 = arith.constant 0 : i32
      %dma_wait3A_1626 = tpu.memref_slice %dma_wait3A_1623[%dma_wait3A_1624, %dma_wait3A_1625] : memref<160x128xi32, #tpu.memory_space<hbm>> -> memref<8x128xi32, #tpu.memory_space<hbm>>
      tpu.wait_dma2 semaphore(%arg16 : memref<!tpu.dma_semaphore, #tpu.memory_space<semaphore_mem>>) src(%dma_wait3A_1626 : memref<8x128xi32, #tpu.memory_space<hbm>>) dst(%dma_wait3A_1619 : memref<8x128xi32, #tpu.memory_space<vmem>>)
      %dma_wait3A_1627 = arith.constant 0 : i32
      %dma_wait3A_1628 = arith.constant 0 : i32
      %dma_wait3A_1629 = tpu.memref_slice %arg10[%sub3A_1272, %dma_wait3A_1627, %dma_wait3A_1628] : memref<2x8x128xi32, #tpu.memory_space<vmem>> -> memref<1x8x128xi32, #tpu.memory_space<vmem>>
      %dma_wait3A_1630 = tpu.memref_squeeze %dma_wait3A_1629 : memref<1x8x128xi32, #tpu.memory_space<vmem>> -> memref<8x128xi32, #tpu.memory_space<vmem>>
      %dma_wait3A_1631 = arith.constant 0 : i32
      %dma_wait3A_1632 = arith.constant 0 : i32
      %dma_wait3A_1633 = tpu.memref_slice %arg4[%arg1, %dma_wait3A_1631, %dma_wait3A_1632] : memref<16x160x128xi32, #tpu.memory_space<hbm>> -> memref<1x160x128xi32, #tpu.memory_space<hbm>>
      %dma_wait3A_1634 = tpu.memref_squeeze %dma_wait3A_1633 : memref<1x160x128xi32, #tpu.memory_space<hbm>> -> memref<160x128xi32, #tpu.memory_space<hbm>>
      %dma_wait3A_1635 = arith.constant 0 : i32
      %dma_wait3A_1636 = arith.constant 0 : i32
      %dma_wait3A_1637 = tpu.memref_slice %dma_wait3A_1634[%dma_wait3A_1635, %dma_wait3A_1636] : memref<160x128xi32, #tpu.memory_space<hbm>> -> memref<8x128xi32, #tpu.memory_space<hbm>>
      %dma_wait3A_1638 = arith.constant 0 : i32
      %dma_wait3A_1639 = arith.constant 0 : i32
      %dma_wait3A_1640 = tpu.memref_slice %arg10[%sub3A_1272, %dma_wait3A_1638, %dma_wait3A_1639] : memref<2x8x128xi32, #tpu.memory_space<vmem>> -> memref<1x8x128xi32, #tpu.memory_space<vmem>>
      %dma_wait3A_1641 = tpu.memref_squeeze %dma_wait3A_1640 : memref<1x8x128xi32, #tpu.memory_space<vmem>> -> memref<8x128xi32, #tpu.memory_space<vmem>>
      %dma_wait3A_1642 = arith.constant 0 : i32
      %dma_wait3A_1643 = arith.constant 0 : i32
      %dma_wait3A_1644 = tpu.memref_slice %arg4[%arg1, %dma_wait3A_1642, %dma_wait3A_1643] : memref<16x160x128xi32, #tpu.memory_space<hbm>> -> memref<1x160x128xi32, #tpu.memory_space<hbm>>
      %dma_wait3A_1645 = tpu.memref_squeeze %dma_wait3A_1644 : memref<1x160x128xi32, #tpu.memory_space<hbm>> -> memref<160x128xi32, #tpu.memory_space<hbm>>
      %dma_wait3A_1646 = arith.constant 0 : i32
      %dma_wait3A_1647 = arith.constant 0 : i32
      %dma_wait3A_1648 = tpu.memref_slice %dma_wait3A_1645[%dma_wait3A_1646, %dma_wait3A_1647] : memref<160x128xi32, #tpu.memory_space<hbm>> -> memref<8x128xi32, #tpu.memory_space<hbm>>
      tpu.wait_dma2 semaphore(%arg16 : memref<!tpu.dma_semaphore, #tpu.memory_space<semaphore_mem>>) src(%dma_wait3A_1648 : memref<8x128xi32, #tpu.memory_space<hbm>>) dst(%dma_wait3A_1641 : memref<8x128xi32, #tpu.memory_space<vmem>>)
      %dma_start3A_1649 = arith.constant 7 : i32
      %dma_start3A_1650 = arith.constant 0 : i32
      %dma_start3A_1651 = tpu.memref_slice %arg9[%rem3A_1270, %dma_start3A_1649, %dma_start3A_1650] : memref<2x8x128xi32, #tpu.memory_space<vmem>> -> memref<1x1x128xi32, #tpu.memory_space<vmem>>
      %dma_start3A_1652 = tpu.memref_squeeze %dma_start3A_1651 : memref<1x1x128xi32, #tpu.memory_space<vmem>> -> memref<128xi32, #tpu.memory_space<vmem>>
      %dma_start3A_1653 = arith.constant 0 : i32
      %dma_start3A_1654 = arith.constant 0 : i32
      %dma_start3A_1655 = tpu.memref_slice %arg8[%dma_start3A_1653, %dma_start3A_1654] : memref<10112x64xf32, #tpu.memory_space<vmem_shared>> -> memref<10112x64xf32, #tpu.memory_space<vmem_shared>>
      tpu.enqueue_indirect_dma source(%dma_start3A_1655 : memref<10112x64xf32, #tpu.memory_space<vmem_shared>>) target(%arg12 : memref<128x64xf32, #tpu.memory_space<vmem>>) offsets(%dma_start3A_1652 : memref<128xi32, #tpu.memory_space<vmem>>) semaphore(%arg15 : memref<!tpu.dma_semaphore, #tpu.memory_space<semaphore_mem>>)
      %dma_wait3A_1656 = arith.constant 6 : i32
      %dma_wait3A_1657 = arith.constant 0 : i32
      %dma_wait3A_1658 = tpu.memref_slice %arg9[%rem3A_1270, %dma_wait3A_1656, %dma_wait3A_1657] : memref<2x8x128xi32, #tpu.memory_space<vmem>> -> memref<1x1x128xi32, #tpu.memory_space<vmem>>
      %dma_wait3A_1659 = tpu.memref_squeeze %dma_wait3A_1658 : memref<1x1x128xi32, #tpu.memory_space<vmem>> -> memref<128xi32, #tpu.memory_space<vmem>>
      %dma_wait3A_1660 = arith.constant 0 : i32
      %dma_wait3A_1661 = arith.constant 0 : i32
      %dma_wait3A_1662 = tpu.memref_slice %arg8[%dma_wait3A_1660, %dma_wait3A_1661] : memref<10112x64xf32, #tpu.memory_space<vmem_shared>> -> memref<10112x64xf32, #tpu.memory_space<vmem_shared>>
      tpu.wait_indirect_dma semaphore(%arg14 : memref<!tpu.dma_semaphore, #tpu.memory_space<semaphore_mem>>) src(%dma_wait3A_1662 : memref<10112x64xf32, #tpu.memory_space<vmem_shared>>) dst(%arg11 : memref<128x64xf32, #tpu.memory_space<vmem>>)
      %run_scoped3A_1663 = arith.constant 6 : i32
      "tpu.region"() ({
        %run_scoped3A_1801 = tpu.sem_alloc : memref<!tpu.dma_semaphore, #tpu.memory_space<semaphore_mem>>
        %dma_start3A_1802 = arith.constant 0 : i32
        %dma_start3A_1803 = tpu.memref_slice %arg10[%rem3A_1270, %run_scoped3A_1663, %dma_start3A_1802] : memref<2x8x128xi32, #tpu.memory_space<vmem>> -> memref<1x1x128xi32, #tpu.memory_space<vmem>>
        %dma_start3A_1804 = tpu.memref_squeeze %dma_start3A_1803 : memref<1x1x128xi32, #tpu.memory_space<vmem>> -> memref<128xi32, #tpu.memory_space<vmem>>
        %dma_start3A_1805 = arith.constant 0 : i32
        %dma_start3A_1806 = arith.constant 0 : i32
        %dma_start3A_1807 = tpu.memref_slice %arg7[%dma_start3A_1805, %dma_start3A_1806] : memref<10112x64xf32, #tpu.memory_space<vmem_shared>> -> memref<10112x64xf32, #tpu.memory_space<vmem_shared>>
        tpu.enqueue_indirect_dma source(%arg11 : memref<128x64xf32, #tpu.memory_space<vmem>>) target(%dma_start3A_1807 : memref<10112x64xf32, #tpu.memory_space<vmem_shared>>) offsets(%dma_start3A_1804 : memref<128xi32, #tpu.memory_space<vmem>>) semaphore(%run_scoped3A_1801 : memref<!tpu.dma_semaphore, #tpu.memory_space<semaphore_mem>>) {add = true}
        %dma_wait3A_1808 = arith.constant 0 : i32
        %dma_wait3A_1809 = tpu.memref_slice %arg10[%rem3A_1270, %run_scoped3A_1663, %dma_wait3A_1808] : memref<2x8x128xi32, #tpu.memory_space<vmem>> -> memref<1x1x128xi32, #tpu.memory_space<vmem>>
        %dma_wait3A_1810 = tpu.memref_squeeze %dma_wait3A_1809 : memref<1x1x128xi32, #tpu.memory_space<vmem>> -> memref<128xi32, #tpu.memory_space<vmem>>
        %dma_wait3A_1811 = arith.constant 0 : i32
        %dma_wait3A_1812 = arith.constant 0 : i32
        %dma_wait3A_1813 = tpu.memref_slice %arg7[%dma_wait3A_1811, %dma_wait3A_1812] : memref<10112x64xf32, #tpu.memory_space<vmem_shared>> -> memref<10112x64xf32, #tpu.memory_space<vmem_shared>>
        tpu.wait_indirect_dma semaphore(%run_scoped3A_1801 : memref<!tpu.dma_semaphore, #tpu.memory_space<semaphore_mem>>) src(%arg11 : memref<128x64xf32, #tpu.memory_space<vmem>>) dst(%dma_wait3A_1813 : memref<10112x64xf32, #tpu.memory_space<vmem_shared>>)
        tpu.yield
      }) : () -> ()
      %get3A_1664 = arith.constant 6 : i32
      %get3A_1665 = arith.index_cast %rem3A_1270 : i32 to index
      %get3A_1666 = arith.index_cast %get3A_1664 : i32 to index
      %get3A_1667 = arith.constant 0 : index
      %get3A_1668 = tpu.vector_load %arg10[%get3A_1665, %get3A_1666, %get3A_1667] {strides = array<i32>} : memref<2x8x128xi32, #tpu.memory_space<vmem>>, vector<16xi32>,
      tpu.vector_store_idx %arg13[%get3A_1668], %broadcast_in_dim3A_22 {add = true} : memref<10112xf32, #tpu.memory_space<vmem>>[vector<16xi32>], vector<16xf32>,
      %get3A_1669 = arith.constant 6 : i32
      %get3A_1670 = arith.index_cast %rem3A_1270 : i32 to index
      %get3A_1671 = arith.index_cast %get3A_1669 : i32 to index
      %get3A_1672 = arith.constant 16 : index
      %get3A_1673 = tpu.vector_load %arg10[%get3A_1670, %get3A_1671, %get3A_1672] {strides = array<i32>} : memref<2x8x128xi32, #tpu.memory_space<vmem>>, vector<16xi32>,
      tpu.vector_store_idx %arg13[%get3A_1673], %broadcast_in_dim3A_22 {add = true} : memref<10112xf32, #tpu.memory_space<vmem>>[vector<16xi32>], vector<16xf32>,
      %get3A_1674 = arith.constant 6 : i32
      %get3A_1675 = arith.index_cast %rem3A_1270 : i32 to index
      %get3A_1676 = arith.index_cast %get3A_1674 : i32 to index
      %get3A_1677 = arith.constant 32 : index
      %get3A_1678 = tpu.vector_load %arg10[%get3A_1675, %get3A_1676, %get3A_1677] {strides = array<i32>} : memref<2x8x128xi32, #tpu.memory_space<vmem>>, vector<16xi32>,
      tpu.vector_store_idx %arg13[%get3A_1678], %broadcast_in_dim3A_22 {add = true} : memref<10112xf32, #tpu.memory_space<vmem>>[vector<16xi32>], vector<16xf32>,
      %get3A_1679 = arith.constant 6 : i32
      %get3A_1680 = arith.index_cast %rem3A_1270 : i32 to index
      %get3A_1681 = arith.index_cast %get3A_1679 : i32 to index
      %get3A_1682 = arith.constant 48 : index
      %get3A_1683 = tpu.vector_load %arg10[%get3A_1680, %get3A_1681, %get3A_1682] {strides = array<i32>} : memref<2x8x128xi32, #tpu.memory_space<vmem>>, vector<16xi32>,
      tpu.vector_store_idx %arg13[%get3A_1683], %broadcast_in_dim3A_22 {add = true} : memref<10112xf32, #tpu.memory_space<vmem>>[vector<16xi32>], vector<16xf32>,
      %get3A_1684 = arith.constant 6 : i32
      %get3A_1685 = arith.index_cast %rem3A_1270 : i32 to index
      %get3A_1686 = arith.index_cast %get3A_1684 : i32 to index
      %get3A_1687 = arith.constant 64 : index
      %get3A_1688 = tpu.vector_load %arg10[%get3A_1685, %get3A_1686, %get3A_1687] {strides = array<i32>} : memref<2x8x128xi32, #tpu.memory_space<vmem>>, vector<16xi32>,
      tpu.vector_store_idx %arg13[%get3A_1688], %broadcast_in_dim3A_22 {add = true} : memref<10112xf32, #tpu.memory_space<vmem>>[vector<16xi32>], vector<16xf32>,
      %get3A_1689 = arith.constant 6 : i32
      %get3A_1690 = arith.index_cast %rem3A_1270 : i32 to index
      %get3A_1691 = arith.index_cast %get3A_1689 : i32 to index
      %get3A_1692 = arith.constant 80 : index
      %get3A_1693 = tpu.vector_load %arg10[%get3A_1690, %get3A_1691, %get3A_1692] {strides = array<i32>} : memref<2x8x128xi32, #tpu.memory_space<vmem>>, vector<16xi32>,
      tpu.vector_store_idx %arg13[%get3A_1693], %broadcast_in_dim3A_22 {add = true} : memref<10112xf32, #tpu.memory_space<vmem>>[vector<16xi32>], vector<16xf32>,
      %get3A_1694 = arith.constant 6 : i32
      %get3A_1695 = arith.index_cast %rem3A_1270 : i32 to index
      %get3A_1696 = arith.index_cast %get3A_1694 : i32 to index
      %get3A_1697 = arith.constant 96 : index
      %get3A_1698 = tpu.vector_load %arg10[%get3A_1695, %get3A_1696, %get3A_1697] {strides = array<i32>} : memref<2x8x128xi32, #tpu.memory_space<vmem>>, vector<16xi32>,
      tpu.vector_store_idx %arg13[%get3A_1698], %broadcast_in_dim3A_22 {add = true} : memref<10112xf32, #tpu.memory_space<vmem>>[vector<16xi32>], vector<16xf32>,
      %get3A_1699 = arith.constant 6 : i32
      %get3A_1700 = arith.index_cast %rem3A_1270 : i32 to index
      %get3A_1701 = arith.index_cast %get3A_1699 : i32 to index
      %get3A_1702 = arith.constant 112 : index
      %get3A_1703 = tpu.vector_load %arg10[%get3A_1700, %get3A_1701, %get3A_1702] {strides = array<i32>} : memref<2x8x128xi32, #tpu.memory_space<vmem>>, vector<16xi32>,
      tpu.vector_store_idx %arg13[%get3A_1703], %broadcast_in_dim3A_22 {add = true} : memref<10112xf32, #tpu.memory_space<vmem>>[vector<16xi32>], vector<16xf32>,
      %dma_start3A_1704 = arith.constant 0 : i32
      %dma_start3A_1705 = arith.constant 0 : i32
      %dma_start3A_1706 = tpu.memref_slice %arg9[%sub3A_1272, %dma_start3A_1704, %dma_start3A_1705] : memref<2x8x128xi32, #tpu.memory_space<vmem>> -> memref<1x1x128xi32, #tpu.memory_space<vmem>>
      %dma_start3A_1707 = tpu.memref_squeeze %dma_start3A_1706 : memref<1x1x128xi32, #tpu.memory_space<vmem>> -> memref<128xi32, #tpu.memory_space<vmem>>
      %dma_start3A_1708 = arith.constant 0 : i32
      %dma_start3A_1709 = arith.constant 0 : i32
      %dma_start3A_1710 = tpu.memref_slice %arg8[%dma_start3A_1708, %dma_start3A_1709] : memref<10112x64xf32, #tpu.memory_space<vmem_shared>> -> memref<10112x64xf32, #tpu.memory_space<vmem_shared>>
      tpu.enqueue_indirect_dma source(%dma_start3A_1710 : memref<10112x64xf32, #tpu.memory_space<vmem_shared>>) target(%arg11 : memref<128x64xf32, #tpu.memory_space<vmem>>) offsets(%dma_start3A_1707 : memref<128xi32, #tpu.memory_space<vmem>>) semaphore(%arg14 : memref<!tpu.dma_semaphore, #tpu.memory_space<semaphore_mem>>)
      %dma_wait3A_1711 = arith.constant 7 : i32
      %dma_wait3A_1712 = arith.constant 0 : i32
      %dma_wait3A_1713 = tpu.memref_slice %arg9[%rem3A_1270, %dma_wait3A_1711, %dma_wait3A_1712] : memref<2x8x128xi32, #tpu.memory_space<vmem>> -> memref<1x1x128xi32, #tpu.memory_space<vmem>>
      %dma_wait3A_1714 = tpu.memref_squeeze %dma_wait3A_1713 : memref<1x1x128xi32, #tpu.memory_space<vmem>> -> memref<128xi32, #tpu.memory_space<vmem>>
      %dma_wait3A_1715 = arith.constant 0 : i32
      %dma_wait3A_1716 = arith.constant 0 : i32
      %dma_wait3A_1717 = tpu.memref_slice %arg8[%dma_wait3A_1715, %dma_wait3A_1716] : memref<10112x64xf32, #tpu.memory_space<vmem_shared>> -> memref<10112x64xf32, #tpu.memory_space<vmem_shared>>
      tpu.wait_indirect_dma semaphore(%arg15 : memref<!tpu.dma_semaphore, #tpu.memory_space<semaphore_mem>>) src(%dma_wait3A_1717 : memref<10112x64xf32, #tpu.memory_space<vmem_shared>>) dst(%arg12 : memref<128x64xf32, #tpu.memory_space<vmem>>)
      %run_scoped3A_1718 = arith.constant 7 : i32
      "tpu.region"() ({
        %run_scoped3A_1801 = tpu.sem_alloc : memref<!tpu.dma_semaphore, #tpu.memory_space<semaphore_mem>>
        %dma_start3A_1802 = arith.constant 0 : i32
        %dma_start3A_1803 = tpu.memref_slice %arg10[%rem3A_1270, %run_scoped3A_1718, %dma_start3A_1802] : memref<2x8x128xi32, #tpu.memory_space<vmem>> -> memref<1x1x128xi32, #tpu.memory_space<vmem>>
        %dma_start3A_1804 = tpu.memref_squeeze %dma_start3A_1803 : memref<1x1x128xi32, #tpu.memory_space<vmem>> -> memref<128xi32, #tpu.memory_space<vmem>>
        %dma_start3A_1805 = arith.constant 0 : i32
        %dma_start3A_1806 = arith.constant 0 : i32
        %dma_start3A_1807 = tpu.memref_slice %arg7[%dma_start3A_1805, %dma_start3A_1806] : memref<10112x64xf32, #tpu.memory_space<vmem_shared>> -> memref<10112x64xf32, #tpu.memory_space<vmem_shared>>
        tpu.enqueue_indirect_dma source(%arg12 : memref<128x64xf32, #tpu.memory_space<vmem>>) target(%dma_start3A_1807 : memref<10112x64xf32, #tpu.memory_space<vmem_shared>>) offsets(%dma_start3A_1804 : memref<128xi32, #tpu.memory_space<vmem>>) semaphore(%run_scoped3A_1801 : memref<!tpu.dma_semaphore, #tpu.memory_space<semaphore_mem>>) {add = true}
        %dma_wait3A_1808 = arith.constant 0 : i32
        %dma_wait3A_1809 = tpu.memref_slice %arg10[%rem3A_1270, %run_scoped3A_1718, %dma_wait3A_1808] : memref<2x8x128xi32, #tpu.memory_space<vmem>> -> memref<1x1x128xi32, #tpu.memory_space<vmem>>
        %dma_wait3A_1810 = tpu.memref_squeeze %dma_wait3A_1809 : memref<1x1x128xi32, #tpu.memory_space<vmem>> -> memref<128xi32, #tpu.memory_space<vmem>>
        %dma_wait3A_1811 = arith.constant 0 : i32
        %dma_wait3A_1812 = arith.constant 0 : i32
        %dma_wait3A_1813 = tpu.memref_slice %arg7[%dma_wait3A_1811, %dma_wait3A_1812] : memref<10112x64xf32, #tpu.memory_space<vmem_shared>> -> memref<10112x64xf32, #tpu.memory_space<vmem_shared>>
        tpu.wait_indirect_dma semaphore(%run_scoped3A_1801 : memref<!tpu.dma_semaphore, #tpu.memory_space<semaphore_mem>>) src(%arg12 : memref<128x64xf32, #tpu.memory_space<vmem>>) dst(%dma_wait3A_1813 : memref<10112x64xf32, #tpu.memory_space<vmem_shared>>)
        tpu.yield
      }) : () -> ()
      %get3A_1719 = arith.constant 7 : i32
      %get3A_1720 = arith.index_cast %rem3A_1270 : i32 to index
      %get3A_1721 = arith.index_cast %get3A_1719 : i32 to index
      %get3A_1722 = arith.constant 0 : index
      %get3A_1723 = tpu.vector_load %arg10[%get3A_1720, %get3A_1721, %get3A_1722] {strides = array<i32>} : memref<2x8x128xi32, #tpu.memory_space<vmem>>, vector<16xi32>,
      tpu.vector_store_idx %arg13[%get3A_1723], %broadcast_in_dim3A_22 {add = true} : memref<10112xf32, #tpu.memory_space<vmem>>[vector<16xi32>], vector<16xf32>,
      %get3A_1724 = arith.constant 7 : i32
      %get3A_1725 = arith.index_cast %rem3A_1270 : i32 to index
      %get3A_1726 = arith.index_cast %get3A_1724 : i32 to index
      %get3A_1727 = arith.constant 16 : index
      %get3A_1728 = tpu.vector_load %arg10[%get3A_1725, %get3A_1726, %get3A_1727] {strides = array<i32>} : memref<2x8x128xi32, #tpu.memory_space<vmem>>, vector<16xi32>,
      tpu.vector_store_idx %arg13[%get3A_1728], %broadcast_in_dim3A_22 {add = true} : memref<10112xf32, #tpu.memory_space<vmem>>[vector<16xi32>], vector<16xf32>,
      %get3A_1729 = arith.constant 7 : i32
      %get3A_1730 = arith.index_cast %rem3A_1270 : i32 to index
      %get3A_1731 = arith.index_cast %get3A_1729 : i32 to index
      %get3A_1732 = arith.constant 32 : index
      %get3A_1733 = tpu.vector_load %arg10[%get3A_1730, %get3A_1731, %get3A_1732] {strides = array<i32>} : memref<2x8x128xi32, #tpu.memory_space<vmem>>, vector<16xi32>,
      tpu.vector_store_idx %arg13[%get3A_1733], %broadcast_in_dim3A_22 {add = true} : memref<10112xf32, #tpu.memory_space<vmem>>[vector<16xi32>], vector<16xf32>,
      %get3A_1734 = arith.constant 7 : i32
      %get3A_1735 = arith.index_cast %rem3A_1270 : i32 to index
      %get3A_1736 = arith.index_cast %get3A_1734 : i32 to index
      %get3A_1737 = arith.constant 48 : index
      %get3A_1738 = tpu.vector_load %arg10[%get3A_1735, %get3A_1736, %get3A_1737] {strides = array<i32>} : memref<2x8x128xi32, #tpu.memory_space<vmem>>, vector<16xi32>,
      tpu.vector_store_idx %arg13[%get3A_1738], %broadcast_in_dim3A_22 {add = true} : memref<10112xf32, #tpu.memory_space<vmem>>[vector<16xi32>], vector<16xf32>,
      %get3A_1739 = arith.constant 7 : i32
      %get3A_1740 = arith.index_cast %rem3A_1270 : i32 to index
      %get3A_1741 = arith.index_cast %get3A_1739 : i32 to index
      %get3A_1742 = arith.constant 64 : index
      %get3A_1743 = tpu.vector_load %arg10[%get3A_1740, %get3A_1741, %get3A_1742] {strides = array<i32>} : memref<2x8x128xi32, #tpu.memory_space<vmem>>, vector<16xi32>,
      tpu.vector_store_idx %arg13[%get3A_1743], %broadcast_in_dim3A_22 {add = true} : memref<10112xf32, #tpu.memory_space<vmem>>[vector<16xi32>], vector<16xf32>,
      %get3A_1744 = arith.constant 7 : i32
      %get3A_1745 = arith.index_cast %rem3A_1270 : i32 to index
      %get3A_1746 = arith.index_cast %get3A_1744 : i32 to index
      %get3A_1747 = arith.constant 80 : index
      %get3A_1748 = tpu.vector_load %arg10[%get3A_1745, %get3A_1746, %get3A_1747] {strides = array<i32>} : memref<2x8x128xi32, #tpu.memory_space<vmem>>, vector<16xi32>,
      tpu.vector_store_idx %arg13[%get3A_1748], %broadcast_in_dim3A_22 {add = true} : memref<10112xf32, #tpu.memory_space<vmem>>[vector<16xi32>], vector<16xf32>,
      %get3A_1749 = arith.constant 7 : i32
      %get3A_1750 = arith.index_cast %rem3A_1270 : i32 to index
      %get3A_1751 = arith.index_cast %get3A_1749 : i32 to index
      %get3A_1752 = arith.constant 96 : index
      %get3A_1753 = tpu.vector_load %arg10[%get3A_1750, %get3A_1751, %get3A_1752] {strides = array<i32>} : memref<2x8x128xi32, #tpu.memory_space<vmem>>, vector<16xi32>,
      tpu.vector_store_idx %arg13[%get3A_1753], %broadcast_in_dim3A_22 {add = true} : memref<10112xf32, #tpu.memory_space<vmem>>[vector<16xi32>], vector<16xf32>,
      %get3A_1754 = arith.constant 7 : i32
      %get3A_1755 = arith.index_cast %rem3A_1270 : i32 to index
      %get3A_1756 = arith.index_cast %get3A_1754 : i32 to index
      %get3A_1757 = arith.constant 112 : index
      %get3A_1758 = tpu.vector_load %arg10[%get3A_1755, %get3A_1756, %get3A_1757] {strides = array<i32>} : memref<2x8x128xi32, #tpu.memory_space<vmem>>, vector<16xi32>,
      tpu.vector_store_idx %arg13[%get3A_1758], %broadcast_in_dim3A_22 {add = true} : memref<10112xf32, #tpu.memory_space<vmem>>[vector<16xi32>], vector<16xf32>,
      %mul3A_1759 = arith.constant 8 : i32
      %mul3A_1760 = arith.muli %add3A_1274, %mul3A_1759 : i32
      %dma_start3A_1761 = arith.constant 0 : i32
      %dma_start3A_1762 = arith.constant 0 : i32
      %dma_start3A_1763 = tpu.memref_slice %arg9[%rem3A_1270, %dma_start3A_1761, %dma_start3A_1762] : memref<2x8x128xi32, #tpu.memory_space<vmem>> -> memref<1x8x128xi32, #tpu.memory_space<vmem>>
      %dma_start3A_1764 = tpu.memref_squeeze %dma_start3A_1763 : memref<1x8x128xi32, #tpu.memory_space<vmem>> -> memref<8x128xi32, #tpu.memory_space<vmem>>
      %dma_start3A_1765 = arith.constant 0 : i32
      %dma_start3A_1766 = arith.constant 0 : i32
      %dma_start3A_1767 = tpu.memref_slice %arg3[%arg1, %dma_start3A_1765, %dma_start3A_1766] : memref<16x160x128xi32, #tpu.memory_space<hbm>> -> memref<1x160x128xi32, #tpu.memory_space<hbm>>
      %dma_start3A_1768 = tpu.memref_squeeze %dma_start3A_1767 : memref<1x160x128xi32, #tpu.memory_space<hbm>> -> memref<160x128xi32, #tpu.memory_space<hbm>>
      %dma_start3A_1769 = arith.constant 0 : i32
      %dma_start3A_1770 = tpu.memref_slice %dma_start3A_1768[%mul3A_1760, %dma_start3A_1769] : memref<160x128xi32, #tpu.memory_space<hbm>> -> memref<8x128xi32, #tpu.memory_space<hbm>>
      %dma_start3A_1771 = arith.constant 0 : i32
      %dma_start3A_1772 = arith.constant 0 : i32
      %dma_start3A_1773 = tpu.memref_slice %arg9[%rem3A_1270, %dma_start3A_1771, %dma_start3A_1772] : memref<2x8x128xi32, #tpu.memory_space<vmem>> -> memref<1x8x128xi32, #tpu.memory_space<vmem>>
      %dma_start3A_1774 = tpu.memref_squeeze %dma_start3A_1773 : memref<1x8x128xi32, #tpu.memory_space<vmem>> -> memref<8x128xi32, #tpu.memory_space<vmem>>
      %dma_start3A_1775 = arith.constant 0 : i32
      %dma_start3A_1776 = arith.constant 0 : i32
      %dma_start3A_1777 = tpu.memref_slice %arg3[%arg1, %dma_start3A_1775, %dma_start3A_1776] : memref<16x160x128xi32, #tpu.memory_space<hbm>> -> memref<1x160x128xi32, #tpu.memory_space<hbm>>
      %dma_start3A_1778 = tpu.memref_squeeze %dma_start3A_1777 : memref<1x160x128xi32, #tpu.memory_space<hbm>> -> memref<160x128xi32, #tpu.memory_space<hbm>>
      %dma_start3A_1779 = arith.constant 0 : i32
      %dma_start3A_1780 = tpu.memref_slice %dma_start3A_1778[%mul3A_1760, %dma_start3A_1779] : memref<160x128xi32, #tpu.memory_space<hbm>> -> memref<8x128xi32, #tpu.memory_space<hbm>>
      tpu.enqueue_dma source(%dma_start3A_1780 : memref<8x128xi32, #tpu.memory_space<hbm>>) target(%dma_start3A_1774 : memref<8x128xi32, #tpu.memory_space<vmem>>) target_semaphore(%arg16 : memref<!tpu.dma_semaphore, #tpu.memory_space<semaphore_mem>>)
      %dma_start3A_1781 = arith.constant 0 : i32
      %dma_start3A_1782 = arith.constant 0 : i32
      %dma_start3A_1783 = tpu.memref_slice %arg10[%rem3A_1270, %dma_start3A_1781, %dma_start3A_1782] : memref<2x8x128xi32, #tpu.memory_space<vmem>> -> memref<1x8x128xi32, #tpu.memory_space<vmem>>
      %dma_start3A_1784 = tpu.memref_squeeze %dma_start3A_1783 : memref<1x8x128xi32, #tpu.memory_space<vmem>> -> memref<8x128xi32, #tpu.memory_space<vmem>>
      %dma_start3A_1785 = arith.constant 0 : i32
      %dma_start3A_1786 = arith.constant 0 : i32
      %dma_start3A_1787 = tpu.memref_slice %arg4[%arg1, %dma_start3A_1785, %dma_start3A_1786] : memref<16x160x128xi32, #tpu.memory_space<hbm>> -> memref<1x160x128xi32, #tpu.memory_space<hbm>>
      %dma_start3A_1788 = tpu.memref_squeeze %dma_start3A_1787 : memref<1x160x128xi32, #tpu.memory_space<hbm>> -> memref<160x128xi32, #tpu.memory_space<hbm>>
      %dma_start3A_1789 = arith.constant 0 : i32
      %dma_start3A_1790 = tpu.memref_slice %dma_start3A_1788[%mul3A_1760, %dma_start3A_1789] : memref<160x128xi32, #tpu.memory_space<hbm>> -> memref<8x128xi32, #tpu.memory_space<hbm>>
      %dma_start3A_1791 = arith.constant 0 : i32
      %dma_start3A_1792 = arith.constant 0 : i32
      %dma_start3A_1793 = tpu.memref_slice %arg10[%rem3A_1270, %dma_start3A_1791, %dma_start3A_1792] : memref<2x8x128xi32, #tpu.memory_space<vmem>> -> memref<1x8x128xi32, #tpu.memory_space<vmem>>
      %dma_start3A_1794 = tpu.memref_squeeze %dma_start3A_1793 : memref<1x8x128xi32, #tpu.memory_space<vmem>> -> memref<8x128xi32, #tpu.memory_space<vmem>>
      %dma_start3A_1795 = arith.constant 0 : i32
      %dma_start3A_1796 = arith.constant 0 : i32
      %dma_start3A_1797 = tpu.memref_slice %arg4[%arg1, %dma_start3A_1795, %dma_start3A_1796] : memref<16x160x128xi32, #tpu.memory_space<hbm>> -> memref<1x160x128xi32, #tpu.memory_space<hbm>>
      %dma_start3A_1798 = tpu.memref_squeeze %dma_start3A_1797 : memref<1x160x128xi32, #tpu.memory_space<hbm>> -> memref<160x128xi32, #tpu.memory_space<hbm>>
      %dma_start3A_1799 = arith.constant 0 : i32
      %dma_start3A_1800 = tpu.memref_slice %dma_start3A_1798[%mul3A_1760, %dma_start3A_1799] : memref<160x128xi32, #tpu.memory_space<hbm>> -> memref<8x128xi32, #tpu.memory_space<hbm>>
      tpu.enqueue_dma source(%dma_start3A_1800 : memref<8x128xi32, #tpu.memory_space<hbm>>) target(%dma_start3A_1794 : memref<8x128xi32, #tpu.memory_space<vmem>>) target_semaphore(%arg16 : memref<!tpu.dma_semaphore, #tpu.memory_space<semaphore_mem>>)
    }
    %scan3A_171 = arith.constant 18 : i32
    %dma_start3A_172 = arith.constant 0 : i32
    %dma_start3A_173 = arith.constant 1 : i32
    %dma_start3A_174 = arith.constant 0 : i32
    %dma_start3A_175 = tpu.memref_slice %arg9[%dma_start3A_172, %dma_start3A_173, %dma_start3A_174] : memref<2x8x128xi32, #tpu.memory_space<vmem>> -> memref<1x1x128xi32, #tpu.memory_space<vmem>>
    %dma_start3A_176 = tpu.memref_squeeze %dma_start3A_175 : memref<1x1x128xi32, #tpu.memory_space<vmem>> -> memref<128xi32, #tpu.memory_space<vmem>>
    %dma_start3A_177 = arith.constant 0 : i32
    %dma_start3A_178 = arith.constant 0 : i32
    %dma_start3A_179 = tpu.memref_slice %arg8[%dma_start3A_177, %dma_start3A_178] : memref<10112x64xf32, #tpu.memory_space<vmem_shared>> -> memref<10112x64xf32, #tpu.memory_space<vmem_shared>>
    tpu.enqueue_indirect_dma source(%dma_start3A_179 : memref<10112x64xf32, #tpu.memory_space<vmem_shared>>) target(%arg12 : memref<128x64xf32, #tpu.memory_space<vmem>>) offsets(%dma_start3A_176 : memref<128xi32, #tpu.memory_space<vmem>>) semaphore(%arg15 : memref<!tpu.dma_semaphore, #tpu.memory_space<semaphore_mem>>)
    %dma_wait3A_180 = arith.constant 0 : i32
    %dma_wait3A_181 = arith.constant 0 : i32
    %dma_wait3A_182 = arith.constant 0 : i32
    %dma_wait3A_183 = tpu.memref_slice %arg9[%dma_wait3A_180, %dma_wait3A_181, %dma_wait3A_182] : memref<2x8x128xi32, #tpu.memory_space<vmem>> -> memref<1x1x128xi32, #tpu.memory_space<vmem>>
    %dma_wait3A_184 = tpu.memref_squeeze %dma_wait3A_183 : memref<1x1x128xi32, #tpu.memory_space<vmem>> -> memref<128xi32, #tpu.memory_space<vmem>>
    %dma_wait3A_185 = arith.constant 0 : i32
    %dma_wait3A_186 = arith.constant 0 : i32
    %dma_wait3A_187 = tpu.memref_slice %arg8[%dma_wait3A_185, %dma_wait3A_186] : memref<10112x64xf32, #tpu.memory_space<vmem_shared>> -> memref<10112x64xf32, #tpu.memory_space<vmem_shared>>
    tpu.wait_indirect_dma semaphore(%arg14 : memref<!tpu.dma_semaphore, #tpu.memory_space<semaphore_mem>>) src(%dma_wait3A_187 : memref<10112x64xf32, #tpu.memory_space<vmem_shared>>) dst(%arg11 : memref<128x64xf32, #tpu.memory_space<vmem>>)
    %run_scoped3A = arith.constant 0 : i32
    %run_scoped3A_188 = arith.constant 0 : i32
    "tpu.region"() ({
      %run_scoped3A_1265 = tpu.sem_alloc : memref<!tpu.dma_semaphore, #tpu.memory_space<semaphore_mem>>
      %dma_start3A_1266 = arith.constant 0 : i32
      %dma_start3A_1267 = tpu.memref_slice %arg10[%run_scoped3A, %run_scoped3A_188, %dma_start3A_1266] : memref<2x8x128xi32, #tpu.memory_space<vmem>> -> memref<1x1x128xi32, #tpu.memory_space<vmem>>
      %dma_start3A_1268 = tpu.memref_squeeze %dma_start3A_1267 : memref<1x1x128xi32, #tpu.memory_space<vmem>> -> memref<128xi32, #tpu.memory_space<vmem>>
      %dma_start3A_1269 = arith.constant 0 : i32
      %dma_start3A_1270 = arith.constant 0 : i32
      %dma_start3A_1271 = tpu.memref_slice %arg7[%dma_start3A_1269, %dma_start3A_1270] : memref<10112x64xf32, #tpu.memory_space<vmem_shared>> -> memref<10112x64xf32, #tpu.memory_space<vmem_shared>>
      tpu.enqueue_indirect_dma source(%arg11 : memref<128x64xf32, #tpu.memory_space<vmem>>) target(%dma_start3A_1271 : memref<10112x64xf32, #tpu.memory_space<vmem_shared>>) offsets(%dma_start3A_1268 : memref<128xi32, #tpu.memory_space<vmem>>) semaphore(%run_scoped3A_1265 : memref<!tpu.dma_semaphore, #tpu.memory_space<semaphore_mem>>) {add = true}
      %dma_wait3A_1272 = arith.constant 0 : i32
      %dma_wait3A_1273 = tpu.memref_slice %arg10[%run_scoped3A, %run_scoped3A_188, %dma_wait3A_1272] : memref<2x8x128xi32, #tpu.memory_space<vmem>> -> memref<1x1x128xi32, #tpu.memory_space<vmem>>
      %dma_wait3A_1274 = tpu.memref_squeeze %dma_wait3A_1273 : memref<1x1x128xi32, #tpu.memory_space<vmem>> -> memref<128xi32, #tpu.memory_space<vmem>>
      %dma_wait3A_1275 = arith.constant 0 : i32
      %dma_wait3A_1276 = arith.constant 0 : i32
      %dma_wait3A_1277 = tpu.memref_slice %arg7[%dma_wait3A_1275, %dma_wait3A_1276] : memref<10112x64xf32, #tpu.memory_space<vmem_shared>> -> memref<10112x64xf32, #tpu.memory_space<vmem_shared>>
      tpu.wait_indirect_dma semaphore(%run_scoped3A_1265 : memref<!tpu.dma_semaphore, #tpu.memory_space<semaphore_mem>>) src(%arg11 : memref<128x64xf32, #tpu.memory_space<vmem>>) dst(%dma_wait3A_1277 : memref<10112x64xf32, #tpu.memory_space<vmem_shared>>)
      tpu.yield
    }) : () -> ()
    %get3A = arith.constant 0 : i32
    %get3A_189 = arith.constant 0 : i32
    %get3A_190 = arith.index_cast %get3A : i32 to index
    %get3A_191 = arith.index_cast %get3A_189 : i32 to index
    %get3A_192 = arith.constant 0 : index
    %get3A_193 = tpu.vector_load %arg10[%get3A_190, %get3A_191, %get3A_192] {strides = array<i32>} : memref<2x8x128xi32, #tpu.memory_space<vmem>>, vector<16xi32>,
    tpu.vector_store_idx %arg13[%get3A_193], %broadcast_in_dim3A_22 {add = true} : memref<10112xf32, #tpu.memory_space<vmem>>[vector<16xi32>], vector<16xf32>,
    %get3A_194 = arith.constant 0 : i32
    %get3A_195 = arith.constant 0 : i32
    %get3A_196 = arith.index_cast %get3A_194 : i32 to index
    %get3A_197 = arith.index_cast %get3A_195 : i32 to index
    %get3A_198 = arith.constant 16 : index
    %get3A_199 = tpu.vector_load %arg10[%get3A_196, %get3A_197, %get3A_198] {strides = array<i32>} : memref<2x8x128xi32, #tpu.memory_space<vmem>>, vector<16xi32>,
    tpu.vector_store_idx %arg13[%get3A_199], %broadcast_in_dim3A_22 {add = true} : memref<10112xf32, #tpu.memory_space<vmem>>[vector<16xi32>], vector<16xf32>,
    %get3A_200 = arith.constant 0 : i32
    %get3A_201 = arith.constant 0 : i32
    %get3A_202 = arith.index_cast %get3A_200 : i32 to index
    %get3A_203 = arith.index_cast %get3A_201 : i32 to index
    %get3A_204 = arith.constant 32 : index
    %get3A_205 = tpu.vector_load %arg10[%get3A_202, %get3A_203, %get3A_204] {strides = array<i32>} : memref<2x8x128xi32, #tpu.memory_space<vmem>>, vector<16xi32>,
    tpu.vector_store_idx %arg13[%get3A_205], %broadcast_in_dim3A_22 {add = true} : memref<10112xf32, #tpu.memory_space<vmem>>[vector<16xi32>], vector<16xf32>,
    %get3A_206 = arith.constant 0 : i32
    %get3A_207 = arith.constant 0 : i32
    %get3A_208 = arith.index_cast %get3A_206 : i32 to index
    %get3A_209 = arith.index_cast %get3A_207 : i32 to index
    %get3A_210 = arith.constant 48 : index
    %get3A_211 = tpu.vector_load %arg10[%get3A_208, %get3A_209, %get3A_210] {strides = array<i32>} : memref<2x8x128xi32, #tpu.memory_space<vmem>>, vector<16xi32>,
    tpu.vector_store_idx %arg13[%get3A_211], %broadcast_in_dim3A_22 {add = true} : memref<10112xf32, #tpu.memory_space<vmem>>[vector<16xi32>], vector<16xf32>,
    %get3A_212 = arith.constant 0 : i32
    %get3A_213 = arith.constant 0 : i32
    %get3A_214 = arith.index_cast %get3A_212 : i32 to index
    %get3A_215 = arith.index_cast %get3A_213 : i32 to index
    %get3A_216 = arith.constant 64 : index
    %get3A_217 = tpu.vector_load %arg10[%get3A_214, %get3A_215, %get3A_216] {strides = array<i32>} : memref<2x8x128xi32, #tpu.memory_space<vmem>>, vector<16xi32>,
    tpu.vector_store_idx %arg13[%get3A_217], %broadcast_in_dim3A_22 {add = true} : memref<10112xf32, #tpu.memory_space<vmem>>[vector<16xi32>], vector<16xf32>,
    %get3A_218 = arith.constant 0 : i32
    %get3A_219 = arith.constant 0 : i32
    %get3A_220 = arith.index_cast %get3A_218 : i32 to index
    %get3A_221 = arith.index_cast %get3A_219 : i32 to index
    %get3A_222 = arith.constant 80 : index
    %get3A_223 = tpu.vector_load %arg10[%get3A_220, %get3A_221, %get3A_222] {strides = array<i32>} : memref<2x8x128xi32, #tpu.memory_space<vmem>>, vector<16xi32>,
    tpu.vector_store_idx %arg13[%get3A_223], %broadcast_in_dim3A_22 {add = true} : memref<10112xf32, #tpu.memory_space<vmem>>[vector<16xi32>], vector<16xf32>,
    %get3A_224 = arith.constant 0 : i32
    %get3A_225 = arith.constant 0 : i32
    %get3A_226 = arith.index_cast %get3A_224 : i32 to index
    %get3A_227 = arith.index_cast %get3A_225 : i32 to index
    %get3A_228 = arith.constant 96 : index
    %get3A_229 = tpu.vector_load %arg10[%get3A_226, %get3A_227, %get3A_228] {strides = array<i32>} : memref<2x8x128xi32, #tpu.memory_space<vmem>>, vector<16xi32>,
    tpu.vector_store_idx %arg13[%get3A_229], %broadcast_in_dim3A_22 {add = true} : memref<10112xf32, #tpu.memory_space<vmem>>[vector<16xi32>], vector<16xf32>,
    %get3A_230 = arith.constant 0 : i32
    %get3A_231 = arith.constant 0 : i32
    %get3A_232 = arith.index_cast %get3A_230 : i32 to index
    %get3A_233 = arith.index_cast %get3A_231 : i32 to index
    %get3A_234 = arith.constant 112 : index
    %get3A_235 = tpu.vector_load %arg10[%get3A_232, %get3A_233, %get3A_234] {strides = array<i32>} : memref<2x8x128xi32, #tpu.memory_space<vmem>>, vector<16xi32>,
    tpu.vector_store_idx %arg13[%get3A_235], %broadcast_in_dim3A_22 {add = true} : memref<10112xf32, #tpu.memory_space<vmem>>[vector<16xi32>], vector<16xf32>,
    %dma_start3A_236 = arith.constant 0 : i32
    %dma_start3A_237 = arith.constant 2 : i32
    %dma_start3A_238 = arith.constant 0 : i32
    %dma_start3A_239 = tpu.memref_slice %arg9[%dma_start3A_236, %dma_start3A_237, %dma_start3A_238] : memref<2x8x128xi32, #tpu.memory_space<vmem>> -> memref<1x1x128xi32, #tpu.memory_space<vmem>>
    %dma_start3A_240 = tpu.memref_squeeze %dma_start3A_239 : memref<1x1x128xi32, #tpu.memory_space<vmem>> -> memref<128xi32, #tpu.memory_space<vmem>>
    %dma_start3A_241 = arith.constant 0 : i32
    %dma_start3A_242 = arith.constant 0 : i32
    %dma_start3A_243 = tpu.memref_slice %arg8[%dma_start3A_241, %dma_start3A_242] : memref<10112x64xf32, #tpu.memory_space<vmem_shared>> -> memref<10112x64xf32, #tpu.memory_space<vmem_shared>>
    tpu.enqueue_indirect_dma source(%dma_start3A_243 : memref<10112x64xf32, #tpu.memory_space<vmem_shared>>) target(%arg11 : memref<128x64xf32, #tpu.memory_space<vmem>>) offsets(%dma_start3A_240 : memref<128xi32, #tpu.memory_space<vmem>>) semaphore(%arg14 : memref<!tpu.dma_semaphore, #tpu.memory_space<semaphore_mem>>)
    %dma_wait3A_244 = arith.constant 0 : i32
    %dma_wait3A_245 = arith.constant 1 : i32
    %dma_wait3A_246 = arith.constant 0 : i32
    %dma_wait3A_247 = tpu.memref_slice %arg9[%dma_wait3A_244, %dma_wait3A_245, %dma_wait3A_246] : memref<2x8x128xi32, #tpu.memory_space<vmem>> -> memref<1x1x128xi32, #tpu.memory_space<vmem>>
    %dma_wait3A_248 = tpu.memref_squeeze %dma_wait3A_247 : memref<1x1x128xi32, #tpu.memory_space<vmem>> -> memref<128xi32, #tpu.memory_space<vmem>>
    %dma_wait3A_249 = arith.constant 0 : i32
    %dma_wait3A_250 = arith.constant 0 : i32
    %dma_wait3A_251 = tpu.memref_slice %arg8[%dma_wait3A_249, %dma_wait3A_250] : memref<10112x64xf32, #tpu.memory_space<vmem_shared>> -> memref<10112x64xf32, #tpu.memory_space<vmem_shared>>
    tpu.wait_indirect_dma semaphore(%arg15 : memref<!tpu.dma_semaphore, #tpu.memory_space<semaphore_mem>>) src(%dma_wait3A_251 : memref<10112x64xf32, #tpu.memory_space<vmem_shared>>) dst(%arg12 : memref<128x64xf32, #tpu.memory_space<vmem>>)
    %run_scoped3A_252 = arith.constant 0 : i32
    %run_scoped3A_253 = arith.constant 1 : i32
    "tpu.region"() ({
      %run_scoped3A_1265 = tpu.sem_alloc : memref<!tpu.dma_semaphore, #tpu.memory_space<semaphore_mem>>
      %dma_start3A_1266 = arith.constant 0 : i32
      %dma_start3A_1267 = tpu.memref_slice %arg10[%run_scoped3A_252, %run_scoped3A_253, %dma_start3A_1266] : memref<2x8x128xi32, #tpu.memory_space<vmem>> -> memref<1x1x128xi32, #tpu.memory_space<vmem>>
      %dma_start3A_1268 = tpu.memref_squeeze %dma_start3A_1267 : memref<1x1x128xi32, #tpu.memory_space<vmem>> -> memref<128xi32, #tpu.memory_space<vmem>>
      %dma_start3A_1269 = arith.constant 0 : i32
      %dma_start3A_1270 = arith.constant 0 : i32
      %dma_start3A_1271 = tpu.memref_slice %arg7[%dma_start3A_1269, %dma_start3A_1270] : memref<10112x64xf32, #tpu.memory_space<vmem_shared>> -> memref<10112x64xf32, #tpu.memory_space<vmem_shared>>
      tpu.enqueue_indirect_dma source(%arg12 : memref<128x64xf32, #tpu.memory_space<vmem>>) target(%dma_start3A_1271 : memref<10112x64xf32, #tpu.memory_space<vmem_shared>>) offsets(%dma_start3A_1268 : memref<128xi32, #tpu.memory_space<vmem>>) semaphore(%run_scoped3A_1265 : memref<!tpu.dma_semaphore, #tpu.memory_space<semaphore_mem>>) {add = true}
      %dma_wait3A_1272 = arith.constant 0 : i32
      %dma_wait3A_1273 = tpu.memref_slice %arg10[%run_scoped3A_252, %run_scoped3A_253, %dma_wait3A_1272] : memref<2x8x128xi32, #tpu.memory_space<vmem>> -> memref<1x1x128xi32, #tpu.memory_space<vmem>>
      %dma_wait3A_1274 = tpu.memref_squeeze %dma_wait3A_1273 : memref<1x1x128xi32, #tpu.memory_space<vmem>> -> memref<128xi32, #tpu.memory_space<vmem>>
      %dma_wait3A_1275 = arith.constant 0 : i32
      %dma_wait3A_1276 = arith.constant 0 : i32
      %dma_wait3A_1277 = tpu.memref_slice %arg7[%dma_wait3A_1275, %dma_wait3A_1276] : memref<10112x64xf32, #tpu.memory_space<vmem_shared>> -> memref<10112x64xf32, #tpu.memory_space<vmem_shared>>
      tpu.wait_indirect_dma semaphore(%run_scoped3A_1265 : memref<!tpu.dma_semaphore, #tpu.memory_space<semaphore_mem>>) src(%arg12 : memref<128x64xf32, #tpu.memory_space<vmem>>) dst(%dma_wait3A_1277 : memref<10112x64xf32, #tpu.memory_space<vmem_shared>>)
      tpu.yield
    }) : () -> ()
    %get3A_254 = arith.constant 0 : i32
    %get3A_255 = arith.constant 1 : i32
    %get3A_256 = arith.index_cast %get3A_254 : i32 to index
    %get3A_257 = arith.index_cast %get3A_255 : i32 to index
    %get3A_258 = arith.constant 0 : index
    %get3A_259 = tpu.vector_load %arg10[%get3A_256, %get3A_257, %get3A_258] {strides = array<i32>} : memref<2x8x128xi32, #tpu.memory_space<vmem>>, vector<16xi32>,
    tpu.vector_store_idx %arg13[%get3A_259], %broadcast_in_dim3A_22 {add = true} : memref<10112xf32, #tpu.memory_space<vmem>>[vector<16xi32>], vector<16xf32>,
    %get3A_260 = arith.constant 0 : i32
    %get3A_261 = arith.constant 1 : i32
    %get3A_262 = arith.index_cast %get3A_260 : i32 to index
    %get3A_263 = arith.index_cast %get3A_261 : i32 to index
    %get3A_264 = arith.constant 16 : index
    %get3A_265 = tpu.vector_load %arg10[%get3A_262, %get3A_263, %get3A_264] {strides = array<i32>} : memref<2x8x128xi32, #tpu.memory_space<vmem>>, vector<16xi32>,
    tpu.vector_store_idx %arg13[%get3A_265], %broadcast_in_dim3A_22 {add = true} : memref<10112xf32, #tpu.memory_space<vmem>>[vector<16xi32>], vector<16xf32>,
    %get3A_266 = arith.constant 0 : i32
    %get3A_267 = arith.constant 1 : i32
    %get3A_268 = arith.index_cast %get3A_266 : i32 to index
    %get3A_269 = arith.index_cast %get3A_267 : i32 to index
    %get3A_270 = arith.constant 32 : index
    %get3A_271 = tpu.vector_load %arg10[%get3A_268, %get3A_269, %get3A_270] {strides = array<i32>} : memref<2x8x128xi32, #tpu.memory_space<vmem>>, vector<16xi32>,
    tpu.vector_store_idx %arg13[%get3A_271], %broadcast_in_dim3A_22 {add = true} : memref<10112xf32, #tpu.memory_space<vmem>>[vector<16xi32>], vector<16xf32>,
    %get3A_272 = arith.constant 0 : i32
    %get3A_273 = arith.constant 1 : i32
    %get3A_274 = arith.index_cast %get3A_272 : i32 to index
    %get3A_275 = arith.index_cast %get3A_273 : i32 to index
    %get3A_276 = arith.constant 48 : index
    %get3A_277 = tpu.vector_load %arg10[%get3A_274, %get3A_275, %get3A_276] {strides = array<i32>} : memref<2x8x128xi32, #tpu.memory_space<vmem>>, vector<16xi32>,
    tpu.vector_store_idx %arg13[%get3A_277], %broadcast_in_dim3A_22 {add = true} : memref<10112xf32, #tpu.memory_space<vmem>>[vector<16xi32>], vector<16xf32>,
    %get3A_278 = arith.constant 0 : i32
    %get3A_279 = arith.constant 1 : i32
    %get3A_280 = arith.index_cast %get3A_278 : i32 to index
    %get3A_281 = arith.index_cast %get3A_279 : i32 to index
    %get3A_282 = arith.constant 64 : index
    %get3A_283 = tpu.vector_load %arg10[%get3A_280, %get3A_281, %get3A_282] {strides = array<i32>} : memref<2x8x128xi32, #tpu.memory_space<vmem>>, vector<16xi32>,
    tpu.vector_store_idx %arg13[%get3A_283], %broadcast_in_dim3A_22 {add = true} : memref<10112xf32, #tpu.memory_space<vmem>>[vector<16xi32>], vector<16xf32>,
    %get3A_284 = arith.constant 0 : i32
    %get3A_285 = arith.constant 1 : i32
    %get3A_286 = arith.index_cast %get3A_284 : i32 to index
    %get3A_287 = arith.index_cast %get3A_285 : i32 to index
    %get3A_288 = arith.constant 80 : index
    %get3A_289 = tpu.vector_load %arg10[%get3A_286, %get3A_287, %get3A_288] {strides = array<i32>} : memref<2x8x128xi32, #tpu.memory_space<vmem>>, vector<16xi32>,
    tpu.vector_store_idx %arg13[%get3A_289], %broadcast_in_dim3A_22 {add = true} : memref<10112xf32, #tpu.memory_space<vmem>>[vector<16xi32>], vector<16xf32>,
    %get3A_290 = arith.constant 0 : i32
    %get3A_291 = arith.constant 1 : i32
    %get3A_292 = arith.index_cast %get3A_290 : i32 to index
    %get3A_293 = arith.index_cast %get3A_291 : i32 to index
    %get3A_294 = arith.constant 96 : index
    %get3A_295 = tpu.vector_load %arg10[%get3A_292, %get3A_293, %get3A_294] {strides = array<i32>} : memref<2x8x128xi32, #tpu.memory_space<vmem>>, vector<16xi32>,
    tpu.vector_store_idx %arg13[%get3A_295], %broadcast_in_dim3A_22 {add = true} : memref<10112xf32, #tpu.memory_space<vmem>>[vector<16xi32>], vector<16xf32>,
    %get3A_296 = arith.constant 0 : i32
    %get3A_297 = arith.constant 1 : i32
    %get3A_298 = arith.index_cast %get3A_296 : i32 to index
    %get3A_299 = arith.index_cast %get3A_297 : i32 to index
    %get3A_300 = arith.constant 112 : index
    %get3A_301 = tpu.vector_load %arg10[%get3A_298, %get3A_299, %get3A_300] {strides = array<i32>} : memref<2x8x128xi32, #tpu.memory_space<vmem>>, vector<16xi32>,
    tpu.vector_store_idx %arg13[%get3A_301], %broadcast_in_dim3A_22 {add = true} : memref<10112xf32, #tpu.memory_space<vmem>>[vector<16xi32>], vector<16xf32>,
    %dma_start3A_302 = arith.constant 0 : i32
    %dma_start3A_303 = arith.constant 3 : i32
    %dma_start3A_304 = arith.constant 0 : i32
    %dma_start3A_305 = tpu.memref_slice %arg9[%dma_start3A_302, %dma_start3A_303, %dma_start3A_304] : memref<2x8x128xi32, #tpu.memory_space<vmem>> -> memref<1x1x128xi32, #tpu.memory_space<vmem>>
    %dma_start3A_306 = tpu.memref_squeeze %dma_start3A_305 : memref<1x1x128xi32, #tpu.memory_space<vmem>> -> memref<128xi32, #tpu.memory_space<vmem>>
    %dma_start3A_307 = arith.constant 0 : i32
    %dma_start3A_308 = arith.constant 0 : i32
    %dma_start3A_309 = tpu.memref_slice %arg8[%dma_start3A_307, %dma_start3A_308] : memref<10112x64xf32, #tpu.memory_space<vmem_shared>> -> memref<10112x64xf32, #tpu.memory_space<vmem_shared>>
    tpu.enqueue_indirect_dma source(%dma_start3A_309 : memref<10112x64xf32, #tpu.memory_space<vmem_shared>>) target(%arg12 : memref<128x64xf32, #tpu.memory_space<vmem>>) offsets(%dma_start3A_306 : memref<128xi32, #tpu.memory_space<vmem>>) semaphore(%arg15 : memref<!tpu.dma_semaphore, #tpu.memory_space<semaphore_mem>>)
    %dma_wait3A_310 = arith.constant 0 : i32
    %dma_wait3A_311 = arith.constant 2 : i32
    %dma_wait3A_312 = arith.constant 0 : i32
    %dma_wait3A_313 = tpu.memref_slice %arg9[%dma_wait3A_310, %dma_wait3A_311, %dma_wait3A_312] : memref<2x8x128xi32, #tpu.memory_space<vmem>> -> memref<1x1x128xi32, #tpu.memory_space<vmem>>
    %dma_wait3A_314 = tpu.memref_squeeze %dma_wait3A_313 : memref<1x1x128xi32, #tpu.memory_space<vmem>> -> memref<128xi32, #tpu.memory_space<vmem>>
    %dma_wait3A_315 = arith.constant 0 : i32
    %dma_wait3A_316 = arith.constant 0 : i32
    %dma_wait3A_317 = tpu.memref_slice %arg8[%dma_wait3A_315, %dma_wait3A_316] : memref<10112x64xf32, #tpu.memory_space<vmem_shared>> -> memref<10112x64xf32, #tpu.memory_space<vmem_shared>>
    tpu.wait_indirect_dma semaphore(%arg14 : memref<!tpu.dma_semaphore, #tpu.memory_space<semaphore_mem>>) src(%dma_wait3A_317 : memref<10112x64xf32, #tpu.memory_space<vmem_shared>>) dst(%arg11 : memref<128x64xf32, #tpu.memory_space<vmem>>)
    %run_scoped3A_318 = arith.constant 0 : i32
    %run_scoped3A_319 = arith.constant 2 : i32
    "tpu.region"() ({
      %run_scoped3A_1265 = tpu.sem_alloc : memref<!tpu.dma_semaphore, #tpu.memory_space<semaphore_mem>>
      %dma_start3A_1266 = arith.constant 0 : i32
      %dma_start3A_1267 = tpu.memref_slice %arg10[%run_scoped3A_318, %run_scoped3A_319, %dma_start3A_1266] : memref<2x8x128xi32, #tpu.memory_space<vmem>> -> memref<1x1x128xi32, #tpu.memory_space<vmem>>
      %dma_start3A_1268 = tpu.memref_squeeze %dma_start3A_1267 : memref<1x1x128xi32, #tpu.memory_space<vmem>> -> memref<128xi32, #tpu.memory_space<vmem>>
      %dma_start3A_1269 = arith.constant 0 : i32
      %dma_start3A_1270 = arith.constant 0 : i32
      %dma_start3A_1271 = tpu.memref_slice %arg7[%dma_start3A_1269, %dma_start3A_1270] : memref<10112x64xf32, #tpu.memory_space<vmem_shared>> -> memref<10112x64xf32, #tpu.memory_space<vmem_shared>>
      tpu.enqueue_indirect_dma source(%arg11 : memref<128x64xf32, #tpu.memory_space<vmem>>) target(%dma_start3A_1271 : memref<10112x64xf32, #tpu.memory_space<vmem_shared>>) offsets(%dma_start3A_1268 : memref<128xi32, #tpu.memory_space<vmem>>) semaphore(%run_scoped3A_1265 : memref<!tpu.dma_semaphore, #tpu.memory_space<semaphore_mem>>) {add = true}
      %dma_wait3A_1272 = arith.constant 0 : i32
      %dma_wait3A_1273 = tpu.memref_slice %arg10[%run_scoped3A_318, %run_scoped3A_319, %dma_wait3A_1272] : memref<2x8x128xi32, #tpu.memory_space<vmem>> -> memref<1x1x128xi32, #tpu.memory_space<vmem>>
      %dma_wait3A_1274 = tpu.memref_squeeze %dma_wait3A_1273 : memref<1x1x128xi32, #tpu.memory_space<vmem>> -> memref<128xi32, #tpu.memory_space<vmem>>
      %dma_wait3A_1275 = arith.constant 0 : i32
      %dma_wait3A_1276 = arith.constant 0 : i32
      %dma_wait3A_1277 = tpu.memref_slice %arg7[%dma_wait3A_1275, %dma_wait3A_1276] : memref<10112x64xf32, #tpu.memory_space<vmem_shared>> -> memref<10112x64xf32, #tpu.memory_space<vmem_shared>>
      tpu.wait_indirect_dma semaphore(%run_scoped3A_1265 : memref<!tpu.dma_semaphore, #tpu.memory_space<semaphore_mem>>) src(%arg11 : memref<128x64xf32, #tpu.memory_space<vmem>>) dst(%dma_wait3A_1277 : memref<10112x64xf32, #tpu.memory_space<vmem_shared>>)
      tpu.yield
    }) : () -> ()
    %get3A_320 = arith.constant 0 : i32
    %get3A_321 = arith.constant 2 : i32
    %get3A_322 = arith.index_cast %get3A_320 : i32 to index
    %get3A_323 = arith.index_cast %get3A_321 : i32 to index
    %get3A_324 = arith.constant 0 : index
    %get3A_325 = tpu.vector_load %arg10[%get3A_322, %get3A_323, %get3A_324] {strides = array<i32>} : memref<2x8x128xi32, #tpu.memory_space<vmem>>, vector<16xi32>,
    tpu.vector_store_idx %arg13[%get3A_325], %broadcast_in_dim3A_22 {add = true} : memref<10112xf32, #tpu.memory_space<vmem>>[vector<16xi32>], vector<16xf32>,
    %get3A_326 = arith.constant 0 : i32
    %get3A_327 = arith.constant 2 : i32
    %get3A_328 = arith.index_cast %get3A_326 : i32 to index
    %get3A_329 = arith.index_cast %get3A_327 : i32 to index
    %get3A_330 = arith.constant 16 : index
    %get3A_331 = tpu.vector_load %arg10[%get3A_328, %get3A_329, %get3A_330] {strides = array<i32>} : memref<2x8x128xi32, #tpu.memory_space<vmem>>, vector<16xi32>,
    tpu.vector_store_idx %arg13[%get3A_331], %broadcast_in_dim3A_22 {add = true} : memref<10112xf32, #tpu.memory_space<vmem>>[vector<16xi32>], vector<16xf32>,
    %get3A_332 = arith.constant 0 : i32
    %get3A_333 = arith.constant 2 : i32
    %get3A_334 = arith.index_cast %get3A_332 : i32 to index
    %get3A_335 = arith.index_cast %get3A_333 : i32 to index
    %get3A_336 = arith.constant 32 : index
    %get3A_337 = tpu.vector_load %arg10[%get3A_334, %get3A_335, %get3A_336] {strides = array<i32>} : memref<2x8x128xi32, #tpu.memory_space<vmem>>, vector<16xi32>,
    tpu.vector_store_idx %arg13[%get3A_337], %broadcast_in_dim3A_22 {add = true} : memref<10112xf32, #tpu.memory_space<vmem>>[vector<16xi32>], vector<16xf32>,
    %get3A_338 = arith.constant 0 : i32
    %get3A_339 = arith.constant 2 : i32
    %get3A_340 = arith.index_cast %get3A_338 : i32 to index
    %get3A_341 = arith.index_cast %get3A_339 : i32 to index
    %get3A_342 = arith.constant 48 : index
    %get3A_343 = tpu.vector_load %arg10[%get3A_340, %get3A_341, %get3A_342] {strides = array<i32>} : memref<2x8x128xi32, #tpu.memory_space<vmem>>, vector<16xi32>,
    tpu.vector_store_idx %arg13[%get3A_343], %broadcast_in_dim3A_22 {add = true} : memref<10112xf32, #tpu.memory_space<vmem>>[vector<16xi32>], vector<16xf32>,
    %get3A_344 = arith.constant 0 : i32
    %get3A_345 = arith.constant 2 : i32
    %get3A_346 = arith.index_cast %get3A_344 : i32 to index
    %get3A_347 = arith.index_cast %get3A_345 : i32 to index
    %get3A_348 = arith.constant 64 : index
    %get3A_349 = tpu.vector_load %arg10[%get3A_346, %get3A_347, %get3A_348] {strides = array<i32>} : memref<2x8x128xi32, #tpu.memory_space<vmem>>, vector<16xi32>,
    tpu.vector_store_idx %arg13[%get3A_349], %broadcast_in_dim3A_22 {add = true} : memref<10112xf32, #tpu.memory_space<vmem>>[vector<16xi32>], vector<16xf32>,
    %get3A_350 = arith.constant 0 : i32
    %get3A_351 = arith.constant 2 : i32
    %get3A_352 = arith.index_cast %get3A_350 : i32 to index
    %get3A_353 = arith.index_cast %get3A_351 : i32 to index
    %get3A_354 = arith.constant 80 : index
    %get3A_355 = tpu.vector_load %arg10[%get3A_352, %get3A_353, %get3A_354] {strides = array<i32>} : memref<2x8x128xi32, #tpu.memory_space<vmem>>, vector<16xi32>,
    tpu.vector_store_idx %arg13[%get3A_355], %broadcast_in_dim3A_22 {add = true} : memref<10112xf32, #tpu.memory_space<vmem>>[vector<16xi32>], vector<16xf32>,
    %get3A_356 = arith.constant 0 : i32
    %get3A_357 = arith.constant 2 : i32
    %get3A_358 = arith.index_cast %get3A_356 : i32 to index
    %get3A_359 = arith.index_cast %get3A_357 : i32 to index
    %get3A_360 = arith.constant 96 : index
    %get3A_361 = tpu.vector_load %arg10[%get3A_358, %get3A_359, %get3A_360] {strides = array<i32>} : memref<2x8x128xi32, #tpu.memory_space<vmem>>, vector<16xi32>,
    tpu.vector_store_idx %arg13[%get3A_361], %broadcast_in_dim3A_22 {add = true} : memref<10112xf32, #tpu.memory_space<vmem>>[vector<16xi32>], vector<16xf32>,
    %get3A_362 = arith.constant 0 : i32
    %get3A_363 = arith.constant 2 : i32
    %get3A_364 = arith.index_cast %get3A_362 : i32 to index
    %get3A_365 = arith.index_cast %get3A_363 : i32 to index
    %get3A_366 = arith.constant 112 : index
    %get3A_367 = tpu.vector_load %arg10[%get3A_364, %get3A_365, %get3A_366] {strides = array<i32>} : memref<2x8x128xi32, #tpu.memory_space<vmem>>, vector<16xi32>,
    tpu.vector_store_idx %arg13[%get3A_367], %broadcast_in_dim3A_22 {add = true} : memref<10112xf32, #tpu.memory_space<vmem>>[vector<16xi32>], vector<16xf32>,
    %dma_start3A_368 = arith.constant 0 : i32
    %dma_start3A_369 = arith.constant 4 : i32
    %dma_start3A_370 = arith.constant 0 : i32
    %dma_start3A_371 = tpu.memref_slice %arg9[%dma_start3A_368, %dma_start3A_369, %dma_start3A_370] : memref<2x8x128xi32, #tpu.memory_space<vmem>> -> memref<1x1x128xi32, #tpu.memory_space<vmem>>
    %dma_start3A_372 = tpu.memref_squeeze %dma_start3A_371 : memref<1x1x128xi32, #tpu.memory_space<vmem>> -> memref<128xi32, #tpu.memory_space<vmem>>
    %dma_start3A_373 = arith.constant 0 : i32
    %dma_start3A_374 = arith.constant 0 : i32
    %dma_start3A_375 = tpu.memref_slice %arg8[%dma_start3A_373, %dma_start3A_374] : memref<10112x64xf32, #tpu.memory_space<vmem_shared>> -> memref<10112x64xf32, #tpu.memory_space<vmem_shared>>
    tpu.enqueue_indirect_dma source(%dma_start3A_375 : memref<10112x64xf32, #tpu.memory_space<vmem_shared>>) target(%arg11 : memref<128x64xf32, #tpu.memory_space<vmem>>) offsets(%dma_start3A_372 : memref<128xi32, #tpu.memory_space<vmem>>) semaphore(%arg14 : memref<!tpu.dma_semaphore, #tpu.memory_space<semaphore_mem>>)
    %dma_wait3A_376 = arith.constant 0 : i32
    %dma_wait3A_377 = arith.constant 3 : i32
    %dma_wait3A_378 = arith.constant 0 : i32
    %dma_wait3A_379 = tpu.memref_slice %arg9[%dma_wait3A_376, %dma_wait3A_377, %dma_wait3A_378] : memref<2x8x128xi32, #tpu.memory_space<vmem>> -> memref<1x1x128xi32, #tpu.memory_space<vmem>>
    %dma_wait3A_380 = tpu.memref_squeeze %dma_wait3A_379 : memref<1x1x128xi32, #tpu.memory_space<vmem>> -> memref<128xi32, #tpu.memory_space<vmem>>
    %dma_wait3A_381 = arith.constant 0 : i32
    %dma_wait3A_382 = arith.constant 0 : i32
    %dma_wait3A_383 = tpu.memref_slice %arg8[%dma_wait3A_381, %dma_wait3A_382] : memref<10112x64xf32, #tpu.memory_space<vmem_shared>> -> memref<10112x64xf32, #tpu.memory_space<vmem_shared>>
    tpu.wait_indirect_dma semaphore(%arg15 : memref<!tpu.dma_semaphore, #tpu.memory_space<semaphore_mem>>) src(%dma_wait3A_383 : memref<10112x64xf32, #tpu.memory_space<vmem_shared>>) dst(%arg12 : memref<128x64xf32, #tpu.memory_space<vmem>>)
    %run_scoped3A_384 = arith.constant 0 : i32
    %run_scoped3A_385 = arith.constant 3 : i32
    "tpu.region"() ({
      %run_scoped3A_1265 = tpu.sem_alloc : memref<!tpu.dma_semaphore, #tpu.memory_space<semaphore_mem>>
      %dma_start3A_1266 = arith.constant 0 : i32
      %dma_start3A_1267 = tpu.memref_slice %arg10[%run_scoped3A_384, %run_scoped3A_385, %dma_start3A_1266] : memref<2x8x128xi32, #tpu.memory_space<vmem>> -> memref<1x1x128xi32, #tpu.memory_space<vmem>>
      %dma_start3A_1268 = tpu.memref_squeeze %dma_start3A_1267 : memref<1x1x128xi32, #tpu.memory_space<vmem>> -> memref<128xi32, #tpu.memory_space<vmem>>
      %dma_start3A_1269 = arith.constant 0 : i32
      %dma_start3A_1270 = arith.constant 0 : i32
      %dma_start3A_1271 = tpu.memref_slice %arg7[%dma_start3A_1269, %dma_start3A_1270] : memref<10112x64xf32, #tpu.memory_space<vmem_shared>> -> memref<10112x64xf32, #tpu.memory_space<vmem_shared>>
      tpu.enqueue_indirect_dma source(%arg12 : memref<128x64xf32, #tpu.memory_space<vmem>>) target(%dma_start3A_1271 : memref<10112x64xf32, #tpu.memory_space<vmem_shared>>) offsets(%dma_start3A_1268 : memref<128xi32, #tpu.memory_space<vmem>>) semaphore(%run_scoped3A_1265 : memref<!tpu.dma_semaphore, #tpu.memory_space<semaphore_mem>>) {add = true}
      %dma_wait3A_1272 = arith.constant 0 : i32
      %dma_wait3A_1273 = tpu.memref_slice %arg10[%run_scoped3A_384, %run_scoped3A_385, %dma_wait3A_1272] : memref<2x8x128xi32, #tpu.memory_space<vmem>> -> memref<1x1x128xi32, #tpu.memory_space<vmem>>
      %dma_wait3A_1274 = tpu.memref_squeeze %dma_wait3A_1273 : memref<1x1x128xi32, #tpu.memory_space<vmem>> -> memref<128xi32, #tpu.memory_space<vmem>>
      %dma_wait3A_1275 = arith.constant 0 : i32
      %dma_wait3A_1276 = arith.constant 0 : i32
      %dma_wait3A_1277 = tpu.memref_slice %arg7[%dma_wait3A_1275, %dma_wait3A_1276] : memref<10112x64xf32, #tpu.memory_space<vmem_shared>> -> memref<10112x64xf32, #tpu.memory_space<vmem_shared>>
      tpu.wait_indirect_dma semaphore(%run_scoped3A_1265 : memref<!tpu.dma_semaphore, #tpu.memory_space<semaphore_mem>>) src(%arg12 : memref<128x64xf32, #tpu.memory_space<vmem>>) dst(%dma_wait3A_1277 : memref<10112x64xf32, #tpu.memory_space<vmem_shared>>)
      tpu.yield
    }) : () -> ()
    %get3A_386 = arith.constant 0 : i32
    %get3A_387 = arith.constant 3 : i32
    %get3A_388 = arith.index_cast %get3A_386 : i32 to index
    %get3A_389 = arith.index_cast %get3A_387 : i32 to index
    %get3A_390 = arith.constant 0 : index
    %get3A_391 = tpu.vector_load %arg10[%get3A_388, %get3A_389, %get3A_390] {strides = array<i32>} : memref<2x8x128xi32, #tpu.memory_space<vmem>>, vector<16xi32>,
    tpu.vector_store_idx %arg13[%get3A_391], %broadcast_in_dim3A_22 {add = true} : memref<10112xf32, #tpu.memory_space<vmem>>[vector<16xi32>], vector<16xf32>,
    %get3A_392 = arith.constant 0 : i32
    %get3A_393 = arith.constant 3 : i32
    %get3A_394 = arith.index_cast %get3A_392 : i32 to index
    %get3A_395 = arith.index_cast %get3A_393 : i32 to index
    %get3A_396 = arith.constant 16 : index
    %get3A_397 = tpu.vector_load %arg10[%get3A_394, %get3A_395, %get3A_396] {strides = array<i32>} : memref<2x8x128xi32, #tpu.memory_space<vmem>>, vector<16xi32>,
    tpu.vector_store_idx %arg13[%get3A_397], %broadcast_in_dim3A_22 {add = true} : memref<10112xf32, #tpu.memory_space<vmem>>[vector<16xi32>], vector<16xf32>,
    %get3A_398 = arith.constant 0 : i32
    %get3A_399 = arith.constant 3 : i32
    %get3A_400 = arith.index_cast %get3A_398 : i32 to index
    %get3A_401 = arith.index_cast %get3A_399 : i32 to index
    %get3A_402 = arith.constant 32 : index
    %get3A_403 = tpu.vector_load %arg10[%get3A_400, %get3A_401, %get3A_402] {strides = array<i32>} : memref<2x8x128xi32, #tpu.memory_space<vmem>>, vector<16xi32>,
    tpu.vector_store_idx %arg13[%get3A_403], %broadcast_in_dim3A_22 {add = true} : memref<10112xf32, #tpu.memory_space<vmem>>[vector<16xi32>], vector<16xf32>,
    %get3A_404 = arith.constant 0 : i32
    %get3A_405 = arith.constant 3 : i32
    %get3A_406 = arith.index_cast %get3A_404 : i32 to index
    %get3A_407 = arith.index_cast %get3A_405 : i32 to index
    %get3A_408 = arith.constant 48 : index
    %get3A_409 = tpu.vector_load %arg10[%get3A_406, %get3A_407, %get3A_408] {strides = array<i32>} : memref<2x8x128xi32, #tpu.memory_space<vmem>>, vector<16xi32>,
    tpu.vector_store_idx %arg13[%get3A_409], %broadcast_in_dim3A_22 {add = true} : memref<10112xf32, #tpu.memory_space<vmem>>[vector<16xi32>], vector<16xf32>,
    %get3A_410 = arith.constant 0 : i32
    %get3A_411 = arith.constant 3 : i32
    %get3A_412 = arith.index_cast %get3A_410 : i32 to index
    %get3A_413 = arith.index_cast %get3A_411 : i32 to index
    %get3A_414 = arith.constant 64 : index
    %get3A_415 = tpu.vector_load %arg10[%get3A_412, %get3A_413, %get3A_414] {strides = array<i32>} : memref<2x8x128xi32, #tpu.memory_space<vmem>>, vector<16xi32>,
    tpu.vector_store_idx %arg13[%get3A_415], %broadcast_in_dim3A_22 {add = true} : memref<10112xf32, #tpu.memory_space<vmem>>[vector<16xi32>], vector<16xf32>,
    %get3A_416 = arith.constant 0 : i32
    %get3A_417 = arith.constant 3 : i32
    %get3A_418 = arith.index_cast %get3A_416 : i32 to index
    %get3A_419 = arith.index_cast %get3A_417 : i32 to index
    %get3A_420 = arith.constant 80 : index
    %get3A_421 = tpu.vector_load %arg10[%get3A_418, %get3A_419, %get3A_420] {strides = array<i32>} : memref<2x8x128xi32, #tpu.memory_space<vmem>>, vector<16xi32>,
    tpu.vector_store_idx %arg13[%get3A_421], %broadcast_in_dim3A_22 {add = true} : memref<10112xf32, #tpu.memory_space<vmem>>[vector<16xi32>], vector<16xf32>,
    %get3A_422 = arith.constant 0 : i32
    %get3A_423 = arith.constant 3 : i32
    %get3A_424 = arith.index_cast %get3A_422 : i32 to index
    %get3A_425 = arith.index_cast %get3A_423 : i32 to index
    %get3A_426 = arith.constant 96 : index
    %get3A_427 = tpu.vector_load %arg10[%get3A_424, %get3A_425, %get3A_426] {strides = array<i32>} : memref<2x8x128xi32, #tpu.memory_space<vmem>>, vector<16xi32>,
    tpu.vector_store_idx %arg13[%get3A_427], %broadcast_in_dim3A_22 {add = true} : memref<10112xf32, #tpu.memory_space<vmem>>[vector<16xi32>], vector<16xf32>,
    %get3A_428 = arith.constant 0 : i32
    %get3A_429 = arith.constant 3 : i32
    %get3A_430 = arith.index_cast %get3A_428 : i32 to index
    %get3A_431 = arith.index_cast %get3A_429 : i32 to index
    %get3A_432 = arith.constant 112 : index
    %get3A_433 = tpu.vector_load %arg10[%get3A_430, %get3A_431, %get3A_432] {strides = array<i32>} : memref<2x8x128xi32, #tpu.memory_space<vmem>>, vector<16xi32>,
    tpu.vector_store_idx %arg13[%get3A_433], %broadcast_in_dim3A_22 {add = true} : memref<10112xf32, #tpu.memory_space<vmem>>[vector<16xi32>], vector<16xf32>,
    %dma_start3A_434 = arith.constant 0 : i32
    %dma_start3A_435 = arith.constant 5 : i32
    %dma_start3A_436 = arith.constant 0 : i32
    %dma_start3A_437 = tpu.memref_slice %arg9[%dma_start3A_434, %dma_start3A_435, %dma_start3A_436] : memref<2x8x128xi32, #tpu.memory_space<vmem>> -> memref<1x1x128xi32, #tpu.memory_space<vmem>>
    %dma_start3A_438 = tpu.memref_squeeze %dma_start3A_437 : memref<1x1x128xi32, #tpu.memory_space<vmem>> -> memref<128xi32, #tpu.memory_space<vmem>>
    %dma_start3A_439 = arith.constant 0 : i32
    %dma_start3A_440 = arith.constant 0 : i32
    %dma_start3A_441 = tpu.memref_slice %arg8[%dma_start3A_439, %dma_start3A_440] : memref<10112x64xf32, #tpu.memory_space<vmem_shared>> -> memref<10112x64xf32, #tpu.memory_space<vmem_shared>>
    tpu.enqueue_indirect_dma source(%dma_start3A_441 : memref<10112x64xf32, #tpu.memory_space<vmem_shared>>) target(%arg12 : memref<128x64xf32, #tpu.memory_space<vmem>>) offsets(%dma_start3A_438 : memref<128xi32, #tpu.memory_space<vmem>>) semaphore(%arg15 : memref<!tpu.dma_semaphore, #tpu.memory_space<semaphore_mem>>)
    %dma_wait3A_442 = arith.constant 0 : i32
    %dma_wait3A_443 = arith.constant 4 : i32
    %dma_wait3A_444 = arith.constant 0 : i32
    %dma_wait3A_445 = tpu.memref_slice %arg9[%dma_wait3A_442, %dma_wait3A_443, %dma_wait3A_444] : memref<2x8x128xi32, #tpu.memory_space<vmem>> -> memref<1x1x128xi32, #tpu.memory_space<vmem>>
    %dma_wait3A_446 = tpu.memref_squeeze %dma_wait3A_445 : memref<1x1x128xi32, #tpu.memory_space<vmem>> -> memref<128xi32, #tpu.memory_space<vmem>>
    %dma_wait3A_447 = arith.constant 0 : i32
    %dma_wait3A_448 = arith.constant 0 : i32
    %dma_wait3A_449 = tpu.memref_slice %arg8[%dma_wait3A_447, %dma_wait3A_448] : memref<10112x64xf32, #tpu.memory_space<vmem_shared>> -> memref<10112x64xf32, #tpu.memory_space<vmem_shared>>
    tpu.wait_indirect_dma semaphore(%arg14 : memref<!tpu.dma_semaphore, #tpu.memory_space<semaphore_mem>>) src(%dma_wait3A_449 : memref<10112x64xf32, #tpu.memory_space<vmem_shared>>) dst(%arg11 : memref<128x64xf32, #tpu.memory_space<vmem>>)
    %run_scoped3A_450 = arith.constant 0 : i32
    %run_scoped3A_451 = arith.constant 4 : i32
    "tpu.region"() ({
      %run_scoped3A_1265 = tpu.sem_alloc : memref<!tpu.dma_semaphore, #tpu.memory_space<semaphore_mem>>
      %dma_start3A_1266 = arith.constant 0 : i32
      %dma_start3A_1267 = tpu.memref_slice %arg10[%run_scoped3A_450, %run_scoped3A_451, %dma_start3A_1266] : memref<2x8x128xi32, #tpu.memory_space<vmem>> -> memref<1x1x128xi32, #tpu.memory_space<vmem>>
      %dma_start3A_1268 = tpu.memref_squeeze %dma_start3A_1267 : memref<1x1x128xi32, #tpu.memory_space<vmem>> -> memref<128xi32, #tpu.memory_space<vmem>>
      %dma_start3A_1269 = arith.constant 0 : i32
      %dma_start3A_1270 = arith.constant 0 : i32
      %dma_start3A_1271 = tpu.memref_slice %arg7[%dma_start3A_1269, %dma_start3A_1270] : memref<10112x64xf32, #tpu.memory_space<vmem_shared>> -> memref<10112x64xf32, #tpu.memory_space<vmem_shared>>
      tpu.enqueue_indirect_dma source(%arg11 : memref<128x64xf32, #tpu.memory_space<vmem>>) target(%dma_start3A_1271 : memref<10112x64xf32, #tpu.memory_space<vmem_shared>>) offsets(%dma_start3A_1268 : memref<128xi32, #tpu.memory_space<vmem>>) semaphore(%run_scoped3A_1265 : memref<!tpu.dma_semaphore, #tpu.memory_space<semaphore_mem>>) {add = true}
      %dma_wait3A_1272 = arith.constant 0 : i32
      %dma_wait3A_1273 = tpu.memref_slice %arg10[%run_scoped3A_450, %run_scoped3A_451, %dma_wait3A_1272] : memref<2x8x128xi32, #tpu.memory_space<vmem>> -> memref<1x1x128xi32, #tpu.memory_space<vmem>>
      %dma_wait3A_1274 = tpu.memref_squeeze %dma_wait3A_1273 : memref<1x1x128xi32, #tpu.memory_space<vmem>> -> memref<128xi32, #tpu.memory_space<vmem>>
      %dma_wait3A_1275 = arith.constant 0 : i32
      %dma_wait3A_1276 = arith.constant 0 : i32
      %dma_wait3A_1277 = tpu.memref_slice %arg7[%dma_wait3A_1275, %dma_wait3A_1276] : memref<10112x64xf32, #tpu.memory_space<vmem_shared>> -> memref<10112x64xf32, #tpu.memory_space<vmem_shared>>
      tpu.wait_indirect_dma semaphore(%run_scoped3A_1265 : memref<!tpu.dma_semaphore, #tpu.memory_space<semaphore_mem>>) src(%arg11 : memref<128x64xf32, #tpu.memory_space<vmem>>) dst(%dma_wait3A_1277 : memref<10112x64xf32, #tpu.memory_space<vmem_shared>>)
      tpu.yield
    }) : () -> ()
    %get3A_452 = arith.constant 0 : i32
    %get3A_453 = arith.constant 4 : i32
    %get3A_454 = arith.index_cast %get3A_452 : i32 to index
    %get3A_455 = arith.index_cast %get3A_453 : i32 to index
    %get3A_456 = arith.constant 0 : index
    %get3A_457 = tpu.vector_load %arg10[%get3A_454, %get3A_455, %get3A_456] {strides = array<i32>} : memref<2x8x128xi32, #tpu.memory_space<vmem>>, vector<16xi32>,
    tpu.vector_store_idx %arg13[%get3A_457], %broadcast_in_dim3A_22 {add = true} : memref<10112xf32, #tpu.memory_space<vmem>>[vector<16xi32>], vector<16xf32>,
    %get3A_458 = arith.constant 0 : i32
    %get3A_459 = arith.constant 4 : i32
    %get3A_460 = arith.index_cast %get3A_458 : i32 to index
    %get3A_461 = arith.index_cast %get3A_459 : i32 to index
    %get3A_462 = arith.constant 16 : index
    %get3A_463 = tpu.vector_load %arg10[%get3A_460, %get3A_461, %get3A_462] {strides = array<i32>} : memref<2x8x128xi32, #tpu.memory_space<vmem>>, vector<16xi32>,
    tpu.vector_store_idx %arg13[%get3A_463], %broadcast_in_dim3A_22 {add = true} : memref<10112xf32, #tpu.memory_space<vmem>>[vector<16xi32>], vector<16xf32>,
    %get3A_464 = arith.constant 0 : i32
    %get3A_465 = arith.constant 4 : i32
    %get3A_466 = arith.index_cast %get3A_464 : i32 to index
    %get3A_467 = arith.index_cast %get3A_465 : i32 to index
    %get3A_468 = arith.constant 32 : index
    %get3A_469 = tpu.vector_load %arg10[%get3A_466, %get3A_467, %get3A_468] {strides = array<i32>} : memref<2x8x128xi32, #tpu.memory_space<vmem>>, vector<16xi32>,
    tpu.vector_store_idx %arg13[%get3A_469], %broadcast_in_dim3A_22 {add = true} : memref<10112xf32, #tpu.memory_space<vmem>>[vector<16xi32>], vector<16xf32>,
    %get3A_470 = arith.constant 0 : i32
    %get3A_471 = arith.constant 4 : i32
    %get3A_472 = arith.index_cast %get3A_470 : i32 to index
    %get3A_473 = arith.index_cast %get3A_471 : i32 to index
    %get3A_474 = arith.constant 48 : index
    %get3A_475 = tpu.vector_load %arg10[%get3A_472, %get3A_473, %get3A_474] {strides = array<i32>} : memref<2x8x128xi32, #tpu.memory_space<vmem>>, vector<16xi32>,
    tpu.vector_store_idx %arg13[%get3A_475], %broadcast_in_dim3A_22 {add = true} : memref<10112xf32, #tpu.memory_space<vmem>>[vector<16xi32>], vector<16xf32>,
    %get3A_476 = arith.constant 0 : i32
    %get3A_477 = arith.constant 4 : i32
    %get3A_478 = arith.index_cast %get3A_476 : i32 to index
    %get3A_479 = arith.index_cast %get3A_477 : i32 to index
    %get3A_480 = arith.constant 64 : index
    %get3A_481 = tpu.vector_load %arg10[%get3A_478, %get3A_479, %get3A_480] {strides = array<i32>} : memref<2x8x128xi32, #tpu.memory_space<vmem>>, vector<16xi32>,
    tpu.vector_store_idx %arg13[%get3A_481], %broadcast_in_dim3A_22 {add = true} : memref<10112xf32, #tpu.memory_space<vmem>>[vector<16xi32>], vector<16xf32>,
    %get3A_482 = arith.constant 0 : i32
    %get3A_483 = arith.constant 4 : i32
    %get3A_484 = arith.index_cast %get3A_482 : i32 to index
    %get3A_485 = arith.index_cast %get3A_483 : i32 to index
    %get3A_486 = arith.constant 80 : index
    %get3A_487 = tpu.vector_load %arg10[%get3A_484, %get3A_485, %get3A_486] {strides = array<i32>} : memref<2x8x128xi32, #tpu.memory_space<vmem>>, vector<16xi32>,
    tpu.vector_store_idx %arg13[%get3A_487], %broadcast_in_dim3A_22 {add = true} : memref<10112xf32, #tpu.memory_space<vmem>>[vector<16xi32>], vector<16xf32>,
    %get3A_488 = arith.constant 0 : i32
    %get3A_489 = arith.constant 4 : i32
    %get3A_490 = arith.index_cast %get3A_488 : i32 to index
    %get3A_491 = arith.index_cast %get3A_489 : i32 to index
    %get3A_492 = arith.constant 96 : index
    %get3A_493 = tpu.vector_load %arg10[%get3A_490, %get3A_491, %get3A_492] {strides = array<i32>} : memref<2x8x128xi32, #tpu.memory_space<vmem>>, vector<16xi32>,
    tpu.vector_store_idx %arg13[%get3A_493], %broadcast_in_dim3A_22 {add = true} : memref<10112xf32, #tpu.memory_space<vmem>>[vector<16xi32>], vector<16xf32>,
    %get3A_494 = arith.constant 0 : i32
    %get3A_495 = arith.constant 4 : i32
    %get3A_496 = arith.index_cast %get3A_494 : i32 to index
    %get3A_497 = arith.index_cast %get3A_495 : i32 to index
    %get3A_498 = arith.constant 112 : index
    %get3A_499 = tpu.vector_load %arg10[%get3A_496, %get3A_497, %get3A_498] {strides = array<i32>} : memref<2x8x128xi32, #tpu.memory_space<vmem>>, vector<16xi32>,
    tpu.vector_store_idx %arg13[%get3A_499], %broadcast_in_dim3A_22 {add = true} : memref<10112xf32, #tpu.memory_space<vmem>>[vector<16xi32>], vector<16xf32>,
    %dma_start3A_500 = arith.constant 0 : i32
    %dma_start3A_501 = arith.constant 6 : i32
    %dma_start3A_502 = arith.constant 0 : i32
    %dma_start3A_503 = tpu.memref_slice %arg9[%dma_start3A_500, %dma_start3A_501, %dma_start3A_502] : memref<2x8x128xi32, #tpu.memory_space<vmem>> -> memref<1x1x128xi32, #tpu.memory_space<vmem>>
    %dma_start3A_504 = tpu.memref_squeeze %dma_start3A_503 : memref<1x1x128xi32, #tpu.memory_space<vmem>> -> memref<128xi32, #tpu.memory_space<vmem>>
    %dma_start3A_505 = arith.constant 0 : i32
    %dma_start3A_506 = arith.constant 0 : i32
    %dma_start3A_507 = tpu.memref_slice %arg8[%dma_start3A_505, %dma_start3A_506] : memref<10112x64xf32, #tpu.memory_space<vmem_shared>> -> memref<10112x64xf32, #tpu.memory_space<vmem_shared>>
    tpu.enqueue_indirect_dma source(%dma_start3A_507 : memref<10112x64xf32, #tpu.memory_space<vmem_shared>>) target(%arg11 : memref<128x64xf32, #tpu.memory_space<vmem>>) offsets(%dma_start3A_504 : memref<128xi32, #tpu.memory_space<vmem>>) semaphore(%arg14 : memref<!tpu.dma_semaphore, #tpu.memory_space<semaphore_mem>>)
    %dma_wait3A_508 = arith.constant 0 : i32
    %dma_wait3A_509 = arith.constant 5 : i32
    %dma_wait3A_510 = arith.constant 0 : i32
    %dma_wait3A_511 = tpu.memref_slice %arg9[%dma_wait3A_508, %dma_wait3A_509, %dma_wait3A_510] : memref<2x8x128xi32, #tpu.memory_space<vmem>> -> memref<1x1x128xi32, #tpu.memory_space<vmem>>
    %dma_wait3A_512 = tpu.memref_squeeze %dma_wait3A_511 : memref<1x1x128xi32, #tpu.memory_space<vmem>> -> memref<128xi32, #tpu.memory_space<vmem>>
    %dma_wait3A_513 = arith.constant 0 : i32
    %dma_wait3A_514 = arith.constant 0 : i32
    %dma_wait3A_515 = tpu.memref_slice %arg8[%dma_wait3A_513, %dma_wait3A_514] : memref<10112x64xf32, #tpu.memory_space<vmem_shared>> -> memref<10112x64xf32, #tpu.memory_space<vmem_shared>>
    tpu.wait_indirect_dma semaphore(%arg15 : memref<!tpu.dma_semaphore, #tpu.memory_space<semaphore_mem>>) src(%dma_wait3A_515 : memref<10112x64xf32, #tpu.memory_space<vmem_shared>>) dst(%arg12 : memref<128x64xf32, #tpu.memory_space<vmem>>)
    %run_scoped3A_516 = arith.constant 0 : i32
    %run_scoped3A_517 = arith.constant 5 : i32
    "tpu.region"() ({
      %run_scoped3A_1265 = tpu.sem_alloc : memref<!tpu.dma_semaphore, #tpu.memory_space<semaphore_mem>>
      %dma_start3A_1266 = arith.constant 0 : i32
      %dma_start3A_1267 = tpu.memref_slice %arg10[%run_scoped3A_516, %run_scoped3A_517, %dma_start3A_1266] : memref<2x8x128xi32, #tpu.memory_space<vmem>> -> memref<1x1x128xi32, #tpu.memory_space<vmem>>
      %dma_start3A_1268 = tpu.memref_squeeze %dma_start3A_1267 : memref<1x1x128xi32, #tpu.memory_space<vmem>> -> memref<128xi32, #tpu.memory_space<vmem>>
      %dma_start3A_1269 = arith.constant 0 : i32
      %dma_start3A_1270 = arith.constant 0 : i32
      %dma_start3A_1271 = tpu.memref_slice %arg7[%dma_start3A_1269, %dma_start3A_1270] : memref<10112x64xf32, #tpu.memory_space<vmem_shared>> -> memref<10112x64xf32, #tpu.memory_space<vmem_shared>>
      tpu.enqueue_indirect_dma source(%arg12 : memref<128x64xf32, #tpu.memory_space<vmem>>) target(%dma_start3A_1271 : memref<10112x64xf32, #tpu.memory_space<vmem_shared>>) offsets(%dma_start3A_1268 : memref<128xi32, #tpu.memory_space<vmem>>) semaphore(%run_scoped3A_1265 : memref<!tpu.dma_semaphore, #tpu.memory_space<semaphore_mem>>) {add = true}
      %dma_wait3A_1272 = arith.constant 0 : i32
      %dma_wait3A_1273 = tpu.memref_slice %arg10[%run_scoped3A_516, %run_scoped3A_517, %dma_wait3A_1272] : memref<2x8x128xi32, #tpu.memory_space<vmem>> -> memref<1x1x128xi32, #tpu.memory_space<vmem>>
      %dma_wait3A_1274 = tpu.memref_squeeze %dma_wait3A_1273 : memref<1x1x128xi32, #tpu.memory_space<vmem>> -> memref<128xi32, #tpu.memory_space<vmem>>
      %dma_wait3A_1275 = arith.constant 0 : i32
      %dma_wait3A_1276 = arith.constant 0 : i32
      %dma_wait3A_1277 = tpu.memref_slice %arg7[%dma_wait3A_1275, %dma_wait3A_1276] : memref<10112x64xf32, #tpu.memory_space<vmem_shared>> -> memref<10112x64xf32, #tpu.memory_space<vmem_shared>>
      tpu.wait_indirect_dma semaphore(%run_scoped3A_1265 : memref<!tpu.dma_semaphore, #tpu.memory_space<semaphore_mem>>) src(%arg12 : memref<128x64xf32, #tpu.memory_space<vmem>>) dst(%dma_wait3A_1277 : memref<10112x64xf32, #tpu.memory_space<vmem_shared>>)
      tpu.yield
    }) : () -> ()
    %get3A_518 = arith.constant 0 : i32
    %get3A_519 = arith.constant 5 : i32
    %get3A_520 = arith.index_cast %get3A_518 : i32 to index
    %get3A_521 = arith.index_cast %get3A_519 : i32 to index
    %get3A_522 = arith.constant 0 : index
    %get3A_523 = tpu.vector_load %arg10[%get3A_520, %get3A_521, %get3A_522] {strides = array<i32>} : memref<2x8x128xi32, #tpu.memory_space<vmem>>, vector<16xi32>,
    tpu.vector_store_idx %arg13[%get3A_523], %broadcast_in_dim3A_22 {add = true} : memref<10112xf32, #tpu.memory_space<vmem>>[vector<16xi32>], vector<16xf32>,
    %get3A_524 = arith.constant 0 : i32
    %get3A_525 = arith.constant 5 : i32
    %get3A_526 = arith.index_cast %get3A_524 : i32 to index
    %get3A_527 = arith.index_cast %get3A_525 : i32 to index
    %get3A_528 = arith.constant 16 : index
    %get3A_529 = tpu.vector_load %arg10[%get3A_526, %get3A_527, %get3A_528] {strides = array<i32>} : memref<2x8x128xi32, #tpu.memory_space<vmem>>, vector<16xi32>,
    tpu.vector_store_idx %arg13[%get3A_529], %broadcast_in_dim3A_22 {add = true} : memref<10112xf32, #tpu.memory_space<vmem>>[vector<16xi32>], vector<16xf32>,
    %get3A_530 = arith.constant 0 : i32
    %get3A_531 = arith.constant 5 : i32
    %get3A_532 = arith.index_cast %get3A_530 : i32 to index
    %get3A_533 = arith.index_cast %get3A_531 : i32 to index
    %get3A_534 = arith.constant 32 : index
    %get3A_535 = tpu.vector_load %arg10[%get3A_532, %get3A_533, %get3A_534] {strides = array<i32>} : memref<2x8x128xi32, #tpu.memory_space<vmem>>, vector<16xi32>,
    tpu.vector_store_idx %arg13[%get3A_535], %broadcast_in_dim3A_22 {add = true} : memref<10112xf32, #tpu.memory_space<vmem>>[vector<16xi32>], vector<16xf32>,
    %get3A_536 = arith.constant 0 : i32
    %get3A_537 = arith.constant 5 : i32
    %get3A_538 = arith.index_cast %get3A_536 : i32 to index
    %get3A_539 = arith.index_cast %get3A_537 : i32 to index
    %get3A_540 = arith.constant 48 : index
    %get3A_541 = tpu.vector_load %arg10[%get3A_538, %get3A_539, %get3A_540] {strides = array<i32>} : memref<2x8x128xi32, #tpu.memory_space<vmem>>, vector<16xi32>,
    tpu.vector_store_idx %arg13[%get3A_541], %broadcast_in_dim3A_22 {add = true} : memref<10112xf32, #tpu.memory_space<vmem>>[vector<16xi32>], vector<16xf32>,
    %get3A_542 = arith.constant 0 : i32
    %get3A_543 = arith.constant 5 : i32
    %get3A_544 = arith.index_cast %get3A_542 : i32 to index
    %get3A_545 = arith.index_cast %get3A_543 : i32 to index
    %get3A_546 = arith.constant 64 : index
    %get3A_547 = tpu.vector_load %arg10[%get3A_544, %get3A_545, %get3A_546] {strides = array<i32>} : memref<2x8x128xi32, #tpu.memory_space<vmem>>, vector<16xi32>,
    tpu.vector_store_idx %arg13[%get3A_547], %broadcast_in_dim3A_22 {add = true} : memref<10112xf32, #tpu.memory_space<vmem>>[vector<16xi32>], vector<16xf32>,
    %get3A_548 = arith.constant 0 : i32
    %get3A_549 = arith.constant 5 : i32
    %get3A_550 = arith.index_cast %get3A_548 : i32 to index
    %get3A_551 = arith.index_cast %get3A_549 : i32 to index
    %get3A_552 = arith.constant 80 : index
    %get3A_553 = tpu.vector_load %arg10[%get3A_550, %get3A_551, %get3A_552] {strides = array<i32>} : memref<2x8x128xi32, #tpu.memory_space<vmem>>, vector<16xi32>,
    tpu.vector_store_idx %arg13[%get3A_553], %broadcast_in_dim3A_22 {add = true} : memref<10112xf32, #tpu.memory_space<vmem>>[vector<16xi32>], vector<16xf32>,
    %get3A_554 = arith.constant 0 : i32
    %get3A_555 = arith.constant 5 : i32
    %get3A_556 = arith.index_cast %get3A_554 : i32 to index
    %get3A_557 = arith.index_cast %get3A_555 : i32 to index
    %get3A_558 = arith.constant 96 : index
    %get3A_559 = tpu.vector_load %arg10[%get3A_556, %get3A_557, %get3A_558] {strides = array<i32>} : memref<2x8x128xi32, #tpu.memory_space<vmem>>, vector<16xi32>,
    tpu.vector_store_idx %arg13[%get3A_559], %broadcast_in_dim3A_22 {add = true} : memref<10112xf32, #tpu.memory_space<vmem>>[vector<16xi32>], vector<16xf32>,
    %get3A_560 = arith.constant 0 : i32
    %get3A_561 = arith.constant 5 : i32
    %get3A_562 = arith.index_cast %get3A_560 : i32 to index
    %get3A_563 = arith.index_cast %get3A_561 : i32 to index
    %get3A_564 = arith.constant 112 : index
    %get3A_565 = tpu.vector_load %arg10[%get3A_562, %get3A_563, %get3A_564] {strides = array<i32>} : memref<2x8x128xi32, #tpu.memory_space<vmem>>, vector<16xi32>,
    tpu.vector_store_idx %arg13[%get3A_565], %broadcast_in_dim3A_22 {add = true} : memref<10112xf32, #tpu.memory_space<vmem>>[vector<16xi32>], vector<16xf32>,
    %dma_wait3A_566 = arith.constant 1 : i32
    %dma_wait3A_567 = arith.constant 0 : i32
    %dma_wait3A_568 = arith.constant 0 : i32
    %dma_wait3A_569 = tpu.memref_slice %arg9[%dma_wait3A_566, %dma_wait3A_567, %dma_wait3A_568] : memref<2x8x128xi32, #tpu.memory_space<vmem>> -> memref<1x8x128xi32, #tpu.memory_space<vmem>>
    %dma_wait3A_570 = tpu.memref_squeeze %dma_wait3A_569 : memref<1x8x128xi32, #tpu.memory_space<vmem>> -> memref<8x128xi32, #tpu.memory_space<vmem>>
    %dma_wait3A_571 = arith.constant 0 : i32
    %dma_wait3A_572 = arith.constant 0 : i32
    %dma_wait3A_573 = tpu.memref_slice %arg3[%arg1, %dma_wait3A_571, %dma_wait3A_572] : memref<16x160x128xi32, #tpu.memory_space<hbm>> -> memref<1x160x128xi32, #tpu.memory_space<hbm>>
    %dma_wait3A_574 = tpu.memref_squeeze %dma_wait3A_573 : memref<1x160x128xi32, #tpu.memory_space<hbm>> -> memref<160x128xi32, #tpu.memory_space<hbm>>
    %dma_wait3A_575 = arith.constant 0 : i32
    %dma_wait3A_576 = arith.constant 0 : i32
    %dma_wait3A_577 = tpu.memref_slice %dma_wait3A_574[%dma_wait3A_575, %dma_wait3A_576] : memref<160x128xi32, #tpu.memory_space<hbm>> -> memref<8x128xi32, #tpu.memory_space<hbm>>
    %dma_wait3A_578 = arith.constant 0 : i32
    %dma_wait3A_579 = arith.constant 0 : i32
    %dma_wait3A_580 = tpu.memref_slice %arg9[%dma_wait3A_566, %dma_wait3A_578, %dma_wait3A_579] : memref<2x8x128xi32, #tpu.memory_space<vmem>> -> memref<1x8x128xi32, #tpu.memory_space<vmem>>
    %dma_wait3A_581 = tpu.memref_squeeze %dma_wait3A_580 : memref<1x8x128xi32, #tpu.memory_space<vmem>> -> memref<8x128xi32, #tpu.memory_space<vmem>>
    %dma_wait3A_582 = arith.constant 0 : i32
    %dma_wait3A_583 = arith.constant 0 : i32
    %dma_wait3A_584 = tpu.memref_slice %arg3[%arg1, %dma_wait3A_582, %dma_wait3A_583] : memref<16x160x128xi32, #tpu.memory_space<hbm>> -> memref<1x160x128xi32, #tpu.memory_space<hbm>>
    %dma_wait3A_585 = tpu.memref_squeeze %dma_wait3A_584 : memref<1x160x128xi32, #tpu.memory_space<hbm>> -> memref<160x128xi32, #tpu.memory_space<hbm>>
    %dma_wait3A_586 = arith.constant 0 : i32
    %dma_wait3A_587 = arith.constant 0 : i32
    %dma_wait3A_588 = tpu.memref_slice %dma_wait3A_585[%dma_wait3A_586, %dma_wait3A_587] : memref<160x128xi32, #tpu.memory_space<hbm>> -> memref<8x128xi32, #tpu.memory_space<hbm>>
    tpu.wait_dma2 semaphore(%arg16 : memref<!tpu.dma_semaphore, #tpu.memory_space<semaphore_mem>>) src(%dma_wait3A_588 : memref<8x128xi32, #tpu.memory_space<hbm>>) dst(%dma_wait3A_581 : memref<8x128xi32, #tpu.memory_space<vmem>>)
    %dma_wait3A_589 = arith.constant 1 : i32
    %dma_wait3A_590 = arith.constant 0 : i32
    %dma_wait3A_591 = arith.constant 0 : i32
    %dma_wait3A_592 = tpu.memref_slice %arg10[%dma_wait3A_589, %dma_wait3A_590, %dma_wait3A_591] : memref<2x8x128xi32, #tpu.memory_space<vmem>> -> memref<1x8x128xi32, #tpu.memory_space<vmem>>
    %dma_wait3A_593 = tpu.memref_squeeze %dma_wait3A_592 : memref<1x8x128xi32, #tpu.memory_space<vmem>> -> memref<8x128xi32, #tpu.memory_space<vmem>>
    %dma_wait3A_594 = arith.constant 0 : i32
    %dma_wait3A_595 = arith.constant 0 : i32
    %dma_wait3A_596 = tpu.memref_slice %arg4[%arg1, %dma_wait3A_594, %dma_wait3A_595] : memref<16x160x128xi32, #tpu.memory_space<hbm>> -> memref<1x160x128xi32, #tpu.memory_space<hbm>>
    %dma_wait3A_597 = tpu.memref_squeeze %dma_wait3A_596 : memref<1x160x128xi32, #tpu.memory_space<hbm>> -> memref<160x128xi32, #tpu.memory_space<hbm>>
    %dma_wait3A_598 = arith.constant 0 : i32
    %dma_wait3A_599 = arith.constant 0 : i32
    %dma_wait3A_600 = tpu.memref_slice %dma_wait3A_597[%dma_wait3A_598, %dma_wait3A_599] : memref<160x128xi32, #tpu.memory_space<hbm>> -> memref<8x128xi32, #tpu.memory_space<hbm>>
    %dma_wait3A_601 = arith.constant 0 : i32
    %dma_wait3A_602 = arith.constant 0 : i32
    %dma_wait3A_603 = tpu.memref_slice %arg10[%dma_wait3A_589, %dma_wait3A_601, %dma_wait3A_602] : memref<2x8x128xi32, #tpu.memory_space<vmem>> -> memref<1x8x128xi32, #tpu.memory_space<vmem>>
    %dma_wait3A_604 = tpu.memref_squeeze %dma_wait3A_603 : memref<1x8x128xi32, #tpu.memory_space<vmem>> -> memref<8x128xi32, #tpu.memory_space<vmem>>
    %dma_wait3A_605 = arith.constant 0 : i32
    %dma_wait3A_606 = arith.constant 0 : i32
    %dma_wait3A_607 = tpu.memref_slice %arg4[%arg1, %dma_wait3A_605, %dma_wait3A_606] : memref<16x160x128xi32, #tpu.memory_space<hbm>> -> memref<1x160x128xi32, #tpu.memory_space<hbm>>
    %dma_wait3A_608 = tpu.memref_squeeze %dma_wait3A_607 : memref<1x160x128xi32, #tpu.memory_space<hbm>> -> memref<160x128xi32, #tpu.memory_space<hbm>>
    %dma_wait3A_609 = arith.constant 0 : i32
    %dma_wait3A_610 = arith.constant 0 : i32
    %dma_wait3A_611 = tpu.memref_slice %dma_wait3A_608[%dma_wait3A_609, %dma_wait3A_610] : memref<160x128xi32, #tpu.memory_space<hbm>> -> memref<8x128xi32, #tpu.memory_space<hbm>>
    tpu.wait_dma2 semaphore(%arg16 : memref<!tpu.dma_semaphore, #tpu.memory_space<semaphore_mem>>) src(%dma_wait3A_611 : memref<8x128xi32, #tpu.memory_space<hbm>>) dst(%dma_wait3A_604 : memref<8x128xi32, #tpu.memory_space<vmem>>)
    %dma_start3A_612 = arith.constant 0 : i32
    %dma_start3A_613 = arith.constant 7 : i32
    %dma_start3A_614 = arith.constant 0 : i32
    %dma_start3A_615 = tpu.memref_slice %arg9[%dma_start3A_612, %dma_start3A_613, %dma_start3A_614] : memref<2x8x128xi32, #tpu.memory_space<vmem>> -> memref<1x1x128xi32, #tpu.memory_space<vmem>>
    %dma_start3A_616 = tpu.memref_squeeze %dma_start3A_615 : memref<1x1x128xi32, #tpu.memory_space<vmem>> -> memref<128xi32, #tpu.memory_space<vmem>>
    %dma_start3A_617 = arith.constant 0 : i32
    %dma_start3A_618 = arith.constant 0 : i32
    %dma_start3A_619 = tpu.memref_slice %arg8[%dma_start3A_617, %dma_start3A_618] : memref<10112x64xf32, #tpu.memory_space<vmem_shared>> -> memref<10112x64xf32, #tpu.memory_space<vmem_shared>>
    tpu.enqueue_indirect_dma source(%dma_start3A_619 : memref<10112x64xf32, #tpu.memory_space<vmem_shared>>) target(%arg12 : memref<128x64xf32, #tpu.memory_space<vmem>>) offsets(%dma_start3A_616 : memref<128xi32, #tpu.memory_space<vmem>>) semaphore(%arg15 : memref<!tpu.dma_semaphore, #tpu.memory_space<semaphore_mem>>)
    %dma_wait3A_620 = arith.constant 0 : i32
    %dma_wait3A_621 = arith.constant 6 : i32
    %dma_wait3A_622 = arith.constant 0 : i32
    %dma_wait3A_623 = tpu.memref_slice %arg9[%dma_wait3A_620, %dma_wait3A_621, %dma_wait3A_622] : memref<2x8x128xi32, #tpu.memory_space<vmem>> -> memref<1x1x128xi32, #tpu.memory_space<vmem>>
    %dma_wait3A_624 = tpu.memref_squeeze %dma_wait3A_623 : memref<1x1x128xi32, #tpu.memory_space<vmem>> -> memref<128xi32, #tpu.memory_space<vmem>>
    %dma_wait3A_625 = arith.constant 0 : i32
    %dma_wait3A_626 = arith.constant 0 : i32
    %dma_wait3A_627 = tpu.memref_slice %arg8[%dma_wait3A_625, %dma_wait3A_626] : memref<10112x64xf32, #tpu.memory_space<vmem_shared>> -> memref<10112x64xf32, #tpu.memory_space<vmem_shared>>
    tpu.wait_indirect_dma semaphore(%arg14 : memref<!tpu.dma_semaphore, #tpu.memory_space<semaphore_mem>>) src(%dma_wait3A_627 : memref<10112x64xf32, #tpu.memory_space<vmem_shared>>) dst(%arg11 : memref<128x64xf32, #tpu.memory_space<vmem>>)
    %run_scoped3A_628 = arith.constant 0 : i32
    %run_scoped3A_629 = arith.constant 6 : i32
    "tpu.region"() ({
      %run_scoped3A_1265 = tpu.sem_alloc : memref<!tpu.dma_semaphore, #tpu.memory_space<semaphore_mem>>
      %dma_start3A_1266 = arith.constant 0 : i32
      %dma_start3A_1267 = tpu.memref_slice %arg10[%run_scoped3A_628, %run_scoped3A_629, %dma_start3A_1266] : memref<2x8x128xi32, #tpu.memory_space<vmem>> -> memref<1x1x128xi32, #tpu.memory_space<vmem>>
      %dma_start3A_1268 = tpu.memref_squeeze %dma_start3A_1267 : memref<1x1x128xi32, #tpu.memory_space<vmem>> -> memref<128xi32, #tpu.memory_space<vmem>>
      %dma_start3A_1269 = arith.constant 0 : i32
      %dma_start3A_1270 = arith.constant 0 : i32
      %dma_start3A_1271 = tpu.memref_slice %arg7[%dma_start3A_1269, %dma_start3A_1270] : memref<10112x64xf32, #tpu.memory_space<vmem_shared>> -> memref<10112x64xf32, #tpu.memory_space<vmem_shared>>
      tpu.enqueue_indirect_dma source(%arg11 : memref<128x64xf32, #tpu.memory_space<vmem>>) target(%dma_start3A_1271 : memref<10112x64xf32, #tpu.memory_space<vmem_shared>>) offsets(%dma_start3A_1268 : memref<128xi32, #tpu.memory_space<vmem>>) semaphore(%run_scoped3A_1265 : memref<!tpu.dma_semaphore, #tpu.memory_space<semaphore_mem>>) {add = true}
      %dma_wait3A_1272 = arith.constant 0 : i32
      %dma_wait3A_1273 = tpu.memref_slice %arg10[%run_scoped3A_628, %run_scoped3A_629, %dma_wait3A_1272] : memref<2x8x128xi32, #tpu.memory_space<vmem>> -> memref<1x1x128xi32, #tpu.memory_space<vmem>>
      %dma_wait3A_1274 = tpu.memref_squeeze %dma_wait3A_1273 : memref<1x1x128xi32, #tpu.memory_space<vmem>> -> memref<128xi32, #tpu.memory_space<vmem>>
      %dma_wait3A_1275 = arith.constant 0 : i32
      %dma_wait3A_1276 = arith.constant 0 : i32
      %dma_wait3A_1277 = tpu.memref_slice %arg7[%dma_wait3A_1275, %dma_wait3A_1276] : memref<10112x64xf32, #tpu.memory_space<vmem_shared>> -> memref<10112x64xf32, #tpu.memory_space<vmem_shared>>
      tpu.wait_indirect_dma semaphore(%run_scoped3A_1265 : memref<!tpu.dma_semaphore, #tpu.memory_space<semaphore_mem>>) src(%arg11 : memref<128x64xf32, #tpu.memory_space<vmem>>) dst(%dma_wait3A_1277 : memref<10112x64xf32, #tpu.memory_space<vmem_shared>>)
      tpu.yield
    }) : () -> ()
    %get3A_630 = arith.constant 0 : i32
    %get3A_631 = arith.constant 6 : i32
    %get3A_632 = arith.index_cast %get3A_630 : i32 to index
    %get3A_633 = arith.index_cast %get3A_631 : i32 to index
    %get3A_634 = arith.constant 0 : index
    %get3A_635 = tpu.vector_load %arg10[%get3A_632, %get3A_633, %get3A_634] {strides = array<i32>} : memref<2x8x128xi32, #tpu.memory_space<vmem>>, vector<16xi32>,
    tpu.vector_store_idx %arg13[%get3A_635], %broadcast_in_dim3A_22 {add = true} : memref<10112xf32, #tpu.memory_space<vmem>>[vector<16xi32>], vector<16xf32>,
    %get3A_636 = arith.constant 0 : i32
    %get3A_637 = arith.constant 6 : i32
    %get3A_638 = arith.index_cast %get3A_636 : i32 to index
    %get3A_639 = arith.index_cast %get3A_637 : i32 to index
    %get3A_640 = arith.constant 16 : index
    %get3A_641 = tpu.vector_load %arg10[%get3A_638, %get3A_639, %get3A_640] {strides = array<i32>} : memref<2x8x128xi32, #tpu.memory_space<vmem>>, vector<16xi32>,
    tpu.vector_store_idx %arg13[%get3A_641], %broadcast_in_dim3A_22 {add = true} : memref<10112xf32, #tpu.memory_space<vmem>>[vector<16xi32>], vector<16xf32>,
    %get3A_642 = arith.constant 0 : i32
    %get3A_643 = arith.constant 6 : i32
    %get3A_644 = arith.index_cast %get3A_642 : i32 to index
    %get3A_645 = arith.index_cast %get3A_643 : i32 to index
    %get3A_646 = arith.constant 32 : index
    %get3A_647 = tpu.vector_load %arg10[%get3A_644, %get3A_645, %get3A_646] {strides = array<i32>} : memref<2x8x128xi32, #tpu.memory_space<vmem>>, vector<16xi32>,
    tpu.vector_store_idx %arg13[%get3A_647], %broadcast_in_dim3A_22 {add = true} : memref<10112xf32, #tpu.memory_space<vmem>>[vector<16xi32>], vector<16xf32>,
    %get3A_648 = arith.constant 0 : i32
    %get3A_649 = arith.constant 6 : i32
    %get3A_650 = arith.index_cast %get3A_648 : i32 to index
    %get3A_651 = arith.index_cast %get3A_649 : i32 to index
    %get3A_652 = arith.constant 48 : index
    %get3A_653 = tpu.vector_load %arg10[%get3A_650, %get3A_651, %get3A_652] {strides = array<i32>} : memref<2x8x128xi32, #tpu.memory_space<vmem>>, vector<16xi32>,
    tpu.vector_store_idx %arg13[%get3A_653], %broadcast_in_dim3A_22 {add = true} : memref<10112xf32, #tpu.memory_space<vmem>>[vector<16xi32>], vector<16xf32>,
    %get3A_654 = arith.constant 0 : i32
    %get3A_655 = arith.constant 6 : i32
    %get3A_656 = arith.index_cast %get3A_654 : i32 to index
    %get3A_657 = arith.index_cast %get3A_655 : i32 to index
    %get3A_658 = arith.constant 64 : index
    %get3A_659 = tpu.vector_load %arg10[%get3A_656, %get3A_657, %get3A_658] {strides = array<i32>} : memref<2x8x128xi32, #tpu.memory_space<vmem>>, vector<16xi32>,
    tpu.vector_store_idx %arg13[%get3A_659], %broadcast_in_dim3A_22 {add = true} : memref<10112xf32, #tpu.memory_space<vmem>>[vector<16xi32>], vector<16xf32>,
    %get3A_660 = arith.constant 0 : i32
    %get3A_661 = arith.constant 6 : i32
    %get3A_662 = arith.index_cast %get3A_660 : i32 to index
    %get3A_663 = arith.index_cast %get3A_661 : i32 to index
    %get3A_664 = arith.constant 80 : index
    %get3A_665 = tpu.vector_load %arg10[%get3A_662, %get3A_663, %get3A_664] {strides = array<i32>} : memref<2x8x128xi32, #tpu.memory_space<vmem>>, vector<16xi32>,
    tpu.vector_store_idx %arg13[%get3A_665], %broadcast_in_dim3A_22 {add = true} : memref<10112xf32, #tpu.memory_space<vmem>>[vector<16xi32>], vector<16xf32>,
    %get3A_666 = arith.constant 0 : i32
    %get3A_667 = arith.constant 6 : i32
    %get3A_668 = arith.index_cast %get3A_666 : i32 to index
    %get3A_669 = arith.index_cast %get3A_667 : i32 to index
    %get3A_670 = arith.constant 96 : index
    %get3A_671 = tpu.vector_load %arg10[%get3A_668, %get3A_669, %get3A_670] {strides = array<i32>} : memref<2x8x128xi32, #tpu.memory_space<vmem>>, vector<16xi32>,
    tpu.vector_store_idx %arg13[%get3A_671], %broadcast_in_dim3A_22 {add = true} : memref<10112xf32, #tpu.memory_space<vmem>>[vector<16xi32>], vector<16xf32>,
    %get3A_672 = arith.constant 0 : i32
    %get3A_673 = arith.constant 6 : i32
    %get3A_674 = arith.index_cast %get3A_672 : i32 to index
    %get3A_675 = arith.index_cast %get3A_673 : i32 to index
    %get3A_676 = arith.constant 112 : index
    %get3A_677 = tpu.vector_load %arg10[%get3A_674, %get3A_675, %get3A_676] {strides = array<i32>} : memref<2x8x128xi32, #tpu.memory_space<vmem>>, vector<16xi32>,
    tpu.vector_store_idx %arg13[%get3A_677], %broadcast_in_dim3A_22 {add = true} : memref<10112xf32, #tpu.memory_space<vmem>>[vector<16xi32>], vector<16xf32>,
    %dma_start3A_678 = arith.constant 1 : i32
    %dma_start3A_679 = arith.constant 0 : i32
    %dma_start3A_680 = arith.constant 0 : i32
    %dma_start3A_681 = tpu.memref_slice %arg9[%dma_start3A_678, %dma_start3A_679, %dma_start3A_680] : memref<2x8x128xi32, #tpu.memory_space<vmem>> -> memref<1x1x128xi32, #tpu.memory_space<vmem>>
    %dma_start3A_682 = tpu.memref_squeeze %dma_start3A_681 : memref<1x1x128xi32, #tpu.memory_space<vmem>> -> memref<128xi32, #tpu.memory_space<vmem>>
    %dma_start3A_683 = arith.constant 0 : i32
    %dma_start3A_684 = arith.constant 0 : i32
    %dma_start3A_685 = tpu.memref_slice %arg8[%dma_start3A_683, %dma_start3A_684] : memref<10112x64xf32, #tpu.memory_space<vmem_shared>> -> memref<10112x64xf32, #tpu.memory_space<vmem_shared>>
    tpu.enqueue_indirect_dma source(%dma_start3A_685 : memref<10112x64xf32, #tpu.memory_space<vmem_shared>>) target(%arg11 : memref<128x64xf32, #tpu.memory_space<vmem>>) offsets(%dma_start3A_682 : memref<128xi32, #tpu.memory_space<vmem>>) semaphore(%arg14 : memref<!tpu.dma_semaphore, #tpu.memory_space<semaphore_mem>>)
    %dma_wait3A_686 = arith.constant 0 : i32
    %dma_wait3A_687 = arith.constant 7 : i32
    %dma_wait3A_688 = arith.constant 0 : i32
    %dma_wait3A_689 = tpu.memref_slice %arg9[%dma_wait3A_686, %dma_wait3A_687, %dma_wait3A_688] : memref<2x8x128xi32, #tpu.memory_space<vmem>> -> memref<1x1x128xi32, #tpu.memory_space<vmem>>
    %dma_wait3A_690 = tpu.memref_squeeze %dma_wait3A_689 : memref<1x1x128xi32, #tpu.memory_space<vmem>> -> memref<128xi32, #tpu.memory_space<vmem>>
    %dma_wait3A_691 = arith.constant 0 : i32
    %dma_wait3A_692 = arith.constant 0 : i32
    %dma_wait3A_693 = tpu.memref_slice %arg8[%dma_wait3A_691, %dma_wait3A_692] : memref<10112x64xf32, #tpu.memory_space<vmem_shared>> -> memref<10112x64xf32, #tpu.memory_space<vmem_shared>>
    tpu.wait_indirect_dma semaphore(%arg15 : memref<!tpu.dma_semaphore, #tpu.memory_space<semaphore_mem>>) src(%dma_wait3A_693 : memref<10112x64xf32, #tpu.memory_space<vmem_shared>>) dst(%arg12 : memref<128x64xf32, #tpu.memory_space<vmem>>)
    %run_scoped3A_694 = arith.constant 0 : i32
    %run_scoped3A_695 = arith.constant 7 : i32
    "tpu.region"() ({
      %run_scoped3A_1265 = tpu.sem_alloc : memref<!tpu.dma_semaphore, #tpu.memory_space<semaphore_mem>>
      %dma_start3A_1266 = arith.constant 0 : i32
      %dma_start3A_1267 = tpu.memref_slice %arg10[%run_scoped3A_694, %run_scoped3A_695, %dma_start3A_1266] : memref<2x8x128xi32, #tpu.memory_space<vmem>> -> memref<1x1x128xi32, #tpu.memory_space<vmem>>
      %dma_start3A_1268 = tpu.memref_squeeze %dma_start3A_1267 : memref<1x1x128xi32, #tpu.memory_space<vmem>> -> memref<128xi32, #tpu.memory_space<vmem>>
      %dma_start3A_1269 = arith.constant 0 : i32
      %dma_start3A_1270 = arith.constant 0 : i32
      %dma_start3A_1271 = tpu.memref_slice %arg7[%dma_start3A_1269, %dma_start3A_1270] : memref<10112x64xf32, #tpu.memory_space<vmem_shared>> -> memref<10112x64xf32, #tpu.memory_space<vmem_shared>>
      tpu.enqueue_indirect_dma source(%arg12 : memref<128x64xf32, #tpu.memory_space<vmem>>) target(%dma_start3A_1271 : memref<10112x64xf32, #tpu.memory_space<vmem_shared>>) offsets(%dma_start3A_1268 : memref<128xi32, #tpu.memory_space<vmem>>) semaphore(%run_scoped3A_1265 : memref<!tpu.dma_semaphore, #tpu.memory_space<semaphore_mem>>) {add = true}
      %dma_wait3A_1272 = arith.constant 0 : i32
      %dma_wait3A_1273 = tpu.memref_slice %arg10[%run_scoped3A_694, %run_scoped3A_695, %dma_wait3A_1272] : memref<2x8x128xi32, #tpu.memory_space<vmem>> -> memref<1x1x128xi32, #tpu.memory_space<vmem>>
      %dma_wait3A_1274 = tpu.memref_squeeze %dma_wait3A_1273 : memref<1x1x128xi32, #tpu.memory_space<vmem>> -> memref<128xi32, #tpu.memory_space<vmem>>
      %dma_wait3A_1275 = arith.constant 0 : i32
      %dma_wait3A_1276 = arith.constant 0 : i32
      %dma_wait3A_1277 = tpu.memref_slice %arg7[%dma_wait3A_1275, %dma_wait3A_1276] : memref<10112x64xf32, #tpu.memory_space<vmem_shared>> -> memref<10112x64xf32, #tpu.memory_space<vmem_shared>>
      tpu.wait_indirect_dma semaphore(%run_scoped3A_1265 : memref<!tpu.dma_semaphore, #tpu.memory_space<semaphore_mem>>) src(%arg12 : memref<128x64xf32, #tpu.memory_space<vmem>>) dst(%dma_wait3A_1277 : memref<10112x64xf32, #tpu.memory_space<vmem_shared>>)
      tpu.yield
    }) : () -> ()
    %get3A_696 = arith.constant 0 : i32
    %get3A_697 = arith.constant 7 : i32
    %get3A_698 = arith.index_cast %get3A_696 : i32 to index
    %get3A_699 = arith.index_cast %get3A_697 : i32 to index
    %get3A_700 = arith.constant 0 : index
    %get3A_701 = tpu.vector_load %arg10[%get3A_698, %get3A_699, %get3A_700] {strides = array<i32>} : memref<2x8x128xi32, #tpu.memory_space<vmem>>, vector<16xi32>,
    tpu.vector_store_idx %arg13[%get3A_701], %broadcast_in_dim3A_22 {add = true} : memref<10112xf32, #tpu.memory_space<vmem>>[vector<16xi32>], vector<16xf32>,
    %get3A_702 = arith.constant 0 : i32
    %get3A_703 = arith.constant 7 : i32
    %get3A_704 = arith.index_cast %get3A_702 : i32 to index
    %get3A_705 = arith.index_cast %get3A_703 : i32 to index
    %get3A_706 = arith.constant 16 : index
    %get3A_707 = tpu.vector_load %arg10[%get3A_704, %get3A_705, %get3A_706] {strides = array<i32>} : memref<2x8x128xi32, #tpu.memory_space<vmem>>, vector<16xi32>,
    tpu.vector_store_idx %arg13[%get3A_707], %broadcast_in_dim3A_22 {add = true} : memref<10112xf32, #tpu.memory_space<vmem>>[vector<16xi32>], vector<16xf32>,
    %get3A_708 = arith.constant 0 : i32
    %get3A_709 = arith.constant 7 : i32
    %get3A_710 = arith.index_cast %get3A_708 : i32 to index
    %get3A_711 = arith.index_cast %get3A_709 : i32 to index
    %get3A_712 = arith.constant 32 : index
    %get3A_713 = tpu.vector_load %arg10[%get3A_710, %get3A_711, %get3A_712] {strides = array<i32>} : memref<2x8x128xi32, #tpu.memory_space<vmem>>, vector<16xi32>,
    tpu.vector_store_idx %arg13[%get3A_713], %broadcast_in_dim3A_22 {add = true} : memref<10112xf32, #tpu.memory_space<vmem>>[vector<16xi32>], vector<16xf32>,
    %get3A_714 = arith.constant 0 : i32
    %get3A_715 = arith.constant 7 : i32
    %get3A_716 = arith.index_cast %get3A_714 : i32 to index
    %get3A_717 = arith.index_cast %get3A_715 : i32 to index
    %get3A_718 = arith.constant 48 : index
    %get3A_719 = tpu.vector_load %arg10[%get3A_716, %get3A_717, %get3A_718] {strides = array<i32>} : memref<2x8x128xi32, #tpu.memory_space<vmem>>, vector<16xi32>,
    tpu.vector_store_idx %arg13[%get3A_719], %broadcast_in_dim3A_22 {add = true} : memref<10112xf32, #tpu.memory_space<vmem>>[vector<16xi32>], vector<16xf32>,
    %get3A_720 = arith.constant 0 : i32
    %get3A_721 = arith.constant 7 : i32
    %get3A_722 = arith.index_cast %get3A_720 : i32 to index
    %get3A_723 = arith.index_cast %get3A_721 : i32 to index
    %get3A_724 = arith.constant 64 : index
    %get3A_725 = tpu.vector_load %arg10[%get3A_722, %get3A_723, %get3A_724] {strides = array<i32>} : memref<2x8x128xi32, #tpu.memory_space<vmem>>, vector<16xi32>,
    tpu.vector_store_idx %arg13[%get3A_725], %broadcast_in_dim3A_22 {add = true} : memref<10112xf32, #tpu.memory_space<vmem>>[vector<16xi32>], vector<16xf32>,
    %get3A_726 = arith.constant 0 : i32
    %get3A_727 = arith.constant 7 : i32
    %get3A_728 = arith.index_cast %get3A_726 : i32 to index
    %get3A_729 = arith.index_cast %get3A_727 : i32 to index
    %get3A_730 = arith.constant 80 : index
    %get3A_731 = tpu.vector_load %arg10[%get3A_728, %get3A_729, %get3A_730] {strides = array<i32>} : memref<2x8x128xi32, #tpu.memory_space<vmem>>, vector<16xi32>,
    tpu.vector_store_idx %arg13[%get3A_731], %broadcast_in_dim3A_22 {add = true} : memref<10112xf32, #tpu.memory_space<vmem>>[vector<16xi32>], vector<16xf32>,
    %get3A_732 = arith.constant 0 : i32
    %get3A_733 = arith.constant 7 : i32
    %get3A_734 = arith.index_cast %get3A_732 : i32 to index
    %get3A_735 = arith.index_cast %get3A_733 : i32 to index
    %get3A_736 = arith.constant 96 : index
    %get3A_737 = tpu.vector_load %arg10[%get3A_734, %get3A_735, %get3A_736] {strides = array<i32>} : memref<2x8x128xi32, #tpu.memory_space<vmem>>, vector<16xi32>,
    tpu.vector_store_idx %arg13[%get3A_737], %broadcast_in_dim3A_22 {add = true} : memref<10112xf32, #tpu.memory_space<vmem>>[vector<16xi32>], vector<16xf32>,
    %get3A_738 = arith.constant 0 : i32
    %get3A_739 = arith.constant 7 : i32
    %get3A_740 = arith.index_cast %get3A_738 : i32 to index
    %get3A_741 = arith.index_cast %get3A_739 : i32 to index
    %get3A_742 = arith.constant 112 : index
    %get3A_743 = tpu.vector_load %arg10[%get3A_740, %get3A_741, %get3A_742] {strides = array<i32>} : memref<2x8x128xi32, #tpu.memory_space<vmem>>, vector<16xi32>,
    tpu.vector_store_idx %arg13[%get3A_743], %broadcast_in_dim3A_22 {add = true} : memref<10112xf32, #tpu.memory_space<vmem>>[vector<16xi32>], vector<16xf32>,
    %dma_start3A_744 = arith.constant 1 : i32
    %dma_start3A_745 = arith.constant 1 : i32
    %dma_start3A_746 = arith.constant 0 : i32
    %dma_start3A_747 = tpu.memref_slice %arg9[%dma_start3A_744, %dma_start3A_745, %dma_start3A_746] : memref<2x8x128xi32, #tpu.memory_space<vmem>> -> memref<1x1x128xi32, #tpu.memory_space<vmem>>
    %dma_start3A_748 = tpu.memref_squeeze %dma_start3A_747 : memref<1x1x128xi32, #tpu.memory_space<vmem>> -> memref<128xi32, #tpu.memory_space<vmem>>
    %dma_start3A_749 = arith.constant 0 : i32
    %dma_start3A_750 = arith.constant 0 : i32
    %dma_start3A_751 = tpu.memref_slice %arg8[%dma_start3A_749, %dma_start3A_750] : memref<10112x64xf32, #tpu.memory_space<vmem_shared>> -> memref<10112x64xf32, #tpu.memory_space<vmem_shared>>
    tpu.enqueue_indirect_dma source(%dma_start3A_751 : memref<10112x64xf32, #tpu.memory_space<vmem_shared>>) target(%arg12 : memref<128x64xf32, #tpu.memory_space<vmem>>) offsets(%dma_start3A_748 : memref<128xi32, #tpu.memory_space<vmem>>) semaphore(%arg15 : memref<!tpu.dma_semaphore, #tpu.memory_space<semaphore_mem>>)
    %dma_wait3A_752 = arith.constant 1 : i32
    %dma_wait3A_753 = arith.constant 0 : i32
    %dma_wait3A_754 = arith.constant 0 : i32
    %dma_wait3A_755 = tpu.memref_slice %arg9[%dma_wait3A_752, %dma_wait3A_753, %dma_wait3A_754] : memref<2x8x128xi32, #tpu.memory_space<vmem>> -> memref<1x1x128xi32, #tpu.memory_space<vmem>>
    %dma_wait3A_756 = tpu.memref_squeeze %dma_wait3A_755 : memref<1x1x128xi32, #tpu.memory_space<vmem>> -> memref<128xi32, #tpu.memory_space<vmem>>
    %dma_wait3A_757 = arith.constant 0 : i32
    %dma_wait3A_758 = arith.constant 0 : i32
    %dma_wait3A_759 = tpu.memref_slice %arg8[%dma_wait3A_757, %dma_wait3A_758] : memref<10112x64xf32, #tpu.memory_space<vmem_shared>> -> memref<10112x64xf32, #tpu.memory_space<vmem_shared>>
    tpu.wait_indirect_dma semaphore(%arg14 : memref<!tpu.dma_semaphore, #tpu.memory_space<semaphore_mem>>) src(%dma_wait3A_759 : memref<10112x64xf32, #tpu.memory_space<vmem_shared>>) dst(%arg11 : memref<128x64xf32, #tpu.memory_space<vmem>>)
    %run_scoped3A_760 = arith.constant 1 : i32
    %run_scoped3A_761 = arith.constant 0 : i32
    "tpu.region"() ({
      %run_scoped3A_1265 = tpu.sem_alloc : memref<!tpu.dma_semaphore, #tpu.memory_space<semaphore_mem>>
      %dma_start3A_1266 = arith.constant 0 : i32
      %dma_start3A_1267 = tpu.memref_slice %arg10[%run_scoped3A_760, %run_scoped3A_761, %dma_start3A_1266] : memref<2x8x128xi32, #tpu.memory_space<vmem>> -> memref<1x1x128xi32, #tpu.memory_space<vmem>>
      %dma_start3A_1268 = tpu.memref_squeeze %dma_start3A_1267 : memref<1x1x128xi32, #tpu.memory_space<vmem>> -> memref<128xi32, #tpu.memory_space<vmem>>
      %dma_start3A_1269 = arith.constant 0 : i32
      %dma_start3A_1270 = arith.constant 0 : i32
      %dma_start3A_1271 = tpu.memref_slice %arg7[%dma_start3A_1269, %dma_start3A_1270] : memref<10112x64xf32, #tpu.memory_space<vmem_shared>> -> memref<10112x64xf32, #tpu.memory_space<vmem_shared>>
      tpu.enqueue_indirect_dma source(%arg11 : memref<128x64xf32, #tpu.memory_space<vmem>>) target(%dma_start3A_1271 : memref<10112x64xf32, #tpu.memory_space<vmem_shared>>) offsets(%dma_start3A_1268 : memref<128xi32, #tpu.memory_space<vmem>>) semaphore(%run_scoped3A_1265 : memref<!tpu.dma_semaphore, #tpu.memory_space<semaphore_mem>>) {add = true}
      %dma_wait3A_1272 = arith.constant 0 : i32
      %dma_wait3A_1273 = tpu.memref_slice %arg10[%run_scoped3A_760, %run_scoped3A_761, %dma_wait3A_1272] : memref<2x8x128xi32, #tpu.memory_space<vmem>> -> memref<1x1x128xi32, #tpu.memory_space<vmem>>
      %dma_wait3A_1274 = tpu.memref_squeeze %dma_wait3A_1273 : memref<1x1x128xi32, #tpu.memory_space<vmem>> -> memref<128xi32, #tpu.memory_space<vmem>>
      %dma_wait3A_1275 = arith.constant 0 : i32
      %dma_wait3A_1276 = arith.constant 0 : i32
      %dma_wait3A_1277 = tpu.memref_slice %arg7[%dma_wait3A_1275, %dma_wait3A_1276] : memref<10112x64xf32, #tpu.memory_space<vmem_shared>> -> memref<10112x64xf32, #tpu.memory_space<vmem_shared>>
      tpu.wait_indirect_dma semaphore(%run_scoped3A_1265 : memref<!tpu.dma_semaphore, #tpu.memory_space<semaphore_mem>>) src(%arg11 : memref<128x64xf32, #tpu.memory_space<vmem>>) dst(%dma_wait3A_1277 : memref<10112x64xf32, #tpu.memory_space<vmem_shared>>)
      tpu.yield
    }) : () -> ()
    %get3A_762 = arith.constant 1 : i32
    %get3A_763 = arith.constant 0 : i32
    %get3A_764 = arith.index_cast %get3A_762 : i32 to index
    %get3A_765 = arith.index_cast %get3A_763 : i32 to index
    %get3A_766 = arith.constant 0 : index
    %get3A_767 = tpu.vector_load %arg10[%get3A_764, %get3A_765, %get3A_766] {strides = array<i32>} : memref<2x8x128xi32, #tpu.memory_space<vmem>>, vector<16xi32>,
    tpu.vector_store_idx %arg13[%get3A_767], %broadcast_in_dim3A_22 {add = true} : memref<10112xf32, #tpu.memory_space<vmem>>[vector<16xi32>], vector<16xf32>,
    %get3A_768 = arith.constant 1 : i32
    %get3A_769 = arith.constant 0 : i32
    %get3A_770 = arith.index_cast %get3A_768 : i32 to index
    %get3A_771 = arith.index_cast %get3A_769 : i32 to index
    %get3A_772 = arith.constant 16 : index
    %get3A_773 = tpu.vector_load %arg10[%get3A_770, %get3A_771, %get3A_772] {strides = array<i32>} : memref<2x8x128xi32, #tpu.memory_space<vmem>>, vector<16xi32>,
    tpu.vector_store_idx %arg13[%get3A_773], %broadcast_in_dim3A_22 {add = true} : memref<10112xf32, #tpu.memory_space<vmem>>[vector<16xi32>], vector<16xf32>,
    %get3A_774 = arith.constant 1 : i32
    %get3A_775 = arith.constant 0 : i32
    %get3A_776 = arith.index_cast %get3A_774 : i32 to index
    %get3A_777 = arith.index_cast %get3A_775 : i32 to index
    %get3A_778 = arith.constant 32 : index
    %get3A_779 = tpu.vector_load %arg10[%get3A_776, %get3A_777, %get3A_778] {strides = array<i32>} : memref<2x8x128xi32, #tpu.memory_space<vmem>>, vector<16xi32>,
    tpu.vector_store_idx %arg13[%get3A_779], %broadcast_in_dim3A_22 {add = true} : memref<10112xf32, #tpu.memory_space<vmem>>[vector<16xi32>], vector<16xf32>,
    %get3A_780 = arith.constant 1 : i32
    %get3A_781 = arith.constant 0 : i32
    %get3A_782 = arith.index_cast %get3A_780 : i32 to index
    %get3A_783 = arith.index_cast %get3A_781 : i32 to index
    %get3A_784 = arith.constant 48 : index
    %get3A_785 = tpu.vector_load %arg10[%get3A_782, %get3A_783, %get3A_784] {strides = array<i32>} : memref<2x8x128xi32, #tpu.memory_space<vmem>>, vector<16xi32>,
    tpu.vector_store_idx %arg13[%get3A_785], %broadcast_in_dim3A_22 {add = true} : memref<10112xf32, #tpu.memory_space<vmem>>[vector<16xi32>], vector<16xf32>,
    %get3A_786 = arith.constant 1 : i32
    %get3A_787 = arith.constant 0 : i32
    %get3A_788 = arith.index_cast %get3A_786 : i32 to index
    %get3A_789 = arith.index_cast %get3A_787 : i32 to index
    %get3A_790 = arith.constant 64 : index
    %get3A_791 = tpu.vector_load %arg10[%get3A_788, %get3A_789, %get3A_790] {strides = array<i32>} : memref<2x8x128xi32, #tpu.memory_space<vmem>>, vector<16xi32>,
    tpu.vector_store_idx %arg13[%get3A_791], %broadcast_in_dim3A_22 {add = true} : memref<10112xf32, #tpu.memory_space<vmem>>[vector<16xi32>], vector<16xf32>,
    %get3A_792 = arith.constant 1 : i32
    %get3A_793 = arith.constant 0 : i32
    %get3A_794 = arith.index_cast %get3A_792 : i32 to index
    %get3A_795 = arith.index_cast %get3A_793 : i32 to index
    %get3A_796 = arith.constant 80 : index
    %get3A_797 = tpu.vector_load %arg10[%get3A_794, %get3A_795, %get3A_796] {strides = array<i32>} : memref<2x8x128xi32, #tpu.memory_space<vmem>>, vector<16xi32>,
    tpu.vector_store_idx %arg13[%get3A_797], %broadcast_in_dim3A_22 {add = true} : memref<10112xf32, #tpu.memory_space<vmem>>[vector<16xi32>], vector<16xf32>,
    %get3A_798 = arith.constant 1 : i32
    %get3A_799 = arith.constant 0 : i32
    %get3A_800 = arith.index_cast %get3A_798 : i32 to index
    %get3A_801 = arith.index_cast %get3A_799 : i32 to index
    %get3A_802 = arith.constant 96 : index
    %get3A_803 = tpu.vector_load %arg10[%get3A_800, %get3A_801, %get3A_802] {strides = array<i32>} : memref<2x8x128xi32, #tpu.memory_space<vmem>>, vector<16xi32>,
    tpu.vector_store_idx %arg13[%get3A_803], %broadcast_in_dim3A_22 {add = true} : memref<10112xf32, #tpu.memory_space<vmem>>[vector<16xi32>], vector<16xf32>,
    %get3A_804 = arith.constant 1 : i32
    %get3A_805 = arith.constant 0 : i32
    %get3A_806 = arith.index_cast %get3A_804 : i32 to index
    %get3A_807 = arith.index_cast %get3A_805 : i32 to index
    %get3A_808 = arith.constant 112 : index
    %get3A_809 = tpu.vector_load %arg10[%get3A_806, %get3A_807, %get3A_808] {strides = array<i32>} : memref<2x8x128xi32, #tpu.memory_space<vmem>>, vector<16xi32>,
    tpu.vector_store_idx %arg13[%get3A_809], %broadcast_in_dim3A_22 {add = true} : memref<10112xf32, #tpu.memory_space<vmem>>[vector<16xi32>], vector<16xf32>,
    %dma_start3A_810 = arith.constant 1 : i32
    %dma_start3A_811 = arith.constant 2 : i32
    %dma_start3A_812 = arith.constant 0 : i32
    %dma_start3A_813 = tpu.memref_slice %arg9[%dma_start3A_810, %dma_start3A_811, %dma_start3A_812] : memref<2x8x128xi32, #tpu.memory_space<vmem>> -> memref<1x1x128xi32, #tpu.memory_space<vmem>>
    %dma_start3A_814 = tpu.memref_squeeze %dma_start3A_813 : memref<1x1x128xi32, #tpu.memory_space<vmem>> -> memref<128xi32, #tpu.memory_space<vmem>>
    %dma_start3A_815 = arith.constant 0 : i32
    %dma_start3A_816 = arith.constant 0 : i32
    %dma_start3A_817 = tpu.memref_slice %arg8[%dma_start3A_815, %dma_start3A_816] : memref<10112x64xf32, #tpu.memory_space<vmem_shared>> -> memref<10112x64xf32, #tpu.memory_space<vmem_shared>>
    tpu.enqueue_indirect_dma source(%dma_start3A_817 : memref<10112x64xf32, #tpu.memory_space<vmem_shared>>) target(%arg11 : memref<128x64xf32, #tpu.memory_space<vmem>>) offsets(%dma_start3A_814 : memref<128xi32, #tpu.memory_space<vmem>>) semaphore(%arg14 : memref<!tpu.dma_semaphore, #tpu.memory_space<semaphore_mem>>)
    %dma_wait3A_818 = arith.constant 1 : i32
    %dma_wait3A_819 = arith.constant 1 : i32
    %dma_wait3A_820 = arith.constant 0 : i32
    %dma_wait3A_821 = tpu.memref_slice %arg9[%dma_wait3A_818, %dma_wait3A_819, %dma_wait3A_820] : memref<2x8x128xi32, #tpu.memory_space<vmem>> -> memref<1x1x128xi32, #tpu.memory_space<vmem>>
    %dma_wait3A_822 = tpu.memref_squeeze %dma_wait3A_821 : memref<1x1x128xi32, #tpu.memory_space<vmem>> -> memref<128xi32, #tpu.memory_space<vmem>>
    %dma_wait3A_823 = arith.constant 0 : i32
    %dma_wait3A_824 = arith.constant 0 : i32
    %dma_wait3A_825 = tpu.memref_slice %arg8[%dma_wait3A_823, %dma_wait3A_824] : memref<10112x64xf32, #tpu.memory_space<vmem_shared>> -> memref<10112x64xf32, #tpu.memory_space<vmem_shared>>
    tpu.wait_indirect_dma semaphore(%arg15 : memref<!tpu.dma_semaphore, #tpu.memory_space<semaphore_mem>>) src(%dma_wait3A_825 : memref<10112x64xf32, #tpu.memory_space<vmem_shared>>) dst(%arg12 : memref<128x64xf32, #tpu.memory_space<vmem>>)
    %run_scoped3A_826 = arith.constant 1 : i32
    %run_scoped3A_827 = arith.constant 1 : i32
    "tpu.region"() ({
      %run_scoped3A_1265 = tpu.sem_alloc : memref<!tpu.dma_semaphore, #tpu.memory_space<semaphore_mem>>
      %dma_start3A_1266 = arith.constant 0 : i32
      %dma_start3A_1267 = tpu.memref_slice %arg10[%run_scoped3A_826, %run_scoped3A_827, %dma_start3A_1266] : memref<2x8x128xi32, #tpu.memory_space<vmem>> -> memref<1x1x128xi32, #tpu.memory_space<vmem>>
      %dma_start3A_1268 = tpu.memref_squeeze %dma_start3A_1267 : memref<1x1x128xi32, #tpu.memory_space<vmem>> -> memref<128xi32, #tpu.memory_space<vmem>>
      %dma_start3A_1269 = arith.constant 0 : i32
      %dma_start3A_1270 = arith.constant 0 : i32
      %dma_start3A_1271 = tpu.memref_slice %arg7[%dma_start3A_1269, %dma_start3A_1270] : memref<10112x64xf32, #tpu.memory_space<vmem_shared>> -> memref<10112x64xf32, #tpu.memory_space<vmem_shared>>
      tpu.enqueue_indirect_dma source(%arg12 : memref<128x64xf32, #tpu.memory_space<vmem>>) target(%dma_start3A_1271 : memref<10112x64xf32, #tpu.memory_space<vmem_shared>>) offsets(%dma_start3A_1268 : memref<128xi32, #tpu.memory_space<vmem>>) semaphore(%run_scoped3A_1265 : memref<!tpu.dma_semaphore, #tpu.memory_space<semaphore_mem>>) {add = true}
      %dma_wait3A_1272 = arith.constant 0 : i32
      %dma_wait3A_1273 = tpu.memref_slice %arg10[%run_scoped3A_826, %run_scoped3A_827, %dma_wait3A_1272] : memref<2x8x128xi32, #tpu.memory_space<vmem>> -> memref<1x1x128xi32, #tpu.memory_space<vmem>>
      %dma_wait3A_1274 = tpu.memref_squeeze %dma_wait3A_1273 : memref<1x1x128xi32, #tpu.memory_space<vmem>> -> memref<128xi32, #tpu.memory_space<vmem>>
      %dma_wait3A_1275 = arith.constant 0 : i32
      %dma_wait3A_1276 = arith.constant 0 : i32
      %dma_wait3A_1277 = tpu.memref_slice %arg7[%dma_wait3A_1275, %dma_wait3A_1276] : memref<10112x64xf32, #tpu.memory_space<vmem_shared>> -> memref<10112x64xf32, #tpu.memory_space<vmem_shared>>
      tpu.wait_indirect_dma semaphore(%run_scoped3A_1265 : memref<!tpu.dma_semaphore, #tpu.memory_space<semaphore_mem>>) src(%arg12 : memref<128x64xf32, #tpu.memory_space<vmem>>) dst(%dma_wait3A_1277 : memref<10112x64xf32, #tpu.memory_space<vmem_shared>>)
      tpu.yield
    }) : () -> ()
    %get3A_828 = arith.constant 1 : i32
    %get3A_829 = arith.constant 1 : i32
    %get3A_830 = arith.index_cast %get3A_828 : i32 to index
    %get3A_831 = arith.index_cast %get3A_829 : i32 to index
    %get3A_832 = arith.constant 0 : index
    %get3A_833 = tpu.vector_load %arg10[%get3A_830, %get3A_831, %get3A_832] {strides = array<i32>} : memref<2x8x128xi32, #tpu.memory_space<vmem>>, vector<16xi32>,
    tpu.vector_store_idx %arg13[%get3A_833], %broadcast_in_dim3A_22 {add = true} : memref<10112xf32, #tpu.memory_space<vmem>>[vector<16xi32>], vector<16xf32>,
    %get3A_834 = arith.constant 1 : i32
    %get3A_835 = arith.constant 1 : i32
    %get3A_836 = arith.index_cast %get3A_834 : i32 to index
    %get3A_837 = arith.index_cast %get3A_835 : i32 to index
    %get3A_838 = arith.constant 16 : index
    %get3A_839 = tpu.vector_load %arg10[%get3A_836, %get3A_837, %get3A_838] {strides = array<i32>} : memref<2x8x128xi32, #tpu.memory_space<vmem>>, vector<16xi32>,
    tpu.vector_store_idx %arg13[%get3A_839], %broadcast_in_dim3A_22 {add = true} : memref<10112xf32, #tpu.memory_space<vmem>>[vector<16xi32>], vector<16xf32>,
    %get3A_840 = arith.constant 1 : i32
    %get3A_841 = arith.constant 1 : i32
    %get3A_842 = arith.index_cast %get3A_840 : i32 to index
    %get3A_843 = arith.index_cast %get3A_841 : i32 to index
    %get3A_844 = arith.constant 32 : index
    %get3A_845 = tpu.vector_load %arg10[%get3A_842, %get3A_843, %get3A_844] {strides = array<i32>} : memref<2x8x128xi32, #tpu.memory_space<vmem>>, vector<16xi32>,
    tpu.vector_store_idx %arg13[%get3A_845], %broadcast_in_dim3A_22 {add = true} : memref<10112xf32, #tpu.memory_space<vmem>>[vector<16xi32>], vector<16xf32>,
    %get3A_846 = arith.constant 1 : i32
    %get3A_847 = arith.constant 1 : i32
    %get3A_848 = arith.index_cast %get3A_846 : i32 to index
    %get3A_849 = arith.index_cast %get3A_847 : i32 to index
    %get3A_850 = arith.constant 48 : index
    %get3A_851 = tpu.vector_load %arg10[%get3A_848, %get3A_849, %get3A_850] {strides = array<i32>} : memref<2x8x128xi32, #tpu.memory_space<vmem>>, vector<16xi32>,
    tpu.vector_store_idx %arg13[%get3A_851], %broadcast_in_dim3A_22 {add = true} : memref<10112xf32, #tpu.memory_space<vmem>>[vector<16xi32>], vector<16xf32>,
    %get3A_852 = arith.constant 1 : i32
    %get3A_853 = arith.constant 1 : i32
    %get3A_854 = arith.index_cast %get3A_852 : i32 to index
    %get3A_855 = arith.index_cast %get3A_853 : i32 to index
    %get3A_856 = arith.constant 64 : index
    %get3A_857 = tpu.vector_load %arg10[%get3A_854, %get3A_855, %get3A_856] {strides = array<i32>} : memref<2x8x128xi32, #tpu.memory_space<vmem>>, vector<16xi32>,
    tpu.vector_store_idx %arg13[%get3A_857], %broadcast_in_dim3A_22 {add = true} : memref<10112xf32, #tpu.memory_space<vmem>>[vector<16xi32>], vector<16xf32>,
    %get3A_858 = arith.constant 1 : i32
    %get3A_859 = arith.constant 1 : i32
    %get3A_860 = arith.index_cast %get3A_858 : i32 to index
    %get3A_861 = arith.index_cast %get3A_859 : i32 to index
    %get3A_862 = arith.constant 80 : index
    %get3A_863 = tpu.vector_load %arg10[%get3A_860, %get3A_861, %get3A_862] {strides = array<i32>} : memref<2x8x128xi32, #tpu.memory_space<vmem>>, vector<16xi32>,
    tpu.vector_store_idx %arg13[%get3A_863], %broadcast_in_dim3A_22 {add = true} : memref<10112xf32, #tpu.memory_space<vmem>>[vector<16xi32>], vector<16xf32>,
    %get3A_864 = arith.constant 1 : i32
    %get3A_865 = arith.constant 1 : i32
    %get3A_866 = arith.index_cast %get3A_864 : i32 to index
    %get3A_867 = arith.index_cast %get3A_865 : i32 to index
    %get3A_868 = arith.constant 96 : index
    %get3A_869 = tpu.vector_load %arg10[%get3A_866, %get3A_867, %get3A_868] {strides = array<i32>} : memref<2x8x128xi32, #tpu.memory_space<vmem>>, vector<16xi32>,
    tpu.vector_store_idx %arg13[%get3A_869], %broadcast_in_dim3A_22 {add = true} : memref<10112xf32, #tpu.memory_space<vmem>>[vector<16xi32>], vector<16xf32>,
    %get3A_870 = arith.constant 1 : i32
    %get3A_871 = arith.constant 1 : i32
    %get3A_872 = arith.index_cast %get3A_870 : i32 to index
    %get3A_873 = arith.index_cast %get3A_871 : i32 to index
    %get3A_874 = arith.constant 112 : index
    %get3A_875 = tpu.vector_load %arg10[%get3A_872, %get3A_873, %get3A_874] {strides = array<i32>} : memref<2x8x128xi32, #tpu.memory_space<vmem>>, vector<16xi32>,
    tpu.vector_store_idx %arg13[%get3A_875], %broadcast_in_dim3A_22 {add = true} : memref<10112xf32, #tpu.memory_space<vmem>>[vector<16xi32>], vector<16xf32>,
    %dma_start3A_876 = arith.constant 1 : i32
    %dma_start3A_877 = arith.constant 3 : i32
    %dma_start3A_878 = arith.constant 0 : i32
    %dma_start3A_879 = tpu.memref_slice %arg9[%dma_start3A_876, %dma_start3A_877, %dma_start3A_878] : memref<2x8x128xi32, #tpu.memory_space<vmem>> -> memref<1x1x128xi32, #tpu.memory_space<vmem>>
    %dma_start3A_880 = tpu.memref_squeeze %dma_start3A_879 : memref<1x1x128xi32, #tpu.memory_space<vmem>> -> memref<128xi32, #tpu.memory_space<vmem>>
    %dma_start3A_881 = arith.constant 0 : i32
    %dma_start3A_882 = arith.constant 0 : i32
    %dma_start3A_883 = tpu.memref_slice %arg8[%dma_start3A_881, %dma_start3A_882] : memref<10112x64xf32, #tpu.memory_space<vmem_shared>> -> memref<10112x64xf32, #tpu.memory_space<vmem_shared>>
    tpu.enqueue_indirect_dma source(%dma_start3A_883 : memref<10112x64xf32, #tpu.memory_space<vmem_shared>>) target(%arg12 : memref<128x64xf32, #tpu.memory_space<vmem>>) offsets(%dma_start3A_880 : memref<128xi32, #tpu.memory_space<vmem>>) semaphore(%arg15 : memref<!tpu.dma_semaphore, #tpu.memory_space<semaphore_mem>>)
    %dma_wait3A_884 = arith.constant 1 : i32
    %dma_wait3A_885 = arith.constant 2 : i32
    %dma_wait3A_886 = arith.constant 0 : i32
    %dma_wait3A_887 = tpu.memref_slice %arg9[%dma_wait3A_884, %dma_wait3A_885, %dma_wait3A_886] : memref<2x8x128xi32, #tpu.memory_space<vmem>> -> memref<1x1x128xi32, #tpu.memory_space<vmem>>
    %dma_wait3A_888 = tpu.memref_squeeze %dma_wait3A_887 : memref<1x1x128xi32, #tpu.memory_space<vmem>> -> memref<128xi32, #tpu.memory_space<vmem>>
    %dma_wait3A_889 = arith.constant 0 : i32
    %dma_wait3A_890 = arith.constant 0 : i32
    %dma_wait3A_891 = tpu.memref_slice %arg8[%dma_wait3A_889, %dma_wait3A_890] : memref<10112x64xf32, #tpu.memory_space<vmem_shared>> -> memref<10112x64xf32, #tpu.memory_space<vmem_shared>>
    tpu.wait_indirect_dma semaphore(%arg14 : memref<!tpu.dma_semaphore, #tpu.memory_space<semaphore_mem>>) src(%dma_wait3A_891 : memref<10112x64xf32, #tpu.memory_space<vmem_shared>>) dst(%arg11 : memref<128x64xf32, #tpu.memory_space<vmem>>)
    %run_scoped3A_892 = arith.constant 1 : i32
    %run_scoped3A_893 = arith.constant 2 : i32
    "tpu.region"() ({
      %run_scoped3A_1265 = tpu.sem_alloc : memref<!tpu.dma_semaphore, #tpu.memory_space<semaphore_mem>>
      %dma_start3A_1266 = arith.constant 0 : i32
      %dma_start3A_1267 = tpu.memref_slice %arg10[%run_scoped3A_892, %run_scoped3A_893, %dma_start3A_1266] : memref<2x8x128xi32, #tpu.memory_space<vmem>> -> memref<1x1x128xi32, #tpu.memory_space<vmem>>
      %dma_start3A_1268 = tpu.memref_squeeze %dma_start3A_1267 : memref<1x1x128xi32, #tpu.memory_space<vmem>> -> memref<128xi32, #tpu.memory_space<vmem>>
      %dma_start3A_1269 = arith.constant 0 : i32
      %dma_start3A_1270 = arith.constant 0 : i32
      %dma_start3A_1271 = tpu.memref_slice %arg7[%dma_start3A_1269, %dma_start3A_1270] : memref<10112x64xf32, #tpu.memory_space<vmem_shared>> -> memref<10112x64xf32, #tpu.memory_space<vmem_shared>>
      tpu.enqueue_indirect_dma source(%arg11 : memref<128x64xf32, #tpu.memory_space<vmem>>) target(%dma_start3A_1271 : memref<10112x64xf32, #tpu.memory_space<vmem_shared>>) offsets(%dma_start3A_1268 : memref<128xi32, #tpu.memory_space<vmem>>) semaphore(%run_scoped3A_1265 : memref<!tpu.dma_semaphore, #tpu.memory_space<semaphore_mem>>) {add = true}
      %dma_wait3A_1272 = arith.constant 0 : i32
      %dma_wait3A_1273 = tpu.memref_slice %arg10[%run_scoped3A_892, %run_scoped3A_893, %dma_wait3A_1272] : memref<2x8x128xi32, #tpu.memory_space<vmem>> -> memref<1x1x128xi32, #tpu.memory_space<vmem>>
      %dma_wait3A_1274 = tpu.memref_squeeze %dma_wait3A_1273 : memref<1x1x128xi32, #tpu.memory_space<vmem>> -> memref<128xi32, #tpu.memory_space<vmem>>
      %dma_wait3A_1275 = arith.constant 0 : i32
      %dma_wait3A_1276 = arith.constant 0 : i32
      %dma_wait3A_1277 = tpu.memref_slice %arg7[%dma_wait3A_1275, %dma_wait3A_1276] : memref<10112x64xf32, #tpu.memory_space<vmem_shared>> -> memref<10112x64xf32, #tpu.memory_space<vmem_shared>>
      tpu.wait_indirect_dma semaphore(%run_scoped3A_1265 : memref<!tpu.dma_semaphore, #tpu.memory_space<semaphore_mem>>) src(%arg11 : memref<128x64xf32, #tpu.memory_space<vmem>>) dst(%dma_wait3A_1277 : memref<10112x64xf32, #tpu.memory_space<vmem_shared>>)
      tpu.yield
    }) : () -> ()
    %get3A_894 = arith.constant 1 : i32
    %get3A_895 = arith.constant 2 : i32
    %get3A_896 = arith.index_cast %get3A_894 : i32 to index
    %get3A_897 = arith.index_cast %get3A_895 : i32 to index
    %get3A_898 = arith.constant 0 : index
    %get3A_899 = tpu.vector_load %arg10[%get3A_896, %get3A_897, %get3A_898] {strides = array<i32>} : memref<2x8x128xi32, #tpu.memory_space<vmem>>, vector<16xi32>,
    tpu.vector_store_idx %arg13[%get3A_899], %broadcast_in_dim3A_22 {add = true} : memref<10112xf32, #tpu.memory_space<vmem>>[vector<16xi32>], vector<16xf32>,
    %get3A_900 = arith.constant 1 : i32
    %get3A_901 = arith.constant 2 : i32
    %get3A_902 = arith.index_cast %get3A_900 : i32 to index
    %get3A_903 = arith.index_cast %get3A_901 : i32 to index
    %get3A_904 = arith.constant 16 : index
    %get3A_905 = tpu.vector_load %arg10[%get3A_902, %get3A_903, %get3A_904] {strides = array<i32>} : memref<2x8x128xi32, #tpu.memory_space<vmem>>, vector<16xi32>,
    tpu.vector_store_idx %arg13[%get3A_905], %broadcast_in_dim3A_22 {add = true} : memref<10112xf32, #tpu.memory_space<vmem>>[vector<16xi32>], vector<16xf32>,
    %get3A_906 = arith.constant 1 : i32
    %get3A_907 = arith.constant 2 : i32
    %get3A_908 = arith.index_cast %get3A_906 : i32 to index
    %get3A_909 = arith.index_cast %get3A_907 : i32 to index
    %get3A_910 = arith.constant 32 : index
    %get3A_911 = tpu.vector_load %arg10[%get3A_908, %get3A_909, %get3A_910] {strides = array<i32>} : memref<2x8x128xi32, #tpu.memory_space<vmem>>, vector<16xi32>,
    tpu.vector_store_idx %arg13[%get3A_911], %broadcast_in_dim3A_22 {add = true} : memref<10112xf32, #tpu.memory_space<vmem>>[vector<16xi32>], vector<16xf32>,
    %get3A_912 = arith.constant 1 : i32
    %get3A_913 = arith.constant 2 : i32
    %get3A_914 = arith.index_cast %get3A_912 : i32 to index
    %get3A_915 = arith.index_cast %get3A_913 : i32 to index
    %get3A_916 = arith.constant 48 : index
    %get3A_917 = tpu.vector_load %arg10[%get3A_914, %get3A_915, %get3A_916] {strides = array<i32>} : memref<2x8x128xi32, #tpu.memory_space<vmem>>, vector<16xi32>,
    tpu.vector_store_idx %arg13[%get3A_917], %broadcast_in_dim3A_22 {add = true} : memref<10112xf32, #tpu.memory_space<vmem>>[vector<16xi32>], vector<16xf32>,
    %get3A_918 = arith.constant 1 : i32
    %get3A_919 = arith.constant 2 : i32
    %get3A_920 = arith.index_cast %get3A_918 : i32 to index
    %get3A_921 = arith.index_cast %get3A_919 : i32 to index
    %get3A_922 = arith.constant 64 : index
    %get3A_923 = tpu.vector_load %arg10[%get3A_920, %get3A_921, %get3A_922] {strides = array<i32>} : memref<2x8x128xi32, #tpu.memory_space<vmem>>, vector<16xi32>,
    tpu.vector_store_idx %arg13[%get3A_923], %broadcast_in_dim3A_22 {add = true} : memref<10112xf32, #tpu.memory_space<vmem>>[vector<16xi32>], vector<16xf32>,
    %get3A_924 = arith.constant 1 : i32
    %get3A_925 = arith.constant 2 : i32
    %get3A_926 = arith.index_cast %get3A_924 : i32 to index
    %get3A_927 = arith.index_cast %get3A_925 : i32 to index
    %get3A_928 = arith.constant 80 : index
    %get3A_929 = tpu.vector_load %arg10[%get3A_926, %get3A_927, %get3A_928] {strides = array<i32>} : memref<2x8x128xi32, #tpu.memory_space<vmem>>, vector<16xi32>,
    tpu.vector_store_idx %arg13[%get3A_929], %broadcast_in_dim3A_22 {add = true} : memref<10112xf32, #tpu.memory_space<vmem>>[vector<16xi32>], vector<16xf32>,
    %get3A_930 = arith.constant 1 : i32
    %get3A_931 = arith.constant 2 : i32
    %get3A_932 = arith.index_cast %get3A_930 : i32 to index
    %get3A_933 = arith.index_cast %get3A_931 : i32 to index
    %get3A_934 = arith.constant 96 : index
    %get3A_935 = tpu.vector_load %arg10[%get3A_932, %get3A_933, %get3A_934] {strides = array<i32>} : memref<2x8x128xi32, #tpu.memory_space<vmem>>, vector<16xi32>,
    tpu.vector_store_idx %arg13[%get3A_935], %broadcast_in_dim3A_22 {add = true} : memref<10112xf32, #tpu.memory_space<vmem>>[vector<16xi32>], vector<16xf32>,
    %get3A_936 = arith.constant 1 : i32
    %get3A_937 = arith.constant 2 : i32
    %get3A_938 = arith.index_cast %get3A_936 : i32 to index
    %get3A_939 = arith.index_cast %get3A_937 : i32 to index
    %get3A_940 = arith.constant 112 : index
    %get3A_941 = tpu.vector_load %arg10[%get3A_938, %get3A_939, %get3A_940] {strides = array<i32>} : memref<2x8x128xi32, #tpu.memory_space<vmem>>, vector<16xi32>,
    tpu.vector_store_idx %arg13[%get3A_941], %broadcast_in_dim3A_22 {add = true} : memref<10112xf32, #tpu.memory_space<vmem>>[vector<16xi32>], vector<16xf32>,
    %dma_start3A_942 = arith.constant 1 : i32
    %dma_start3A_943 = arith.constant 4 : i32
    %dma_start3A_944 = arith.constant 0 : i32
    %dma_start3A_945 = tpu.memref_slice %arg9[%dma_start3A_942, %dma_start3A_943, %dma_start3A_944] : memref<2x8x128xi32, #tpu.memory_space<vmem>> -> memref<1x1x128xi32, #tpu.memory_space<vmem>>
    %dma_start3A_946 = tpu.memref_squeeze %dma_start3A_945 : memref<1x1x128xi32, #tpu.memory_space<vmem>> -> memref<128xi32, #tpu.memory_space<vmem>>
    %dma_start3A_947 = arith.constant 0 : i32
    %dma_start3A_948 = arith.constant 0 : i32
    %dma_start3A_949 = tpu.memref_slice %arg8[%dma_start3A_947, %dma_start3A_948] : memref<10112x64xf32, #tpu.memory_space<vmem_shared>> -> memref<10112x64xf32, #tpu.memory_space<vmem_shared>>
    tpu.enqueue_indirect_dma source(%dma_start3A_949 : memref<10112x64xf32, #tpu.memory_space<vmem_shared>>) target(%arg11 : memref<128x64xf32, #tpu.memory_space<vmem>>) offsets(%dma_start3A_946 : memref<128xi32, #tpu.memory_space<vmem>>) semaphore(%arg14 : memref<!tpu.dma_semaphore, #tpu.memory_space<semaphore_mem>>)
    %dma_wait3A_950 = arith.constant 1 : i32
    %dma_wait3A_951 = arith.constant 3 : i32
    %dma_wait3A_952 = arith.constant 0 : i32
    %dma_wait3A_953 = tpu.memref_slice %arg9[%dma_wait3A_950, %dma_wait3A_951, %dma_wait3A_952] : memref<2x8x128xi32, #tpu.memory_space<vmem>> -> memref<1x1x128xi32, #tpu.memory_space<vmem>>
    %dma_wait3A_954 = tpu.memref_squeeze %dma_wait3A_953 : memref<1x1x128xi32, #tpu.memory_space<vmem>> -> memref<128xi32, #tpu.memory_space<vmem>>
    %dma_wait3A_955 = arith.constant 0 : i32
    %dma_wait3A_956 = arith.constant 0 : i32
    %dma_wait3A_957 = tpu.memref_slice %arg8[%dma_wait3A_955, %dma_wait3A_956] : memref<10112x64xf32, #tpu.memory_space<vmem_shared>> -> memref<10112x64xf32, #tpu.memory_space<vmem_shared>>
    tpu.wait_indirect_dma semaphore(%arg15 : memref<!tpu.dma_semaphore, #tpu.memory_space<semaphore_mem>>) src(%dma_wait3A_957 : memref<10112x64xf32, #tpu.memory_space<vmem_shared>>) dst(%arg12 : memref<128x64xf32, #tpu.memory_space<vmem>>)
    %run_scoped3A_958 = arith.constant 1 : i32
    %run_scoped3A_959 = arith.constant 3 : i32
    "tpu.region"() ({
      %run_scoped3A_1265 = tpu.sem_alloc : memref<!tpu.dma_semaphore, #tpu.memory_space<semaphore_mem>>
      %dma_start3A_1266 = arith.constant 0 : i32
      %dma_start3A_1267 = tpu.memref_slice %arg10[%run_scoped3A_958, %run_scoped3A_959, %dma_start3A_1266] : memref<2x8x128xi32, #tpu.memory_space<vmem>> -> memref<1x1x128xi32, #tpu.memory_space<vmem>>
      %dma_start3A_1268 = tpu.memref_squeeze %dma_start3A_1267 : memref<1x1x128xi32, #tpu.memory_space<vmem>> -> memref<128xi32, #tpu.memory_space<vmem>>
      %dma_start3A_1269 = arith.constant 0 : i32
      %dma_start3A_1270 = arith.constant 0 : i32
      %dma_start3A_1271 = tpu.memref_slice %arg7[%dma_start3A_1269, %dma_start3A_1270] : memref<10112x64xf32, #tpu.memory_space<vmem_shared>> -> memref<10112x64xf32, #tpu.memory_space<vmem_shared>>
      tpu.enqueue_indirect_dma source(%arg12 : memref<128x64xf32, #tpu.memory_space<vmem>>) target(%dma_start3A_1271 : memref<10112x64xf32, #tpu.memory_space<vmem_shared>>) offsets(%dma_start3A_1268 : memref<128xi32, #tpu.memory_space<vmem>>) semaphore(%run_scoped3A_1265 : memref<!tpu.dma_semaphore, #tpu.memory_space<semaphore_mem>>) {add = true}
      %dma_wait3A_1272 = arith.constant 0 : i32
      %dma_wait3A_1273 = tpu.memref_slice %arg10[%run_scoped3A_958, %run_scoped3A_959, %dma_wait3A_1272] : memref<2x8x128xi32, #tpu.memory_space<vmem>> -> memref<1x1x128xi32, #tpu.memory_space<vmem>>
      %dma_wait3A_1274 = tpu.memref_squeeze %dma_wait3A_1273 : memref<1x1x128xi32, #tpu.memory_space<vmem>> -> memref<128xi32, #tpu.memory_space<vmem>>
      %dma_wait3A_1275 = arith.constant 0 : i32
      %dma_wait3A_1276 = arith.constant 0 : i32
      %dma_wait3A_1277 = tpu.memref_slice %arg7[%dma_wait3A_1275, %dma_wait3A_1276] : memref<10112x64xf32, #tpu.memory_space<vmem_shared>> -> memref<10112x64xf32, #tpu.memory_space<vmem_shared>>
      tpu.wait_indirect_dma semaphore(%run_scoped3A_1265 : memref<!tpu.dma_semaphore, #tpu.memory_space<semaphore_mem>>) src(%arg12 : memref<128x64xf32, #tpu.memory_space<vmem>>) dst(%dma_wait3A_1277 : memref<10112x64xf32, #tpu.memory_space<vmem_shared>>)
      tpu.yield
    }) : () -> ()
    %get3A_960 = arith.constant 1 : i32
    %get3A_961 = arith.constant 3 : i32
    %get3A_962 = arith.index_cast %get3A_960 : i32 to index
    %get3A_963 = arith.index_cast %get3A_961 : i32 to index
    %get3A_964 = arith.constant 0 : index
    %get3A_965 = tpu.vector_load %arg10[%get3A_962, %get3A_963, %get3A_964] {strides = array<i32>} : memref<2x8x128xi32, #tpu.memory_space<vmem>>, vector<16xi32>,
    tpu.vector_store_idx %arg13[%get3A_965], %broadcast_in_dim3A_22 {add = true} : memref<10112xf32, #tpu.memory_space<vmem>>[vector<16xi32>], vector<16xf32>,
    %get3A_966 = arith.constant 1 : i32
    %get3A_967 = arith.constant 3 : i32
    %get3A_968 = arith.index_cast %get3A_966 : i32 to index
    %get3A_969 = arith.index_cast %get3A_967 : i32 to index
    %get3A_970 = arith.constant 16 : index
    %get3A_971 = tpu.vector_load %arg10[%get3A_968, %get3A_969, %get3A_970] {strides = array<i32>} : memref<2x8x128xi32, #tpu.memory_space<vmem>>, vector<16xi32>,
    tpu.vector_store_idx %arg13[%get3A_971], %broadcast_in_dim3A_22 {add = true} : memref<10112xf32, #tpu.memory_space<vmem>>[vector<16xi32>], vector<16xf32>,
    %get3A_972 = arith.constant 1 : i32
    %get3A_973 = arith.constant 3 : i32
    %get3A_974 = arith.index_cast %get3A_972 : i32 to index
    %get3A_975 = arith.index_cast %get3A_973 : i32 to index
    %get3A_976 = arith.constant 32 : index
    %get3A_977 = tpu.vector_load %arg10[%get3A_974, %get3A_975, %get3A_976] {strides = array<i32>} : memref<2x8x128xi32, #tpu.memory_space<vmem>>, vector<16xi32>,
    tpu.vector_store_idx %arg13[%get3A_977], %broadcast_in_dim3A_22 {add = true} : memref<10112xf32, #tpu.memory_space<vmem>>[vector<16xi32>], vector<16xf32>,
    %get3A_978 = arith.constant 1 : i32
    %get3A_979 = arith.constant 3 : i32
    %get3A_980 = arith.index_cast %get3A_978 : i32 to index
    %get3A_981 = arith.index_cast %get3A_979 : i32 to index
    %get3A_982 = arith.constant 48 : index
    %get3A_983 = tpu.vector_load %arg10[%get3A_980, %get3A_981, %get3A_982] {strides = array<i32>} : memref<2x8x128xi32, #tpu.memory_space<vmem>>, vector<16xi32>,
    tpu.vector_store_idx %arg13[%get3A_983], %broadcast_in_dim3A_22 {add = true} : memref<10112xf32, #tpu.memory_space<vmem>>[vector<16xi32>], vector<16xf32>,
    %get3A_984 = arith.constant 1 : i32
    %get3A_985 = arith.constant 3 : i32
    %get3A_986 = arith.index_cast %get3A_984 : i32 to index
    %get3A_987 = arith.index_cast %get3A_985 : i32 to index
    %get3A_988 = arith.constant 64 : index
    %get3A_989 = tpu.vector_load %arg10[%get3A_986, %get3A_987, %get3A_988] {strides = array<i32>} : memref<2x8x128xi32, #tpu.memory_space<vmem>>, vector<16xi32>,
    tpu.vector_store_idx %arg13[%get3A_989], %broadcast_in_dim3A_22 {add = true} : memref<10112xf32, #tpu.memory_space<vmem>>[vector<16xi32>], vector<16xf32>,
    %get3A_990 = arith.constant 1 : i32
    %get3A_991 = arith.constant 3 : i32
    %get3A_992 = arith.index_cast %get3A_990 : i32 to index
    %get3A_993 = arith.index_cast %get3A_991 : i32 to index
    %get3A_994 = arith.constant 80 : index
    %get3A_995 = tpu.vector_load %arg10[%get3A_992, %get3A_993, %get3A_994] {strides = array<i32>} : memref<2x8x128xi32, #tpu.memory_space<vmem>>, vector<16xi32>,
    tpu.vector_store_idx %arg13[%get3A_995], %broadcast_in_dim3A_22 {add = true} : memref<10112xf32, #tpu.memory_space<vmem>>[vector<16xi32>], vector<16xf32>,
    %get3A_996 = arith.constant 1 : i32
    %get3A_997 = arith.constant 3 : i32
    %get3A_998 = arith.index_cast %get3A_996 : i32 to index
    %get3A_999 = arith.index_cast %get3A_997 : i32 to index
    %get3A_1000 = arith.constant 96 : index
    %get3A_1001 = tpu.vector_load %arg10[%get3A_998, %get3A_999, %get3A_1000] {strides = array<i32>} : memref<2x8x128xi32, #tpu.memory_space<vmem>>, vector<16xi32>,
    tpu.vector_store_idx %arg13[%get3A_1001], %broadcast_in_dim3A_22 {add = true} : memref<10112xf32, #tpu.memory_space<vmem>>[vector<16xi32>], vector<16xf32>,
    %get3A_1002 = arith.constant 1 : i32
    %get3A_1003 = arith.constant 3 : i32
    %get3A_1004 = arith.index_cast %get3A_1002 : i32 to index
    %get3A_1005 = arith.index_cast %get3A_1003 : i32 to index
    %get3A_1006 = arith.constant 112 : index
    %get3A_1007 = tpu.vector_load %arg10[%get3A_1004, %get3A_1005, %get3A_1006] {strides = array<i32>} : memref<2x8x128xi32, #tpu.memory_space<vmem>>, vector<16xi32>,
    tpu.vector_store_idx %arg13[%get3A_1007], %broadcast_in_dim3A_22 {add = true} : memref<10112xf32, #tpu.memory_space<vmem>>[vector<16xi32>], vector<16xf32>,
    %dma_start3A_1008 = arith.constant 1 : i32
    %dma_start3A_1009 = arith.constant 5 : i32
    %dma_start3A_1010 = arith.constant 0 : i32
    %dma_start3A_1011 = tpu.memref_slice %arg9[%dma_start3A_1008, %dma_start3A_1009, %dma_start3A_1010] : memref<2x8x128xi32, #tpu.memory_space<vmem>> -> memref<1x1x128xi32, #tpu.memory_space<vmem>>
    %dma_start3A_1012 = tpu.memref_squeeze %dma_start3A_1011 : memref<1x1x128xi32, #tpu.memory_space<vmem>> -> memref<128xi32, #tpu.memory_space<vmem>>
    %dma_start3A_1013 = arith.constant 0 : i32
    %dma_start3A_1014 = arith.constant 0 : i32
    %dma_start3A_1015 = tpu.memref_slice %arg8[%dma_start3A_1013, %dma_start3A_1014] : memref<10112x64xf32, #tpu.memory_space<vmem_shared>> -> memref<10112x64xf32, #tpu.memory_space<vmem_shared>>
    tpu.enqueue_indirect_dma source(%dma_start3A_1015 : memref<10112x64xf32, #tpu.memory_space<vmem_shared>>) target(%arg12 : memref<128x64xf32, #tpu.memory_space<vmem>>) offsets(%dma_start3A_1012 : memref<128xi32, #tpu.memory_space<vmem>>) semaphore(%arg15 : memref<!tpu.dma_semaphore, #tpu.memory_space<semaphore_mem>>)
    %dma_wait3A_1016 = arith.constant 1 : i32
    %dma_wait3A_1017 = arith.constant 4 : i32
    %dma_wait3A_1018 = arith.constant 0 : i32
    %dma_wait3A_1019 = tpu.memref_slice %arg9[%dma_wait3A_1016, %dma_wait3A_1017, %dma_wait3A_1018] : memref<2x8x128xi32, #tpu.memory_space<vmem>> -> memref<1x1x128xi32, #tpu.memory_space<vmem>>
    %dma_wait3A_1020 = tpu.memref_squeeze %dma_wait3A_1019 : memref<1x1x128xi32, #tpu.memory_space<vmem>> -> memref<128xi32, #tpu.memory_space<vmem>>
    %dma_wait3A_1021 = arith.constant 0 : i32
    %dma_wait3A_1022 = arith.constant 0 : i32
    %dma_wait3A_1023 = tpu.memref_slice %arg8[%dma_wait3A_1021, %dma_wait3A_1022] : memref<10112x64xf32, #tpu.memory_space<vmem_shared>> -> memref<10112x64xf32, #tpu.memory_space<vmem_shared>>
    tpu.wait_indirect_dma semaphore(%arg14 : memref<!tpu.dma_semaphore, #tpu.memory_space<semaphore_mem>>) src(%dma_wait3A_1023 : memref<10112x64xf32, #tpu.memory_space<vmem_shared>>) dst(%arg11 : memref<128x64xf32, #tpu.memory_space<vmem>>)
    %run_scoped3A_1024 = arith.constant 1 : i32
    %run_scoped3A_1025 = arith.constant 4 : i32
    "tpu.region"() ({
      %run_scoped3A_1265 = tpu.sem_alloc : memref<!tpu.dma_semaphore, #tpu.memory_space<semaphore_mem>>
      %dma_start3A_1266 = arith.constant 0 : i32
      %dma_start3A_1267 = tpu.memref_slice %arg10[%run_scoped3A_1024, %run_scoped3A_1025, %dma_start3A_1266] : memref<2x8x128xi32, #tpu.memory_space<vmem>> -> memref<1x1x128xi32, #tpu.memory_space<vmem>>
      %dma_start3A_1268 = tpu.memref_squeeze %dma_start3A_1267 : memref<1x1x128xi32, #tpu.memory_space<vmem>> -> memref<128xi32, #tpu.memory_space<vmem>>
      %dma_start3A_1269 = arith.constant 0 : i32
      %dma_start3A_1270 = arith.constant 0 : i32
      %dma_start3A_1271 = tpu.memref_slice %arg7[%dma_start3A_1269, %dma_start3A_1270] : memref<10112x64xf32, #tpu.memory_space<vmem_shared>> -> memref<10112x64xf32, #tpu.memory_space<vmem_shared>>
      tpu.enqueue_indirect_dma source(%arg11 : memref<128x64xf32, #tpu.memory_space<vmem>>) target(%dma_start3A_1271 : memref<10112x64xf32, #tpu.memory_space<vmem_shared>>) offsets(%dma_start3A_1268 : memref<128xi32, #tpu.memory_space<vmem>>) semaphore(%run_scoped3A_1265 : memref<!tpu.dma_semaphore, #tpu.memory_space<semaphore_mem>>) {add = true}
      %dma_wait3A_1272 = arith.constant 0 : i32
      %dma_wait3A_1273 = tpu.memref_slice %arg10[%run_scoped3A_1024, %run_scoped3A_1025, %dma_wait3A_1272] : memref<2x8x128xi32, #tpu.memory_space<vmem>> -> memref<1x1x128xi32, #tpu.memory_space<vmem>>
      %dma_wait3A_1274 = tpu.memref_squeeze %dma_wait3A_1273 : memref<1x1x128xi32, #tpu.memory_space<vmem>> -> memref<128xi32, #tpu.memory_space<vmem>>
      %dma_wait3A_1275 = arith.constant 0 : i32
      %dma_wait3A_1276 = arith.constant 0 : i32
      %dma_wait3A_1277 = tpu.memref_slice %arg7[%dma_wait3A_1275, %dma_wait3A_1276] : memref<10112x64xf32, #tpu.memory_space<vmem_shared>> -> memref<10112x64xf32, #tpu.memory_space<vmem_shared>>
      tpu.wait_indirect_dma semaphore(%run_scoped3A_1265 : memref<!tpu.dma_semaphore, #tpu.memory_space<semaphore_mem>>) src(%arg11 : memref<128x64xf32, #tpu.memory_space<vmem>>) dst(%dma_wait3A_1277 : memref<10112x64xf32, #tpu.memory_space<vmem_shared>>)
      tpu.yield
    }) : () -> ()
    %get3A_1026 = arith.constant 1 : i32
    %get3A_1027 = arith.constant 4 : i32
    %get3A_1028 = arith.index_cast %get3A_1026 : i32 to index
    %get3A_1029 = arith.index_cast %get3A_1027 : i32 to index
    %get3A_1030 = arith.constant 0 : index
    %get3A_1031 = tpu.vector_load %arg10[%get3A_1028, %get3A_1029, %get3A_1030] {strides = array<i32>} : memref<2x8x128xi32, #tpu.memory_space<vmem>>, vector<16xi32>,
    tpu.vector_store_idx %arg13[%get3A_1031], %broadcast_in_dim3A_22 {add = true} : memref<10112xf32, #tpu.memory_space<vmem>>[vector<16xi32>], vector<16xf32>,
    %get3A_1032 = arith.constant 1 : i32
    %get3A_1033 = arith.constant 4 : i32
    %get3A_1034 = arith.index_cast %get3A_1032 : i32 to index
    %get3A_1035 = arith.index_cast %get3A_1033 : i32 to index
    %get3A_1036 = arith.constant 16 : index
    %get3A_1037 = tpu.vector_load %arg10[%get3A_1034, %get3A_1035, %get3A_1036] {strides = array<i32>} : memref<2x8x128xi32, #tpu.memory_space<vmem>>, vector<16xi32>,
    tpu.vector_store_idx %arg13[%get3A_1037], %broadcast_in_dim3A_22 {add = true} : memref<10112xf32, #tpu.memory_space<vmem>>[vector<16xi32>], vector<16xf32>,
    %get3A_1038 = arith.constant 1 : i32
    %get3A_1039 = arith.constant 4 : i32
    %get3A_1040 = arith.index_cast %get3A_1038 : i32 to index
    %get3A_1041 = arith.index_cast %get3A_1039 : i32 to index
    %get3A_1042 = arith.constant 32 : index
    %get3A_1043 = tpu.vector_load %arg10[%get3A_1040, %get3A_1041, %get3A_1042] {strides = array<i32>} : memref<2x8x128xi32, #tpu.memory_space<vmem>>, vector<16xi32>,
    tpu.vector_store_idx %arg13[%get3A_1043], %broadcast_in_dim3A_22 {add = true} : memref<10112xf32, #tpu.memory_space<vmem>>[vector<16xi32>], vector<16xf32>,
    %get3A_1044 = arith.constant 1 : i32
    %get3A_1045 = arith.constant 4 : i32
    %get3A_1046 = arith.index_cast %get3A_1044 : i32 to index
    %get3A_1047 = arith.index_cast %get3A_1045 : i32 to index
    %get3A_1048 = arith.constant 48 : index
    %get3A_1049 = tpu.vector_load %arg10[%get3A_1046, %get3A_1047, %get3A_1048] {strides = array<i32>} : memref<2x8x128xi32, #tpu.memory_space<vmem>>, vector<16xi32>,
    tpu.vector_store_idx %arg13[%get3A_1049], %broadcast_in_dim3A_22 {add = true} : memref<10112xf32, #tpu.memory_space<vmem>>[vector<16xi32>], vector<16xf32>,
    %get3A_1050 = arith.constant 1 : i32
    %get3A_1051 = arith.constant 4 : i32
    %get3A_1052 = arith.index_cast %get3A_1050 : i32 to index
    %get3A_1053 = arith.index_cast %get3A_1051 : i32 to index
    %get3A_1054 = arith.constant 64 : index
    %get3A_1055 = tpu.vector_load %arg10[%get3A_1052, %get3A_1053, %get3A_1054] {strides = array<i32>} : memref<2x8x128xi32, #tpu.memory_space<vmem>>, vector<16xi32>,
    tpu.vector_store_idx %arg13[%get3A_1055], %broadcast_in_dim3A_22 {add = true} : memref<10112xf32, #tpu.memory_space<vmem>>[vector<16xi32>], vector<16xf32>,
    %get3A_1056 = arith.constant 1 : i32
    %get3A_1057 = arith.constant 4 : i32
    %get3A_1058 = arith.index_cast %get3A_1056 : i32 to index
    %get3A_1059 = arith.index_cast %get3A_1057 : i32 to index
    %get3A_1060 = arith.constant 80 : index
    %get3A_1061 = tpu.vector_load %arg10[%get3A_1058, %get3A_1059, %get3A_1060] {strides = array<i32>} : memref<2x8x128xi32, #tpu.memory_space<vmem>>, vector<16xi32>,
    tpu.vector_store_idx %arg13[%get3A_1061], %broadcast_in_dim3A_22 {add = true} : memref<10112xf32, #tpu.memory_space<vmem>>[vector<16xi32>], vector<16xf32>,
    %get3A_1062 = arith.constant 1 : i32
    %get3A_1063 = arith.constant 4 : i32
    %get3A_1064 = arith.index_cast %get3A_1062 : i32 to index
    %get3A_1065 = arith.index_cast %get3A_1063 : i32 to index
    %get3A_1066 = arith.constant 96 : index
    %get3A_1067 = tpu.vector_load %arg10[%get3A_1064, %get3A_1065, %get3A_1066] {strides = array<i32>} : memref<2x8x128xi32, #tpu.memory_space<vmem>>, vector<16xi32>,
    tpu.vector_store_idx %arg13[%get3A_1067], %broadcast_in_dim3A_22 {add = true} : memref<10112xf32, #tpu.memory_space<vmem>>[vector<16xi32>], vector<16xf32>,
    %get3A_1068 = arith.constant 1 : i32
    %get3A_1069 = arith.constant 4 : i32
    %get3A_1070 = arith.index_cast %get3A_1068 : i32 to index
    %get3A_1071 = arith.index_cast %get3A_1069 : i32 to index
    %get3A_1072 = arith.constant 112 : index
    %get3A_1073 = tpu.vector_load %arg10[%get3A_1070, %get3A_1071, %get3A_1072] {strides = array<i32>} : memref<2x8x128xi32, #tpu.memory_space<vmem>>, vector<16xi32>,
    tpu.vector_store_idx %arg13[%get3A_1073], %broadcast_in_dim3A_22 {add = true} : memref<10112xf32, #tpu.memory_space<vmem>>[vector<16xi32>], vector<16xf32>,
    %dma_start3A_1074 = arith.constant 1 : i32
    %dma_start3A_1075 = arith.constant 6 : i32
    %dma_start3A_1076 = arith.constant 0 : i32
    %dma_start3A_1077 = tpu.memref_slice %arg9[%dma_start3A_1074, %dma_start3A_1075, %dma_start3A_1076] : memref<2x8x128xi32, #tpu.memory_space<vmem>> -> memref<1x1x128xi32, #tpu.memory_space<vmem>>
    %dma_start3A_1078 = tpu.memref_squeeze %dma_start3A_1077 : memref<1x1x128xi32, #tpu.memory_space<vmem>> -> memref<128xi32, #tpu.memory_space<vmem>>
    %dma_start3A_1079 = arith.constant 0 : i32
    %dma_start3A_1080 = arith.constant 0 : i32
    %dma_start3A_1081 = tpu.memref_slice %arg8[%dma_start3A_1079, %dma_start3A_1080] : memref<10112x64xf32, #tpu.memory_space<vmem_shared>> -> memref<10112x64xf32, #tpu.memory_space<vmem_shared>>
    tpu.enqueue_indirect_dma source(%dma_start3A_1081 : memref<10112x64xf32, #tpu.memory_space<vmem_shared>>) target(%arg11 : memref<128x64xf32, #tpu.memory_space<vmem>>) offsets(%dma_start3A_1078 : memref<128xi32, #tpu.memory_space<vmem>>) semaphore(%arg14 : memref<!tpu.dma_semaphore, #tpu.memory_space<semaphore_mem>>)
    %dma_wait3A_1082 = arith.constant 1 : i32
    %dma_wait3A_1083 = arith.constant 5 : i32
    %dma_wait3A_1084 = arith.constant 0 : i32
    %dma_wait3A_1085 = tpu.memref_slice %arg9[%dma_wait3A_1082, %dma_wait3A_1083, %dma_wait3A_1084] : memref<2x8x128xi32, #tpu.memory_space<vmem>> -> memref<1x1x128xi32, #tpu.memory_space<vmem>>
    %dma_wait3A_1086 = tpu.memref_squeeze %dma_wait3A_1085 : memref<1x1x128xi32, #tpu.memory_space<vmem>> -> memref<128xi32, #tpu.memory_space<vmem>>
    %dma_wait3A_1087 = arith.constant 0 : i32
    %dma_wait3A_1088 = arith.constant 0 : i32
    %dma_wait3A_1089 = tpu.memref_slice %arg8[%dma_wait3A_1087, %dma_wait3A_1088] : memref<10112x64xf32, #tpu.memory_space<vmem_shared>> -> memref<10112x64xf32, #tpu.memory_space<vmem_shared>>
    tpu.wait_indirect_dma semaphore(%arg15 : memref<!tpu.dma_semaphore, #tpu.memory_space<semaphore_mem>>) src(%dma_wait3A_1089 : memref<10112x64xf32, #tpu.memory_space<vmem_shared>>) dst(%arg12 : memref<128x64xf32, #tpu.memory_space<vmem>>)
    %run_scoped3A_1090 = arith.constant 1 : i32
    %run_scoped3A_1091 = arith.constant 5 : i32
    "tpu.region"() ({
      %run_scoped3A_1265 = tpu.sem_alloc : memref<!tpu.dma_semaphore, #tpu.memory_space<semaphore_mem>>
      %dma_start3A_1266 = arith.constant 0 : i32
      %dma_start3A_1267 = tpu.memref_slice %arg10[%run_scoped3A_1090, %run_scoped3A_1091, %dma_start3A_1266] : memref<2x8x128xi32, #tpu.memory_space<vmem>> -> memref<1x1x128xi32, #tpu.memory_space<vmem>>
      %dma_start3A_1268 = tpu.memref_squeeze %dma_start3A_1267 : memref<1x1x128xi32, #tpu.memory_space<vmem>> -> memref<128xi32, #tpu.memory_space<vmem>>
      %dma_start3A_1269 = arith.constant 0 : i32
      %dma_start3A_1270 = arith.constant 0 : i32
      %dma_start3A_1271 = tpu.memref_slice %arg7[%dma_start3A_1269, %dma_start3A_1270] : memref<10112x64xf32, #tpu.memory_space<vmem_shared>> -> memref<10112x64xf32, #tpu.memory_space<vmem_shared>>
      tpu.enqueue_indirect_dma source(%arg12 : memref<128x64xf32, #tpu.memory_space<vmem>>) target(%dma_start3A_1271 : memref<10112x64xf32, #tpu.memory_space<vmem_shared>>) offsets(%dma_start3A_1268 : memref<128xi32, #tpu.memory_space<vmem>>) semaphore(%run_scoped3A_1265 : memref<!tpu.dma_semaphore, #tpu.memory_space<semaphore_mem>>) {add = true}
      %dma_wait3A_1272 = arith.constant 0 : i32
      %dma_wait3A_1273 = tpu.memref_slice %arg10[%run_scoped3A_1090, %run_scoped3A_1091, %dma_wait3A_1272] : memref<2x8x128xi32, #tpu.memory_space<vmem>> -> memref<1x1x128xi32, #tpu.memory_space<vmem>>
      %dma_wait3A_1274 = tpu.memref_squeeze %dma_wait3A_1273 : memref<1x1x128xi32, #tpu.memory_space<vmem>> -> memref<128xi32, #tpu.memory_space<vmem>>
      %dma_wait3A_1275 = arith.constant 0 : i32
      %dma_wait3A_1276 = arith.constant 0 : i32
      %dma_wait3A_1277 = tpu.memref_slice %arg7[%dma_wait3A_1275, %dma_wait3A_1276] : memref<10112x64xf32, #tpu.memory_space<vmem_shared>> -> memref<10112x64xf32, #tpu.memory_space<vmem_shared>>
      tpu.wait_indirect_dma semaphore(%run_scoped3A_1265 : memref<!tpu.dma_semaphore, #tpu.memory_space<semaphore_mem>>) src(%arg12 : memref<128x64xf32, #tpu.memory_space<vmem>>) dst(%dma_wait3A_1277 : memref<10112x64xf32, #tpu.memory_space<vmem_shared>>)
      tpu.yield
    }) : () -> ()
    %get3A_1092 = arith.constant 1 : i32
    %get3A_1093 = arith.constant 5 : i32
    %get3A_1094 = arith.index_cast %get3A_1092 : i32 to index
    %get3A_1095 = arith.index_cast %get3A_1093 : i32 to index
    %get3A_1096 = arith.constant 0 : index
    %get3A_1097 = tpu.vector_load %arg10[%get3A_1094, %get3A_1095, %get3A_1096] {strides = array<i32>} : memref<2x8x128xi32, #tpu.memory_space<vmem>>, vector<16xi32>,
    tpu.vector_store_idx %arg13[%get3A_1097], %broadcast_in_dim3A_22 {add = true} : memref<10112xf32, #tpu.memory_space<vmem>>[vector<16xi32>], vector<16xf32>,
    %get3A_1098 = arith.constant 1 : i32
    %get3A_1099 = arith.constant 5 : i32
    %get3A_1100 = arith.index_cast %get3A_1098 : i32 to index
    %get3A_1101 = arith.index_cast %get3A_1099 : i32 to index
    %get3A_1102 = arith.constant 16 : index
    %get3A_1103 = tpu.vector_load %arg10[%get3A_1100, %get3A_1101, %get3A_1102] {strides = array<i32>} : memref<2x8x128xi32, #tpu.memory_space<vmem>>, vector<16xi32>,
    tpu.vector_store_idx %arg13[%get3A_1103], %broadcast_in_dim3A_22 {add = true} : memref<10112xf32, #tpu.memory_space<vmem>>[vector<16xi32>], vector<16xf32>,
    %get3A_1104 = arith.constant 1 : i32
    %get3A_1105 = arith.constant 5 : i32
    %get3A_1106 = arith.index_cast %get3A_1104 : i32 to index
    %get3A_1107 = arith.index_cast %get3A_1105 : i32 to index
    %get3A_1108 = arith.constant 32 : index
    %get3A_1109 = tpu.vector_load %arg10[%get3A_1106, %get3A_1107, %get3A_1108] {strides = array<i32>} : memref<2x8x128xi32, #tpu.memory_space<vmem>>, vector<16xi32>,
    tpu.vector_store_idx %arg13[%get3A_1109], %broadcast_in_dim3A_22 {add = true} : memref<10112xf32, #tpu.memory_space<vmem>>[vector<16xi32>], vector<16xf32>,
    %get3A_1110 = arith.constant 1 : i32
    %get3A_1111 = arith.constant 5 : i32
    %get3A_1112 = arith.index_cast %get3A_1110 : i32 to index
    %get3A_1113 = arith.index_cast %get3A_1111 : i32 to index
    %get3A_1114 = arith.constant 48 : index
    %get3A_1115 = tpu.vector_load %arg10[%get3A_1112, %get3A_1113, %get3A_1114] {strides = array<i32>} : memref<2x8x128xi32, #tpu.memory_space<vmem>>, vector<16xi32>,
    tpu.vector_store_idx %arg13[%get3A_1115], %broadcast_in_dim3A_22 {add = true} : memref<10112xf32, #tpu.memory_space<vmem>>[vector<16xi32>], vector<16xf32>,
    %get3A_1116 = arith.constant 1 : i32
    %get3A_1117 = arith.constant 5 : i32
    %get3A_1118 = arith.index_cast %get3A_1116 : i32 to index
    %get3A_1119 = arith.index_cast %get3A_1117 : i32 to index
    %get3A_1120 = arith.constant 64 : index
    %get3A_1121 = tpu.vector_load %arg10[%get3A_1118, %get3A_1119, %get3A_1120] {strides = array<i32>} : memref<2x8x128xi32, #tpu.memory_space<vmem>>, vector<16xi32>,
    tpu.vector_store_idx %arg13[%get3A_1121], %broadcast_in_dim3A_22 {add = true} : memref<10112xf32, #tpu.memory_space<vmem>>[vector<16xi32>], vector<16xf32>,
    %get3A_1122 = arith.constant 1 : i32
    %get3A_1123 = arith.constant 5 : i32
    %get3A_1124 = arith.index_cast %get3A_1122 : i32 to index
    %get3A_1125 = arith.index_cast %get3A_1123 : i32 to index
    %get3A_1126 = arith.constant 80 : index
    %get3A_1127 = tpu.vector_load %arg10[%get3A_1124, %get3A_1125, %get3A_1126] {strides = array<i32>} : memref<2x8x128xi32, #tpu.memory_space<vmem>>, vector<16xi32>,
    tpu.vector_store_idx %arg13[%get3A_1127], %broadcast_in_dim3A_22 {add = true} : memref<10112xf32, #tpu.memory_space<vmem>>[vector<16xi32>], vector<16xf32>,
    %get3A_1128 = arith.constant 1 : i32
    %get3A_1129 = arith.constant 5 : i32
    %get3A_1130 = arith.index_cast %get3A_1128 : i32 to index
    %get3A_1131 = arith.index_cast %get3A_1129 : i32 to index
    %get3A_1132 = arith.constant 96 : index
    %get3A_1133 = tpu.vector_load %arg10[%get3A_1130, %get3A_1131, %get3A_1132] {strides = array<i32>} : memref<2x8x128xi32, #tpu.memory_space<vmem>>, vector<16xi32>,
    tpu.vector_store_idx %arg13[%get3A_1133], %broadcast_in_dim3A_22 {add = true} : memref<10112xf32, #tpu.memory_space<vmem>>[vector<16xi32>], vector<16xf32>,
    %get3A_1134 = arith.constant 1 : i32
    %get3A_1135 = arith.constant 5 : i32
    %get3A_1136 = arith.index_cast %get3A_1134 : i32 to index
    %get3A_1137 = arith.index_cast %get3A_1135 : i32 to index
    %get3A_1138 = arith.constant 112 : index
    %get3A_1139 = tpu.vector_load %arg10[%get3A_1136, %get3A_1137, %get3A_1138] {strides = array<i32>} : memref<2x8x128xi32, #tpu.memory_space<vmem>>, vector<16xi32>,
    tpu.vector_store_idx %arg13[%get3A_1139], %broadcast_in_dim3A_22 {add = true} : memref<10112xf32, #tpu.memory_space<vmem>>[vector<16xi32>], vector<16xf32>,
    %dma_start3A_1140 = arith.constant 1 : i32
    %dma_start3A_1141 = arith.constant 7 : i32
    %dma_start3A_1142 = arith.constant 0 : i32
    %dma_start3A_1143 = tpu.memref_slice %arg9[%dma_start3A_1140, %dma_start3A_1141, %dma_start3A_1142] : memref<2x8x128xi32, #tpu.memory_space<vmem>> -> memref<1x1x128xi32, #tpu.memory_space<vmem>>
    %dma_start3A_1144 = tpu.memref_squeeze %dma_start3A_1143 : memref<1x1x128xi32, #tpu.memory_space<vmem>> -> memref<128xi32, #tpu.memory_space<vmem>>
    %dma_start3A_1145 = arith.constant 0 : i32
    %dma_start3A_1146 = arith.constant 0 : i32
    %dma_start3A_1147 = tpu.memref_slice %arg8[%dma_start3A_1145, %dma_start3A_1146] : memref<10112x64xf32, #tpu.memory_space<vmem_shared>> -> memref<10112x64xf32, #tpu.memory_space<vmem_shared>>
    tpu.enqueue_indirect_dma source(%dma_start3A_1147 : memref<10112x64xf32, #tpu.memory_space<vmem_shared>>) target(%arg12 : memref<128x64xf32, #tpu.memory_space<vmem>>) offsets(%dma_start3A_1144 : memref<128xi32, #tpu.memory_space<vmem>>) semaphore(%arg15 : memref<!tpu.dma_semaphore, #tpu.memory_space<semaphore_mem>>)
    %dma_wait3A_1148 = arith.constant 1 : i32
    %dma_wait3A_1149 = arith.constant 6 : i32
    %dma_wait3A_1150 = arith.constant 0 : i32
    %dma_wait3A_1151 = tpu.memref_slice %arg9[%dma_wait3A_1148, %dma_wait3A_1149, %dma_wait3A_1150] : memref<2x8x128xi32, #tpu.memory_space<vmem>> -> memref<1x1x128xi32, #tpu.memory_space<vmem>>
    %dma_wait3A_1152 = tpu.memref_squeeze %dma_wait3A_1151 : memref<1x1x128xi32, #tpu.memory_space<vmem>> -> memref<128xi32, #tpu.memory_space<vmem>>
    %dma_wait3A_1153 = arith.constant 0 : i32
    %dma_wait3A_1154 = arith.constant 0 : i32
    %dma_wait3A_1155 = tpu.memref_slice %arg8[%dma_wait3A_1153, %dma_wait3A_1154] : memref<10112x64xf32, #tpu.memory_space<vmem_shared>> -> memref<10112x64xf32, #tpu.memory_space<vmem_shared>>
    tpu.wait_indirect_dma semaphore(%arg14 : memref<!tpu.dma_semaphore, #tpu.memory_space<semaphore_mem>>) src(%dma_wait3A_1155 : memref<10112x64xf32, #tpu.memory_space<vmem_shared>>) dst(%arg11 : memref<128x64xf32, #tpu.memory_space<vmem>>)
    %run_scoped3A_1156 = arith.constant 1 : i32
    %run_scoped3A_1157 = arith.constant 6 : i32
    "tpu.region"() ({
      %run_scoped3A_1265 = tpu.sem_alloc : memref<!tpu.dma_semaphore, #tpu.memory_space<semaphore_mem>>
      %dma_start3A_1266 = arith.constant 0 : i32
      %dma_start3A_1267 = tpu.memref_slice %arg10[%run_scoped3A_1156, %run_scoped3A_1157, %dma_start3A_1266] : memref<2x8x128xi32, #tpu.memory_space<vmem>> -> memref<1x1x128xi32, #tpu.memory_space<vmem>>
      %dma_start3A_1268 = tpu.memref_squeeze %dma_start3A_1267 : memref<1x1x128xi32, #tpu.memory_space<vmem>> -> memref<128xi32, #tpu.memory_space<vmem>>
      %dma_start3A_1269 = arith.constant 0 : i32
      %dma_start3A_1270 = arith.constant 0 : i32
      %dma_start3A_1271 = tpu.memref_slice %arg7[%dma_start3A_1269, %dma_start3A_1270] : memref<10112x64xf32, #tpu.memory_space<vmem_shared>> -> memref<10112x64xf32, #tpu.memory_space<vmem_shared>>
      tpu.enqueue_indirect_dma source(%arg11 : memref<128x64xf32, #tpu.memory_space<vmem>>) target(%dma_start3A_1271 : memref<10112x64xf32, #tpu.memory_space<vmem_shared>>) offsets(%dma_start3A_1268 : memref<128xi32, #tpu.memory_space<vmem>>) semaphore(%run_scoped3A_1265 : memref<!tpu.dma_semaphore, #tpu.memory_space<semaphore_mem>>) {add = true}
      %dma_wait3A_1272 = arith.constant 0 : i32
      %dma_wait3A_1273 = tpu.memref_slice %arg10[%run_scoped3A_1156, %run_scoped3A_1157, %dma_wait3A_1272] : memref<2x8x128xi32, #tpu.memory_space<vmem>> -> memref<1x1x128xi32, #tpu.memory_space<vmem>>
      %dma_wait3A_1274 = tpu.memref_squeeze %dma_wait3A_1273 : memref<1x1x128xi32, #tpu.memory_space<vmem>> -> memref<128xi32, #tpu.memory_space<vmem>>
      %dma_wait3A_1275 = arith.constant 0 : i32
      %dma_wait3A_1276 = arith.constant 0 : i32
      %dma_wait3A_1277 = tpu.memref_slice %arg7[%dma_wait3A_1275, %dma_wait3A_1276] : memref<10112x64xf32, #tpu.memory_space<vmem_shared>> -> memref<10112x64xf32, #tpu.memory_space<vmem_shared>>
      tpu.wait_indirect_dma semaphore(%run_scoped3A_1265 : memref<!tpu.dma_semaphore, #tpu.memory_space<semaphore_mem>>) src(%arg11 : memref<128x64xf32, #tpu.memory_space<vmem>>) dst(%dma_wait3A_1277 : memref<10112x64xf32, #tpu.memory_space<vmem_shared>>)
      tpu.yield
    }) : () -> ()
    %get3A_1158 = arith.constant 1 : i32
    %get3A_1159 = arith.constant 6 : i32
    %get3A_1160 = arith.index_cast %get3A_1158 : i32 to index
    %get3A_1161 = arith.index_cast %get3A_1159 : i32 to index
    %get3A_1162 = arith.constant 0 : index
    %get3A_1163 = tpu.vector_load %arg10[%get3A_1160, %get3A_1161, %get3A_1162] {strides = array<i32>} : memref<2x8x128xi32, #tpu.memory_space<vmem>>, vector<16xi32>,
    tpu.vector_store_idx %arg13[%get3A_1163], %broadcast_in_dim3A_22 {add = true} : memref<10112xf32, #tpu.memory_space<vmem>>[vector<16xi32>], vector<16xf32>,
    %get3A_1164 = arith.constant 1 : i32
    %get3A_1165 = arith.constant 6 : i32
    %get3A_1166 = arith.index_cast %get3A_1164 : i32 to index
    %get3A_1167 = arith.index_cast %get3A_1165 : i32 to index
    %get3A_1168 = arith.constant 16 : index
    %get3A_1169 = tpu.vector_load %arg10[%get3A_1166, %get3A_1167, %get3A_1168] {strides = array<i32>} : memref<2x8x128xi32, #tpu.memory_space<vmem>>, vector<16xi32>,
    tpu.vector_store_idx %arg13[%get3A_1169], %broadcast_in_dim3A_22 {add = true} : memref<10112xf32, #tpu.memory_space<vmem>>[vector<16xi32>], vector<16xf32>,
    %get3A_1170 = arith.constant 1 : i32
    %get3A_1171 = arith.constant 6 : i32
    %get3A_1172 = arith.index_cast %get3A_1170 : i32 to index
    %get3A_1173 = arith.index_cast %get3A_1171 : i32 to index
    %get3A_1174 = arith.constant 32 : index
    %get3A_1175 = tpu.vector_load %arg10[%get3A_1172, %get3A_1173, %get3A_1174] {strides = array<i32>} : memref<2x8x128xi32, #tpu.memory_space<vmem>>, vector<16xi32>,
    tpu.vector_store_idx %arg13[%get3A_1175], %broadcast_in_dim3A_22 {add = true} : memref<10112xf32, #tpu.memory_space<vmem>>[vector<16xi32>], vector<16xf32>,
    %get3A_1176 = arith.constant 1 : i32
    %get3A_1177 = arith.constant 6 : i32
    %get3A_1178 = arith.index_cast %get3A_1176 : i32 to index
    %get3A_1179 = arith.index_cast %get3A_1177 : i32 to index
    %get3A_1180 = arith.constant 48 : index
    %get3A_1181 = tpu.vector_load %arg10[%get3A_1178, %get3A_1179, %get3A_1180] {strides = array<i32>} : memref<2x8x128xi32, #tpu.memory_space<vmem>>, vector<16xi32>,
    tpu.vector_store_idx %arg13[%get3A_1181], %broadcast_in_dim3A_22 {add = true} : memref<10112xf32, #tpu.memory_space<vmem>>[vector<16xi32>], vector<16xf32>,
    %get3A_1182 = arith.constant 1 : i32
    %get3A_1183 = arith.constant 6 : i32
    %get3A_1184 = arith.index_cast %get3A_1182 : i32 to index
    %get3A_1185 = arith.index_cast %get3A_1183 : i32 to index
    %get3A_1186 = arith.constant 64 : index
    %get3A_1187 = tpu.vector_load %arg10[%get3A_1184, %get3A_1185, %get3A_1186] {strides = array<i32>} : memref<2x8x128xi32, #tpu.memory_space<vmem>>, vector<16xi32>,
    tpu.vector_store_idx %arg13[%get3A_1187], %broadcast_in_dim3A_22 {add = true} : memref<10112xf32, #tpu.memory_space<vmem>>[vector<16xi32>], vector<16xf32>,
    %get3A_1188 = arith.constant 1 : i32
    %get3A_1189 = arith.constant 6 : i32
    %get3A_1190 = arith.index_cast %get3A_1188 : i32 to index
    %get3A_1191 = arith.index_cast %get3A_1189 : i32 to index
    %get3A_1192 = arith.constant 80 : index
    %get3A_1193 = tpu.vector_load %arg10[%get3A_1190, %get3A_1191, %get3A_1192] {strides = array<i32>} : memref<2x8x128xi32, #tpu.memory_space<vmem>>, vector<16xi32>,
    tpu.vector_store_idx %arg13[%get3A_1193], %broadcast_in_dim3A_22 {add = true} : memref<10112xf32, #tpu.memory_space<vmem>>[vector<16xi32>], vector<16xf32>,
    %get3A_1194 = arith.constant 1 : i32
    %get3A_1195 = arith.constant 6 : i32
    %get3A_1196 = arith.index_cast %get3A_1194 : i32 to index
    %get3A_1197 = arith.index_cast %get3A_1195 : i32 to index
    %get3A_1198 = arith.constant 96 : index
    %get3A_1199 = tpu.vector_load %arg10[%get3A_1196, %get3A_1197, %get3A_1198] {strides = array<i32>} : memref<2x8x128xi32, #tpu.memory_space<vmem>>, vector<16xi32>,
    tpu.vector_store_idx %arg13[%get3A_1199], %broadcast_in_dim3A_22 {add = true} : memref<10112xf32, #tpu.memory_space<vmem>>[vector<16xi32>], vector<16xf32>,
    %get3A_1200 = arith.constant 1 : i32
    %get3A_1201 = arith.constant 6 : i32
    %get3A_1202 = arith.index_cast %get3A_1200 : i32 to index
    %get3A_1203 = arith.index_cast %get3A_1201 : i32 to index
    %get3A_1204 = arith.constant 112 : index
    %get3A_1205 = tpu.vector_load %arg10[%get3A_1202, %get3A_1203, %get3A_1204] {strides = array<i32>} : memref<2x8x128xi32, #tpu.memory_space<vmem>>, vector<16xi32>,
    tpu.vector_store_idx %arg13[%get3A_1205], %broadcast_in_dim3A_22 {add = true} : memref<10112xf32, #tpu.memory_space<vmem>>[vector<16xi32>], vector<16xf32>,
    %dma_wait3A_1206 = arith.constant 1 : i32
    %dma_wait3A_1207 = arith.constant 7 : i32
    %dma_wait3A_1208 = arith.constant 0 : i32
    %dma_wait3A_1209 = tpu.memref_slice %arg9[%dma_wait3A_1206, %dma_wait3A_1207, %dma_wait3A_1208] : memref<2x8x128xi32, #tpu.memory_space<vmem>> -> memref<1x1x128xi32, #tpu.memory_space<vmem>>
    %dma_wait3A_1210 = tpu.memref_squeeze %dma_wait3A_1209 : memref<1x1x128xi32, #tpu.memory_space<vmem>> -> memref<128xi32, #tpu.memory_space<vmem>>
    %dma_wait3A_1211 = arith.constant 0 : i32
    %dma_wait3A_1212 = arith.constant 0 : i32
    %dma_wait3A_1213 = tpu.memref_slice %arg8[%dma_wait3A_1211, %dma_wait3A_1212] : memref<10112x64xf32, #tpu.memory_space<vmem_shared>> -> memref<10112x64xf32, #tpu.memory_space<vmem_shared>>
    tpu.wait_indirect_dma semaphore(%arg15 : memref<!tpu.dma_semaphore, #tpu.memory_space<semaphore_mem>>) src(%dma_wait3A_1213 : memref<10112x64xf32, #tpu.memory_space<vmem_shared>>) dst(%arg12 : memref<128x64xf32, #tpu.memory_space<vmem>>)
    %run_scoped3A_1214 = arith.constant 1 : i32
    %run_scoped3A_1215 = arith.constant 7 : i32
    "tpu.region"() ({
      %run_scoped3A_1265 = tpu.sem_alloc : memref<!tpu.dma_semaphore, #tpu.memory_space<semaphore_mem>>
      %dma_start3A_1266 = arith.constant 0 : i32
      %dma_start3A_1267 = tpu.memref_slice %arg10[%run_scoped3A_1214, %run_scoped3A_1215, %dma_start3A_1266] : memref<2x8x128xi32, #tpu.memory_space<vmem>> -> memref<1x1x128xi32, #tpu.memory_space<vmem>>
      %dma_start3A_1268 = tpu.memref_squeeze %dma_start3A_1267 : memref<1x1x128xi32, #tpu.memory_space<vmem>> -> memref<128xi32, #tpu.memory_space<vmem>>
      %dma_start3A_1269 = arith.constant 0 : i32
      %dma_start3A_1270 = arith.constant 0 : i32
      %dma_start3A_1271 = tpu.memref_slice %arg7[%dma_start3A_1269, %dma_start3A_1270] : memref<10112x64xf32, #tpu.memory_space<vmem_shared>> -> memref<10112x64xf32, #tpu.memory_space<vmem_shared>>
      tpu.enqueue_indirect_dma source(%arg12 : memref<128x64xf32, #tpu.memory_space<vmem>>) target(%dma_start3A_1271 : memref<10112x64xf32, #tpu.memory_space<vmem_shared>>) offsets(%dma_start3A_1268 : memref<128xi32, #tpu.memory_space<vmem>>) semaphore(%run_scoped3A_1265 : memref<!tpu.dma_semaphore, #tpu.memory_space<semaphore_mem>>) {add = true}
      %dma_wait3A_1272 = arith.constant 0 : i32
      %dma_wait3A_1273 = tpu.memref_slice %arg10[%run_scoped3A_1214, %run_scoped3A_1215, %dma_wait3A_1272] : memref<2x8x128xi32, #tpu.memory_space<vmem>> -> memref<1x1x128xi32, #tpu.memory_space<vmem>>
      %dma_wait3A_1274 = tpu.memref_squeeze %dma_wait3A_1273 : memref<1x1x128xi32, #tpu.memory_space<vmem>> -> memref<128xi32, #tpu.memory_space<vmem>>
      %dma_wait3A_1275 = arith.constant 0 : i32
      %dma_wait3A_1276 = arith.constant 0 : i32
      %dma_wait3A_1277 = tpu.memref_slice %arg7[%dma_wait3A_1275, %dma_wait3A_1276] : memref<10112x64xf32, #tpu.memory_space<vmem_shared>> -> memref<10112x64xf32, #tpu.memory_space<vmem_shared>>
      tpu.wait_indirect_dma semaphore(%run_scoped3A_1265 : memref<!tpu.dma_semaphore, #tpu.memory_space<semaphore_mem>>) src(%arg12 : memref<128x64xf32, #tpu.memory_space<vmem>>) dst(%dma_wait3A_1277 : memref<10112x64xf32, #tpu.memory_space<vmem_shared>>)
      tpu.yield
    }) : () -> ()
    %get3A_1216 = arith.constant 1 : i32
    %get3A_1217 = arith.constant 7 : i32
    %get3A_1218 = arith.index_cast %get3A_1216 : i32 to index
    %get3A_1219 = arith.index_cast %get3A_1217 : i32 to index
    %get3A_1220 = arith.constant 0 : index
    %get3A_1221 = tpu.vector_load %arg10[%get3A_1218, %get3A_1219, %get3A_1220] {strides = array<i32>} : memref<2x8x128xi32, #tpu.memory_space<vmem>>, vector<16xi32>,
    tpu.vector_store_idx %arg13[%get3A_1221], %broadcast_in_dim3A_22 {add = true} : memref<10112xf32, #tpu.memory_space<vmem>>[vector<16xi32>], vector<16xf32>,
    %get3A_1222 = arith.constant 1 : i32
    %get3A_1223 = arith.constant 7 : i32
    %get3A_1224 = arith.index_cast %get3A_1222 : i32 to index
    %get3A_1225 = arith.index_cast %get3A_1223 : i32 to index
    %get3A_1226 = arith.constant 16 : index
    %get3A_1227 = tpu.vector_load %arg10[%get3A_1224, %get3A_1225, %get3A_1226] {strides = array<i32>} : memref<2x8x128xi32, #tpu.memory_space<vmem>>, vector<16xi32>,
    tpu.vector_store_idx %arg13[%get3A_1227], %broadcast_in_dim3A_22 {add = true} : memref<10112xf32, #tpu.memory_space<vmem>>[vector<16xi32>], vector<16xf32>,
    %get3A_1228 = arith.constant 1 : i32
    %get3A_1229 = arith.constant 7 : i32
    %get3A_1230 = arith.index_cast %get3A_1228 : i32 to index
    %get3A_1231 = arith.index_cast %get3A_1229 : i32 to index
    %get3A_1232 = arith.constant 32 : index
    %get3A_1233 = tpu.vector_load %arg10[%get3A_1230, %get3A_1231, %get3A_1232] {strides = array<i32>} : memref<2x8x128xi32, #tpu.memory_space<vmem>>, vector<16xi32>,
    tpu.vector_store_idx %arg13[%get3A_1233], %broadcast_in_dim3A_22 {add = true} : memref<10112xf32, #tpu.memory_space<vmem>>[vector<16xi32>], vector<16xf32>,
    %get3A_1234 = arith.constant 1 : i32
    %get3A_1235 = arith.constant 7 : i32
    %get3A_1236 = arith.index_cast %get3A_1234 : i32 to index
    %get3A_1237 = arith.index_cast %get3A_1235 : i32 to index
    %get3A_1238 = arith.constant 48 : index
    %get3A_1239 = tpu.vector_load %arg10[%get3A_1236, %get3A_1237, %get3A_1238] {strides = array<i32>} : memref<2x8x128xi32, #tpu.memory_space<vmem>>, vector<16xi32>,
    tpu.vector_store_idx %arg13[%get3A_1239], %broadcast_in_dim3A_22 {add = true} : memref<10112xf32, #tpu.memory_space<vmem>>[vector<16xi32>], vector<16xf32>,
    %get3A_1240 = arith.constant 1 : i32
    %get3A_1241 = arith.constant 7 : i32
    %get3A_1242 = arith.index_cast %get3A_1240 : i32 to index
    %get3A_1243 = arith.index_cast %get3A_1241 : i32 to index
    %get3A_1244 = arith.constant 64 : index
    %get3A_1245 = tpu.vector_load %arg10[%get3A_1242, %get3A_1243, %get3A_1244] {strides = array<i32>} : memref<2x8x128xi32, #tpu.memory_space<vmem>>, vector<16xi32>,
    tpu.vector_store_idx %arg13[%get3A_1245], %broadcast_in_dim3A_22 {add = true} : memref<10112xf32, #tpu.memory_space<vmem>>[vector<16xi32>], vector<16xf32>,
    %get3A_1246 = arith.constant 1 : i32
    %get3A_1247 = arith.constant 7 : i32
    %get3A_1248 = arith.index_cast %get3A_1246 : i32 to index
    %get3A_1249 = arith.index_cast %get3A_1247 : i32 to index
    %get3A_1250 = arith.constant 80 : index
    %get3A_1251 = tpu.vector_load %arg10[%get3A_1248, %get3A_1249, %get3A_1250] {strides = array<i32>} : memref<2x8x128xi32, #tpu.memory_space<vmem>>, vector<16xi32>,
    tpu.vector_store_idx %arg13[%get3A_1251], %broadcast_in_dim3A_22 {add = true} : memref<10112xf32, #tpu.memory_space<vmem>>[vector<16xi32>], vector<16xf32>,
    %get3A_1252 = arith.constant 1 : i32
    %get3A_1253 = arith.constant 7 : i32
    %get3A_1254 = arith.index_cast %get3A_1252 : i32 to index
    %get3A_1255 = arith.index_cast %get3A_1253 : i32 to index
    %get3A_1256 = arith.constant 96 : index
    %get3A_1257 = tpu.vector_load %arg10[%get3A_1254, %get3A_1255, %get3A_1256] {strides = array<i32>} : memref<2x8x128xi32, #tpu.memory_space<vmem>>, vector<16xi32>,
    tpu.vector_store_idx %arg13[%get3A_1257], %broadcast_in_dim3A_22 {add = true} : memref<10112xf32, #tpu.memory_space<vmem>>[vector<16xi32>], vector<16xf32>,
    %get3A_1258 = arith.constant 1 : i32
    %get3A_1259 = arith.constant 7 : i32
    %get3A_1260 = arith.index_cast %get3A_1258 : i32 to index
    %get3A_1261 = arith.index_cast %get3A_1259 : i32 to index
    %get3A_1262 = arith.constant 112 : index
    %get3A_1263 = tpu.vector_load %arg10[%get3A_1260, %get3A_1261, %get3A_1262] {strides = array<i32>} : memref<2x8x128xi32, #tpu.memory_space<vmem>>, vector<16xi32>,
    tpu.vector_store_idx %arg13[%get3A_1263], %broadcast_in_dim3A_22 {add = true} : memref<10112xf32, #tpu.memory_space<vmem>>[vector<16xi32>], vector<16xf32>,
    %barrier3A_1264 = arith.constant 0 : index
    tpu.barrier barrier_id(%barrier3A_1264)
    "tpu.region"() ({
      %run_scoped3A_1265 = tpu.sem_alloc : memref<!tpu.dma_semaphore, #tpu.memory_space<semaphore_mem>>
      %dma_start3A_1266 = arith.constant 0 : i32
      %dma_start3A_1267 = arith.constant 0 : i32
      %dma_start3A_1268 = tpu.memref_slice %arg5[%arg0, %dma_start3A_1266, %dma_start3A_1267] : memref<2x10112x64xf32, #tpu.memory_space<hbm>> -> memref<1x10112x64xf32, #tpu.memory_space<hbm>>
      %dma_start3A_1269 = tpu.memref_squeeze %dma_start3A_1268 : memref<1x10112x64xf32, #tpu.memory_space<hbm>> -> memref<10112x64xf32, #tpu.memory_space<hbm>>
      %dma_start3A_1270 = arith.constant 0 : i32
      %dma_start3A_1271 = tpu.memref_slice %dma_start3A_1269[%mul3A_2, %dma_start3A_1270] : memref<10112x64xf32, #tpu.memory_space<hbm>> -> memref<632x64xf32, #tpu.memory_space<hbm>>
      %dma_start3A_1272 = arith.constant 0 : i32
      %dma_start3A_1273 = tpu.memref_slice %arg7[%mul3A_2, %dma_start3A_1272] : memref<10112x64xf32, #tpu.memory_space<vmem_shared>> -> memref<632x64xf32, #tpu.memory_space<vmem_shared>>
      tpu.enqueue_dma source(%dma_start3A_1273 : memref<632x64xf32, #tpu.memory_space<vmem_shared>>) target(%dma_start3A_1271 : memref<632x64xf32, #tpu.memory_space<hbm>>) target_semaphore(%run_scoped3A_1265 : memref<!tpu.dma_semaphore, #tpu.memory_space<semaphore_mem>>)
      %dma_wait3A_1274 = arith.constant 0 : i32
      %dma_wait3A_1275 = arith.constant 0 : i32
      %dma_wait3A_1276 = tpu.memref_slice %arg5[%arg0, %dma_wait3A_1274, %dma_wait3A_1275] : memref<2x10112x64xf32, #tpu.memory_space<hbm>> -> memref<1x10112x64xf32, #tpu.memory_space<hbm>>
      %dma_wait3A_1277 = tpu.memref_squeeze %dma_wait3A_1276 : memref<1x10112x64xf32, #tpu.memory_space<hbm>> -> memref<10112x64xf32, #tpu.memory_space<hbm>>
      %dma_wait3A_1278 = arith.constant 0 : i32
      %dma_wait3A_1279 = tpu.memref_slice %dma_wait3A_1277[%mul3A_2, %dma_wait3A_1278] : memref<10112x64xf32, #tpu.memory_space<hbm>> -> memref<632x64xf32, #tpu.memory_space<hbm>>
      %dma_wait3A_1280 = arith.constant 0 : i32
      %dma_wait3A_1281 = tpu.memref_slice %arg7[%mul3A_2, %dma_wait3A_1280] : memref<10112x64xf32, #tpu.memory_space<vmem_shared>> -> memref<632x64xf32, #tpu.memory_space<vmem_shared>>
      tpu.wait_dma2 semaphore(%run_scoped3A_1265 : memref<!tpu.dma_semaphore, #tpu.memory_space<semaphore_mem>>) src(%dma_wait3A_1281 : memref<632x64xf32, #tpu.memory_space<vmem_shared>>) dst(%dma_wait3A_1279 : memref<632x64xf32, #tpu.memory_space<hbm>>)
      tpu.yield
    }) : () -> ()
    "tpu.region"() ({
      %run_scoped3A_1265 = tpu.sem_alloc : memref<!tpu.dma_semaphore, #tpu.memory_space<semaphore_mem>>
      %dma_start3A_1266 = arith.constant 0 : i32
      %dma_start3A_1267 = tpu.memref_slice %arg6[%add3A, %dma_start3A_1266] : memref<32x10112xf32, #tpu.memory_space<hbm>> -> memref<1x10112xf32, #tpu.memory_space<hbm>>
      %dma_start3A_1268 = tpu.memref_squeeze %dma_start3A_1267 : memref<1x10112xf32, #tpu.memory_space<hbm>> -> memref<10112xf32, #tpu.memory_space<hbm>>
      %dma_start3A_1269 = arith.constant 0 : i32
      %dma_start3A_1270 = tpu.memref_slice %arg6[%add3A, %dma_start3A_1269] : memref<32x10112xf32, #tpu.memory_space<hbm>> -> memref<1x10112xf32, #tpu.memory_space<hbm>>
      %dma_start3A_1271 = tpu.memref_squeeze %dma_start3A_1270 : memref<1x10112xf32, #tpu.memory_space<hbm>> -> memref<10112xf32, #tpu.memory_space<hbm>>
      tpu.enqueue_dma source(%arg13 : memref<10112xf32, #tpu.memory_space<vmem>>) target(%dma_start3A_1271 : memref<10112xf32, #tpu.memory_space<hbm>>) target_semaphore(%run_scoped3A_1265 : memref<!tpu.dma_semaphore, #tpu.memory_space<semaphore_mem>>)
      %dma_wait3A_1272 = arith.constant 0 : i32
      %dma_wait3A_1273 = tpu.memref_slice %arg6[%add3A, %dma_wait3A_1272] : memref<32x10112xf32, #tpu.memory_space<hbm>> -> memref<1x10112xf32, #tpu.memory_space<hbm>>
      %dma_wait3A_1274 = tpu.memref_squeeze %dma_wait3A_1273 : memref<1x10112xf32, #tpu.memory_space<hbm>> -> memref<10112xf32, #tpu.memory_space<hbm>>
      %dma_wait3A_1275 = arith.constant 0 : i32
      %dma_wait3A_1276 = tpu.memref_slice %arg6[%add3A, %dma_wait3A_1275] : memref<32x10112xf32, #tpu.memory_space<hbm>> -> memref<1x10112xf32, #tpu.memory_space<hbm>>
      %dma_wait3A_1277 = tpu.memref_squeeze %dma_wait3A_1276 : memref<1x10112xf32, #tpu.memory_space<hbm>> -> memref<10112xf32, #tpu.memory_space<hbm>>
      tpu.wait_dma2 semaphore(%run_scoped3A_1265 : memref<!tpu.dma_semaphore, #tpu.memory_space<semaphore_mem>>) src(%arg13 : memref<10112xf32, #tpu.memory_space<vmem>>) dst(%dma_wait3A_1277 : memref<10112xf32, #tpu.memory_space<hbm>>)
      tpu.yield
    }) : () -> ()
    return
  }
}

#map = affine_map<(d0, d1) -> (0, 0, 0)>
module attributes {stable_mosaic.version = 14 : i64} {
  func.func @_sc_agg_body(%arg0: i32, %arg1: i32, %arg2: memref<2x10112x64xf32, #tpu.memory_space<hbm>>, %arg3: memref<16x160x128xi32, #tpu.memory_space<hbm>>, %arg4: memref<16x160x128xi32, #tpu.memory_space<hbm>>, %arg5: memref<2x10112x64xf32, #tpu.memory_space<hbm>>, %arg6: memref<10112x64xf32, #tpu.memory_space<vmem_shared>>, %arg7: memref<10112x64xf32, #tpu.memory_space<vmem_shared>>, %arg8: memref<2x8x128xi32, #tpu.memory_space<vmem>>, %arg9: memref<2x8x128xi32, #tpu.memory_space<vmem>>, %arg10: memref<128x64xf32, #tpu.memory_space<vmem>>, %arg11: memref<128x64xf32, #tpu.memory_space<vmem>>, %arg12: memref<!tpu.dma_semaphore, #tpu.memory_space<semaphore_mem>>, %arg13: memref<!tpu.dma_semaphore, #tpu.memory_space<semaphore_mem>>, %arg14: memref<!tpu.dma_semaphore, #tpu.memory_space<semaphore_mem>>) attributes {dimension_semantics = [#tpu.dimension_semantics<core_parallel>, #tpu.dimension_semantics<subcore_parallel>], iteration_bounds = array<i64: 2, 16>, scalar_prefetch = 0 : i64, scratch_operands = 9 : i64, tpu.core_type = #tpu.core_type<sc_vector_subcore>, window_params = [{transform_indices = #map}, {transform_indices = #map}, {transform_indices = #map}, {transform_indices = #map}]} {
    %mul3A = arith.constant 2 : i32
    %mul3A_0 = arith.muli %arg1, %mul3A : i32
    %add3A = arith.addi %mul3A_0, %arg0 : i32
    %mul3A_1 = arith.constant 632 : i32
    %mul3A_2 = arith.muli %arg1, %mul3A_1 : i32
    "tpu.region"() ({
      %run_scoped3A_493 = tpu.sem_alloc : memref<!tpu.dma_semaphore, #tpu.memory_space<semaphore_mem>>
      %dma_start3A_494 = arith.constant 0 : i32
      %dma_start3A_495 = tpu.memref_slice %arg7[%mul3A_2, %dma_start3A_494] : memref<10112x64xf32, #tpu.memory_space<vmem_shared>> -> memref<632x64xf32, #tpu.memory_space<vmem_shared>>
      %dma_start3A_496 = arith.constant 0 : i32
      %dma_start3A_497 = arith.constant 0 : i32
      %dma_start3A_498 = tpu.memref_slice %arg2[%arg0, %dma_start3A_496, %dma_start3A_497] : memref<2x10112x64xf32, #tpu.memory_space<hbm>> -> memref<1x10112x64xf32, #tpu.memory_space<hbm>>
      %dma_start3A_499 = tpu.memref_squeeze %dma_start3A_498 : memref<1x10112x64xf32, #tpu.memory_space<hbm>> -> memref<10112x64xf32, #tpu.memory_space<hbm>>
      %dma_start3A_500 = arith.constant 0 : i32
      %dma_start3A_501 = tpu.memref_slice %dma_start3A_499[%mul3A_2, %dma_start3A_500] : memref<10112x64xf32, #tpu.memory_space<hbm>> -> memref<632x64xf32, #tpu.memory_space<hbm>>
      tpu.enqueue_dma source(%dma_start3A_501 : memref<632x64xf32, #tpu.memory_space<hbm>>) target(%dma_start3A_495 : memref<632x64xf32, #tpu.memory_space<vmem_shared>>) target_semaphore(%run_scoped3A_493 : memref<!tpu.dma_semaphore, #tpu.memory_space<semaphore_mem>>)
      %dma_wait3A_502 = arith.constant 0 : i32
      %dma_wait3A_503 = tpu.memref_slice %arg7[%mul3A_2, %dma_wait3A_502] : memref<10112x64xf32, #tpu.memory_space<vmem_shared>> -> memref<632x64xf32, #tpu.memory_space<vmem_shared>>
      %dma_wait3A_504 = arith.constant 0 : i32
      %dma_wait3A_505 = arith.constant 0 : i32
      %dma_wait3A_506 = tpu.memref_slice %arg2[%arg0, %dma_wait3A_504, %dma_wait3A_505] : memref<2x10112x64xf32, #tpu.memory_space<hbm>> -> memref<1x10112x64xf32, #tpu.memory_space<hbm>>
      %dma_wait3A_507 = tpu.memref_squeeze %dma_wait3A_506 : memref<1x10112x64xf32, #tpu.memory_space<hbm>> -> memref<10112x64xf32, #tpu.memory_space<hbm>>
      %dma_wait3A_508 = arith.constant 0 : i32
      %dma_wait3A_509 = tpu.memref_slice %dma_wait3A_507[%mul3A_2, %dma_wait3A_508] : memref<10112x64xf32, #tpu.memory_space<hbm>> -> memref<632x64xf32, #tpu.memory_space<hbm>>
      tpu.wait_dma2 semaphore(%run_scoped3A_493 : memref<!tpu.dma_semaphore, #tpu.memory_space<semaphore_mem>>) src(%dma_wait3A_509 : memref<632x64xf32, #tpu.memory_space<hbm>>) dst(%dma_wait3A_503 : memref<632x64xf32, #tpu.memory_space<vmem_shared>>)
      tpu.yield
    }) : () -> ()
    %broadcast_in_dim3A = arith.constant 0.000000e+00 : f32
    %broadcast_in_dim3A_3 = vector.broadcast %broadcast_in_dim3A : f32 to vector<16xf32>
    %scan3A = arith.constant 0 : i32
    %scan3A_4 = arith.constant 128 : i32
    %scan3A_5 = arith.addi %scan3A, %scan3A_4 : i32
    %scan3A_6 = arith.constant 1 : i32
    scf.for %scan3A_493 = %scan3A to %scan3A_5 step %scan3A_6  : i32 {
      %mul3A_494 = arith.constant 1 : i32
      %mul3A_495 = arith.muli %scan3A_493, %mul3A_494 : i32
      %add3A_496 = arith.constant 0 : i32
      %add3A_497 = arith.addi %add3A_496, %mul3A_495 : i32
      %scan3A_498 = arith.constant 0 : i32
      %scan3A_499 = arith.constant 4 : i32
      %scan3A_500 = arith.addi %scan3A_498, %scan3A_499 : i32
      %scan3A_501 = arith.constant 1 : i32
      scf.for %scan3A_503 = %scan3A_498 to %scan3A_500 step %scan3A_501  : i32 {
        %mul3A_504 = arith.constant 16 : i32
        %mul3A_505 = arith.muli %scan3A_503, %mul3A_504 : i32
        %add3A_506 = arith.constant 0 : i32
        %add3A_507 = arith.addi %add3A_506, %mul3A_505 : i32
        %swap3A = arith.index_cast %add3A_497 : i32 to index
        %swap3A_508 = arith.index_cast %add3A_507 : i32 to index
        %swap3A_509 = tpu.vector_load %arg10[%swap3A, %swap3A_508] {strides = array<i32>} : memref<128x64xf32, #tpu.memory_space<vmem>>, vector<16xf32>,
        tpu.vector_store %arg10[%swap3A, %swap3A_508], %broadcast_in_dim3A_3 {strides = array<i32>} : memref<128x64xf32, #tpu.memory_space<vmem>>, vector<16xf32>,
      }
      %scan3A_502 = arith.constant 4 : i32
    }
    %scan3A_7 = arith.constant 128 : i32
    %scan3A_8 = arith.constant 0 : i32
    %scan3A_9 = arith.constant 4 : i32
    %scan3A_10 = arith.addi %scan3A_8, %scan3A_9 : i32
    %scan3A_11 = arith.constant 1 : i32
    scf.for %scan3A_493 = %scan3A_8 to %scan3A_10 step %scan3A_11  : i32 {
      %mul3A_494 = arith.constant 128 : i32
      %mul3A_495 = arith.muli %scan3A_493, %mul3A_494 : i32
      %add3A_496 = arith.constant 0 : i32
      %add3A_497 = arith.addi %add3A_496, %mul3A_495 : i32
      %add3A_498 = arith.addi %mul3A_2, %add3A_497 : i32
      "tpu.region"() ({
        %run_scoped3A_499 = tpu.sem_alloc : memref<!tpu.dma_semaphore, #tpu.memory_space<semaphore_mem>>
        %dma_start3A_500 = arith.constant 0 : i32
        %dma_start3A_501 = tpu.memref_slice %arg6[%add3A_498, %dma_start3A_500] : memref<10112x64xf32, #tpu.memory_space<vmem_shared>> -> memref<128x64xf32, #tpu.memory_space<vmem_shared>>
        %dma_start3A_502 = arith.constant 0 : i32
        %dma_start3A_503 = tpu.memref_slice %arg6[%add3A_498, %dma_start3A_502] : memref<10112x64xf32, #tpu.memory_space<vmem_shared>> -> memref<128x64xf32, #tpu.memory_space<vmem_shared>>
        tpu.enqueue_dma source(%arg10 : memref<128x64xf32, #tpu.memory_space<vmem>>) target(%dma_start3A_503 : memref<128x64xf32, #tpu.memory_space<vmem_shared>>) target_semaphore(%run_scoped3A_499 : memref<!tpu.dma_semaphore, #tpu.memory_space<semaphore_mem>>)
        %dma_wait3A_504 = arith.constant 0 : i32
        %dma_wait3A_505 = tpu.memref_slice %arg6[%add3A_498, %dma_wait3A_504] : memref<10112x64xf32, #tpu.memory_space<vmem_shared>> -> memref<128x64xf32, #tpu.memory_space<vmem_shared>>
        %dma_wait3A_506 = arith.constant 0 : i32
        %dma_wait3A_507 = tpu.memref_slice %arg6[%add3A_498, %dma_wait3A_506] : memref<10112x64xf32, #tpu.memory_space<vmem_shared>> -> memref<128x64xf32, #tpu.memory_space<vmem_shared>>
        tpu.wait_dma2 semaphore(%run_scoped3A_499 : memref<!tpu.dma_semaphore, #tpu.memory_space<semaphore_mem>>) src(%arg10 : memref<128x64xf32, #tpu.memory_space<vmem>>) dst(%dma_wait3A_507 : memref<128x64xf32, #tpu.memory_space<vmem_shared>>)
        tpu.yield
      }) : () -> ()
    }
    %scan3A_12 = arith.constant 4 : i32
    %add3A_13 = arith.constant 632 : i32
    %add3A_14 = arith.addi %mul3A_2, %add3A_13 : i32
    %sub3A = arith.constant 120 : i32
    %sub3A_15 = arith.subi %add3A_14, %sub3A : i32
    "tpu.region"() ({
      %run_scoped3A_493 = tpu.sem_alloc : memref<!tpu.dma_semaphore, #tpu.memory_space<semaphore_mem>>
      %dma_start3A_494 = arith.constant 0 : i32
      %dma_start3A_495 = arith.constant 0 : i32
      %dma_start3A_496 = tpu.memref_slice %arg10[%dma_start3A_494, %dma_start3A_495] : memref<128x64xf32, #tpu.memory_space<vmem>> -> memref<120x64xf32, #tpu.memory_space<vmem>>
      %dma_start3A_497 = arith.constant 0 : i32
      %dma_start3A_498 = tpu.memref_slice %arg6[%sub3A_15, %dma_start3A_497] : memref<10112x64xf32, #tpu.memory_space<vmem_shared>> -> memref<120x64xf32, #tpu.memory_space<vmem_shared>>
      %dma_start3A_499 = arith.constant 0 : i32
      %dma_start3A_500 = tpu.memref_slice %arg6[%sub3A_15, %dma_start3A_499] : memref<10112x64xf32, #tpu.memory_space<vmem_shared>> -> memref<120x64xf32, #tpu.memory_space<vmem_shared>>
      %dma_start3A_501 = arith.constant 0 : i32
      %dma_start3A_502 = arith.constant 0 : i32
      %dma_start3A_503 = tpu.memref_slice %arg10[%dma_start3A_501, %dma_start3A_502] : memref<128x64xf32, #tpu.memory_space<vmem>> -> memref<120x64xf32, #tpu.memory_space<vmem>>
      tpu.enqueue_dma source(%dma_start3A_503 : memref<120x64xf32, #tpu.memory_space<vmem>>) target(%dma_start3A_500 : memref<120x64xf32, #tpu.memory_space<vmem_shared>>) target_semaphore(%run_scoped3A_493 : memref<!tpu.dma_semaphore, #tpu.memory_space<semaphore_mem>>)
      %dma_wait3A_504 = arith.constant 0 : i32
      %dma_wait3A_505 = arith.constant 0 : i32
      %dma_wait3A_506 = tpu.memref_slice %arg10[%dma_wait3A_504, %dma_wait3A_505] : memref<128x64xf32, #tpu.memory_space<vmem>> -> memref<120x64xf32, #tpu.memory_space<vmem>>
      %dma_wait3A_507 = arith.constant 0 : i32
      %dma_wait3A_508 = tpu.memref_slice %arg6[%sub3A_15, %dma_wait3A_507] : memref<10112x64xf32, #tpu.memory_space<vmem_shared>> -> memref<120x64xf32, #tpu.memory_space<vmem_shared>>
      %dma_wait3A_509 = arith.constant 0 : i32
      %dma_wait3A_510 = tpu.memref_slice %arg6[%sub3A_15, %dma_wait3A_509] : memref<10112x64xf32, #tpu.memory_space<vmem_shared>> -> memref<120x64xf32, #tpu.memory_space<vmem_shared>>
      %dma_wait3A_511 = arith.constant 0 : i32
      %dma_wait3A_512 = arith.constant 0 : i32
      %dma_wait3A_513 = tpu.memref_slice %arg10[%dma_wait3A_511, %dma_wait3A_512] : memref<128x64xf32, #tpu.memory_space<vmem>> -> memref<120x64xf32, #tpu.memory_space<vmem>>
      tpu.wait_dma2 semaphore(%run_scoped3A_493 : memref<!tpu.dma_semaphore, #tpu.memory_space<semaphore_mem>>) src(%dma_wait3A_513 : memref<120x64xf32, #tpu.memory_space<vmem>>) dst(%dma_wait3A_510 : memref<120x64xf32, #tpu.memory_space<vmem_shared>>)
      tpu.yield
    }) : () -> ()
    %barrier3A = arith.constant 0 : index
    tpu.barrier barrier_id(%barrier3A)
    %broadcast_in_dim3A_16 = arith.constant 1.000000e+00 : f32
    %broadcast_in_dim3A_17 = vector.broadcast %broadcast_in_dim3A_16 : f32 to vector<16xf32>
    %dma_start3A = arith.constant 0 : i32
    %dma_start3A_18 = arith.constant 0 : i32
    %dma_start3A_19 = arith.constant 0 : i32
    %dma_start3A_20 = tpu.memref_slice %arg8[%dma_start3A, %dma_start3A_18, %dma_start3A_19] : memref<2x8x128xi32, #tpu.memory_space<vmem>> -> memref<1x8x128xi32, #tpu.memory_space<vmem>>
    %dma_start3A_21 = tpu.memref_squeeze %dma_start3A_20 : memref<1x8x128xi32, #tpu.memory_space<vmem>> -> memref<8x128xi32, #tpu.memory_space<vmem>>
    %dma_start3A_22 = arith.constant 0 : i32
    %dma_start3A_23 = arith.constant 0 : i32
    %dma_start3A_24 = tpu.memref_slice %arg3[%arg1, %dma_start3A_22, %dma_start3A_23] : memref<16x160x128xi32, #tpu.memory_space<hbm>> -> memref<1x160x128xi32, #tpu.memory_space<hbm>>
    %dma_start3A_25 = tpu.memref_squeeze %dma_start3A_24 : memref<1x160x128xi32, #tpu.memory_space<hbm>> -> memref<160x128xi32, #tpu.memory_space<hbm>>
    %dma_start3A_26 = arith.constant 0 : i32
    %dma_start3A_27 = arith.constant 0 : i32
    %dma_start3A_28 = tpu.memref_slice %dma_start3A_25[%dma_start3A_26, %dma_start3A_27] : memref<160x128xi32, #tpu.memory_space<hbm>> -> memref<8x128xi32, #tpu.memory_space<hbm>>
    %dma_start3A_29 = arith.constant 0 : i32
    %dma_start3A_30 = arith.constant 0 : i32
    %dma_start3A_31 = tpu.memref_slice %arg8[%dma_start3A, %dma_start3A_29, %dma_start3A_30] : memref<2x8x128xi32, #tpu.memory_space<vmem>> -> memref<1x8x128xi32, #tpu.memory_space<vmem>>
    %dma_start3A_32 = tpu.memref_squeeze %dma_start3A_31 : memref<1x8x128xi32, #tpu.memory_space<vmem>> -> memref<8x128xi32, #tpu.memory_space<vmem>>
    %dma_start3A_33 = arith.constant 0 : i32
    %dma_start3A_34 = arith.constant 0 : i32
    %dma_start3A_35 = tpu.memref_slice %arg3[%arg1, %dma_start3A_33, %dma_start3A_34] : memref<16x160x128xi32, #tpu.memory_space<hbm>> -> memref<1x160x128xi32, #tpu.memory_space<hbm>>
    %dma_start3A_36 = tpu.memref_squeeze %dma_start3A_35 : memref<1x160x128xi32, #tpu.memory_space<hbm>> -> memref<160x128xi32, #tpu.memory_space<hbm>>
    %dma_start3A_37 = arith.constant 0 : i32
    %dma_start3A_38 = arith.constant 0 : i32
    %dma_start3A_39 = tpu.memref_slice %dma_start3A_36[%dma_start3A_37, %dma_start3A_38] : memref<160x128xi32, #tpu.memory_space<hbm>> -> memref<8x128xi32, #tpu.memory_space<hbm>>
    tpu.enqueue_dma source(%dma_start3A_39 : memref<8x128xi32, #tpu.memory_space<hbm>>) target(%dma_start3A_32 : memref<8x128xi32, #tpu.memory_space<vmem>>) target_semaphore(%arg14 : memref<!tpu.dma_semaphore, #tpu.memory_space<semaphore_mem>>)
    %dma_start3A_40 = arith.constant 0 : i32
    %dma_start3A_41 = arith.constant 0 : i32
    %dma_start3A_42 = arith.constant 0 : i32
    %dma_start3A_43 = tpu.memref_slice %arg9[%dma_start3A_40, %dma_start3A_41, %dma_start3A_42] : memref<2x8x128xi32, #tpu.memory_space<vmem>> -> memref<1x8x128xi32, #tpu.memory_space<vmem>>
    %dma_start3A_44 = tpu.memref_squeeze %dma_start3A_43 : memref<1x8x128xi32, #tpu.memory_space<vmem>> -> memref<8x128xi32, #tpu.memory_space<vmem>>
    %dma_start3A_45 = arith.constant 0 : i32
    %dma_start3A_46 = arith.constant 0 : i32
    %dma_start3A_47 = tpu.memref_slice %arg4[%arg1, %dma_start3A_45, %dma_start3A_46] : memref<16x160x128xi32, #tpu.memory_space<hbm>> -> memref<1x160x128xi32, #tpu.memory_space<hbm>>
    %dma_start3A_48 = tpu.memref_squeeze %dma_start3A_47 : memref<1x160x128xi32, #tpu.memory_space<hbm>> -> memref<160x128xi32, #tpu.memory_space<hbm>>
    %dma_start3A_49 = arith.constant 0 : i32
    %dma_start3A_50 = arith.constant 0 : i32
    %dma_start3A_51 = tpu.memref_slice %dma_start3A_48[%dma_start3A_49, %dma_start3A_50] : memref<160x128xi32, #tpu.memory_space<hbm>> -> memref<8x128xi32, #tpu.memory_space<hbm>>
    %dma_start3A_52 = arith.constant 0 : i32
    %dma_start3A_53 = arith.constant 0 : i32
    %dma_start3A_54 = tpu.memref_slice %arg9[%dma_start3A_40, %dma_start3A_52, %dma_start3A_53] : memref<2x8x128xi32, #tpu.memory_space<vmem>> -> memref<1x8x128xi32, #tpu.memory_space<vmem>>
    %dma_start3A_55 = tpu.memref_squeeze %dma_start3A_54 : memref<1x8x128xi32, #tpu.memory_space<vmem>> -> memref<8x128xi32, #tpu.memory_space<vmem>>
    %dma_start3A_56 = arith.constant 0 : i32
    %dma_start3A_57 = arith.constant 0 : i32
    %dma_start3A_58 = tpu.memref_slice %arg4[%arg1, %dma_start3A_56, %dma_start3A_57] : memref<16x160x128xi32, #tpu.memory_space<hbm>> -> memref<1x160x128xi32, #tpu.memory_space<hbm>>
    %dma_start3A_59 = tpu.memref_squeeze %dma_start3A_58 : memref<1x160x128xi32, #tpu.memory_space<hbm>> -> memref<160x128xi32, #tpu.memory_space<hbm>>
    %dma_start3A_60 = arith.constant 0 : i32
    %dma_start3A_61 = arith.constant 0 : i32
    %dma_start3A_62 = tpu.memref_slice %dma_start3A_59[%dma_start3A_60, %dma_start3A_61] : memref<160x128xi32, #tpu.memory_space<hbm>> -> memref<8x128xi32, #tpu.memory_space<hbm>>
    tpu.enqueue_dma source(%dma_start3A_62 : memref<8x128xi32, #tpu.memory_space<hbm>>) target(%dma_start3A_55 : memref<8x128xi32, #tpu.memory_space<vmem>>) target_semaphore(%arg14 : memref<!tpu.dma_semaphore, #tpu.memory_space<semaphore_mem>>)
    %dma_start3A_63 = arith.constant 1 : i32
    %dma_start3A_64 = arith.constant 0 : i32
    %dma_start3A_65 = arith.constant 0 : i32
    %dma_start3A_66 = tpu.memref_slice %arg8[%dma_start3A_63, %dma_start3A_64, %dma_start3A_65] : memref<2x8x128xi32, #tpu.memory_space<vmem>> -> memref<1x8x128xi32, #tpu.memory_space<vmem>>
    %dma_start3A_67 = tpu.memref_squeeze %dma_start3A_66 : memref<1x8x128xi32, #tpu.memory_space<vmem>> -> memref<8x128xi32, #tpu.memory_space<vmem>>
    %dma_start3A_68 = arith.constant 0 : i32
    %dma_start3A_69 = arith.constant 0 : i32
    %dma_start3A_70 = tpu.memref_slice %arg3[%arg1, %dma_start3A_68, %dma_start3A_69] : memref<16x160x128xi32, #tpu.memory_space<hbm>> -> memref<1x160x128xi32, #tpu.memory_space<hbm>>
    %dma_start3A_71 = tpu.memref_squeeze %dma_start3A_70 : memref<1x160x128xi32, #tpu.memory_space<hbm>> -> memref<160x128xi32, #tpu.memory_space<hbm>>
    %dma_start3A_72 = arith.constant 8 : i32
    %dma_start3A_73 = arith.constant 0 : i32
    %dma_start3A_74 = tpu.memref_slice %dma_start3A_71[%dma_start3A_72, %dma_start3A_73] : memref<160x128xi32, #tpu.memory_space<hbm>> -> memref<8x128xi32, #tpu.memory_space<hbm>>
    %dma_start3A_75 = arith.constant 0 : i32
    %dma_start3A_76 = arith.constant 0 : i32
    %dma_start3A_77 = tpu.memref_slice %arg8[%dma_start3A_63, %dma_start3A_75, %dma_start3A_76] : memref<2x8x128xi32, #tpu.memory_space<vmem>> -> memref<1x8x128xi32, #tpu.memory_space<vmem>>
    %dma_start3A_78 = tpu.memref_squeeze %dma_start3A_77 : memref<1x8x128xi32, #tpu.memory_space<vmem>> -> memref<8x128xi32, #tpu.memory_space<vmem>>
    %dma_start3A_79 = arith.constant 0 : i32
    %dma_start3A_80 = arith.constant 0 : i32
    %dma_start3A_81 = tpu.memref_slice %arg3[%arg1, %dma_start3A_79, %dma_start3A_80] : memref<16x160x128xi32, #tpu.memory_space<hbm>> -> memref<1x160x128xi32, #tpu.memory_space<hbm>>
    %dma_start3A_82 = tpu.memref_squeeze %dma_start3A_81 : memref<1x160x128xi32, #tpu.memory_space<hbm>> -> memref<160x128xi32, #tpu.memory_space<hbm>>
    %dma_start3A_83 = arith.constant 8 : i32
    %dma_start3A_84 = arith.constant 0 : i32
    %dma_start3A_85 = tpu.memref_slice %dma_start3A_82[%dma_start3A_83, %dma_start3A_84] : memref<160x128xi32, #tpu.memory_space<hbm>> -> memref<8x128xi32, #tpu.memory_space<hbm>>
    tpu.enqueue_dma source(%dma_start3A_85 : memref<8x128xi32, #tpu.memory_space<hbm>>) target(%dma_start3A_78 : memref<8x128xi32, #tpu.memory_space<vmem>>) target_semaphore(%arg14 : memref<!tpu.dma_semaphore, #tpu.memory_space<semaphore_mem>>)
    %dma_start3A_86 = arith.constant 1 : i32
    %dma_start3A_87 = arith.constant 0 : i32
    %dma_start3A_88 = arith.constant 0 : i32
    %dma_start3A_89 = tpu.memref_slice %arg9[%dma_start3A_86, %dma_start3A_87, %dma_start3A_88] : memref<2x8x128xi32, #tpu.memory_space<vmem>> -> memref<1x8x128xi32, #tpu.memory_space<vmem>>
    %dma_start3A_90 = tpu.memref_squeeze %dma_start3A_89 : memref<1x8x128xi32, #tpu.memory_space<vmem>> -> memref<8x128xi32, #tpu.memory_space<vmem>>
    %dma_start3A_91 = arith.constant 0 : i32
    %dma_start3A_92 = arith.constant 0 : i32
    %dma_start3A_93 = tpu.memref_slice %arg4[%arg1, %dma_start3A_91, %dma_start3A_92] : memref<16x160x128xi32, #tpu.memory_space<hbm>> -> memref<1x160x128xi32, #tpu.memory_space<hbm>>
    %dma_start3A_94 = tpu.memref_squeeze %dma_start3A_93 : memref<1x160x128xi32, #tpu.memory_space<hbm>> -> memref<160x128xi32, #tpu.memory_space<hbm>>
    %dma_start3A_95 = arith.constant 8 : i32
    %dma_start3A_96 = arith.constant 0 : i32
    %dma_start3A_97 = tpu.memref_slice %dma_start3A_94[%dma_start3A_95, %dma_start3A_96] : memref<160x128xi32, #tpu.memory_space<hbm>> -> memref<8x128xi32, #tpu.memory_space<hbm>>
    %dma_start3A_98 = arith.constant 0 : i32
    %dma_start3A_99 = arith.constant 0 : i32
    %dma_start3A_100 = tpu.memref_slice %arg9[%dma_start3A_86, %dma_start3A_98, %dma_start3A_99] : memref<2x8x128xi32, #tpu.memory_space<vmem>> -> memref<1x8x128xi32, #tpu.memory_space<vmem>>
    %dma_start3A_101 = tpu.memref_squeeze %dma_start3A_100 : memref<1x8x128xi32, #tpu.memory_space<vmem>> -> memref<8x128xi32, #tpu.memory_space<vmem>>
    %dma_start3A_102 = arith.constant 0 : i32
    %dma_start3A_103 = arith.constant 0 : i32
    %dma_start3A_104 = tpu.memref_slice %arg4[%arg1, %dma_start3A_102, %dma_start3A_103] : memref<16x160x128xi32, #tpu.memory_space<hbm>> -> memref<1x160x128xi32, #tpu.memory_space<hbm>>
    %dma_start3A_105 = tpu.memref_squeeze %dma_start3A_104 : memref<1x160x128xi32, #tpu.memory_space<hbm>> -> memref<160x128xi32, #tpu.memory_space<hbm>>
    %dma_start3A_106 = arith.constant 8 : i32
    %dma_start3A_107 = arith.constant 0 : i32
    %dma_start3A_108 = tpu.memref_slice %dma_start3A_105[%dma_start3A_106, %dma_start3A_107] : memref<160x128xi32, #tpu.memory_space<hbm>> -> memref<8x128xi32, #tpu.memory_space<hbm>>
    tpu.enqueue_dma source(%dma_start3A_108 : memref<8x128xi32, #tpu.memory_space<hbm>>) target(%dma_start3A_101 : memref<8x128xi32, #tpu.memory_space<vmem>>) target_semaphore(%arg14 : memref<!tpu.dma_semaphore, #tpu.memory_space<semaphore_mem>>)
    %dma_wait3A = arith.constant 0 : i32
    %dma_wait3A_109 = arith.constant 0 : i32
    %dma_wait3A_110 = arith.constant 0 : i32
    %dma_wait3A_111 = tpu.memref_slice %arg8[%dma_wait3A, %dma_wait3A_109, %dma_wait3A_110] : memref<2x8x128xi32, #tpu.memory_space<vmem>> -> memref<1x8x128xi32, #tpu.memory_space<vmem>>
    %dma_wait3A_112 = tpu.memref_squeeze %dma_wait3A_111 : memref<1x8x128xi32, #tpu.memory_space<vmem>> -> memref<8x128xi32, #tpu.memory_space<vmem>>
    %dma_wait3A_113 = arith.constant 0 : i32
    %dma_wait3A_114 = arith.constant 0 : i32
    %dma_wait3A_115 = tpu.memref_slice %arg3[%arg1, %dma_wait3A_113, %dma_wait3A_114] : memref<16x160x128xi32, #tpu.memory_space<hbm>> -> memref<1x160x128xi32, #tpu.memory_space<hbm>>
    %dma_wait3A_116 = tpu.memref_squeeze %dma_wait3A_115 : memref<1x160x128xi32, #tpu.memory_space<hbm>> -> memref<160x128xi32, #tpu.memory_space<hbm>>
    %dma_wait3A_117 = arith.constant 0 : i32
    %dma_wait3A_118 = arith.constant 0 : i32
    %dma_wait3A_119 = tpu.memref_slice %dma_wait3A_116[%dma_wait3A_117, %dma_wait3A_118] : memref<160x128xi32, #tpu.memory_space<hbm>> -> memref<8x128xi32, #tpu.memory_space<hbm>>
    %dma_wait3A_120 = arith.constant 0 : i32
    %dma_wait3A_121 = arith.constant 0 : i32
    %dma_wait3A_122 = tpu.memref_slice %arg8[%dma_wait3A, %dma_wait3A_120, %dma_wait3A_121] : memref<2x8x128xi32, #tpu.memory_space<vmem>> -> memref<1x8x128xi32, #tpu.memory_space<vmem>>
    %dma_wait3A_123 = tpu.memref_squeeze %dma_wait3A_122 : memref<1x8x128xi32, #tpu.memory_space<vmem>> -> memref<8x128xi32, #tpu.memory_space<vmem>>
    %dma_wait3A_124 = arith.constant 0 : i32
    %dma_wait3A_125 = arith.constant 0 : i32
    %dma_wait3A_126 = tpu.memref_slice %arg3[%arg1, %dma_wait3A_124, %dma_wait3A_125] : memref<16x160x128xi32, #tpu.memory_space<hbm>> -> memref<1x160x128xi32, #tpu.memory_space<hbm>>
    %dma_wait3A_127 = tpu.memref_squeeze %dma_wait3A_126 : memref<1x160x128xi32, #tpu.memory_space<hbm>> -> memref<160x128xi32, #tpu.memory_space<hbm>>
    %dma_wait3A_128 = arith.constant 0 : i32
    %dma_wait3A_129 = arith.constant 0 : i32
    %dma_wait3A_130 = tpu.memref_slice %dma_wait3A_127[%dma_wait3A_128, %dma_wait3A_129] : memref<160x128xi32, #tpu.memory_space<hbm>> -> memref<8x128xi32, #tpu.memory_space<hbm>>
    tpu.wait_dma2 semaphore(%arg14 : memref<!tpu.dma_semaphore, #tpu.memory_space<semaphore_mem>>) src(%dma_wait3A_130 : memref<8x128xi32, #tpu.memory_space<hbm>>) dst(%dma_wait3A_123 : memref<8x128xi32, #tpu.memory_space<vmem>>)
    %dma_wait3A_131 = arith.constant 0 : i32
    %dma_wait3A_132 = arith.constant 0 : i32
    %dma_wait3A_133 = arith.constant 0 : i32
    %dma_wait3A_134 = tpu.memref_slice %arg9[%dma_wait3A_131, %dma_wait3A_132, %dma_wait3A_133] : memref<2x8x128xi32, #tpu.memory_space<vmem>> -> memref<1x8x128xi32, #tpu.memory_space<vmem>>
    %dma_wait3A_135 = tpu.memref_squeeze %dma_wait3A_134 : memref<1x8x128xi32, #tpu.memory_space<vmem>> -> memref<8x128xi32, #tpu.memory_space<vmem>>
    %dma_wait3A_136 = arith.constant 0 : i32
    %dma_wait3A_137 = arith.constant 0 : i32
    %dma_wait3A_138 = tpu.memref_slice %arg4[%arg1, %dma_wait3A_136, %dma_wait3A_137] : memref<16x160x128xi32, #tpu.memory_space<hbm>> -> memref<1x160x128xi32, #tpu.memory_space<hbm>>
    %dma_wait3A_139 = tpu.memref_squeeze %dma_wait3A_138 : memref<1x160x128xi32, #tpu.memory_space<hbm>> -> memref<160x128xi32, #tpu.memory_space<hbm>>
    %dma_wait3A_140 = arith.constant 0 : i32
    %dma_wait3A_141 = arith.constant 0 : i32
    %dma_wait3A_142 = tpu.memref_slice %dma_wait3A_139[%dma_wait3A_140, %dma_wait3A_141] : memref<160x128xi32, #tpu.memory_space<hbm>> -> memref<8x128xi32, #tpu.memory_space<hbm>>
    %dma_wait3A_143 = arith.constant 0 : i32
    %dma_wait3A_144 = arith.constant 0 : i32
    %dma_wait3A_145 = tpu.memref_slice %arg9[%dma_wait3A_131, %dma_wait3A_143, %dma_wait3A_144] : memref<2x8x128xi32, #tpu.memory_space<vmem>> -> memref<1x8x128xi32, #tpu.memory_space<vmem>>
    %dma_wait3A_146 = tpu.memref_squeeze %dma_wait3A_145 : memref<1x8x128xi32, #tpu.memory_space<vmem>> -> memref<8x128xi32, #tpu.memory_space<vmem>>
    %dma_wait3A_147 = arith.constant 0 : i32
    %dma_wait3A_148 = arith.constant 0 : i32
    %dma_wait3A_149 = tpu.memref_slice %arg4[%arg1, %dma_wait3A_147, %dma_wait3A_148] : memref<16x160x128xi32, #tpu.memory_space<hbm>> -> memref<1x160x128xi32, #tpu.memory_space<hbm>>
    %dma_wait3A_150 = tpu.memref_squeeze %dma_wait3A_149 : memref<1x160x128xi32, #tpu.memory_space<hbm>> -> memref<160x128xi32, #tpu.memory_space<hbm>>
    %dma_wait3A_151 = arith.constant 0 : i32
    %dma_wait3A_152 = arith.constant 0 : i32
    %dma_wait3A_153 = tpu.memref_slice %dma_wait3A_150[%dma_wait3A_151, %dma_wait3A_152] : memref<160x128xi32, #tpu.memory_space<hbm>> -> memref<8x128xi32, #tpu.memory_space<hbm>>
    tpu.wait_dma2 semaphore(%arg14 : memref<!tpu.dma_semaphore, #tpu.memory_space<semaphore_mem>>) src(%dma_wait3A_153 : memref<8x128xi32, #tpu.memory_space<hbm>>) dst(%dma_wait3A_146 : memref<8x128xi32, #tpu.memory_space<vmem>>)
    %dma_start3A_154 = arith.constant 0 : i32
    %dma_start3A_155 = arith.constant 0 : i32
    %dma_start3A_156 = arith.constant 0 : i32
    %dma_start3A_157 = tpu.memref_slice %arg8[%dma_start3A_154, %dma_start3A_155, %dma_start3A_156] : memref<2x8x128xi32, #tpu.memory_space<vmem>> -> memref<1x1x128xi32, #tpu.memory_space<vmem>>
    %dma_start3A_158 = tpu.memref_squeeze %dma_start3A_157 : memref<1x1x128xi32, #tpu.memory_space<vmem>> -> memref<128xi32, #tpu.memory_space<vmem>>
    %dma_start3A_159 = arith.constant 0 : i32
    %dma_start3A_160 = arith.constant 0 : i32
    %dma_start3A_161 = tpu.memref_slice %arg7[%dma_start3A_159, %dma_start3A_160] : memref<10112x64xf32, #tpu.memory_space<vmem_shared>> -> memref<10112x64xf32, #tpu.memory_space<vmem_shared>>
    tpu.enqueue_indirect_dma source(%dma_start3A_161 : memref<10112x64xf32, #tpu.memory_space<vmem_shared>>) target(%arg10 : memref<128x64xf32, #tpu.memory_space<vmem>>) offsets(%dma_start3A_158 : memref<128xi32, #tpu.memory_space<vmem>>) semaphore(%arg12 : memref<!tpu.dma_semaphore, #tpu.memory_space<semaphore_mem>>)
    %scan3A_162 = arith.constant 0 : i32
    %scan3A_163 = arith.constant 18 : i32
    %scan3A_164 = arith.addi %scan3A_162, %scan3A_163 : i32
    %scan3A_165 = arith.constant 1 : i32
    scf.for %scan3A_493 = %scan3A_162 to %scan3A_164 step %scan3A_165  : i32 {
      %mul3A_494 = arith.constant 1 : i32
      %mul3A_495 = arith.muli %scan3A_493, %mul3A_494 : i32
      %add3A_496 = arith.constant 0 : i32
      %add3A_497 = arith.addi %add3A_496, %mul3A_495 : i32
      %rem3A = arith.constant 2 : i32
      %rem3A_498 = arith.remsi %add3A_497, %rem3A : i32
      %sub3A_499 = arith.constant 1 : i32
      %sub3A_500 = arith.subi %sub3A_499, %rem3A_498 : i32
      %add3A_501 = arith.constant 2 : i32
      %add3A_502 = arith.addi %add3A_497, %add3A_501 : i32
      %dma_start3A_503 = arith.constant 1 : i32
      %dma_start3A_504 = arith.constant 0 : i32
      %dma_start3A_505 = tpu.memref_slice %arg8[%rem3A_498, %dma_start3A_503, %dma_start3A_504] : memref<2x8x128xi32, #tpu.memory_space<vmem>> -> memref<1x1x128xi32, #tpu.memory_space<vmem>>
      %dma_start3A_506 = tpu.memref_squeeze %dma_start3A_505 : memref<1x1x128xi32, #tpu.memory_space<vmem>> -> memref<128xi32, #tpu.memory_space<vmem>>
      %dma_start3A_507 = arith.constant 0 : i32
      %dma_start3A_508 = arith.constant 0 : i32
      %dma_start3A_509 = tpu.memref_slice %arg7[%dma_start3A_507, %dma_start3A_508] : memref<10112x64xf32, #tpu.memory_space<vmem_shared>> -> memref<10112x64xf32, #tpu.memory_space<vmem_shared>>
      tpu.enqueue_indirect_dma source(%dma_start3A_509 : memref<10112x64xf32, #tpu.memory_space<vmem_shared>>) target(%arg11 : memref<128x64xf32, #tpu.memory_space<vmem>>) offsets(%dma_start3A_506 : memref<128xi32, #tpu.memory_space<vmem>>) semaphore(%arg13 : memref<!tpu.dma_semaphore, #tpu.memory_space<semaphore_mem>>)
      %dma_wait3A_510 = arith.constant 0 : i32
      %dma_wait3A_511 = arith.constant 0 : i32
      %dma_wait3A_512 = tpu.memref_slice %arg8[%rem3A_498, %dma_wait3A_510, %dma_wait3A_511] : memref<2x8x128xi32, #tpu.memory_space<vmem>> -> memref<1x1x128xi32, #tpu.memory_space<vmem>>
      %dma_wait3A_513 = tpu.memref_squeeze %dma_wait3A_512 : memref<1x1x128xi32, #tpu.memory_space<vmem>> -> memref<128xi32, #tpu.memory_space<vmem>>
      %dma_wait3A_514 = arith.constant 0 : i32
      %dma_wait3A_515 = arith.constant 0 : i32
      %dma_wait3A_516 = tpu.memref_slice %arg7[%dma_wait3A_514, %dma_wait3A_515] : memref<10112x64xf32, #tpu.memory_space<vmem_shared>> -> memref<10112x64xf32, #tpu.memory_space<vmem_shared>>
      tpu.wait_indirect_dma semaphore(%arg12 : memref<!tpu.dma_semaphore, #tpu.memory_space<semaphore_mem>>) src(%dma_wait3A_516 : memref<10112x64xf32, #tpu.memory_space<vmem_shared>>) dst(%arg10 : memref<128x64xf32, #tpu.memory_space<vmem>>)
      %run_scoped3A_517 = arith.constant 0 : i32
      "tpu.region"() ({
        %run_scoped3A_709 = tpu.sem_alloc : memref<!tpu.dma_semaphore, #tpu.memory_space<semaphore_mem>>
        %dma_start3A_710 = arith.constant 0 : i32
        %dma_start3A_711 = tpu.memref_slice %arg9[%rem3A_498, %run_scoped3A_517, %dma_start3A_710] : memref<2x8x128xi32, #tpu.memory_space<vmem>> -> memref<1x1x128xi32, #tpu.memory_space<vmem>>
        %dma_start3A_712 = tpu.memref_squeeze %dma_start3A_711 : memref<1x1x128xi32, #tpu.memory_space<vmem>> -> memref<128xi32, #tpu.memory_space<vmem>>
        %dma_start3A_713 = arith.constant 0 : i32
        %dma_start3A_714 = arith.constant 0 : i32
        %dma_start3A_715 = tpu.memref_slice %arg6[%dma_start3A_713, %dma_start3A_714] : memref<10112x64xf32, #tpu.memory_space<vmem_shared>> -> memref<10112x64xf32, #tpu.memory_space<vmem_shared>>
        tpu.enqueue_indirect_dma source(%arg10 : memref<128x64xf32, #tpu.memory_space<vmem>>) target(%dma_start3A_715 : memref<10112x64xf32, #tpu.memory_space<vmem_shared>>) offsets(%dma_start3A_712 : memref<128xi32, #tpu.memory_space<vmem>>) semaphore(%run_scoped3A_709 : memref<!tpu.dma_semaphore, #tpu.memory_space<semaphore_mem>>) {add = true}
        %dma_wait3A_716 = arith.constant 0 : i32
        %dma_wait3A_717 = tpu.memref_slice %arg9[%rem3A_498, %run_scoped3A_517, %dma_wait3A_716] : memref<2x8x128xi32, #tpu.memory_space<vmem>> -> memref<1x1x128xi32, #tpu.memory_space<vmem>>
        %dma_wait3A_718 = tpu.memref_squeeze %dma_wait3A_717 : memref<1x1x128xi32, #tpu.memory_space<vmem>> -> memref<128xi32, #tpu.memory_space<vmem>>
        %dma_wait3A_719 = arith.constant 0 : i32
        %dma_wait3A_720 = arith.constant 0 : i32
        %dma_wait3A_721 = tpu.memref_slice %arg6[%dma_wait3A_719, %dma_wait3A_720] : memref<10112x64xf32, #tpu.memory_space<vmem_shared>> -> memref<10112x64xf32, #tpu.memory_space<vmem_shared>>
        tpu.wait_indirect_dma semaphore(%run_scoped3A_709 : memref<!tpu.dma_semaphore, #tpu.memory_space<semaphore_mem>>) src(%arg10 : memref<128x64xf32, #tpu.memory_space<vmem>>) dst(%dma_wait3A_721 : memref<10112x64xf32, #tpu.memory_space<vmem_shared>>)
        tpu.yield
      }) : () -> ()
      %dma_start3A_518 = arith.constant 2 : i32
      %dma_start3A_519 = arith.constant 0 : i32
      %dma_start3A_520 = tpu.memref_slice %arg8[%rem3A_498, %dma_start3A_518, %dma_start3A_519] : memref<2x8x128xi32, #tpu.memory_space<vmem>> -> memref<1x1x128xi32, #tpu.memory_space<vmem>>
      %dma_start3A_521 = tpu.memref_squeeze %dma_start3A_520 : memref<1x1x128xi32, #tpu.memory_space<vmem>> -> memref<128xi32, #tpu.memory_space<vmem>>
      %dma_start3A_522 = arith.constant 0 : i32
      %dma_start3A_523 = arith.constant 0 : i32
      %dma_start3A_524 = tpu.memref_slice %arg7[%dma_start3A_522, %dma_start3A_523] : memref<10112x64xf32, #tpu.memory_space<vmem_shared>> -> memref<10112x64xf32, #tpu.memory_space<vmem_shared>>
      tpu.enqueue_indirect_dma source(%dma_start3A_524 : memref<10112x64xf32, #tpu.memory_space<vmem_shared>>) target(%arg10 : memref<128x64xf32, #tpu.memory_space<vmem>>) offsets(%dma_start3A_521 : memref<128xi32, #tpu.memory_space<vmem>>) semaphore(%arg12 : memref<!tpu.dma_semaphore, #tpu.memory_space<semaphore_mem>>)
      %dma_wait3A_525 = arith.constant 1 : i32
      %dma_wait3A_526 = arith.constant 0 : i32
      %dma_wait3A_527 = tpu.memref_slice %arg8[%rem3A_498, %dma_wait3A_525, %dma_wait3A_526] : memref<2x8x128xi32, #tpu.memory_space<vmem>> -> memref<1x1x128xi32, #tpu.memory_space<vmem>>
      %dma_wait3A_528 = tpu.memref_squeeze %dma_wait3A_527 : memref<1x1x128xi32, #tpu.memory_space<vmem>> -> memref<128xi32, #tpu.memory_space<vmem>>
      %dma_wait3A_529 = arith.constant 0 : i32
      %dma_wait3A_530 = arith.constant 0 : i32
      %dma_wait3A_531 = tpu.memref_slice %arg7[%dma_wait3A_529, %dma_wait3A_530] : memref<10112x64xf32, #tpu.memory_space<vmem_shared>> -> memref<10112x64xf32, #tpu.memory_space<vmem_shared>>
      tpu.wait_indirect_dma semaphore(%arg13 : memref<!tpu.dma_semaphore, #tpu.memory_space<semaphore_mem>>) src(%dma_wait3A_531 : memref<10112x64xf32, #tpu.memory_space<vmem_shared>>) dst(%arg11 : memref<128x64xf32, #tpu.memory_space<vmem>>)
      %run_scoped3A_532 = arith.constant 1 : i32
      "tpu.region"() ({
        %run_scoped3A_709 = tpu.sem_alloc : memref<!tpu.dma_semaphore, #tpu.memory_space<semaphore_mem>>
        %dma_start3A_710 = arith.constant 0 : i32
        %dma_start3A_711 = tpu.memref_slice %arg9[%rem3A_498, %run_scoped3A_532, %dma_start3A_710] : memref<2x8x128xi32, #tpu.memory_space<vmem>> -> memref<1x1x128xi32, #tpu.memory_space<vmem>>
        %dma_start3A_712 = tpu.memref_squeeze %dma_start3A_711 : memref<1x1x128xi32, #tpu.memory_space<vmem>> -> memref<128xi32, #tpu.memory_space<vmem>>
        %dma_start3A_713 = arith.constant 0 : i32
        %dma_start3A_714 = arith.constant 0 : i32
        %dma_start3A_715 = tpu.memref_slice %arg6[%dma_start3A_713, %dma_start3A_714] : memref<10112x64xf32, #tpu.memory_space<vmem_shared>> -> memref<10112x64xf32, #tpu.memory_space<vmem_shared>>
        tpu.enqueue_indirect_dma source(%arg11 : memref<128x64xf32, #tpu.memory_space<vmem>>) target(%dma_start3A_715 : memref<10112x64xf32, #tpu.memory_space<vmem_shared>>) offsets(%dma_start3A_712 : memref<128xi32, #tpu.memory_space<vmem>>) semaphore(%run_scoped3A_709 : memref<!tpu.dma_semaphore, #tpu.memory_space<semaphore_mem>>) {add = true}
        %dma_wait3A_716 = arith.constant 0 : i32
        %dma_wait3A_717 = tpu.memref_slice %arg9[%rem3A_498, %run_scoped3A_532, %dma_wait3A_716] : memref<2x8x128xi32, #tpu.memory_space<vmem>> -> memref<1x1x128xi32, #tpu.memory_space<vmem>>
        %dma_wait3A_718 = tpu.memref_squeeze %dma_wait3A_717 : memref<1x1x128xi32, #tpu.memory_space<vmem>> -> memref<128xi32, #tpu.memory_space<vmem>>
        %dma_wait3A_719 = arith.constant 0 : i32
        %dma_wait3A_720 = arith.constant 0 : i32
        %dma_wait3A_721 = tpu.memref_slice %arg6[%dma_wait3A_719, %dma_wait3A_720] : memref<10112x64xf32, #tpu.memory_space<vmem_shared>> -> memref<10112x64xf32, #tpu.memory_space<vmem_shared>>
        tpu.wait_indirect_dma semaphore(%run_scoped3A_709 : memref<!tpu.dma_semaphore, #tpu.memory_space<semaphore_mem>>) src(%arg11 : memref<128x64xf32, #tpu.memory_space<vmem>>) dst(%dma_wait3A_721 : memref<10112x64xf32, #tpu.memory_space<vmem_shared>>)
        tpu.yield
      }) : () -> ()
      %dma_start3A_533 = arith.constant 3 : i32
      %dma_start3A_534 = arith.constant 0 : i32
      %dma_start3A_535 = tpu.memref_slice %arg8[%rem3A_498, %dma_start3A_533, %dma_start3A_534] : memref<2x8x128xi32, #tpu.memory_space<vmem>> -> memref<1x1x128xi32, #tpu.memory_space<vmem>>
      %dma_start3A_536 = tpu.memref_squeeze %dma_start3A_535 : memref<1x1x128xi32, #tpu.memory_space<vmem>> -> memref<128xi32, #tpu.memory_space<vmem>>
      %dma_start3A_537 = arith.constant 0 : i32
      %dma_start3A_538 = arith.constant 0 : i32
      %dma_start3A_539 = tpu.memref_slice %arg7[%dma_start3A_537, %dma_start3A_538] : memref<10112x64xf32, #tpu.memory_space<vmem_shared>> -> memref<10112x64xf32, #tpu.memory_space<vmem_shared>>
      tpu.enqueue_indirect_dma source(%dma_start3A_539 : memref<10112x64xf32, #tpu.memory_space<vmem_shared>>) target(%arg11 : memref<128x64xf32, #tpu.memory_space<vmem>>) offsets(%dma_start3A_536 : memref<128xi32, #tpu.memory_space<vmem>>) semaphore(%arg13 : memref<!tpu.dma_semaphore, #tpu.memory_space<semaphore_mem>>)
      %dma_wait3A_540 = arith.constant 2 : i32
      %dma_wait3A_541 = arith.constant 0 : i32
      %dma_wait3A_542 = tpu.memref_slice %arg8[%rem3A_498, %dma_wait3A_540, %dma_wait3A_541] : memref<2x8x128xi32, #tpu.memory_space<vmem>> -> memref<1x1x128xi32, #tpu.memory_space<vmem>>
      %dma_wait3A_543 = tpu.memref_squeeze %dma_wait3A_542 : memref<1x1x128xi32, #tpu.memory_space<vmem>> -> memref<128xi32, #tpu.memory_space<vmem>>
      %dma_wait3A_544 = arith.constant 0 : i32
      %dma_wait3A_545 = arith.constant 0 : i32
      %dma_wait3A_546 = tpu.memref_slice %arg7[%dma_wait3A_544, %dma_wait3A_545] : memref<10112x64xf32, #tpu.memory_space<vmem_shared>> -> memref<10112x64xf32, #tpu.memory_space<vmem_shared>>
      tpu.wait_indirect_dma semaphore(%arg12 : memref<!tpu.dma_semaphore, #tpu.memory_space<semaphore_mem>>) src(%dma_wait3A_546 : memref<10112x64xf32, #tpu.memory_space<vmem_shared>>) dst(%arg10 : memref<128x64xf32, #tpu.memory_space<vmem>>)
      %run_scoped3A_547 = arith.constant 2 : i32
      "tpu.region"() ({
        %run_scoped3A_709 = tpu.sem_alloc : memref<!tpu.dma_semaphore, #tpu.memory_space<semaphore_mem>>
        %dma_start3A_710 = arith.constant 0 : i32
        %dma_start3A_711 = tpu.memref_slice %arg9[%rem3A_498, %run_scoped3A_547, %dma_start3A_710] : memref<2x8x128xi32, #tpu.memory_space<vmem>> -> memref<1x1x128xi32, #tpu.memory_space<vmem>>
        %dma_start3A_712 = tpu.memref_squeeze %dma_start3A_711 : memref<1x1x128xi32, #tpu.memory_space<vmem>> -> memref<128xi32, #tpu.memory_space<vmem>>
        %dma_start3A_713 = arith.constant 0 : i32
        %dma_start3A_714 = arith.constant 0 : i32
        %dma_start3A_715 = tpu.memref_slice %arg6[%dma_start3A_713, %dma_start3A_714] : memref<10112x64xf32, #tpu.memory_space<vmem_shared>> -> memref<10112x64xf32, #tpu.memory_space<vmem_shared>>
        tpu.enqueue_indirect_dma source(%arg10 : memref<128x64xf32, #tpu.memory_space<vmem>>) target(%dma_start3A_715 : memref<10112x64xf32, #tpu.memory_space<vmem_shared>>) offsets(%dma_start3A_712 : memref<128xi32, #tpu.memory_space<vmem>>) semaphore(%run_scoped3A_709 : memref<!tpu.dma_semaphore, #tpu.memory_space<semaphore_mem>>) {add = true}
        %dma_wait3A_716 = arith.constant 0 : i32
        %dma_wait3A_717 = tpu.memref_slice %arg9[%rem3A_498, %run_scoped3A_547, %dma_wait3A_716] : memref<2x8x128xi32, #tpu.memory_space<vmem>> -> memref<1x1x128xi32, #tpu.memory_space<vmem>>
        %dma_wait3A_718 = tpu.memref_squeeze %dma_wait3A_717 : memref<1x1x128xi32, #tpu.memory_space<vmem>> -> memref<128xi32, #tpu.memory_space<vmem>>
        %dma_wait3A_719 = arith.constant 0 : i32
        %dma_wait3A_720 = arith.constant 0 : i32
        %dma_wait3A_721 = tpu.memref_slice %arg6[%dma_wait3A_719, %dma_wait3A_720] : memref<10112x64xf32, #tpu.memory_space<vmem_shared>> -> memref<10112x64xf32, #tpu.memory_space<vmem_shared>>
        tpu.wait_indirect_dma semaphore(%run_scoped3A_709 : memref<!tpu.dma_semaphore, #tpu.memory_space<semaphore_mem>>) src(%arg10 : memref<128x64xf32, #tpu.memory_space<vmem>>) dst(%dma_wait3A_721 : memref<10112x64xf32, #tpu.memory_space<vmem_shared>>)
        tpu.yield
      }) : () -> ()
      %dma_start3A_548 = arith.constant 4 : i32
      %dma_start3A_549 = arith.constant 0 : i32
      %dma_start3A_550 = tpu.memref_slice %arg8[%rem3A_498, %dma_start3A_548, %dma_start3A_549] : memref<2x8x128xi32, #tpu.memory_space<vmem>> -> memref<1x1x128xi32, #tpu.memory_space<vmem>>
      %dma_start3A_551 = tpu.memref_squeeze %dma_start3A_550 : memref<1x1x128xi32, #tpu.memory_space<vmem>> -> memref<128xi32, #tpu.memory_space<vmem>>
      %dma_start3A_552 = arith.constant 0 : i32
      %dma_start3A_553 = arith.constant 0 : i32
      %dma_start3A_554 = tpu.memref_slice %arg7[%dma_start3A_552, %dma_start3A_553] : memref<10112x64xf32, #tpu.memory_space<vmem_shared>> -> memref<10112x64xf32, #tpu.memory_space<vmem_shared>>
      tpu.enqueue_indirect_dma source(%dma_start3A_554 : memref<10112x64xf32, #tpu.memory_space<vmem_shared>>) target(%arg10 : memref<128x64xf32, #tpu.memory_space<vmem>>) offsets(%dma_start3A_551 : memref<128xi32, #tpu.memory_space<vmem>>) semaphore(%arg12 : memref<!tpu.dma_semaphore, #tpu.memory_space<semaphore_mem>>)
      %dma_wait3A_555 = arith.constant 3 : i32
      %dma_wait3A_556 = arith.constant 0 : i32
      %dma_wait3A_557 = tpu.memref_slice %arg8[%rem3A_498, %dma_wait3A_555, %dma_wait3A_556] : memref<2x8x128xi32, #tpu.memory_space<vmem>> -> memref<1x1x128xi32, #tpu.memory_space<vmem>>
      %dma_wait3A_558 = tpu.memref_squeeze %dma_wait3A_557 : memref<1x1x128xi32, #tpu.memory_space<vmem>> -> memref<128xi32, #tpu.memory_space<vmem>>
      %dma_wait3A_559 = arith.constant 0 : i32
      %dma_wait3A_560 = arith.constant 0 : i32
      %dma_wait3A_561 = tpu.memref_slice %arg7[%dma_wait3A_559, %dma_wait3A_560] : memref<10112x64xf32, #tpu.memory_space<vmem_shared>> -> memref<10112x64xf32, #tpu.memory_space<vmem_shared>>
      tpu.wait_indirect_dma semaphore(%arg13 : memref<!tpu.dma_semaphore, #tpu.memory_space<semaphore_mem>>) src(%dma_wait3A_561 : memref<10112x64xf32, #tpu.memory_space<vmem_shared>>) dst(%arg11 : memref<128x64xf32, #tpu.memory_space<vmem>>)
      %run_scoped3A_562 = arith.constant 3 : i32
      "tpu.region"() ({
        %run_scoped3A_709 = tpu.sem_alloc : memref<!tpu.dma_semaphore, #tpu.memory_space<semaphore_mem>>
        %dma_start3A_710 = arith.constant 0 : i32
        %dma_start3A_711 = tpu.memref_slice %arg9[%rem3A_498, %run_scoped3A_562, %dma_start3A_710] : memref<2x8x128xi32, #tpu.memory_space<vmem>> -> memref<1x1x128xi32, #tpu.memory_space<vmem>>
        %dma_start3A_712 = tpu.memref_squeeze %dma_start3A_711 : memref<1x1x128xi32, #tpu.memory_space<vmem>> -> memref<128xi32, #tpu.memory_space<vmem>>
        %dma_start3A_713 = arith.constant 0 : i32
        %dma_start3A_714 = arith.constant 0 : i32
        %dma_start3A_715 = tpu.memref_slice %arg6[%dma_start3A_713, %dma_start3A_714] : memref<10112x64xf32, #tpu.memory_space<vmem_shared>> -> memref<10112x64xf32, #tpu.memory_space<vmem_shared>>
        tpu.enqueue_indirect_dma source(%arg11 : memref<128x64xf32, #tpu.memory_space<vmem>>) target(%dma_start3A_715 : memref<10112x64xf32, #tpu.memory_space<vmem_shared>>) offsets(%dma_start3A_712 : memref<128xi32, #tpu.memory_space<vmem>>) semaphore(%run_scoped3A_709 : memref<!tpu.dma_semaphore, #tpu.memory_space<semaphore_mem>>) {add = true}
        %dma_wait3A_716 = arith.constant 0 : i32
        %dma_wait3A_717 = tpu.memref_slice %arg9[%rem3A_498, %run_scoped3A_562, %dma_wait3A_716] : memref<2x8x128xi32, #tpu.memory_space<vmem>> -> memref<1x1x128xi32, #tpu.memory_space<vmem>>
        %dma_wait3A_718 = tpu.memref_squeeze %dma_wait3A_717 : memref<1x1x128xi32, #tpu.memory_space<vmem>> -> memref<128xi32, #tpu.memory_space<vmem>>
        %dma_wait3A_719 = arith.constant 0 : i32
        %dma_wait3A_720 = arith.constant 0 : i32
        %dma_wait3A_721 = tpu.memref_slice %arg6[%dma_wait3A_719, %dma_wait3A_720] : memref<10112x64xf32, #tpu.memory_space<vmem_shared>> -> memref<10112x64xf32, #tpu.memory_space<vmem_shared>>
        tpu.wait_indirect_dma semaphore(%run_scoped3A_709 : memref<!tpu.dma_semaphore, #tpu.memory_space<semaphore_mem>>) src(%arg11 : memref<128x64xf32, #tpu.memory_space<vmem>>) dst(%dma_wait3A_721 : memref<10112x64xf32, #tpu.memory_space<vmem_shared>>)
        tpu.yield
      }) : () -> ()
      %dma_start3A_563 = arith.constant 5 : i32
      %dma_start3A_564 = arith.constant 0 : i32
      %dma_start3A_565 = tpu.memref_slice %arg8[%rem3A_498, %dma_start3A_563, %dma_start3A_564] : memref<2x8x128xi32, #tpu.memory_space<vmem>> -> memref<1x1x128xi32, #tpu.memory_space<vmem>>
      %dma_start3A_566 = tpu.memref_squeeze %dma_start3A_565 : memref<1x1x128xi32, #tpu.memory_space<vmem>> -> memref<128xi32, #tpu.memory_space<vmem>>
      %dma_start3A_567 = arith.constant 0 : i32
      %dma_start3A_568 = arith.constant 0 : i32
      %dma_start3A_569 = tpu.memref_slice %arg7[%dma_start3A_567, %dma_start3A_568] : memref<10112x64xf32, #tpu.memory_space<vmem_shared>> -> memref<10112x64xf32, #tpu.memory_space<vmem_shared>>
      tpu.enqueue_indirect_dma source(%dma_start3A_569 : memref<10112x64xf32, #tpu.memory_space<vmem_shared>>) target(%arg11 : memref<128x64xf32, #tpu.memory_space<vmem>>) offsets(%dma_start3A_566 : memref<128xi32, #tpu.memory_space<vmem>>) semaphore(%arg13 : memref<!tpu.dma_semaphore, #tpu.memory_space<semaphore_mem>>)
      %dma_wait3A_570 = arith.constant 4 : i32
      %dma_wait3A_571 = arith.constant 0 : i32
      %dma_wait3A_572 = tpu.memref_slice %arg8[%rem3A_498, %dma_wait3A_570, %dma_wait3A_571] : memref<2x8x128xi32, #tpu.memory_space<vmem>> -> memref<1x1x128xi32, #tpu.memory_space<vmem>>
      %dma_wait3A_573 = tpu.memref_squeeze %dma_wait3A_572 : memref<1x1x128xi32, #tpu.memory_space<vmem>> -> memref<128xi32, #tpu.memory_space<vmem>>
      %dma_wait3A_574 = arith.constant 0 : i32
      %dma_wait3A_575 = arith.constant 0 : i32
      %dma_wait3A_576 = tpu.memref_slice %arg7[%dma_wait3A_574, %dma_wait3A_575] : memref<10112x64xf32, #tpu.memory_space<vmem_shared>> -> memref<10112x64xf32, #tpu.memory_space<vmem_shared>>
      tpu.wait_indirect_dma semaphore(%arg12 : memref<!tpu.dma_semaphore, #tpu.memory_space<semaphore_mem>>) src(%dma_wait3A_576 : memref<10112x64xf32, #tpu.memory_space<vmem_shared>>) dst(%arg10 : memref<128x64xf32, #tpu.memory_space<vmem>>)
      %run_scoped3A_577 = arith.constant 4 : i32
      "tpu.region"() ({
        %run_scoped3A_709 = tpu.sem_alloc : memref<!tpu.dma_semaphore, #tpu.memory_space<semaphore_mem>>
        %dma_start3A_710 = arith.constant 0 : i32
        %dma_start3A_711 = tpu.memref_slice %arg9[%rem3A_498, %run_scoped3A_577, %dma_start3A_710] : memref<2x8x128xi32, #tpu.memory_space<vmem>> -> memref<1x1x128xi32, #tpu.memory_space<vmem>>
        %dma_start3A_712 = tpu.memref_squeeze %dma_start3A_711 : memref<1x1x128xi32, #tpu.memory_space<vmem>> -> memref<128xi32, #tpu.memory_space<vmem>>
        %dma_start3A_713 = arith.constant 0 : i32
        %dma_start3A_714 = arith.constant 0 : i32
        %dma_start3A_715 = tpu.memref_slice %arg6[%dma_start3A_713, %dma_start3A_714] : memref<10112x64xf32, #tpu.memory_space<vmem_shared>> -> memref<10112x64xf32, #tpu.memory_space<vmem_shared>>
        tpu.enqueue_indirect_dma source(%arg10 : memref<128x64xf32, #tpu.memory_space<vmem>>) target(%dma_start3A_715 : memref<10112x64xf32, #tpu.memory_space<vmem_shared>>) offsets(%dma_start3A_712 : memref<128xi32, #tpu.memory_space<vmem>>) semaphore(%run_scoped3A_709 : memref<!tpu.dma_semaphore, #tpu.memory_space<semaphore_mem>>) {add = true}
        %dma_wait3A_716 = arith.constant 0 : i32
        %dma_wait3A_717 = tpu.memref_slice %arg9[%rem3A_498, %run_scoped3A_577, %dma_wait3A_716] : memref<2x8x128xi32, #tpu.memory_space<vmem>> -> memref<1x1x128xi32, #tpu.memory_space<vmem>>
        %dma_wait3A_718 = tpu.memref_squeeze %dma_wait3A_717 : memref<1x1x128xi32, #tpu.memory_space<vmem>> -> memref<128xi32, #tpu.memory_space<vmem>>
        %dma_wait3A_719 = arith.constant 0 : i32
        %dma_wait3A_720 = arith.constant 0 : i32
        %dma_wait3A_721 = tpu.memref_slice %arg6[%dma_wait3A_719, %dma_wait3A_720] : memref<10112x64xf32, #tpu.memory_space<vmem_shared>> -> memref<10112x64xf32, #tpu.memory_space<vmem_shared>>
        tpu.wait_indirect_dma semaphore(%run_scoped3A_709 : memref<!tpu.dma_semaphore, #tpu.memory_space<semaphore_mem>>) src(%arg10 : memref<128x64xf32, #tpu.memory_space<vmem>>) dst(%dma_wait3A_721 : memref<10112x64xf32, #tpu.memory_space<vmem_shared>>)
        tpu.yield
      }) : () -> ()
      %dma_start3A_578 = arith.constant 6 : i32
      %dma_start3A_579 = arith.constant 0 : i32
      %dma_start3A_580 = tpu.memref_slice %arg8[%rem3A_498, %dma_start3A_578, %dma_start3A_579] : memref<2x8x128xi32, #tpu.memory_space<vmem>> -> memref<1x1x128xi32, #tpu.memory_space<vmem>>
      %dma_start3A_581 = tpu.memref_squeeze %dma_start3A_580 : memref<1x1x128xi32, #tpu.memory_space<vmem>> -> memref<128xi32, #tpu.memory_space<vmem>>
      %dma_start3A_582 = arith.constant 0 : i32
      %dma_start3A_583 = arith.constant 0 : i32
      %dma_start3A_584 = tpu.memref_slice %arg7[%dma_start3A_582, %dma_start3A_583] : memref<10112x64xf32, #tpu.memory_space<vmem_shared>> -> memref<10112x64xf32, #tpu.memory_space<vmem_shared>>
      tpu.enqueue_indirect_dma source(%dma_start3A_584 : memref<10112x64xf32, #tpu.memory_space<vmem_shared>>) target(%arg10 : memref<128x64xf32, #tpu.memory_space<vmem>>) offsets(%dma_start3A_581 : memref<128xi32, #tpu.memory_space<vmem>>) semaphore(%arg12 : memref<!tpu.dma_semaphore, #tpu.memory_space<semaphore_mem>>)
      %dma_wait3A_585 = arith.constant 5 : i32
      %dma_wait3A_586 = arith.constant 0 : i32
      %dma_wait3A_587 = tpu.memref_slice %arg8[%rem3A_498, %dma_wait3A_585, %dma_wait3A_586] : memref<2x8x128xi32, #tpu.memory_space<vmem>> -> memref<1x1x128xi32, #tpu.memory_space<vmem>>
      %dma_wait3A_588 = tpu.memref_squeeze %dma_wait3A_587 : memref<1x1x128xi32, #tpu.memory_space<vmem>> -> memref<128xi32, #tpu.memory_space<vmem>>
      %dma_wait3A_589 = arith.constant 0 : i32
      %dma_wait3A_590 = arith.constant 0 : i32
      %dma_wait3A_591 = tpu.memref_slice %arg7[%dma_wait3A_589, %dma_wait3A_590] : memref<10112x64xf32, #tpu.memory_space<vmem_shared>> -> memref<10112x64xf32, #tpu.memory_space<vmem_shared>>
      tpu.wait_indirect_dma semaphore(%arg13 : memref<!tpu.dma_semaphore, #tpu.memory_space<semaphore_mem>>) src(%dma_wait3A_591 : memref<10112x64xf32, #tpu.memory_space<vmem_shared>>) dst(%arg11 : memref<128x64xf32, #tpu.memory_space<vmem>>)
      %run_scoped3A_592 = arith.constant 5 : i32
      "tpu.region"() ({
        %run_scoped3A_709 = tpu.sem_alloc : memref<!tpu.dma_semaphore, #tpu.memory_space<semaphore_mem>>
        %dma_start3A_710 = arith.constant 0 : i32
        %dma_start3A_711 = tpu.memref_slice %arg9[%rem3A_498, %run_scoped3A_592, %dma_start3A_710] : memref<2x8x128xi32, #tpu.memory_space<vmem>> -> memref<1x1x128xi32, #tpu.memory_space<vmem>>
        %dma_start3A_712 = tpu.memref_squeeze %dma_start3A_711 : memref<1x1x128xi32, #tpu.memory_space<vmem>> -> memref<128xi32, #tpu.memory_space<vmem>>
        %dma_start3A_713 = arith.constant 0 : i32
        %dma_start3A_714 = arith.constant 0 : i32
        %dma_start3A_715 = tpu.memref_slice %arg6[%dma_start3A_713, %dma_start3A_714] : memref<10112x64xf32, #tpu.memory_space<vmem_shared>> -> memref<10112x64xf32, #tpu.memory_space<vmem_shared>>
        tpu.enqueue_indirect_dma source(%arg11 : memref<128x64xf32, #tpu.memory_space<vmem>>) target(%dma_start3A_715 : memref<10112x64xf32, #tpu.memory_space<vmem_shared>>) offsets(%dma_start3A_712 : memref<128xi32, #tpu.memory_space<vmem>>) semaphore(%run_scoped3A_709 : memref<!tpu.dma_semaphore, #tpu.memory_space<semaphore_mem>>) {add = true}
        %dma_wait3A_716 = arith.constant 0 : i32
        %dma_wait3A_717 = tpu.memref_slice %arg9[%rem3A_498, %run_scoped3A_592, %dma_wait3A_716] : memref<2x8x128xi32, #tpu.memory_space<vmem>> -> memref<1x1x128xi32, #tpu.memory_space<vmem>>
        %dma_wait3A_718 = tpu.memref_squeeze %dma_wait3A_717 : memref<1x1x128xi32, #tpu.memory_space<vmem>> -> memref<128xi32, #tpu.memory_space<vmem>>
        %dma_wait3A_719 = arith.constant 0 : i32
        %dma_wait3A_720 = arith.constant 0 : i32
        %dma_wait3A_721 = tpu.memref_slice %arg6[%dma_wait3A_719, %dma_wait3A_720] : memref<10112x64xf32, #tpu.memory_space<vmem_shared>> -> memref<10112x64xf32, #tpu.memory_space<vmem_shared>>
        tpu.wait_indirect_dma semaphore(%run_scoped3A_709 : memref<!tpu.dma_semaphore, #tpu.memory_space<semaphore_mem>>) src(%arg11 : memref<128x64xf32, #tpu.memory_space<vmem>>) dst(%dma_wait3A_721 : memref<10112x64xf32, #tpu.memory_space<vmem_shared>>)
        tpu.yield
      }) : () -> ()
      %dma_wait3A_593 = arith.constant 0 : i32
      %dma_wait3A_594 = arith.constant 0 : i32
      %dma_wait3A_595 = tpu.memref_slice %arg8[%sub3A_500, %dma_wait3A_593, %dma_wait3A_594] : memref<2x8x128xi32, #tpu.memory_space<vmem>> -> memref<1x8x128xi32, #tpu.memory_space<vmem>>
      %dma_wait3A_596 = tpu.memref_squeeze %dma_wait3A_595 : memref<1x8x128xi32, #tpu.memory_space<vmem>> -> memref<8x128xi32, #tpu.memory_space<vmem>>
      %dma_wait3A_597 = arith.constant 0 : i32
      %dma_wait3A_598 = arith.constant 0 : i32
      %dma_wait3A_599 = tpu.memref_slice %arg3[%arg1, %dma_wait3A_597, %dma_wait3A_598] : memref<16x160x128xi32, #tpu.memory_space<hbm>> -> memref<1x160x128xi32, #tpu.memory_space<hbm>>
      %dma_wait3A_600 = tpu.memref_squeeze %dma_wait3A_599 : memref<1x160x128xi32, #tpu.memory_space<hbm>> -> memref<160x128xi32, #tpu.memory_space<hbm>>
      %dma_wait3A_601 = arith.constant 0 : i32
      %dma_wait3A_602 = arith.constant 0 : i32
      %dma_wait3A_603 = tpu.memref_slice %dma_wait3A_600[%dma_wait3A_601, %dma_wait3A_602] : memref<160x128xi32, #tpu.memory_space<hbm>> -> memref<8x128xi32, #tpu.memory_space<hbm>>
      %dma_wait3A_604 = arith.constant 0 : i32
      %dma_wait3A_605 = arith.constant 0 : i32
      %dma_wait3A_606 = tpu.memref_slice %arg8[%sub3A_500, %dma_wait3A_604, %dma_wait3A_605] : memref<2x8x128xi32, #tpu.memory_space<vmem>> -> memref<1x8x128xi32, #tpu.memory_space<vmem>>
      %dma_wait3A_607 = tpu.memref_squeeze %dma_wait3A_606 : memref<1x8x128xi32, #tpu.memory_space<vmem>> -> memref<8x128xi32, #tpu.memory_space<vmem>>
      %dma_wait3A_608 = arith.constant 0 : i32
      %dma_wait3A_609 = arith.constant 0 : i32
      %dma_wait3A_610 = tpu.memref_slice %arg3[%arg1, %dma_wait3A_608, %dma_wait3A_609] : memref<16x160x128xi32, #tpu.memory_space<hbm>> -> memref<1x160x128xi32, #tpu.memory_space<hbm>>
      %dma_wait3A_611 = tpu.memref_squeeze %dma_wait3A_610 : memref<1x160x128xi32, #tpu.memory_space<hbm>> -> memref<160x128xi32, #tpu.memory_space<hbm>>
      %dma_wait3A_612 = arith.constant 0 : i32
      %dma_wait3A_613 = arith.constant 0 : i32
      %dma_wait3A_614 = tpu.memref_slice %dma_wait3A_611[%dma_wait3A_612, %dma_wait3A_613] : memref<160x128xi32, #tpu.memory_space<hbm>> -> memref<8x128xi32, #tpu.memory_space<hbm>>
      tpu.wait_dma2 semaphore(%arg14 : memref<!tpu.dma_semaphore, #tpu.memory_space<semaphore_mem>>) src(%dma_wait3A_614 : memref<8x128xi32, #tpu.memory_space<hbm>>) dst(%dma_wait3A_607 : memref<8x128xi32, #tpu.memory_space<vmem>>)
      %dma_wait3A_615 = arith.constant 0 : i32
      %dma_wait3A_616 = arith.constant 0 : i32
      %dma_wait3A_617 = tpu.memref_slice %arg9[%sub3A_500, %dma_wait3A_615, %dma_wait3A_616] : memref<2x8x128xi32, #tpu.memory_space<vmem>> -> memref<1x8x128xi32, #tpu.memory_space<vmem>>
      %dma_wait3A_618 = tpu.memref_squeeze %dma_wait3A_617 : memref<1x8x128xi32, #tpu.memory_space<vmem>> -> memref<8x128xi32, #tpu.memory_space<vmem>>
      %dma_wait3A_619 = arith.constant 0 : i32
      %dma_wait3A_620 = arith.constant 0 : i32
      %dma_wait3A_621 = tpu.memref_slice %arg4[%arg1, %dma_wait3A_619, %dma_wait3A_620] : memref<16x160x128xi32, #tpu.memory_space<hbm>> -> memref<1x160x128xi32, #tpu.memory_space<hbm>>
      %dma_wait3A_622 = tpu.memref_squeeze %dma_wait3A_621 : memref<1x160x128xi32, #tpu.memory_space<hbm>> -> memref<160x128xi32, #tpu.memory_space<hbm>>
      %dma_wait3A_623 = arith.constant 0 : i32
      %dma_wait3A_624 = arith.constant 0 : i32
      %dma_wait3A_625 = tpu.memref_slice %dma_wait3A_622[%dma_wait3A_623, %dma_wait3A_624] : memref<160x128xi32, #tpu.memory_space<hbm>> -> memref<8x128xi32, #tpu.memory_space<hbm>>
      %dma_wait3A_626 = arith.constant 0 : i32
      %dma_wait3A_627 = arith.constant 0 : i32
      %dma_wait3A_628 = tpu.memref_slice %arg9[%sub3A_500, %dma_wait3A_626, %dma_wait3A_627] : memref<2x8x128xi32, #tpu.memory_space<vmem>> -> memref<1x8x128xi32, #tpu.memory_space<vmem>>
      %dma_wait3A_629 = tpu.memref_squeeze %dma_wait3A_628 : memref<1x8x128xi32, #tpu.memory_space<vmem>> -> memref<8x128xi32, #tpu.memory_space<vmem>>
      %dma_wait3A_630 = arith.constant 0 : i32
      %dma_wait3A_631 = arith.constant 0 : i32
      %dma_wait3A_632 = tpu.memref_slice %arg4[%arg1, %dma_wait3A_630, %dma_wait3A_631] : memref<16x160x128xi32, #tpu.memory_space<hbm>> -> memref<1x160x128xi32, #tpu.memory_space<hbm>>
      %dma_wait3A_633 = tpu.memref_squeeze %dma_wait3A_632 : memref<1x160x128xi32, #tpu.memory_space<hbm>> -> memref<160x128xi32, #tpu.memory_space<hbm>>
      %dma_wait3A_634 = arith.constant 0 : i32
      %dma_wait3A_635 = arith.constant 0 : i32
      %dma_wait3A_636 = tpu.memref_slice %dma_wait3A_633[%dma_wait3A_634, %dma_wait3A_635] : memref<160x128xi32, #tpu.memory_space<hbm>> -> memref<8x128xi32, #tpu.memory_space<hbm>>
      tpu.wait_dma2 semaphore(%arg14 : memref<!tpu.dma_semaphore, #tpu.memory_space<semaphore_mem>>) src(%dma_wait3A_636 : memref<8x128xi32, #tpu.memory_space<hbm>>) dst(%dma_wait3A_629 : memref<8x128xi32, #tpu.memory_space<vmem>>)
      %dma_start3A_637 = arith.constant 7 : i32
      %dma_start3A_638 = arith.constant 0 : i32
      %dma_start3A_639 = tpu.memref_slice %arg8[%rem3A_498, %dma_start3A_637, %dma_start3A_638] : memref<2x8x128xi32, #tpu.memory_space<vmem>> -> memref<1x1x128xi32, #tpu.memory_space<vmem>>
      %dma_start3A_640 = tpu.memref_squeeze %dma_start3A_639 : memref<1x1x128xi32, #tpu.memory_space<vmem>> -> memref<128xi32, #tpu.memory_space<vmem>>
      %dma_start3A_641 = arith.constant 0 : i32
      %dma_start3A_642 = arith.constant 0 : i32
      %dma_start3A_643 = tpu.memref_slice %arg7[%dma_start3A_641, %dma_start3A_642] : memref<10112x64xf32, #tpu.memory_space<vmem_shared>> -> memref<10112x64xf32, #tpu.memory_space<vmem_shared>>
      tpu.enqueue_indirect_dma source(%dma_start3A_643 : memref<10112x64xf32, #tpu.memory_space<vmem_shared>>) target(%arg11 : memref<128x64xf32, #tpu.memory_space<vmem>>) offsets(%dma_start3A_640 : memref<128xi32, #tpu.memory_space<vmem>>) semaphore(%arg13 : memref<!tpu.dma_semaphore, #tpu.memory_space<semaphore_mem>>)
      %dma_wait3A_644 = arith.constant 6 : i32
      %dma_wait3A_645 = arith.constant 0 : i32
      %dma_wait3A_646 = tpu.memref_slice %arg8[%rem3A_498, %dma_wait3A_644, %dma_wait3A_645] : memref<2x8x128xi32, #tpu.memory_space<vmem>> -> memref<1x1x128xi32, #tpu.memory_space<vmem>>
      %dma_wait3A_647 = tpu.memref_squeeze %dma_wait3A_646 : memref<1x1x128xi32, #tpu.memory_space<vmem>> -> memref<128xi32, #tpu.memory_space<vmem>>
      %dma_wait3A_648 = arith.constant 0 : i32
      %dma_wait3A_649 = arith.constant 0 : i32
      %dma_wait3A_650 = tpu.memref_slice %arg7[%dma_wait3A_648, %dma_wait3A_649] : memref<10112x64xf32, #tpu.memory_space<vmem_shared>> -> memref<10112x64xf32, #tpu.memory_space<vmem_shared>>
      tpu.wait_indirect_dma semaphore(%arg12 : memref<!tpu.dma_semaphore, #tpu.memory_space<semaphore_mem>>) src(%dma_wait3A_650 : memref<10112x64xf32, #tpu.memory_space<vmem_shared>>) dst(%arg10 : memref<128x64xf32, #tpu.memory_space<vmem>>)
      %run_scoped3A_651 = arith.constant 6 : i32
      "tpu.region"() ({
        %run_scoped3A_709 = tpu.sem_alloc : memref<!tpu.dma_semaphore, #tpu.memory_space<semaphore_mem>>
        %dma_start3A_710 = arith.constant 0 : i32
        %dma_start3A_711 = tpu.memref_slice %arg9[%rem3A_498, %run_scoped3A_651, %dma_start3A_710] : memref<2x8x128xi32, #tpu.memory_space<vmem>> -> memref<1x1x128xi32, #tpu.memory_space<vmem>>
        %dma_start3A_712 = tpu.memref_squeeze %dma_start3A_711 : memref<1x1x128xi32, #tpu.memory_space<vmem>> -> memref<128xi32, #tpu.memory_space<vmem>>
        %dma_start3A_713 = arith.constant 0 : i32
        %dma_start3A_714 = arith.constant 0 : i32
        %dma_start3A_715 = tpu.memref_slice %arg6[%dma_start3A_713, %dma_start3A_714] : memref<10112x64xf32, #tpu.memory_space<vmem_shared>> -> memref<10112x64xf32, #tpu.memory_space<vmem_shared>>
        tpu.enqueue_indirect_dma source(%arg10 : memref<128x64xf32, #tpu.memory_space<vmem>>) target(%dma_start3A_715 : memref<10112x64xf32, #tpu.memory_space<vmem_shared>>) offsets(%dma_start3A_712 : memref<128xi32, #tpu.memory_space<vmem>>) semaphore(%run_scoped3A_709 : memref<!tpu.dma_semaphore, #tpu.memory_space<semaphore_mem>>) {add = true}
        %dma_wait3A_716 = arith.constant 0 : i32
        %dma_wait3A_717 = tpu.memref_slice %arg9[%rem3A_498, %run_scoped3A_651, %dma_wait3A_716] : memref<2x8x128xi32, #tpu.memory_space<vmem>> -> memref<1x1x128xi32, #tpu.memory_space<vmem>>
        %dma_wait3A_718 = tpu.memref_squeeze %dma_wait3A_717 : memref<1x1x128xi32, #tpu.memory_space<vmem>> -> memref<128xi32, #tpu.memory_space<vmem>>
        %dma_wait3A_719 = arith.constant 0 : i32
        %dma_wait3A_720 = arith.constant 0 : i32
        %dma_wait3A_721 = tpu.memref_slice %arg6[%dma_wait3A_719, %dma_wait3A_720] : memref<10112x64xf32, #tpu.memory_space<vmem_shared>> -> memref<10112x64xf32, #tpu.memory_space<vmem_shared>>
        tpu.wait_indirect_dma semaphore(%run_scoped3A_709 : memref<!tpu.dma_semaphore, #tpu.memory_space<semaphore_mem>>) src(%arg10 : memref<128x64xf32, #tpu.memory_space<vmem>>) dst(%dma_wait3A_721 : memref<10112x64xf32, #tpu.memory_space<vmem_shared>>)
        tpu.yield
      }) : () -> ()
      %dma_start3A_652 = arith.constant 0 : i32
      %dma_start3A_653 = arith.constant 0 : i32
      %dma_start3A_654 = tpu.memref_slice %arg8[%sub3A_500, %dma_start3A_652, %dma_start3A_653] : memref<2x8x128xi32, #tpu.memory_space<vmem>> -> memref<1x1x128xi32, #tpu.memory_space<vmem>>
      %dma_start3A_655 = tpu.memref_squeeze %dma_start3A_654 : memref<1x1x128xi32, #tpu.memory_space<vmem>> -> memref<128xi32, #tpu.memory_space<vmem>>
      %dma_start3A_656 = arith.constant 0 : i32
      %dma_start3A_657 = arith.constant 0 : i32
      %dma_start3A_658 = tpu.memref_slice %arg7[%dma_start3A_656, %dma_start3A_657] : memref<10112x64xf32, #tpu.memory_space<vmem_shared>> -> memref<10112x64xf32, #tpu.memory_space<vmem_shared>>
      tpu.enqueue_indirect_dma source(%dma_start3A_658 : memref<10112x64xf32, #tpu.memory_space<vmem_shared>>) target(%arg10 : memref<128x64xf32, #tpu.memory_space<vmem>>) offsets(%dma_start3A_655 : memref<128xi32, #tpu.memory_space<vmem>>) semaphore(%arg12 : memref<!tpu.dma_semaphore, #tpu.memory_space<semaphore_mem>>)
      %dma_wait3A_659 = arith.constant 7 : i32
      %dma_wait3A_660 = arith.constant 0 : i32
      %dma_wait3A_661 = tpu.memref_slice %arg8[%rem3A_498, %dma_wait3A_659, %dma_wait3A_660] : memref<2x8x128xi32, #tpu.memory_space<vmem>> -> memref<1x1x128xi32, #tpu.memory_space<vmem>>
      %dma_wait3A_662 = tpu.memref_squeeze %dma_wait3A_661 : memref<1x1x128xi32, #tpu.memory_space<vmem>> -> memref<128xi32, #tpu.memory_space<vmem>>
      %dma_wait3A_663 = arith.constant 0 : i32
      %dma_wait3A_664 = arith.constant 0 : i32
      %dma_wait3A_665 = tpu.memref_slice %arg7[%dma_wait3A_663, %dma_wait3A_664] : memref<10112x64xf32, #tpu.memory_space<vmem_shared>> -> memref<10112x64xf32, #tpu.memory_space<vmem_shared>>
      tpu.wait_indirect_dma semaphore(%arg13 : memref<!tpu.dma_semaphore, #tpu.memory_space<semaphore_mem>>) src(%dma_wait3A_665 : memref<10112x64xf32, #tpu.memory_space<vmem_shared>>) dst(%arg11 : memref<128x64xf32, #tpu.memory_space<vmem>>)
      %run_scoped3A_666 = arith.constant 7 : i32
      "tpu.region"() ({
        %run_scoped3A_709 = tpu.sem_alloc : memref<!tpu.dma_semaphore, #tpu.memory_space<semaphore_mem>>
        %dma_start3A_710 = arith.constant 0 : i32
        %dma_start3A_711 = tpu.memref_slice %arg9[%rem3A_498, %run_scoped3A_666, %dma_start3A_710] : memref<2x8x128xi32, #tpu.memory_space<vmem>> -> memref<1x1x128xi32, #tpu.memory_space<vmem>>
        %dma_start3A_712 = tpu.memref_squeeze %dma_start3A_711 : memref<1x1x128xi32, #tpu.memory_space<vmem>> -> memref<128xi32, #tpu.memory_space<vmem>>
        %dma_start3A_713 = arith.constant 0 : i32
        %dma_start3A_714 = arith.constant 0 : i32
        %dma_start3A_715 = tpu.memref_slice %arg6[%dma_start3A_713, %dma_start3A_714] : memref<10112x64xf32, #tpu.memory_space<vmem_shared>> -> memref<10112x64xf32, #tpu.memory_space<vmem_shared>>
        tpu.enqueue_indirect_dma source(%arg11 : memref<128x64xf32, #tpu.memory_space<vmem>>) target(%dma_start3A_715 : memref<10112x64xf32, #tpu.memory_space<vmem_shared>>) offsets(%dma_start3A_712 : memref<128xi32, #tpu.memory_space<vmem>>) semaphore(%run_scoped3A_709 : memref<!tpu.dma_semaphore, #tpu.memory_space<semaphore_mem>>) {add = true}
        %dma_wait3A_716 = arith.constant 0 : i32
        %dma_wait3A_717 = tpu.memref_slice %arg9[%rem3A_498, %run_scoped3A_666, %dma_wait3A_716] : memref<2x8x128xi32, #tpu.memory_space<vmem>> -> memref<1x1x128xi32, #tpu.memory_space<vmem>>
        %dma_wait3A_718 = tpu.memref_squeeze %dma_wait3A_717 : memref<1x1x128xi32, #tpu.memory_space<vmem>> -> memref<128xi32, #tpu.memory_space<vmem>>
        %dma_wait3A_719 = arith.constant 0 : i32
        %dma_wait3A_720 = arith.constant 0 : i32
        %dma_wait3A_721 = tpu.memref_slice %arg6[%dma_wait3A_719, %dma_wait3A_720] : memref<10112x64xf32, #tpu.memory_space<vmem_shared>> -> memref<10112x64xf32, #tpu.memory_space<vmem_shared>>
        tpu.wait_indirect_dma semaphore(%run_scoped3A_709 : memref<!tpu.dma_semaphore, #tpu.memory_space<semaphore_mem>>) src(%arg11 : memref<128x64xf32, #tpu.memory_space<vmem>>) dst(%dma_wait3A_721 : memref<10112x64xf32, #tpu.memory_space<vmem_shared>>)
        tpu.yield
      }) : () -> ()
      %mul3A_667 = arith.constant 8 : i32
      %mul3A_668 = arith.muli %add3A_502, %mul3A_667 : i32
      %dma_start3A_669 = arith.constant 0 : i32
      %dma_start3A_670 = arith.constant 0 : i32
      %dma_start3A_671 = tpu.memref_slice %arg8[%rem3A_498, %dma_start3A_669, %dma_start3A_670] : memref<2x8x128xi32, #tpu.memory_space<vmem>> -> memref<1x8x128xi32, #tpu.memory_space<vmem>>
      %dma_start3A_672 = tpu.memref_squeeze %dma_start3A_671 : memref<1x8x128xi32, #tpu.memory_space<vmem>> -> memref<8x128xi32, #tpu.memory_space<vmem>>
      %dma_start3A_673 = arith.constant 0 : i32
      %dma_start3A_674 = arith.constant 0 : i32
      %dma_start3A_675 = tpu.memref_slice %arg3[%arg1, %dma_start3A_673, %dma_start3A_674] : memref<16x160x128xi32, #tpu.memory_space<hbm>> -> memref<1x160x128xi32, #tpu.memory_space<hbm>>
      %dma_start3A_676 = tpu.memref_squeeze %dma_start3A_675 : memref<1x160x128xi32, #tpu.memory_space<hbm>> -> memref<160x128xi32, #tpu.memory_space<hbm>>
      %dma_start3A_677 = arith.constant 0 : i32
      %dma_start3A_678 = tpu.memref_slice %dma_start3A_676[%mul3A_668, %dma_start3A_677] : memref<160x128xi32, #tpu.memory_space<hbm>> -> memref<8x128xi32, #tpu.memory_space<hbm>>
      %dma_start3A_679 = arith.constant 0 : i32
      %dma_start3A_680 = arith.constant 0 : i32
      %dma_start3A_681 = tpu.memref_slice %arg8[%rem3A_498, %dma_start3A_679, %dma_start3A_680] : memref<2x8x128xi32, #tpu.memory_space<vmem>> -> memref<1x8x128xi32, #tpu.memory_space<vmem>>
      %dma_start3A_682 = tpu.memref_squeeze %dma_start3A_681 : memref<1x8x128xi32, #tpu.memory_space<vmem>> -> memref<8x128xi32, #tpu.memory_space<vmem>>
      %dma_start3A_683 = arith.constant 0 : i32
      %dma_start3A_684 = arith.constant 0 : i32
      %dma_start3A_685 = tpu.memref_slice %arg3[%arg1, %dma_start3A_683, %dma_start3A_684] : memref<16x160x128xi32, #tpu.memory_space<hbm>> -> memref<1x160x128xi32, #tpu.memory_space<hbm>>
      %dma_start3A_686 = tpu.memref_squeeze %dma_start3A_685 : memref<1x160x128xi32, #tpu.memory_space<hbm>> -> memref<160x128xi32, #tpu.memory_space<hbm>>
      %dma_start3A_687 = arith.constant 0 : i32
      %dma_start3A_688 = tpu.memref_slice %dma_start3A_686[%mul3A_668, %dma_start3A_687] : memref<160x128xi32, #tpu.memory_space<hbm>> -> memref<8x128xi32, #tpu.memory_space<hbm>>
      tpu.enqueue_dma source(%dma_start3A_688 : memref<8x128xi32, #tpu.memory_space<hbm>>) target(%dma_start3A_682 : memref<8x128xi32, #tpu.memory_space<vmem>>) target_semaphore(%arg14 : memref<!tpu.dma_semaphore, #tpu.memory_space<semaphore_mem>>)
      %dma_start3A_689 = arith.constant 0 : i32
      %dma_start3A_690 = arith.constant 0 : i32
      %dma_start3A_691 = tpu.memref_slice %arg9[%rem3A_498, %dma_start3A_689, %dma_start3A_690] : memref<2x8x128xi32, #tpu.memory_space<vmem>> -> memref<1x8x128xi32, #tpu.memory_space<vmem>>
      %dma_start3A_692 = tpu.memref_squeeze %dma_start3A_691 : memref<1x8x128xi32, #tpu.memory_space<vmem>> -> memref<8x128xi32, #tpu.memory_space<vmem>>
      %dma_start3A_693 = arith.constant 0 : i32
      %dma_start3A_694 = arith.constant 0 : i32
      %dma_start3A_695 = tpu.memref_slice %arg4[%arg1, %dma_start3A_693, %dma_start3A_694] : memref<16x160x128xi32, #tpu.memory_space<hbm>> -> memref<1x160x128xi32, #tpu.memory_space<hbm>>
      %dma_start3A_696 = tpu.memref_squeeze %dma_start3A_695 : memref<1x160x128xi32, #tpu.memory_space<hbm>> -> memref<160x128xi32, #tpu.memory_space<hbm>>
      %dma_start3A_697 = arith.constant 0 : i32
      %dma_start3A_698 = tpu.memref_slice %dma_start3A_696[%mul3A_668, %dma_start3A_697] : memref<160x128xi32, #tpu.memory_space<hbm>> -> memref<8x128xi32, #tpu.memory_space<hbm>>
      %dma_start3A_699 = arith.constant 0 : i32
      %dma_start3A_700 = arith.constant 0 : i32
      %dma_start3A_701 = tpu.memref_slice %arg9[%rem3A_498, %dma_start3A_699, %dma_start3A_700] : memref<2x8x128xi32, #tpu.memory_space<vmem>> -> memref<1x8x128xi32, #tpu.memory_space<vmem>>
      %dma_start3A_702 = tpu.memref_squeeze %dma_start3A_701 : memref<1x8x128xi32, #tpu.memory_space<vmem>> -> memref<8x128xi32, #tpu.memory_space<vmem>>
      %dma_start3A_703 = arith.constant 0 : i32
      %dma_start3A_704 = arith.constant 0 : i32
      %dma_start3A_705 = tpu.memref_slice %arg4[%arg1, %dma_start3A_703, %dma_start3A_704] : memref<16x160x128xi32, #tpu.memory_space<hbm>> -> memref<1x160x128xi32, #tpu.memory_space<hbm>>
      %dma_start3A_706 = tpu.memref_squeeze %dma_start3A_705 : memref<1x160x128xi32, #tpu.memory_space<hbm>> -> memref<160x128xi32, #tpu.memory_space<hbm>>
      %dma_start3A_707 = arith.constant 0 : i32
      %dma_start3A_708 = tpu.memref_slice %dma_start3A_706[%mul3A_668, %dma_start3A_707] : memref<160x128xi32, #tpu.memory_space<hbm>> -> memref<8x128xi32, #tpu.memory_space<hbm>>
      tpu.enqueue_dma source(%dma_start3A_708 : memref<8x128xi32, #tpu.memory_space<hbm>>) target(%dma_start3A_702 : memref<8x128xi32, #tpu.memory_space<vmem>>) target_semaphore(%arg14 : memref<!tpu.dma_semaphore, #tpu.memory_space<semaphore_mem>>)
    }
    %scan3A_166 = arith.constant 18 : i32
    %dma_start3A_167 = arith.constant 0 : i32
    %dma_start3A_168 = arith.constant 1 : i32
    %dma_start3A_169 = arith.constant 0 : i32
    %dma_start3A_170 = tpu.memref_slice %arg8[%dma_start3A_167, %dma_start3A_168, %dma_start3A_169] : memref<2x8x128xi32, #tpu.memory_space<vmem>> -> memref<1x1x128xi32, #tpu.memory_space<vmem>>
    %dma_start3A_171 = tpu.memref_squeeze %dma_start3A_170 : memref<1x1x128xi32, #tpu.memory_space<vmem>> -> memref<128xi32, #tpu.memory_space<vmem>>
    %dma_start3A_172 = arith.constant 0 : i32
    %dma_start3A_173 = arith.constant 0 : i32
    %dma_start3A_174 = tpu.memref_slice %arg7[%dma_start3A_172, %dma_start3A_173] : memref<10112x64xf32, #tpu.memory_space<vmem_shared>> -> memref<10112x64xf32, #tpu.memory_space<vmem_shared>>
    tpu.enqueue_indirect_dma source(%dma_start3A_174 : memref<10112x64xf32, #tpu.memory_space<vmem_shared>>) target(%arg11 : memref<128x64xf32, #tpu.memory_space<vmem>>) offsets(%dma_start3A_171 : memref<128xi32, #tpu.memory_space<vmem>>) semaphore(%arg13 : memref<!tpu.dma_semaphore, #tpu.memory_space<semaphore_mem>>)
    %dma_wait3A_175 = arith.constant 0 : i32
    %dma_wait3A_176 = arith.constant 0 : i32
    %dma_wait3A_177 = arith.constant 0 : i32
    %dma_wait3A_178 = tpu.memref_slice %arg8[%dma_wait3A_175, %dma_wait3A_176, %dma_wait3A_177] : memref<2x8x128xi32, #tpu.memory_space<vmem>> -> memref<1x1x128xi32, #tpu.memory_space<vmem>>
    %dma_wait3A_179 = tpu.memref_squeeze %dma_wait3A_178 : memref<1x1x128xi32, #tpu.memory_space<vmem>> -> memref<128xi32, #tpu.memory_space<vmem>>
    %dma_wait3A_180 = arith.constant 0 : i32
    %dma_wait3A_181 = arith.constant 0 : i32
    %dma_wait3A_182 = tpu.memref_slice %arg7[%dma_wait3A_180, %dma_wait3A_181] : memref<10112x64xf32, #tpu.memory_space<vmem_shared>> -> memref<10112x64xf32, #tpu.memory_space<vmem_shared>>
    tpu.wait_indirect_dma semaphore(%arg12 : memref<!tpu.dma_semaphore, #tpu.memory_space<semaphore_mem>>) src(%dma_wait3A_182 : memref<10112x64xf32, #tpu.memory_space<vmem_shared>>) dst(%arg10 : memref<128x64xf32, #tpu.memory_space<vmem>>)
    %run_scoped3A = arith.constant 0 : i32
    %run_scoped3A_183 = arith.constant 0 : i32
    "tpu.region"() ({
      %run_scoped3A_493 = tpu.sem_alloc : memref<!tpu.dma_semaphore, #tpu.memory_space<semaphore_mem>>
      %dma_start3A_494 = arith.constant 0 : i32
      %dma_start3A_495 = tpu.memref_slice %arg9[%run_scoped3A, %run_scoped3A_183, %dma_start3A_494] : memref<2x8x128xi32, #tpu.memory_space<vmem>> -> memref<1x1x128xi32, #tpu.memory_space<vmem>>
      %dma_start3A_496 = tpu.memref_squeeze %dma_start3A_495 : memref<1x1x128xi32, #tpu.memory_space<vmem>> -> memref<128xi32, #tpu.memory_space<vmem>>
      %dma_start3A_497 = arith.constant 0 : i32
      %dma_start3A_498 = arith.constant 0 : i32
      %dma_start3A_499 = tpu.memref_slice %arg6[%dma_start3A_497, %dma_start3A_498] : memref<10112x64xf32, #tpu.memory_space<vmem_shared>> -> memref<10112x64xf32, #tpu.memory_space<vmem_shared>>
      tpu.enqueue_indirect_dma source(%arg10 : memref<128x64xf32, #tpu.memory_space<vmem>>) target(%dma_start3A_499 : memref<10112x64xf32, #tpu.memory_space<vmem_shared>>) offsets(%dma_start3A_496 : memref<128xi32, #tpu.memory_space<vmem>>) semaphore(%run_scoped3A_493 : memref<!tpu.dma_semaphore, #tpu.memory_space<semaphore_mem>>) {add = true}
      %dma_wait3A_500 = arith.constant 0 : i32
      %dma_wait3A_501 = tpu.memref_slice %arg9[%run_scoped3A, %run_scoped3A_183, %dma_wait3A_500] : memref<2x8x128xi32, #tpu.memory_space<vmem>> -> memref<1x1x128xi32, #tpu.memory_space<vmem>>
      %dma_wait3A_502 = tpu.memref_squeeze %dma_wait3A_501 : memref<1x1x128xi32, #tpu.memory_space<vmem>> -> memref<128xi32, #tpu.memory_space<vmem>>
      %dma_wait3A_503 = arith.constant 0 : i32
      %dma_wait3A_504 = arith.constant 0 : i32
      %dma_wait3A_505 = tpu.memref_slice %arg6[%dma_wait3A_503, %dma_wait3A_504] : memref<10112x64xf32, #tpu.memory_space<vmem_shared>> -> memref<10112x64xf32, #tpu.memory_space<vmem_shared>>
      tpu.wait_indirect_dma semaphore(%run_scoped3A_493 : memref<!tpu.dma_semaphore, #tpu.memory_space<semaphore_mem>>) src(%arg10 : memref<128x64xf32, #tpu.memory_space<vmem>>) dst(%dma_wait3A_505 : memref<10112x64xf32, #tpu.memory_space<vmem_shared>>)
      tpu.yield
    }) : () -> ()
    %dma_start3A_184 = arith.constant 0 : i32
    %dma_start3A_185 = arith.constant 2 : i32
    %dma_start3A_186 = arith.constant 0 : i32
    %dma_start3A_187 = tpu.memref_slice %arg8[%dma_start3A_184, %dma_start3A_185, %dma_start3A_186] : memref<2x8x128xi32, #tpu.memory_space<vmem>> -> memref<1x1x128xi32, #tpu.memory_space<vmem>>
    %dma_start3A_188 = tpu.memref_squeeze %dma_start3A_187 : memref<1x1x128xi32, #tpu.memory_space<vmem>> -> memref<128xi32, #tpu.memory_space<vmem>>
    %dma_start3A_189 = arith.constant 0 : i32
    %dma_start3A_190 = arith.constant 0 : i32
    %dma_start3A_191 = tpu.memref_slice %arg7[%dma_start3A_189, %dma_start3A_190] : memref<10112x64xf32, #tpu.memory_space<vmem_shared>> -> memref<10112x64xf32, #tpu.memory_space<vmem_shared>>
    tpu.enqueue_indirect_dma source(%dma_start3A_191 : memref<10112x64xf32, #tpu.memory_space<vmem_shared>>) target(%arg10 : memref<128x64xf32, #tpu.memory_space<vmem>>) offsets(%dma_start3A_188 : memref<128xi32, #tpu.memory_space<vmem>>) semaphore(%arg12 : memref<!tpu.dma_semaphore, #tpu.memory_space<semaphore_mem>>)
    %dma_wait3A_192 = arith.constant 0 : i32
    %dma_wait3A_193 = arith.constant 1 : i32
    %dma_wait3A_194 = arith.constant 0 : i32
    %dma_wait3A_195 = tpu.memref_slice %arg8[%dma_wait3A_192, %dma_wait3A_193, %dma_wait3A_194] : memref<2x8x128xi32, #tpu.memory_space<vmem>> -> memref<1x1x128xi32, #tpu.memory_space<vmem>>
    %dma_wait3A_196 = tpu.memref_squeeze %dma_wait3A_195 : memref<1x1x128xi32, #tpu.memory_space<vmem>> -> memref<128xi32, #tpu.memory_space<vmem>>
    %dma_wait3A_197 = arith.constant 0 : i32
    %dma_wait3A_198 = arith.constant 0 : i32
    %dma_wait3A_199 = tpu.memref_slice %arg7[%dma_wait3A_197, %dma_wait3A_198] : memref<10112x64xf32, #tpu.memory_space<vmem_shared>> -> memref<10112x64xf32, #tpu.memory_space<vmem_shared>>
    tpu.wait_indirect_dma semaphore(%arg13 : memref<!tpu.dma_semaphore, #tpu.memory_space<semaphore_mem>>) src(%dma_wait3A_199 : memref<10112x64xf32, #tpu.memory_space<vmem_shared>>) dst(%arg11 : memref<128x64xf32, #tpu.memory_space<vmem>>)
    %run_scoped3A_200 = arith.constant 0 : i32
    %run_scoped3A_201 = arith.constant 1 : i32
    "tpu.region"() ({
      %run_scoped3A_493 = tpu.sem_alloc : memref<!tpu.dma_semaphore, #tpu.memory_space<semaphore_mem>>
      %dma_start3A_494 = arith.constant 0 : i32
      %dma_start3A_495 = tpu.memref_slice %arg9[%run_scoped3A_200, %run_scoped3A_201, %dma_start3A_494] : memref<2x8x128xi32, #tpu.memory_space<vmem>> -> memref<1x1x128xi32, #tpu.memory_space<vmem>>
      %dma_start3A_496 = tpu.memref_squeeze %dma_start3A_495 : memref<1x1x128xi32, #tpu.memory_space<vmem>> -> memref<128xi32, #tpu.memory_space<vmem>>
      %dma_start3A_497 = arith.constant 0 : i32
      %dma_start3A_498 = arith.constant 0 : i32
      %dma_start3A_499 = tpu.memref_slice %arg6[%dma_start3A_497, %dma_start3A_498] : memref<10112x64xf32, #tpu.memory_space<vmem_shared>> -> memref<10112x64xf32, #tpu.memory_space<vmem_shared>>
      tpu.enqueue_indirect_dma source(%arg11 : memref<128x64xf32, #tpu.memory_space<vmem>>) target(%dma_start3A_499 : memref<10112x64xf32, #tpu.memory_space<vmem_shared>>) offsets(%dma_start3A_496 : memref<128xi32, #tpu.memory_space<vmem>>) semaphore(%run_scoped3A_493 : memref<!tpu.dma_semaphore, #tpu.memory_space<semaphore_mem>>) {add = true}
      %dma_wait3A_500 = arith.constant 0 : i32
      %dma_wait3A_501 = tpu.memref_slice %arg9[%run_scoped3A_200, %run_scoped3A_201, %dma_wait3A_500] : memref<2x8x128xi32, #tpu.memory_space<vmem>> -> memref<1x1x128xi32, #tpu.memory_space<vmem>>
      %dma_wait3A_502 = tpu.memref_squeeze %dma_wait3A_501 : memref<1x1x128xi32, #tpu.memory_space<vmem>> -> memref<128xi32, #tpu.memory_space<vmem>>
      %dma_wait3A_503 = arith.constant 0 : i32
      %dma_wait3A_504 = arith.constant 0 : i32
      %dma_wait3A_505 = tpu.memref_slice %arg6[%dma_wait3A_503, %dma_wait3A_504] : memref<10112x64xf32, #tpu.memory_space<vmem_shared>> -> memref<10112x64xf32, #tpu.memory_space<vmem_shared>>
      tpu.wait_indirect_dma semaphore(%run_scoped3A_493 : memref<!tpu.dma_semaphore, #tpu.memory_space<semaphore_mem>>) src(%arg11 : memref<128x64xf32, #tpu.memory_space<vmem>>) dst(%dma_wait3A_505 : memref<10112x64xf32, #tpu.memory_space<vmem_shared>>)
      tpu.yield
    }) : () -> ()
    %dma_start3A_202 = arith.constant 0 : i32
    %dma_start3A_203 = arith.constant 3 : i32
    %dma_start3A_204 = arith.constant 0 : i32
    %dma_start3A_205 = tpu.memref_slice %arg8[%dma_start3A_202, %dma_start3A_203, %dma_start3A_204] : memref<2x8x128xi32, #tpu.memory_space<vmem>> -> memref<1x1x128xi32, #tpu.memory_space<vmem>>
    %dma_start3A_206 = tpu.memref_squeeze %dma_start3A_205 : memref<1x1x128xi32, #tpu.memory_space<vmem>> -> memref<128xi32, #tpu.memory_space<vmem>>
    %dma_start3A_207 = arith.constant 0 : i32
    %dma_start3A_208 = arith.constant 0 : i32
    %dma_start3A_209 = tpu.memref_slice %arg7[%dma_start3A_207, %dma_start3A_208] : memref<10112x64xf32, #tpu.memory_space<vmem_shared>> -> memref<10112x64xf32, #tpu.memory_space<vmem_shared>>
    tpu.enqueue_indirect_dma source(%dma_start3A_209 : memref<10112x64xf32, #tpu.memory_space<vmem_shared>>) target(%arg11 : memref<128x64xf32, #tpu.memory_space<vmem>>) offsets(%dma_start3A_206 : memref<128xi32, #tpu.memory_space<vmem>>) semaphore(%arg13 : memref<!tpu.dma_semaphore, #tpu.memory_space<semaphore_mem>>)
    %dma_wait3A_210 = arith.constant 0 : i32
    %dma_wait3A_211 = arith.constant 2 : i32
    %dma_wait3A_212 = arith.constant 0 : i32
    %dma_wait3A_213 = tpu.memref_slice %arg8[%dma_wait3A_210, %dma_wait3A_211, %dma_wait3A_212] : memref<2x8x128xi32, #tpu.memory_space<vmem>> -> memref<1x1x128xi32, #tpu.memory_space<vmem>>
    %dma_wait3A_214 = tpu.memref_squeeze %dma_wait3A_213 : memref<1x1x128xi32, #tpu.memory_space<vmem>> -> memref<128xi32, #tpu.memory_space<vmem>>
    %dma_wait3A_215 = arith.constant 0 : i32
    %dma_wait3A_216 = arith.constant 0 : i32
    %dma_wait3A_217 = tpu.memref_slice %arg7[%dma_wait3A_215, %dma_wait3A_216] : memref<10112x64xf32, #tpu.memory_space<vmem_shared>> -> memref<10112x64xf32, #tpu.memory_space<vmem_shared>>
    tpu.wait_indirect_dma semaphore(%arg12 : memref<!tpu.dma_semaphore, #tpu.memory_space<semaphore_mem>>) src(%dma_wait3A_217 : memref<10112x64xf32, #tpu.memory_space<vmem_shared>>) dst(%arg10 : memref<128x64xf32, #tpu.memory_space<vmem>>)
    %run_scoped3A_218 = arith.constant 0 : i32
    %run_scoped3A_219 = arith.constant 2 : i32
    "tpu.region"() ({
      %run_scoped3A_493 = tpu.sem_alloc : memref<!tpu.dma_semaphore, #tpu.memory_space<semaphore_mem>>
      %dma_start3A_494 = arith.constant 0 : i32
      %dma_start3A_495 = tpu.memref_slice %arg9[%run_scoped3A_218, %run_scoped3A_219, %dma_start3A_494] : memref<2x8x128xi32, #tpu.memory_space<vmem>> -> memref<1x1x128xi32, #tpu.memory_space<vmem>>
      %dma_start3A_496 = tpu.memref_squeeze %dma_start3A_495 : memref<1x1x128xi32, #tpu.memory_space<vmem>> -> memref<128xi32, #tpu.memory_space<vmem>>
      %dma_start3A_497 = arith.constant 0 : i32
      %dma_start3A_498 = arith.constant 0 : i32
      %dma_start3A_499 = tpu.memref_slice %arg6[%dma_start3A_497, %dma_start3A_498] : memref<10112x64xf32, #tpu.memory_space<vmem_shared>> -> memref<10112x64xf32, #tpu.memory_space<vmem_shared>>
      tpu.enqueue_indirect_dma source(%arg10 : memref<128x64xf32, #tpu.memory_space<vmem>>) target(%dma_start3A_499 : memref<10112x64xf32, #tpu.memory_space<vmem_shared>>) offsets(%dma_start3A_496 : memref<128xi32, #tpu.memory_space<vmem>>) semaphore(%run_scoped3A_493 : memref<!tpu.dma_semaphore, #tpu.memory_space<semaphore_mem>>) {add = true}
      %dma_wait3A_500 = arith.constant 0 : i32
      %dma_wait3A_501 = tpu.memref_slice %arg9[%run_scoped3A_218, %run_scoped3A_219, %dma_wait3A_500] : memref<2x8x128xi32, #tpu.memory_space<vmem>> -> memref<1x1x128xi32, #tpu.memory_space<vmem>>
      %dma_wait3A_502 = tpu.memref_squeeze %dma_wait3A_501 : memref<1x1x128xi32, #tpu.memory_space<vmem>> -> memref<128xi32, #tpu.memory_space<vmem>>
      %dma_wait3A_503 = arith.constant 0 : i32
      %dma_wait3A_504 = arith.constant 0 : i32
      %dma_wait3A_505 = tpu.memref_slice %arg6[%dma_wait3A_503, %dma_wait3A_504] : memref<10112x64xf32, #tpu.memory_space<vmem_shared>> -> memref<10112x64xf32, #tpu.memory_space<vmem_shared>>
      tpu.wait_indirect_dma semaphore(%run_scoped3A_493 : memref<!tpu.dma_semaphore, #tpu.memory_space<semaphore_mem>>) src(%arg10 : memref<128x64xf32, #tpu.memory_space<vmem>>) dst(%dma_wait3A_505 : memref<10112x64xf32, #tpu.memory_space<vmem_shared>>)
      tpu.yield
    }) : () -> ()
    %dma_start3A_220 = arith.constant 0 : i32
    %dma_start3A_221 = arith.constant 4 : i32
    %dma_start3A_222 = arith.constant 0 : i32
    %dma_start3A_223 = tpu.memref_slice %arg8[%dma_start3A_220, %dma_start3A_221, %dma_start3A_222] : memref<2x8x128xi32, #tpu.memory_space<vmem>> -> memref<1x1x128xi32, #tpu.memory_space<vmem>>
    %dma_start3A_224 = tpu.memref_squeeze %dma_start3A_223 : memref<1x1x128xi32, #tpu.memory_space<vmem>> -> memref<128xi32, #tpu.memory_space<vmem>>
    %dma_start3A_225 = arith.constant 0 : i32
    %dma_start3A_226 = arith.constant 0 : i32
    %dma_start3A_227 = tpu.memref_slice %arg7[%dma_start3A_225, %dma_start3A_226] : memref<10112x64xf32, #tpu.memory_space<vmem_shared>> -> memref<10112x64xf32, #tpu.memory_space<vmem_shared>>
    tpu.enqueue_indirect_dma source(%dma_start3A_227 : memref<10112x64xf32, #tpu.memory_space<vmem_shared>>) target(%arg10 : memref<128x64xf32, #tpu.memory_space<vmem>>) offsets(%dma_start3A_224 : memref<128xi32, #tpu.memory_space<vmem>>) semaphore(%arg12 : memref<!tpu.dma_semaphore, #tpu.memory_space<semaphore_mem>>)
    %dma_wait3A_228 = arith.constant 0 : i32
    %dma_wait3A_229 = arith.constant 3 : i32
    %dma_wait3A_230 = arith.constant 0 : i32
    %dma_wait3A_231 = tpu.memref_slice %arg8[%dma_wait3A_228, %dma_wait3A_229, %dma_wait3A_230] : memref<2x8x128xi32, #tpu.memory_space<vmem>> -> memref<1x1x128xi32, #tpu.memory_space<vmem>>
    %dma_wait3A_232 = tpu.memref_squeeze %dma_wait3A_231 : memref<1x1x128xi32, #tpu.memory_space<vmem>> -> memref<128xi32, #tpu.memory_space<vmem>>
    %dma_wait3A_233 = arith.constant 0 : i32
    %dma_wait3A_234 = arith.constant 0 : i32
    %dma_wait3A_235 = tpu.memref_slice %arg7[%dma_wait3A_233, %dma_wait3A_234] : memref<10112x64xf32, #tpu.memory_space<vmem_shared>> -> memref<10112x64xf32, #tpu.memory_space<vmem_shared>>
    tpu.wait_indirect_dma semaphore(%arg13 : memref<!tpu.dma_semaphore, #tpu.memory_space<semaphore_mem>>) src(%dma_wait3A_235 : memref<10112x64xf32, #tpu.memory_space<vmem_shared>>) dst(%arg11 : memref<128x64xf32, #tpu.memory_space<vmem>>)
    %run_scoped3A_236 = arith.constant 0 : i32
    %run_scoped3A_237 = arith.constant 3 : i32
    "tpu.region"() ({
      %run_scoped3A_493 = tpu.sem_alloc : memref<!tpu.dma_semaphore, #tpu.memory_space<semaphore_mem>>
      %dma_start3A_494 = arith.constant 0 : i32
      %dma_start3A_495 = tpu.memref_slice %arg9[%run_scoped3A_236, %run_scoped3A_237, %dma_start3A_494] : memref<2x8x128xi32, #tpu.memory_space<vmem>> -> memref<1x1x128xi32, #tpu.memory_space<vmem>>
      %dma_start3A_496 = tpu.memref_squeeze %dma_start3A_495 : memref<1x1x128xi32, #tpu.memory_space<vmem>> -> memref<128xi32, #tpu.memory_space<vmem>>
      %dma_start3A_497 = arith.constant 0 : i32
      %dma_start3A_498 = arith.constant 0 : i32
      %dma_start3A_499 = tpu.memref_slice %arg6[%dma_start3A_497, %dma_start3A_498] : memref<10112x64xf32, #tpu.memory_space<vmem_shared>> -> memref<10112x64xf32, #tpu.memory_space<vmem_shared>>
      tpu.enqueue_indirect_dma source(%arg11 : memref<128x64xf32, #tpu.memory_space<vmem>>) target(%dma_start3A_499 : memref<10112x64xf32, #tpu.memory_space<vmem_shared>>) offsets(%dma_start3A_496 : memref<128xi32, #tpu.memory_space<vmem>>) semaphore(%run_scoped3A_493 : memref<!tpu.dma_semaphore, #tpu.memory_space<semaphore_mem>>) {add = true}
      %dma_wait3A_500 = arith.constant 0 : i32
      %dma_wait3A_501 = tpu.memref_slice %arg9[%run_scoped3A_236, %run_scoped3A_237, %dma_wait3A_500] : memref<2x8x128xi32, #tpu.memory_space<vmem>> -> memref<1x1x128xi32, #tpu.memory_space<vmem>>
      %dma_wait3A_502 = tpu.memref_squeeze %dma_wait3A_501 : memref<1x1x128xi32, #tpu.memory_space<vmem>> -> memref<128xi32, #tpu.memory_space<vmem>>
      %dma_wait3A_503 = arith.constant 0 : i32
      %dma_wait3A_504 = arith.constant 0 : i32
      %dma_wait3A_505 = tpu.memref_slice %arg6[%dma_wait3A_503, %dma_wait3A_504] : memref<10112x64xf32, #tpu.memory_space<vmem_shared>> -> memref<10112x64xf32, #tpu.memory_space<vmem_shared>>
      tpu.wait_indirect_dma semaphore(%run_scoped3A_493 : memref<!tpu.dma_semaphore, #tpu.memory_space<semaphore_mem>>) src(%arg11 : memref<128x64xf32, #tpu.memory_space<vmem>>) dst(%dma_wait3A_505 : memref<10112x64xf32, #tpu.memory_space<vmem_shared>>)
      tpu.yield
    }) : () -> ()
    %dma_start3A_238 = arith.constant 0 : i32
    %dma_start3A_239 = arith.constant 5 : i32
    %dma_start3A_240 = arith.constant 0 : i32
    %dma_start3A_241 = tpu.memref_slice %arg8[%dma_start3A_238, %dma_start3A_239, %dma_start3A_240] : memref<2x8x128xi32, #tpu.memory_space<vmem>> -> memref<1x1x128xi32, #tpu.memory_space<vmem>>
    %dma_start3A_242 = tpu.memref_squeeze %dma_start3A_241 : memref<1x1x128xi32, #tpu.memory_space<vmem>> -> memref<128xi32, #tpu.memory_space<vmem>>
    %dma_start3A_243 = arith.constant 0 : i32
    %dma_start3A_244 = arith.constant 0 : i32
    %dma_start3A_245 = tpu.memref_slice %arg7[%dma_start3A_243, %dma_start3A_244] : memref<10112x64xf32, #tpu.memory_space<vmem_shared>> -> memref<10112x64xf32, #tpu.memory_space<vmem_shared>>
    tpu.enqueue_indirect_dma source(%dma_start3A_245 : memref<10112x64xf32, #tpu.memory_space<vmem_shared>>) target(%arg11 : memref<128x64xf32, #tpu.memory_space<vmem>>) offsets(%dma_start3A_242 : memref<128xi32, #tpu.memory_space<vmem>>) semaphore(%arg13 : memref<!tpu.dma_semaphore, #tpu.memory_space<semaphore_mem>>)
    %dma_wait3A_246 = arith.constant 0 : i32
    %dma_wait3A_247 = arith.constant 4 : i32
    %dma_wait3A_248 = arith.constant 0 : i32
    %dma_wait3A_249 = tpu.memref_slice %arg8[%dma_wait3A_246, %dma_wait3A_247, %dma_wait3A_248] : memref<2x8x128xi32, #tpu.memory_space<vmem>> -> memref<1x1x128xi32, #tpu.memory_space<vmem>>
    %dma_wait3A_250 = tpu.memref_squeeze %dma_wait3A_249 : memref<1x1x128xi32, #tpu.memory_space<vmem>> -> memref<128xi32, #tpu.memory_space<vmem>>
    %dma_wait3A_251 = arith.constant 0 : i32
    %dma_wait3A_252 = arith.constant 0 : i32
    %dma_wait3A_253 = tpu.memref_slice %arg7[%dma_wait3A_251, %dma_wait3A_252] : memref<10112x64xf32, #tpu.memory_space<vmem_shared>> -> memref<10112x64xf32, #tpu.memory_space<vmem_shared>>
    tpu.wait_indirect_dma semaphore(%arg12 : memref<!tpu.dma_semaphore, #tpu.memory_space<semaphore_mem>>) src(%dma_wait3A_253 : memref<10112x64xf32, #tpu.memory_space<vmem_shared>>) dst(%arg10 : memref<128x64xf32, #tpu.memory_space<vmem>>)
    %run_scoped3A_254 = arith.constant 0 : i32
    %run_scoped3A_255 = arith.constant 4 : i32
    "tpu.region"() ({
      %run_scoped3A_493 = tpu.sem_alloc : memref<!tpu.dma_semaphore, #tpu.memory_space<semaphore_mem>>
      %dma_start3A_494 = arith.constant 0 : i32
      %dma_start3A_495 = tpu.memref_slice %arg9[%run_scoped3A_254, %run_scoped3A_255, %dma_start3A_494] : memref<2x8x128xi32, #tpu.memory_space<vmem>> -> memref<1x1x128xi32, #tpu.memory_space<vmem>>
      %dma_start3A_496 = tpu.memref_squeeze %dma_start3A_495 : memref<1x1x128xi32, #tpu.memory_space<vmem>> -> memref<128xi32, #tpu.memory_space<vmem>>
      %dma_start3A_497 = arith.constant 0 : i32
      %dma_start3A_498 = arith.constant 0 : i32
      %dma_start3A_499 = tpu.memref_slice %arg6[%dma_start3A_497, %dma_start3A_498] : memref<10112x64xf32, #tpu.memory_space<vmem_shared>> -> memref<10112x64xf32, #tpu.memory_space<vmem_shared>>
      tpu.enqueue_indirect_dma source(%arg10 : memref<128x64xf32, #tpu.memory_space<vmem>>) target(%dma_start3A_499 : memref<10112x64xf32, #tpu.memory_space<vmem_shared>>) offsets(%dma_start3A_496 : memref<128xi32, #tpu.memory_space<vmem>>) semaphore(%run_scoped3A_493 : memref<!tpu.dma_semaphore, #tpu.memory_space<semaphore_mem>>) {add = true}
      %dma_wait3A_500 = arith.constant 0 : i32
      %dma_wait3A_501 = tpu.memref_slice %arg9[%run_scoped3A_254, %run_scoped3A_255, %dma_wait3A_500] : memref<2x8x128xi32, #tpu.memory_space<vmem>> -> memref<1x1x128xi32, #tpu.memory_space<vmem>>
      %dma_wait3A_502 = tpu.memref_squeeze %dma_wait3A_501 : memref<1x1x128xi32, #tpu.memory_space<vmem>> -> memref<128xi32, #tpu.memory_space<vmem>>
      %dma_wait3A_503 = arith.constant 0 : i32
      %dma_wait3A_504 = arith.constant 0 : i32
      %dma_wait3A_505 = tpu.memref_slice %arg6[%dma_wait3A_503, %dma_wait3A_504] : memref<10112x64xf32, #tpu.memory_space<vmem_shared>> -> memref<10112x64xf32, #tpu.memory_space<vmem_shared>>
      tpu.wait_indirect_dma semaphore(%run_scoped3A_493 : memref<!tpu.dma_semaphore, #tpu.memory_space<semaphore_mem>>) src(%arg10 : memref<128x64xf32, #tpu.memory_space<vmem>>) dst(%dma_wait3A_505 : memref<10112x64xf32, #tpu.memory_space<vmem_shared>>)
      tpu.yield
    }) : () -> ()
    %dma_start3A_256 = arith.constant 0 : i32
    %dma_start3A_257 = arith.constant 6 : i32
    %dma_start3A_258 = arith.constant 0 : i32
    %dma_start3A_259 = tpu.memref_slice %arg8[%dma_start3A_256, %dma_start3A_257, %dma_start3A_258] : memref<2x8x128xi32, #tpu.memory_space<vmem>> -> memref<1x1x128xi32, #tpu.memory_space<vmem>>
    %dma_start3A_260 = tpu.memref_squeeze %dma_start3A_259 : memref<1x1x128xi32, #tpu.memory_space<vmem>> -> memref<128xi32, #tpu.memory_space<vmem>>
    %dma_start3A_261 = arith.constant 0 : i32
    %dma_start3A_262 = arith.constant 0 : i32
    %dma_start3A_263 = tpu.memref_slice %arg7[%dma_start3A_261, %dma_start3A_262] : memref<10112x64xf32, #tpu.memory_space<vmem_shared>> -> memref<10112x64xf32, #tpu.memory_space<vmem_shared>>
    tpu.enqueue_indirect_dma source(%dma_start3A_263 : memref<10112x64xf32, #tpu.memory_space<vmem_shared>>) target(%arg10 : memref<128x64xf32, #tpu.memory_space<vmem>>) offsets(%dma_start3A_260 : memref<128xi32, #tpu.memory_space<vmem>>) semaphore(%arg12 : memref<!tpu.dma_semaphore, #tpu.memory_space<semaphore_mem>>)
    %dma_wait3A_264 = arith.constant 0 : i32
    %dma_wait3A_265 = arith.constant 5 : i32
    %dma_wait3A_266 = arith.constant 0 : i32
    %dma_wait3A_267 = tpu.memref_slice %arg8[%dma_wait3A_264, %dma_wait3A_265, %dma_wait3A_266] : memref<2x8x128xi32, #tpu.memory_space<vmem>> -> memref<1x1x128xi32, #tpu.memory_space<vmem>>
    %dma_wait3A_268 = tpu.memref_squeeze %dma_wait3A_267 : memref<1x1x128xi32, #tpu.memory_space<vmem>> -> memref<128xi32, #tpu.memory_space<vmem>>
    %dma_wait3A_269 = arith.constant 0 : i32
    %dma_wait3A_270 = arith.constant 0 : i32
    %dma_wait3A_271 = tpu.memref_slice %arg7[%dma_wait3A_269, %dma_wait3A_270] : memref<10112x64xf32, #tpu.memory_space<vmem_shared>> -> memref<10112x64xf32, #tpu.memory_space<vmem_shared>>
    tpu.wait_indirect_dma semaphore(%arg13 : memref<!tpu.dma_semaphore, #tpu.memory_space<semaphore_mem>>) src(%dma_wait3A_271 : memref<10112x64xf32, #tpu.memory_space<vmem_shared>>) dst(%arg11 : memref<128x64xf32, #tpu.memory_space<vmem>>)
    %run_scoped3A_272 = arith.constant 0 : i32
    %run_scoped3A_273 = arith.constant 5 : i32
    "tpu.region"() ({
      %run_scoped3A_493 = tpu.sem_alloc : memref<!tpu.dma_semaphore, #tpu.memory_space<semaphore_mem>>
      %dma_start3A_494 = arith.constant 0 : i32
      %dma_start3A_495 = tpu.memref_slice %arg9[%run_scoped3A_272, %run_scoped3A_273, %dma_start3A_494] : memref<2x8x128xi32, #tpu.memory_space<vmem>> -> memref<1x1x128xi32, #tpu.memory_space<vmem>>
      %dma_start3A_496 = tpu.memref_squeeze %dma_start3A_495 : memref<1x1x128xi32, #tpu.memory_space<vmem>> -> memref<128xi32, #tpu.memory_space<vmem>>
      %dma_start3A_497 = arith.constant 0 : i32
      %dma_start3A_498 = arith.constant 0 : i32
      %dma_start3A_499 = tpu.memref_slice %arg6[%dma_start3A_497, %dma_start3A_498] : memref<10112x64xf32, #tpu.memory_space<vmem_shared>> -> memref<10112x64xf32, #tpu.memory_space<vmem_shared>>
      tpu.enqueue_indirect_dma source(%arg11 : memref<128x64xf32, #tpu.memory_space<vmem>>) target(%dma_start3A_499 : memref<10112x64xf32, #tpu.memory_space<vmem_shared>>) offsets(%dma_start3A_496 : memref<128xi32, #tpu.memory_space<vmem>>) semaphore(%run_scoped3A_493 : memref<!tpu.dma_semaphore, #tpu.memory_space<semaphore_mem>>) {add = true}
      %dma_wait3A_500 = arith.constant 0 : i32
      %dma_wait3A_501 = tpu.memref_slice %arg9[%run_scoped3A_272, %run_scoped3A_273, %dma_wait3A_500] : memref<2x8x128xi32, #tpu.memory_space<vmem>> -> memref<1x1x128xi32, #tpu.memory_space<vmem>>
      %dma_wait3A_502 = tpu.memref_squeeze %dma_wait3A_501 : memref<1x1x128xi32, #tpu.memory_space<vmem>> -> memref<128xi32, #tpu.memory_space<vmem>>
      %dma_wait3A_503 = arith.constant 0 : i32
      %dma_wait3A_504 = arith.constant 0 : i32
      %dma_wait3A_505 = tpu.memref_slice %arg6[%dma_wait3A_503, %dma_wait3A_504] : memref<10112x64xf32, #tpu.memory_space<vmem_shared>> -> memref<10112x64xf32, #tpu.memory_space<vmem_shared>>
      tpu.wait_indirect_dma semaphore(%run_scoped3A_493 : memref<!tpu.dma_semaphore, #tpu.memory_space<semaphore_mem>>) src(%arg11 : memref<128x64xf32, #tpu.memory_space<vmem>>) dst(%dma_wait3A_505 : memref<10112x64xf32, #tpu.memory_space<vmem_shared>>)
      tpu.yield
    }) : () -> ()
    %dma_wait3A_274 = arith.constant 1 : i32
    %dma_wait3A_275 = arith.constant 0 : i32
    %dma_wait3A_276 = arith.constant 0 : i32
    %dma_wait3A_277 = tpu.memref_slice %arg8[%dma_wait3A_274, %dma_wait3A_275, %dma_wait3A_276] : memref<2x8x128xi32, #tpu.memory_space<vmem>> -> memref<1x8x128xi32, #tpu.memory_space<vmem>>
    %dma_wait3A_278 = tpu.memref_squeeze %dma_wait3A_277 : memref<1x8x128xi32, #tpu.memory_space<vmem>> -> memref<8x128xi32, #tpu.memory_space<vmem>>
    %dma_wait3A_279 = arith.constant 0 : i32
    %dma_wait3A_280 = arith.constant 0 : i32
    %dma_wait3A_281 = tpu.memref_slice %arg3[%arg1, %dma_wait3A_279, %dma_wait3A_280] : memref<16x160x128xi32, #tpu.memory_space<hbm>> -> memref<1x160x128xi32, #tpu.memory_space<hbm>>
    %dma_wait3A_282 = tpu.memref_squeeze %dma_wait3A_281 : memref<1x160x128xi32, #tpu.memory_space<hbm>> -> memref<160x128xi32, #tpu.memory_space<hbm>>
    %dma_wait3A_283 = arith.constant 0 : i32
    %dma_wait3A_284 = arith.constant 0 : i32
    %dma_wait3A_285 = tpu.memref_slice %dma_wait3A_282[%dma_wait3A_283, %dma_wait3A_284] : memref<160x128xi32, #tpu.memory_space<hbm>> -> memref<8x128xi32, #tpu.memory_space<hbm>>
    %dma_wait3A_286 = arith.constant 0 : i32
    %dma_wait3A_287 = arith.constant 0 : i32
    %dma_wait3A_288 = tpu.memref_slice %arg8[%dma_wait3A_274, %dma_wait3A_286, %dma_wait3A_287] : memref<2x8x128xi32, #tpu.memory_space<vmem>> -> memref<1x8x128xi32, #tpu.memory_space<vmem>>
    %dma_wait3A_289 = tpu.memref_squeeze %dma_wait3A_288 : memref<1x8x128xi32, #tpu.memory_space<vmem>> -> memref<8x128xi32, #tpu.memory_space<vmem>>
    %dma_wait3A_290 = arith.constant 0 : i32
    %dma_wait3A_291 = arith.constant 0 : i32
    %dma_wait3A_292 = tpu.memref_slice %arg3[%arg1, %dma_wait3A_290, %dma_wait3A_291] : memref<16x160x128xi32, #tpu.memory_space<hbm>> -> memref<1x160x128xi32, #tpu.memory_space<hbm>>
    %dma_wait3A_293 = tpu.memref_squeeze %dma_wait3A_292 : memref<1x160x128xi32, #tpu.memory_space<hbm>> -> memref<160x128xi32, #tpu.memory_space<hbm>>
    %dma_wait3A_294 = arith.constant 0 : i32
    %dma_wait3A_295 = arith.constant 0 : i32
    %dma_wait3A_296 = tpu.memref_slice %dma_wait3A_293[%dma_wait3A_294, %dma_wait3A_295] : memref<160x128xi32, #tpu.memory_space<hbm>> -> memref<8x128xi32, #tpu.memory_space<hbm>>
    tpu.wait_dma2 semaphore(%arg14 : memref<!tpu.dma_semaphore, #tpu.memory_space<semaphore_mem>>) src(%dma_wait3A_296 : memref<8x128xi32, #tpu.memory_space<hbm>>) dst(%dma_wait3A_289 : memref<8x128xi32, #tpu.memory_space<vmem>>)
    %dma_wait3A_297 = arith.constant 1 : i32
    %dma_wait3A_298 = arith.constant 0 : i32
    %dma_wait3A_299 = arith.constant 0 : i32
    %dma_wait3A_300 = tpu.memref_slice %arg9[%dma_wait3A_297, %dma_wait3A_298, %dma_wait3A_299] : memref<2x8x128xi32, #tpu.memory_space<vmem>> -> memref<1x8x128xi32, #tpu.memory_space<vmem>>
    %dma_wait3A_301 = tpu.memref_squeeze %dma_wait3A_300 : memref<1x8x128xi32, #tpu.memory_space<vmem>> -> memref<8x128xi32, #tpu.memory_space<vmem>>
    %dma_wait3A_302 = arith.constant 0 : i32
    %dma_wait3A_303 = arith.constant 0 : i32
    %dma_wait3A_304 = tpu.memref_slice %arg4[%arg1, %dma_wait3A_302, %dma_wait3A_303] : memref<16x160x128xi32, #tpu.memory_space<hbm>> -> memref<1x160x128xi32, #tpu.memory_space<hbm>>
    %dma_wait3A_305 = tpu.memref_squeeze %dma_wait3A_304 : memref<1x160x128xi32, #tpu.memory_space<hbm>> -> memref<160x128xi32, #tpu.memory_space<hbm>>
    %dma_wait3A_306 = arith.constant 0 : i32
    %dma_wait3A_307 = arith.constant 0 : i32
    %dma_wait3A_308 = tpu.memref_slice %dma_wait3A_305[%dma_wait3A_306, %dma_wait3A_307] : memref<160x128xi32, #tpu.memory_space<hbm>> -> memref<8x128xi32, #tpu.memory_space<hbm>>
    %dma_wait3A_309 = arith.constant 0 : i32
    %dma_wait3A_310 = arith.constant 0 : i32
    %dma_wait3A_311 = tpu.memref_slice %arg9[%dma_wait3A_297, %dma_wait3A_309, %dma_wait3A_310] : memref<2x8x128xi32, #tpu.memory_space<vmem>> -> memref<1x8x128xi32, #tpu.memory_space<vmem>>
    %dma_wait3A_312 = tpu.memref_squeeze %dma_wait3A_311 : memref<1x8x128xi32, #tpu.memory_space<vmem>> -> memref<8x128xi32, #tpu.memory_space<vmem>>
    %dma_wait3A_313 = arith.constant 0 : i32
    %dma_wait3A_314 = arith.constant 0 : i32
    %dma_wait3A_315 = tpu.memref_slice %arg4[%arg1, %dma_wait3A_313, %dma_wait3A_314] : memref<16x160x128xi32, #tpu.memory_space<hbm>> -> memref<1x160x128xi32, #tpu.memory_space<hbm>>
    %dma_wait3A_316 = tpu.memref_squeeze %dma_wait3A_315 : memref<1x160x128xi32, #tpu.memory_space<hbm>> -> memref<160x128xi32, #tpu.memory_space<hbm>>
    %dma_wait3A_317 = arith.constant 0 : i32
    %dma_wait3A_318 = arith.constant 0 : i32
    %dma_wait3A_319 = tpu.memref_slice %dma_wait3A_316[%dma_wait3A_317, %dma_wait3A_318] : memref<160x128xi32, #tpu.memory_space<hbm>> -> memref<8x128xi32, #tpu.memory_space<hbm>>
    tpu.wait_dma2 semaphore(%arg14 : memref<!tpu.dma_semaphore, #tpu.memory_space<semaphore_mem>>) src(%dma_wait3A_319 : memref<8x128xi32, #tpu.memory_space<hbm>>) dst(%dma_wait3A_312 : memref<8x128xi32, #tpu.memory_space<vmem>>)
    %dma_start3A_320 = arith.constant 0 : i32
    %dma_start3A_321 = arith.constant 7 : i32
    %dma_start3A_322 = arith.constant 0 : i32
    %dma_start3A_323 = tpu.memref_slice %arg8[%dma_start3A_320, %dma_start3A_321, %dma_start3A_322] : memref<2x8x128xi32, #tpu.memory_space<vmem>> -> memref<1x1x128xi32, #tpu.memory_space<vmem>>
    %dma_start3A_324 = tpu.memref_squeeze %dma_start3A_323 : memref<1x1x128xi32, #tpu.memory_space<vmem>> -> memref<128xi32, #tpu.memory_space<vmem>>
    %dma_start3A_325 = arith.constant 0 : i32
    %dma_start3A_326 = arith.constant 0 : i32
    %dma_start3A_327 = tpu.memref_slice %arg7[%dma_start3A_325, %dma_start3A_326] : memref<10112x64xf32, #tpu.memory_space<vmem_shared>> -> memref<10112x64xf32, #tpu.memory_space<vmem_shared>>
    tpu.enqueue_indirect_dma source(%dma_start3A_327 : memref<10112x64xf32, #tpu.memory_space<vmem_shared>>) target(%arg11 : memref<128x64xf32, #tpu.memory_space<vmem>>) offsets(%dma_start3A_324 : memref<128xi32, #tpu.memory_space<vmem>>) semaphore(%arg13 : memref<!tpu.dma_semaphore, #tpu.memory_space<semaphore_mem>>)
    %dma_wait3A_328 = arith.constant 0 : i32
    %dma_wait3A_329 = arith.constant 6 : i32
    %dma_wait3A_330 = arith.constant 0 : i32
    %dma_wait3A_331 = tpu.memref_slice %arg8[%dma_wait3A_328, %dma_wait3A_329, %dma_wait3A_330] : memref<2x8x128xi32, #tpu.memory_space<vmem>> -> memref<1x1x128xi32, #tpu.memory_space<vmem>>
    %dma_wait3A_332 = tpu.memref_squeeze %dma_wait3A_331 : memref<1x1x128xi32, #tpu.memory_space<vmem>> -> memref<128xi32, #tpu.memory_space<vmem>>
    %dma_wait3A_333 = arith.constant 0 : i32
    %dma_wait3A_334 = arith.constant 0 : i32
    %dma_wait3A_335 = tpu.memref_slice %arg7[%dma_wait3A_333, %dma_wait3A_334] : memref<10112x64xf32, #tpu.memory_space<vmem_shared>> -> memref<10112x64xf32, #tpu.memory_space<vmem_shared>>
    tpu.wait_indirect_dma semaphore(%arg12 : memref<!tpu.dma_semaphore, #tpu.memory_space<semaphore_mem>>) src(%dma_wait3A_335 : memref<10112x64xf32, #tpu.memory_space<vmem_shared>>) dst(%arg10 : memref<128x64xf32, #tpu.memory_space<vmem>>)
    %run_scoped3A_336 = arith.constant 0 : i32
    %run_scoped3A_337 = arith.constant 6 : i32
    "tpu.region"() ({
      %run_scoped3A_493 = tpu.sem_alloc : memref<!tpu.dma_semaphore, #tpu.memory_space<semaphore_mem>>
      %dma_start3A_494 = arith.constant 0 : i32
      %dma_start3A_495 = tpu.memref_slice %arg9[%run_scoped3A_336, %run_scoped3A_337, %dma_start3A_494] : memref<2x8x128xi32, #tpu.memory_space<vmem>> -> memref<1x1x128xi32, #tpu.memory_space<vmem>>
      %dma_start3A_496 = tpu.memref_squeeze %dma_start3A_495 : memref<1x1x128xi32, #tpu.memory_space<vmem>> -> memref<128xi32, #tpu.memory_space<vmem>>
      %dma_start3A_497 = arith.constant 0 : i32
      %dma_start3A_498 = arith.constant 0 : i32
      %dma_start3A_499 = tpu.memref_slice %arg6[%dma_start3A_497, %dma_start3A_498] : memref<10112x64xf32, #tpu.memory_space<vmem_shared>> -> memref<10112x64xf32, #tpu.memory_space<vmem_shared>>
      tpu.enqueue_indirect_dma source(%arg10 : memref<128x64xf32, #tpu.memory_space<vmem>>) target(%dma_start3A_499 : memref<10112x64xf32, #tpu.memory_space<vmem_shared>>) offsets(%dma_start3A_496 : memref<128xi32, #tpu.memory_space<vmem>>) semaphore(%run_scoped3A_493 : memref<!tpu.dma_semaphore, #tpu.memory_space<semaphore_mem>>) {add = true}
      %dma_wait3A_500 = arith.constant 0 : i32
      %dma_wait3A_501 = tpu.memref_slice %arg9[%run_scoped3A_336, %run_scoped3A_337, %dma_wait3A_500] : memref<2x8x128xi32, #tpu.memory_space<vmem>> -> memref<1x1x128xi32, #tpu.memory_space<vmem>>
      %dma_wait3A_502 = tpu.memref_squeeze %dma_wait3A_501 : memref<1x1x128xi32, #tpu.memory_space<vmem>> -> memref<128xi32, #tpu.memory_space<vmem>>
      %dma_wait3A_503 = arith.constant 0 : i32
      %dma_wait3A_504 = arith.constant 0 : i32
      %dma_wait3A_505 = tpu.memref_slice %arg6[%dma_wait3A_503, %dma_wait3A_504] : memref<10112x64xf32, #tpu.memory_space<vmem_shared>> -> memref<10112x64xf32, #tpu.memory_space<vmem_shared>>
      tpu.wait_indirect_dma semaphore(%run_scoped3A_493 : memref<!tpu.dma_semaphore, #tpu.memory_space<semaphore_mem>>) src(%arg10 : memref<128x64xf32, #tpu.memory_space<vmem>>) dst(%dma_wait3A_505 : memref<10112x64xf32, #tpu.memory_space<vmem_shared>>)
      tpu.yield
    }) : () -> ()
    %dma_start3A_338 = arith.constant 1 : i32
    %dma_start3A_339 = arith.constant 0 : i32
    %dma_start3A_340 = arith.constant 0 : i32
    %dma_start3A_341 = tpu.memref_slice %arg8[%dma_start3A_338, %dma_start3A_339, %dma_start3A_340] : memref<2x8x128xi32, #tpu.memory_space<vmem>> -> memref<1x1x128xi32, #tpu.memory_space<vmem>>
    %dma_start3A_342 = tpu.memref_squeeze %dma_start3A_341 : memref<1x1x128xi32, #tpu.memory_space<vmem>> -> memref<128xi32, #tpu.memory_space<vmem>>
    %dma_start3A_343 = arith.constant 0 : i32
    %dma_start3A_344 = arith.constant 0 : i32
    %dma_start3A_345 = tpu.memref_slice %arg7[%dma_start3A_343, %dma_start3A_344] : memref<10112x64xf32, #tpu.memory_space<vmem_shared>> -> memref<10112x64xf32, #tpu.memory_space<vmem_shared>>
    tpu.enqueue_indirect_dma source(%dma_start3A_345 : memref<10112x64xf32, #tpu.memory_space<vmem_shared>>) target(%arg10 : memref<128x64xf32, #tpu.memory_space<vmem>>) offsets(%dma_start3A_342 : memref<128xi32, #tpu.memory_space<vmem>>) semaphore(%arg12 : memref<!tpu.dma_semaphore, #tpu.memory_space<semaphore_mem>>)
    %dma_wait3A_346 = arith.constant 0 : i32
    %dma_wait3A_347 = arith.constant 7 : i32
    %dma_wait3A_348 = arith.constant 0 : i32
    %dma_wait3A_349 = tpu.memref_slice %arg8[%dma_wait3A_346, %dma_wait3A_347, %dma_wait3A_348] : memref<2x8x128xi32, #tpu.memory_space<vmem>> -> memref<1x1x128xi32, #tpu.memory_space<vmem>>
    %dma_wait3A_350 = tpu.memref_squeeze %dma_wait3A_349 : memref<1x1x128xi32, #tpu.memory_space<vmem>> -> memref<128xi32, #tpu.memory_space<vmem>>
    %dma_wait3A_351 = arith.constant 0 : i32
    %dma_wait3A_352 = arith.constant 0 : i32
    %dma_wait3A_353 = tpu.memref_slice %arg7[%dma_wait3A_351, %dma_wait3A_352] : memref<10112x64xf32, #tpu.memory_space<vmem_shared>> -> memref<10112x64xf32, #tpu.memory_space<vmem_shared>>
    tpu.wait_indirect_dma semaphore(%arg13 : memref<!tpu.dma_semaphore, #tpu.memory_space<semaphore_mem>>) src(%dma_wait3A_353 : memref<10112x64xf32, #tpu.memory_space<vmem_shared>>) dst(%arg11 : memref<128x64xf32, #tpu.memory_space<vmem>>)
    %run_scoped3A_354 = arith.constant 0 : i32
    %run_scoped3A_355 = arith.constant 7 : i32
    "tpu.region"() ({
      %run_scoped3A_493 = tpu.sem_alloc : memref<!tpu.dma_semaphore, #tpu.memory_space<semaphore_mem>>
      %dma_start3A_494 = arith.constant 0 : i32
      %dma_start3A_495 = tpu.memref_slice %arg9[%run_scoped3A_354, %run_scoped3A_355, %dma_start3A_494] : memref<2x8x128xi32, #tpu.memory_space<vmem>> -> memref<1x1x128xi32, #tpu.memory_space<vmem>>
      %dma_start3A_496 = tpu.memref_squeeze %dma_start3A_495 : memref<1x1x128xi32, #tpu.memory_space<vmem>> -> memref<128xi32, #tpu.memory_space<vmem>>
      %dma_start3A_497 = arith.constant 0 : i32
      %dma_start3A_498 = arith.constant 0 : i32
      %dma_start3A_499 = tpu.memref_slice %arg6[%dma_start3A_497, %dma_start3A_498] : memref<10112x64xf32, #tpu.memory_space<vmem_shared>> -> memref<10112x64xf32, #tpu.memory_space<vmem_shared>>
      tpu.enqueue_indirect_dma source(%arg11 : memref<128x64xf32, #tpu.memory_space<vmem>>) target(%dma_start3A_499 : memref<10112x64xf32, #tpu.memory_space<vmem_shared>>) offsets(%dma_start3A_496 : memref<128xi32, #tpu.memory_space<vmem>>) semaphore(%run_scoped3A_493 : memref<!tpu.dma_semaphore, #tpu.memory_space<semaphore_mem>>) {add = true}
      %dma_wait3A_500 = arith.constant 0 : i32
      %dma_wait3A_501 = tpu.memref_slice %arg9[%run_scoped3A_354, %run_scoped3A_355, %dma_wait3A_500] : memref<2x8x128xi32, #tpu.memory_space<vmem>> -> memref<1x1x128xi32, #tpu.memory_space<vmem>>
      %dma_wait3A_502 = tpu.memref_squeeze %dma_wait3A_501 : memref<1x1x128xi32, #tpu.memory_space<vmem>> -> memref<128xi32, #tpu.memory_space<vmem>>
      %dma_wait3A_503 = arith.constant 0 : i32
      %dma_wait3A_504 = arith.constant 0 : i32
      %dma_wait3A_505 = tpu.memref_slice %arg6[%dma_wait3A_503, %dma_wait3A_504] : memref<10112x64xf32, #tpu.memory_space<vmem_shared>> -> memref<10112x64xf32, #tpu.memory_space<vmem_shared>>
      tpu.wait_indirect_dma semaphore(%run_scoped3A_493 : memref<!tpu.dma_semaphore, #tpu.memory_space<semaphore_mem>>) src(%arg11 : memref<128x64xf32, #tpu.memory_space<vmem>>) dst(%dma_wait3A_505 : memref<10112x64xf32, #tpu.memory_space<vmem_shared>>)
      tpu.yield
    }) : () -> ()
    %dma_start3A_356 = arith.constant 1 : i32
    %dma_start3A_357 = arith.constant 1 : i32
    %dma_start3A_358 = arith.constant 0 : i32
    %dma_start3A_359 = tpu.memref_slice %arg8[%dma_start3A_356, %dma_start3A_357, %dma_start3A_358] : memref<2x8x128xi32, #tpu.memory_space<vmem>> -> memref<1x1x128xi32, #tpu.memory_space<vmem>>
    %dma_start3A_360 = tpu.memref_squeeze %dma_start3A_359 : memref<1x1x128xi32, #tpu.memory_space<vmem>> -> memref<128xi32, #tpu.memory_space<vmem>>
    %dma_start3A_361 = arith.constant 0 : i32
    %dma_start3A_362 = arith.constant 0 : i32
    %dma_start3A_363 = tpu.memref_slice %arg7[%dma_start3A_361, %dma_start3A_362] : memref<10112x64xf32, #tpu.memory_space<vmem_shared>> -> memref<10112x64xf32, #tpu.memory_space<vmem_shared>>
    tpu.enqueue_indirect_dma source(%dma_start3A_363 : memref<10112x64xf32, #tpu.memory_space<vmem_shared>>) target(%arg11 : memref<128x64xf32, #tpu.memory_space<vmem>>) offsets(%dma_start3A_360 : memref<128xi32, #tpu.memory_space<vmem>>) semaphore(%arg13 : memref<!tpu.dma_semaphore, #tpu.memory_space<semaphore_mem>>)
    %dma_wait3A_364 = arith.constant 1 : i32
    %dma_wait3A_365 = arith.constant 0 : i32
    %dma_wait3A_366 = arith.constant 0 : i32
    %dma_wait3A_367 = tpu.memref_slice %arg8[%dma_wait3A_364, %dma_wait3A_365, %dma_wait3A_366] : memref<2x8x128xi32, #tpu.memory_space<vmem>> -> memref<1x1x128xi32, #tpu.memory_space<vmem>>
    %dma_wait3A_368 = tpu.memref_squeeze %dma_wait3A_367 : memref<1x1x128xi32, #tpu.memory_space<vmem>> -> memref<128xi32, #tpu.memory_space<vmem>>
    %dma_wait3A_369 = arith.constant 0 : i32
    %dma_wait3A_370 = arith.constant 0 : i32
    %dma_wait3A_371 = tpu.memref_slice %arg7[%dma_wait3A_369, %dma_wait3A_370] : memref<10112x64xf32, #tpu.memory_space<vmem_shared>> -> memref<10112x64xf32, #tpu.memory_space<vmem_shared>>
    tpu.wait_indirect_dma semaphore(%arg12 : memref<!tpu.dma_semaphore, #tpu.memory_space<semaphore_mem>>) src(%dma_wait3A_371 : memref<10112x64xf32, #tpu.memory_space<vmem_shared>>) dst(%arg10 : memref<128x64xf32, #tpu.memory_space<vmem>>)
    %run_scoped3A_372 = arith.constant 1 : i32
    %run_scoped3A_373 = arith.constant 0 : i32
    "tpu.region"() ({
      %run_scoped3A_493 = tpu.sem_alloc : memref<!tpu.dma_semaphore, #tpu.memory_space<semaphore_mem>>
      %dma_start3A_494 = arith.constant 0 : i32
      %dma_start3A_495 = tpu.memref_slice %arg9[%run_scoped3A_372, %run_scoped3A_373, %dma_start3A_494] : memref<2x8x128xi32, #tpu.memory_space<vmem>> -> memref<1x1x128xi32, #tpu.memory_space<vmem>>
      %dma_start3A_496 = tpu.memref_squeeze %dma_start3A_495 : memref<1x1x128xi32, #tpu.memory_space<vmem>> -> memref<128xi32, #tpu.memory_space<vmem>>
      %dma_start3A_497 = arith.constant 0 : i32
      %dma_start3A_498 = arith.constant 0 : i32
      %dma_start3A_499 = tpu.memref_slice %arg6[%dma_start3A_497, %dma_start3A_498] : memref<10112x64xf32, #tpu.memory_space<vmem_shared>> -> memref<10112x64xf32, #tpu.memory_space<vmem_shared>>
      tpu.enqueue_indirect_dma source(%arg10 : memref<128x64xf32, #tpu.memory_space<vmem>>) target(%dma_start3A_499 : memref<10112x64xf32, #tpu.memory_space<vmem_shared>>) offsets(%dma_start3A_496 : memref<128xi32, #tpu.memory_space<vmem>>) semaphore(%run_scoped3A_493 : memref<!tpu.dma_semaphore, #tpu.memory_space<semaphore_mem>>) {add = true}
      %dma_wait3A_500 = arith.constant 0 : i32
      %dma_wait3A_501 = tpu.memref_slice %arg9[%run_scoped3A_372, %run_scoped3A_373, %dma_wait3A_500] : memref<2x8x128xi32, #tpu.memory_space<vmem>> -> memref<1x1x128xi32, #tpu.memory_space<vmem>>
      %dma_wait3A_502 = tpu.memref_squeeze %dma_wait3A_501 : memref<1x1x128xi32, #tpu.memory_space<vmem>> -> memref<128xi32, #tpu.memory_space<vmem>>
      %dma_wait3A_503 = arith.constant 0 : i32
      %dma_wait3A_504 = arith.constant 0 : i32
      %dma_wait3A_505 = tpu.memref_slice %arg6[%dma_wait3A_503, %dma_wait3A_504] : memref<10112x64xf32, #tpu.memory_space<vmem_shared>> -> memref<10112x64xf32, #tpu.memory_space<vmem_shared>>
      tpu.wait_indirect_dma semaphore(%run_scoped3A_493 : memref<!tpu.dma_semaphore, #tpu.memory_space<semaphore_mem>>) src(%arg10 : memref<128x64xf32, #tpu.memory_space<vmem>>) dst(%dma_wait3A_505 : memref<10112x64xf32, #tpu.memory_space<vmem_shared>>)
      tpu.yield
    }) : () -> ()
    %dma_start3A_374 = arith.constant 1 : i32
    %dma_start3A_375 = arith.constant 2 : i32
    %dma_start3A_376 = arith.constant 0 : i32
    %dma_start3A_377 = tpu.memref_slice %arg8[%dma_start3A_374, %dma_start3A_375, %dma_start3A_376] : memref<2x8x128xi32, #tpu.memory_space<vmem>> -> memref<1x1x128xi32, #tpu.memory_space<vmem>>
    %dma_start3A_378 = tpu.memref_squeeze %dma_start3A_377 : memref<1x1x128xi32, #tpu.memory_space<vmem>> -> memref<128xi32, #tpu.memory_space<vmem>>
    %dma_start3A_379 = arith.constant 0 : i32
    %dma_start3A_380 = arith.constant 0 : i32
    %dma_start3A_381 = tpu.memref_slice %arg7[%dma_start3A_379, %dma_start3A_380] : memref<10112x64xf32, #tpu.memory_space<vmem_shared>> -> memref<10112x64xf32, #tpu.memory_space<vmem_shared>>
    tpu.enqueue_indirect_dma source(%dma_start3A_381 : memref<10112x64xf32, #tpu.memory_space<vmem_shared>>) target(%arg10 : memref<128x64xf32, #tpu.memory_space<vmem>>) offsets(%dma_start3A_378 : memref<128xi32, #tpu.memory_space<vmem>>) semaphore(%arg12 : memref<!tpu.dma_semaphore, #tpu.memory_space<semaphore_mem>>)
    %dma_wait3A_382 = arith.constant 1 : i32
    %dma_wait3A_383 = arith.constant 1 : i32
    %dma_wait3A_384 = arith.constant 0 : i32
    %dma_wait3A_385 = tpu.memref_slice %arg8[%dma_wait3A_382, %dma_wait3A_383, %dma_wait3A_384] : memref<2x8x128xi32, #tpu.memory_space<vmem>> -> memref<1x1x128xi32, #tpu.memory_space<vmem>>
    %dma_wait3A_386 = tpu.memref_squeeze %dma_wait3A_385 : memref<1x1x128xi32, #tpu.memory_space<vmem>> -> memref<128xi32, #tpu.memory_space<vmem>>
    %dma_wait3A_387 = arith.constant 0 : i32
    %dma_wait3A_388 = arith.constant 0 : i32
    %dma_wait3A_389 = tpu.memref_slice %arg7[%dma_wait3A_387, %dma_wait3A_388] : memref<10112x64xf32, #tpu.memory_space<vmem_shared>> -> memref<10112x64xf32, #tpu.memory_space<vmem_shared>>
    tpu.wait_indirect_dma semaphore(%arg13 : memref<!tpu.dma_semaphore, #tpu.memory_space<semaphore_mem>>) src(%dma_wait3A_389 : memref<10112x64xf32, #tpu.memory_space<vmem_shared>>) dst(%arg11 : memref<128x64xf32, #tpu.memory_space<vmem>>)
    %run_scoped3A_390 = arith.constant 1 : i32
    %run_scoped3A_391 = arith.constant 1 : i32
    "tpu.region"() ({
      %run_scoped3A_493 = tpu.sem_alloc : memref<!tpu.dma_semaphore, #tpu.memory_space<semaphore_mem>>
      %dma_start3A_494 = arith.constant 0 : i32
      %dma_start3A_495 = tpu.memref_slice %arg9[%run_scoped3A_390, %run_scoped3A_391, %dma_start3A_494] : memref<2x8x128xi32, #tpu.memory_space<vmem>> -> memref<1x1x128xi32, #tpu.memory_space<vmem>>
      %dma_start3A_496 = tpu.memref_squeeze %dma_start3A_495 : memref<1x1x128xi32, #tpu.memory_space<vmem>> -> memref<128xi32, #tpu.memory_space<vmem>>
      %dma_start3A_497 = arith.constant 0 : i32
      %dma_start3A_498 = arith.constant 0 : i32
      %dma_start3A_499 = tpu.memref_slice %arg6[%dma_start3A_497, %dma_start3A_498] : memref<10112x64xf32, #tpu.memory_space<vmem_shared>> -> memref<10112x64xf32, #tpu.memory_space<vmem_shared>>
      tpu.enqueue_indirect_dma source(%arg11 : memref<128x64xf32, #tpu.memory_space<vmem>>) target(%dma_start3A_499 : memref<10112x64xf32, #tpu.memory_space<vmem_shared>>) offsets(%dma_start3A_496 : memref<128xi32, #tpu.memory_space<vmem>>) semaphore(%run_scoped3A_493 : memref<!tpu.dma_semaphore, #tpu.memory_space<semaphore_mem>>) {add = true}
      %dma_wait3A_500 = arith.constant 0 : i32
      %dma_wait3A_501 = tpu.memref_slice %arg9[%run_scoped3A_390, %run_scoped3A_391, %dma_wait3A_500] : memref<2x8x128xi32, #tpu.memory_space<vmem>> -> memref<1x1x128xi32, #tpu.memory_space<vmem>>
      %dma_wait3A_502 = tpu.memref_squeeze %dma_wait3A_501 : memref<1x1x128xi32, #tpu.memory_space<vmem>> -> memref<128xi32, #tpu.memory_space<vmem>>
      %dma_wait3A_503 = arith.constant 0 : i32
      %dma_wait3A_504 = arith.constant 0 : i32
      %dma_wait3A_505 = tpu.memref_slice %arg6[%dma_wait3A_503, %dma_wait3A_504] : memref<10112x64xf32, #tpu.memory_space<vmem_shared>> -> memref<10112x64xf32, #tpu.memory_space<vmem_shared>>
      tpu.wait_indirect_dma semaphore(%run_scoped3A_493 : memref<!tpu.dma_semaphore, #tpu.memory_space<semaphore_mem>>) src(%arg11 : memref<128x64xf32, #tpu.memory_space<vmem>>) dst(%dma_wait3A_505 : memref<10112x64xf32, #tpu.memory_space<vmem_shared>>)
      tpu.yield
    }) : () -> ()
    %dma_start3A_392 = arith.constant 1 : i32
    %dma_start3A_393 = arith.constant 3 : i32
    %dma_start3A_394 = arith.constant 0 : i32
    %dma_start3A_395 = tpu.memref_slice %arg8[%dma_start3A_392, %dma_start3A_393, %dma_start3A_394] : memref<2x8x128xi32, #tpu.memory_space<vmem>> -> memref<1x1x128xi32, #tpu.memory_space<vmem>>
    %dma_start3A_396 = tpu.memref_squeeze %dma_start3A_395 : memref<1x1x128xi32, #tpu.memory_space<vmem>> -> memref<128xi32, #tpu.memory_space<vmem>>
    %dma_start3A_397 = arith.constant 0 : i32
    %dma_start3A_398 = arith.constant 0 : i32
    %dma_start3A_399 = tpu.memref_slice %arg7[%dma_start3A_397, %dma_start3A_398] : memref<10112x64xf32, #tpu.memory_space<vmem_shared>> -> memref<10112x64xf32, #tpu.memory_space<vmem_shared>>
    tpu.enqueue_indirect_dma source(%dma_start3A_399 : memref<10112x64xf32, #tpu.memory_space<vmem_shared>>) target(%arg11 : memref<128x64xf32, #tpu.memory_space<vmem>>) offsets(%dma_start3A_396 : memref<128xi32, #tpu.memory_space<vmem>>) semaphore(%arg13 : memref<!tpu.dma_semaphore, #tpu.memory_space<semaphore_mem>>)
    %dma_wait3A_400 = arith.constant 1 : i32
    %dma_wait3A_401 = arith.constant 2 : i32
    %dma_wait3A_402 = arith.constant 0 : i32
    %dma_wait3A_403 = tpu.memref_slice %arg8[%dma_wait3A_400, %dma_wait3A_401, %dma_wait3A_402] : memref<2x8x128xi32, #tpu.memory_space<vmem>> -> memref<1x1x128xi32, #tpu.memory_space<vmem>>
    %dma_wait3A_404 = tpu.memref_squeeze %dma_wait3A_403 : memref<1x1x128xi32, #tpu.memory_space<vmem>> -> memref<128xi32, #tpu.memory_space<vmem>>
    %dma_wait3A_405 = arith.constant 0 : i32
    %dma_wait3A_406 = arith.constant 0 : i32
    %dma_wait3A_407 = tpu.memref_slice %arg7[%dma_wait3A_405, %dma_wait3A_406] : memref<10112x64xf32, #tpu.memory_space<vmem_shared>> -> memref<10112x64xf32, #tpu.memory_space<vmem_shared>>
    tpu.wait_indirect_dma semaphore(%arg12 : memref<!tpu.dma_semaphore, #tpu.memory_space<semaphore_mem>>) src(%dma_wait3A_407 : memref<10112x64xf32, #tpu.memory_space<vmem_shared>>) dst(%arg10 : memref<128x64xf32, #tpu.memory_space<vmem>>)
    %run_scoped3A_408 = arith.constant 1 : i32
    %run_scoped3A_409 = arith.constant 2 : i32
    "tpu.region"() ({
      %run_scoped3A_493 = tpu.sem_alloc : memref<!tpu.dma_semaphore, #tpu.memory_space<semaphore_mem>>
      %dma_start3A_494 = arith.constant 0 : i32
      %dma_start3A_495 = tpu.memref_slice %arg9[%run_scoped3A_408, %run_scoped3A_409, %dma_start3A_494] : memref<2x8x128xi32, #tpu.memory_space<vmem>> -> memref<1x1x128xi32, #tpu.memory_space<vmem>>
      %dma_start3A_496 = tpu.memref_squeeze %dma_start3A_495 : memref<1x1x128xi32, #tpu.memory_space<vmem>> -> memref<128xi32, #tpu.memory_space<vmem>>
      %dma_start3A_497 = arith.constant 0 : i32
      %dma_start3A_498 = arith.constant 0 : i32
      %dma_start3A_499 = tpu.memref_slice %arg6[%dma_start3A_497, %dma_start3A_498] : memref<10112x64xf32, #tpu.memory_space<vmem_shared>> -> memref<10112x64xf32, #tpu.memory_space<vmem_shared>>
      tpu.enqueue_indirect_dma source(%arg10 : memref<128x64xf32, #tpu.memory_space<vmem>>) target(%dma_start3A_499 : memref<10112x64xf32, #tpu.memory_space<vmem_shared>>) offsets(%dma_start3A_496 : memref<128xi32, #tpu.memory_space<vmem>>) semaphore(%run_scoped3A_493 : memref<!tpu.dma_semaphore, #tpu.memory_space<semaphore_mem>>) {add = true}
      %dma_wait3A_500 = arith.constant 0 : i32
      %dma_wait3A_501 = tpu.memref_slice %arg9[%run_scoped3A_408, %run_scoped3A_409, %dma_wait3A_500] : memref<2x8x128xi32, #tpu.memory_space<vmem>> -> memref<1x1x128xi32, #tpu.memory_space<vmem>>
      %dma_wait3A_502 = tpu.memref_squeeze %dma_wait3A_501 : memref<1x1x128xi32, #tpu.memory_space<vmem>> -> memref<128xi32, #tpu.memory_space<vmem>>
      %dma_wait3A_503 = arith.constant 0 : i32
      %dma_wait3A_504 = arith.constant 0 : i32
      %dma_wait3A_505 = tpu.memref_slice %arg6[%dma_wait3A_503, %dma_wait3A_504] : memref<10112x64xf32, #tpu.memory_space<vmem_shared>> -> memref<10112x64xf32, #tpu.memory_space<vmem_shared>>
      tpu.wait_indirect_dma semaphore(%run_scoped3A_493 : memref<!tpu.dma_semaphore, #tpu.memory_space<semaphore_mem>>) src(%arg10 : memref<128x64xf32, #tpu.memory_space<vmem>>) dst(%dma_wait3A_505 : memref<10112x64xf32, #tpu.memory_space<vmem_shared>>)
      tpu.yield
    }) : () -> ()
    %dma_start3A_410 = arith.constant 1 : i32
    %dma_start3A_411 = arith.constant 4 : i32
    %dma_start3A_412 = arith.constant 0 : i32
    %dma_start3A_413 = tpu.memref_slice %arg8[%dma_start3A_410, %dma_start3A_411, %dma_start3A_412] : memref<2x8x128xi32, #tpu.memory_space<vmem>> -> memref<1x1x128xi32, #tpu.memory_space<vmem>>
    %dma_start3A_414 = tpu.memref_squeeze %dma_start3A_413 : memref<1x1x128xi32, #tpu.memory_space<vmem>> -> memref<128xi32, #tpu.memory_space<vmem>>
    %dma_start3A_415 = arith.constant 0 : i32
    %dma_start3A_416 = arith.constant 0 : i32
    %dma_start3A_417 = tpu.memref_slice %arg7[%dma_start3A_415, %dma_start3A_416] : memref<10112x64xf32, #tpu.memory_space<vmem_shared>> -> memref<10112x64xf32, #tpu.memory_space<vmem_shared>>
    tpu.enqueue_indirect_dma source(%dma_start3A_417 : memref<10112x64xf32, #tpu.memory_space<vmem_shared>>) target(%arg10 : memref<128x64xf32, #tpu.memory_space<vmem>>) offsets(%dma_start3A_414 : memref<128xi32, #tpu.memory_space<vmem>>) semaphore(%arg12 : memref<!tpu.dma_semaphore, #tpu.memory_space<semaphore_mem>>)
    %dma_wait3A_418 = arith.constant 1 : i32
    %dma_wait3A_419 = arith.constant 3 : i32
    %dma_wait3A_420 = arith.constant 0 : i32
    %dma_wait3A_421 = tpu.memref_slice %arg8[%dma_wait3A_418, %dma_wait3A_419, %dma_wait3A_420] : memref<2x8x128xi32, #tpu.memory_space<vmem>> -> memref<1x1x128xi32, #tpu.memory_space<vmem>>
    %dma_wait3A_422 = tpu.memref_squeeze %dma_wait3A_421 : memref<1x1x128xi32, #tpu.memory_space<vmem>> -> memref<128xi32, #tpu.memory_space<vmem>>
    %dma_wait3A_423 = arith.constant 0 : i32
    %dma_wait3A_424 = arith.constant 0 : i32
    %dma_wait3A_425 = tpu.memref_slice %arg7[%dma_wait3A_423, %dma_wait3A_424] : memref<10112x64xf32, #tpu.memory_space<vmem_shared>> -> memref<10112x64xf32, #tpu.memory_space<vmem_shared>>
    tpu.wait_indirect_dma semaphore(%arg13 : memref<!tpu.dma_semaphore, #tpu.memory_space<semaphore_mem>>) src(%dma_wait3A_425 : memref<10112x64xf32, #tpu.memory_space<vmem_shared>>) dst(%arg11 : memref<128x64xf32, #tpu.memory_space<vmem>>)
    %run_scoped3A_426 = arith.constant 1 : i32
    %run_scoped3A_427 = arith.constant 3 : i32
    "tpu.region"() ({
      %run_scoped3A_493 = tpu.sem_alloc : memref<!tpu.dma_semaphore, #tpu.memory_space<semaphore_mem>>
      %dma_start3A_494 = arith.constant 0 : i32
      %dma_start3A_495 = tpu.memref_slice %arg9[%run_scoped3A_426, %run_scoped3A_427, %dma_start3A_494] : memref<2x8x128xi32, #tpu.memory_space<vmem>> -> memref<1x1x128xi32, #tpu.memory_space<vmem>>
      %dma_start3A_496 = tpu.memref_squeeze %dma_start3A_495 : memref<1x1x128xi32, #tpu.memory_space<vmem>> -> memref<128xi32, #tpu.memory_space<vmem>>
      %dma_start3A_497 = arith.constant 0 : i32
      %dma_start3A_498 = arith.constant 0 : i32
      %dma_start3A_499 = tpu.memref_slice %arg6[%dma_start3A_497, %dma_start3A_498] : memref<10112x64xf32, #tpu.memory_space<vmem_shared>> -> memref<10112x64xf32, #tpu.memory_space<vmem_shared>>
      tpu.enqueue_indirect_dma source(%arg11 : memref<128x64xf32, #tpu.memory_space<vmem>>) target(%dma_start3A_499 : memref<10112x64xf32, #tpu.memory_space<vmem_shared>>) offsets(%dma_start3A_496 : memref<128xi32, #tpu.memory_space<vmem>>) semaphore(%run_scoped3A_493 : memref<!tpu.dma_semaphore, #tpu.memory_space<semaphore_mem>>) {add = true}
      %dma_wait3A_500 = arith.constant 0 : i32
      %dma_wait3A_501 = tpu.memref_slice %arg9[%run_scoped3A_426, %run_scoped3A_427, %dma_wait3A_500] : memref<2x8x128xi32, #tpu.memory_space<vmem>> -> memref<1x1x128xi32, #tpu.memory_space<vmem>>
      %dma_wait3A_502 = tpu.memref_squeeze %dma_wait3A_501 : memref<1x1x128xi32, #tpu.memory_space<vmem>> -> memref<128xi32, #tpu.memory_space<vmem>>
      %dma_wait3A_503 = arith.constant 0 : i32
      %dma_wait3A_504 = arith.constant 0 : i32
      %dma_wait3A_505 = tpu.memref_slice %arg6[%dma_wait3A_503, %dma_wait3A_504] : memref<10112x64xf32, #tpu.memory_space<vmem_shared>> -> memref<10112x64xf32, #tpu.memory_space<vmem_shared>>
      tpu.wait_indirect_dma semaphore(%run_scoped3A_493 : memref<!tpu.dma_semaphore, #tpu.memory_space<semaphore_mem>>) src(%arg11 : memref<128x64xf32, #tpu.memory_space<vmem>>) dst(%dma_wait3A_505 : memref<10112x64xf32, #tpu.memory_space<vmem_shared>>)
      tpu.yield
    }) : () -> ()
    %dma_start3A_428 = arith.constant 1 : i32
    %dma_start3A_429 = arith.constant 5 : i32
    %dma_start3A_430 = arith.constant 0 : i32
    %dma_start3A_431 = tpu.memref_slice %arg8[%dma_start3A_428, %dma_start3A_429, %dma_start3A_430] : memref<2x8x128xi32, #tpu.memory_space<vmem>> -> memref<1x1x128xi32, #tpu.memory_space<vmem>>
    %dma_start3A_432 = tpu.memref_squeeze %dma_start3A_431 : memref<1x1x128xi32, #tpu.memory_space<vmem>> -> memref<128xi32, #tpu.memory_space<vmem>>
    %dma_start3A_433 = arith.constant 0 : i32
    %dma_start3A_434 = arith.constant 0 : i32
    %dma_start3A_435 = tpu.memref_slice %arg7[%dma_start3A_433, %dma_start3A_434] : memref<10112x64xf32, #tpu.memory_space<vmem_shared>> -> memref<10112x64xf32, #tpu.memory_space<vmem_shared>>
    tpu.enqueue_indirect_dma source(%dma_start3A_435 : memref<10112x64xf32, #tpu.memory_space<vmem_shared>>) target(%arg11 : memref<128x64xf32, #tpu.memory_space<vmem>>) offsets(%dma_start3A_432 : memref<128xi32, #tpu.memory_space<vmem>>) semaphore(%arg13 : memref<!tpu.dma_semaphore, #tpu.memory_space<semaphore_mem>>)
    %dma_wait3A_436 = arith.constant 1 : i32
    %dma_wait3A_437 = arith.constant 4 : i32
    %dma_wait3A_438 = arith.constant 0 : i32
    %dma_wait3A_439 = tpu.memref_slice %arg8[%dma_wait3A_436, %dma_wait3A_437, %dma_wait3A_438] : memref<2x8x128xi32, #tpu.memory_space<vmem>> -> memref<1x1x128xi32, #tpu.memory_space<vmem>>
    %dma_wait3A_440 = tpu.memref_squeeze %dma_wait3A_439 : memref<1x1x128xi32, #tpu.memory_space<vmem>> -> memref<128xi32, #tpu.memory_space<vmem>>
    %dma_wait3A_441 = arith.constant 0 : i32
    %dma_wait3A_442 = arith.constant 0 : i32
    %dma_wait3A_443 = tpu.memref_slice %arg7[%dma_wait3A_441, %dma_wait3A_442] : memref<10112x64xf32, #tpu.memory_space<vmem_shared>> -> memref<10112x64xf32, #tpu.memory_space<vmem_shared>>
    tpu.wait_indirect_dma semaphore(%arg12 : memref<!tpu.dma_semaphore, #tpu.memory_space<semaphore_mem>>) src(%dma_wait3A_443 : memref<10112x64xf32, #tpu.memory_space<vmem_shared>>) dst(%arg10 : memref<128x64xf32, #tpu.memory_space<vmem>>)
    %run_scoped3A_444 = arith.constant 1 : i32
    %run_scoped3A_445 = arith.constant 4 : i32
    "tpu.region"() ({
      %run_scoped3A_493 = tpu.sem_alloc : memref<!tpu.dma_semaphore, #tpu.memory_space<semaphore_mem>>
      %dma_start3A_494 = arith.constant 0 : i32
      %dma_start3A_495 = tpu.memref_slice %arg9[%run_scoped3A_444, %run_scoped3A_445, %dma_start3A_494] : memref<2x8x128xi32, #tpu.memory_space<vmem>> -> memref<1x1x128xi32, #tpu.memory_space<vmem>>
      %dma_start3A_496 = tpu.memref_squeeze %dma_start3A_495 : memref<1x1x128xi32, #tpu.memory_space<vmem>> -> memref<128xi32, #tpu.memory_space<vmem>>
      %dma_start3A_497 = arith.constant 0 : i32
      %dma_start3A_498 = arith.constant 0 : i32
      %dma_start3A_499 = tpu.memref_slice %arg6[%dma_start3A_497, %dma_start3A_498] : memref<10112x64xf32, #tpu.memory_space<vmem_shared>> -> memref<10112x64xf32, #tpu.memory_space<vmem_shared>>
      tpu.enqueue_indirect_dma source(%arg10 : memref<128x64xf32, #tpu.memory_space<vmem>>) target(%dma_start3A_499 : memref<10112x64xf32, #tpu.memory_space<vmem_shared>>) offsets(%dma_start3A_496 : memref<128xi32, #tpu.memory_space<vmem>>) semaphore(%run_scoped3A_493 : memref<!tpu.dma_semaphore, #tpu.memory_space<semaphore_mem>>) {add = true}
      %dma_wait3A_500 = arith.constant 0 : i32
      %dma_wait3A_501 = tpu.memref_slice %arg9[%run_scoped3A_444, %run_scoped3A_445, %dma_wait3A_500] : memref<2x8x128xi32, #tpu.memory_space<vmem>> -> memref<1x1x128xi32, #tpu.memory_space<vmem>>
      %dma_wait3A_502 = tpu.memref_squeeze %dma_wait3A_501 : memref<1x1x128xi32, #tpu.memory_space<vmem>> -> memref<128xi32, #tpu.memory_space<vmem>>
      %dma_wait3A_503 = arith.constant 0 : i32
      %dma_wait3A_504 = arith.constant 0 : i32
      %dma_wait3A_505 = tpu.memref_slice %arg6[%dma_wait3A_503, %dma_wait3A_504] : memref<10112x64xf32, #tpu.memory_space<vmem_shared>> -> memref<10112x64xf32, #tpu.memory_space<vmem_shared>>
      tpu.wait_indirect_dma semaphore(%run_scoped3A_493 : memref<!tpu.dma_semaphore, #tpu.memory_space<semaphore_mem>>) src(%arg10 : memref<128x64xf32, #tpu.memory_space<vmem>>) dst(%dma_wait3A_505 : memref<10112x64xf32, #tpu.memory_space<vmem_shared>>)
      tpu.yield
    }) : () -> ()
    %dma_start3A_446 = arith.constant 1 : i32
    %dma_start3A_447 = arith.constant 6 : i32
    %dma_start3A_448 = arith.constant 0 : i32
    %dma_start3A_449 = tpu.memref_slice %arg8[%dma_start3A_446, %dma_start3A_447, %dma_start3A_448] : memref<2x8x128xi32, #tpu.memory_space<vmem>> -> memref<1x1x128xi32, #tpu.memory_space<vmem>>
    %dma_start3A_450 = tpu.memref_squeeze %dma_start3A_449 : memref<1x1x128xi32, #tpu.memory_space<vmem>> -> memref<128xi32, #tpu.memory_space<vmem>>
    %dma_start3A_451 = arith.constant 0 : i32
    %dma_start3A_452 = arith.constant 0 : i32
    %dma_start3A_453 = tpu.memref_slice %arg7[%dma_start3A_451, %dma_start3A_452] : memref<10112x64xf32, #tpu.memory_space<vmem_shared>> -> memref<10112x64xf32, #tpu.memory_space<vmem_shared>>
    tpu.enqueue_indirect_dma source(%dma_start3A_453 : memref<10112x64xf32, #tpu.memory_space<vmem_shared>>) target(%arg10 : memref<128x64xf32, #tpu.memory_space<vmem>>) offsets(%dma_start3A_450 : memref<128xi32, #tpu.memory_space<vmem>>) semaphore(%arg12 : memref<!tpu.dma_semaphore, #tpu.memory_space<semaphore_mem>>)
    %dma_wait3A_454 = arith.constant 1 : i32
    %dma_wait3A_455 = arith.constant 5 : i32
    %dma_wait3A_456 = arith.constant 0 : i32
    %dma_wait3A_457 = tpu.memref_slice %arg8[%dma_wait3A_454, %dma_wait3A_455, %dma_wait3A_456] : memref<2x8x128xi32, #tpu.memory_space<vmem>> -> memref<1x1x128xi32, #tpu.memory_space<vmem>>
    %dma_wait3A_458 = tpu.memref_squeeze %dma_wait3A_457 : memref<1x1x128xi32, #tpu.memory_space<vmem>> -> memref<128xi32, #tpu.memory_space<vmem>>
    %dma_wait3A_459 = arith.constant 0 : i32
    %dma_wait3A_460 = arith.constant 0 : i32
    %dma_wait3A_461 = tpu.memref_slice %arg7[%dma_wait3A_459, %dma_wait3A_460] : memref<10112x64xf32, #tpu.memory_space<vmem_shared>> -> memref<10112x64xf32, #tpu.memory_space<vmem_shared>>
    tpu.wait_indirect_dma semaphore(%arg13 : memref<!tpu.dma_semaphore, #tpu.memory_space<semaphore_mem>>) src(%dma_wait3A_461 : memref<10112x64xf32, #tpu.memory_space<vmem_shared>>) dst(%arg11 : memref<128x64xf32, #tpu.memory_space<vmem>>)
    %run_scoped3A_462 = arith.constant 1 : i32
    %run_scoped3A_463 = arith.constant 5 : i32
    "tpu.region"() ({
      %run_scoped3A_493 = tpu.sem_alloc : memref<!tpu.dma_semaphore, #tpu.memory_space<semaphore_mem>>
      %dma_start3A_494 = arith.constant 0 : i32
      %dma_start3A_495 = tpu.memref_slice %arg9[%run_scoped3A_462, %run_scoped3A_463, %dma_start3A_494] : memref<2x8x128xi32, #tpu.memory_space<vmem>> -> memref<1x1x128xi32, #tpu.memory_space<vmem>>
      %dma_start3A_496 = tpu.memref_squeeze %dma_start3A_495 : memref<1x1x128xi32, #tpu.memory_space<vmem>> -> memref<128xi32, #tpu.memory_space<vmem>>
      %dma_start3A_497 = arith.constant 0 : i32
      %dma_start3A_498 = arith.constant 0 : i32
      %dma_start3A_499 = tpu.memref_slice %arg6[%dma_start3A_497, %dma_start3A_498] : memref<10112x64xf32, #tpu.memory_space<vmem_shared>> -> memref<10112x64xf32, #tpu.memory_space<vmem_shared>>
      tpu.enqueue_indirect_dma source(%arg11 : memref<128x64xf32, #tpu.memory_space<vmem>>) target(%dma_start3A_499 : memref<10112x64xf32, #tpu.memory_space<vmem_shared>>) offsets(%dma_start3A_496 : memref<128xi32, #tpu.memory_space<vmem>>) semaphore(%run_scoped3A_493 : memref<!tpu.dma_semaphore, #tpu.memory_space<semaphore_mem>>) {add = true}
      %dma_wait3A_500 = arith.constant 0 : i32
      %dma_wait3A_501 = tpu.memref_slice %arg9[%run_scoped3A_462, %run_scoped3A_463, %dma_wait3A_500] : memref<2x8x128xi32, #tpu.memory_space<vmem>> -> memref<1x1x128xi32, #tpu.memory_space<vmem>>
      %dma_wait3A_502 = tpu.memref_squeeze %dma_wait3A_501 : memref<1x1x128xi32, #tpu.memory_space<vmem>> -> memref<128xi32, #tpu.memory_space<vmem>>
      %dma_wait3A_503 = arith.constant 0 : i32
      %dma_wait3A_504 = arith.constant 0 : i32
      %dma_wait3A_505 = tpu.memref_slice %arg6[%dma_wait3A_503, %dma_wait3A_504] : memref<10112x64xf32, #tpu.memory_space<vmem_shared>> -> memref<10112x64xf32, #tpu.memory_space<vmem_shared>>
      tpu.wait_indirect_dma semaphore(%run_scoped3A_493 : memref<!tpu.dma_semaphore, #tpu.memory_space<semaphore_mem>>) src(%arg11 : memref<128x64xf32, #tpu.memory_space<vmem>>) dst(%dma_wait3A_505 : memref<10112x64xf32, #tpu.memory_space<vmem_shared>>)
      tpu.yield
    }) : () -> ()
    %dma_start3A_464 = arith.constant 1 : i32
    %dma_start3A_465 = arith.constant 7 : i32
    %dma_start3A_466 = arith.constant 0 : i32
    %dma_start3A_467 = tpu.memref_slice %arg8[%dma_start3A_464, %dma_start3A_465, %dma_start3A_466] : memref<2x8x128xi32, #tpu.memory_space<vmem>> -> memref<1x1x128xi32, #tpu.memory_space<vmem>>
    %dma_start3A_468 = tpu.memref_squeeze %dma_start3A_467 : memref<1x1x128xi32, #tpu.memory_space<vmem>> -> memref<128xi32, #tpu.memory_space<vmem>>
    %dma_start3A_469 = arith.constant 0 : i32
    %dma_start3A_470 = arith.constant 0 : i32
    %dma_start3A_471 = tpu.memref_slice %arg7[%dma_start3A_469, %dma_start3A_470] : memref<10112x64xf32, #tpu.memory_space<vmem_shared>> -> memref<10112x64xf32, #tpu.memory_space<vmem_shared>>
    tpu.enqueue_indirect_dma source(%dma_start3A_471 : memref<10112x64xf32, #tpu.memory_space<vmem_shared>>) target(%arg11 : memref<128x64xf32, #tpu.memory_space<vmem>>) offsets(%dma_start3A_468 : memref<128xi32, #tpu.memory_space<vmem>>) semaphore(%arg13 : memref<!tpu.dma_semaphore, #tpu.memory_space<semaphore_mem>>)
    %dma_wait3A_472 = arith.constant 1 : i32
    %dma_wait3A_473 = arith.constant 6 : i32
    %dma_wait3A_474 = arith.constant 0 : i32
    %dma_wait3A_475 = tpu.memref_slice %arg8[%dma_wait3A_472, %dma_wait3A_473, %dma_wait3A_474] : memref<2x8x128xi32, #tpu.memory_space<vmem>> -> memref<1x1x128xi32, #tpu.memory_space<vmem>>
    %dma_wait3A_476 = tpu.memref_squeeze %dma_wait3A_475 : memref<1x1x128xi32, #tpu.memory_space<vmem>> -> memref<128xi32, #tpu.memory_space<vmem>>
    %dma_wait3A_477 = arith.constant 0 : i32
    %dma_wait3A_478 = arith.constant 0 : i32
    %dma_wait3A_479 = tpu.memref_slice %arg7[%dma_wait3A_477, %dma_wait3A_478] : memref<10112x64xf32, #tpu.memory_space<vmem_shared>> -> memref<10112x64xf32, #tpu.memory_space<vmem_shared>>
    tpu.wait_indirect_dma semaphore(%arg12 : memref<!tpu.dma_semaphore, #tpu.memory_space<semaphore_mem>>) src(%dma_wait3A_479 : memref<10112x64xf32, #tpu.memory_space<vmem_shared>>) dst(%arg10 : memref<128x64xf32, #tpu.memory_space<vmem>>)
    %run_scoped3A_480 = arith.constant 1 : i32
    %run_scoped3A_481 = arith.constant 6 : i32
    "tpu.region"() ({
      %run_scoped3A_493 = tpu.sem_alloc : memref<!tpu.dma_semaphore, #tpu.memory_space<semaphore_mem>>
      %dma_start3A_494 = arith.constant 0 : i32
      %dma_start3A_495 = tpu.memref_slice %arg9[%run_scoped3A_480, %run_scoped3A_481, %dma_start3A_494] : memref<2x8x128xi32, #tpu.memory_space<vmem>> -> memref<1x1x128xi32, #tpu.memory_space<vmem>>
      %dma_start3A_496 = tpu.memref_squeeze %dma_start3A_495 : memref<1x1x128xi32, #tpu.memory_space<vmem>> -> memref<128xi32, #tpu.memory_space<vmem>>
      %dma_start3A_497 = arith.constant 0 : i32
      %dma_start3A_498 = arith.constant 0 : i32
      %dma_start3A_499 = tpu.memref_slice %arg6[%dma_start3A_497, %dma_start3A_498] : memref<10112x64xf32, #tpu.memory_space<vmem_shared>> -> memref<10112x64xf32, #tpu.memory_space<vmem_shared>>
      tpu.enqueue_indirect_dma source(%arg10 : memref<128x64xf32, #tpu.memory_space<vmem>>) target(%dma_start3A_499 : memref<10112x64xf32, #tpu.memory_space<vmem_shared>>) offsets(%dma_start3A_496 : memref<128xi32, #tpu.memory_space<vmem>>) semaphore(%run_scoped3A_493 : memref<!tpu.dma_semaphore, #tpu.memory_space<semaphore_mem>>) {add = true}
      %dma_wait3A_500 = arith.constant 0 : i32
      %dma_wait3A_501 = tpu.memref_slice %arg9[%run_scoped3A_480, %run_scoped3A_481, %dma_wait3A_500] : memref<2x8x128xi32, #tpu.memory_space<vmem>> -> memref<1x1x128xi32, #tpu.memory_space<vmem>>
      %dma_wait3A_502 = tpu.memref_squeeze %dma_wait3A_501 : memref<1x1x128xi32, #tpu.memory_space<vmem>> -> memref<128xi32, #tpu.memory_space<vmem>>
      %dma_wait3A_503 = arith.constant 0 : i32
      %dma_wait3A_504 = arith.constant 0 : i32
      %dma_wait3A_505 = tpu.memref_slice %arg6[%dma_wait3A_503, %dma_wait3A_504] : memref<10112x64xf32, #tpu.memory_space<vmem_shared>> -> memref<10112x64xf32, #tpu.memory_space<vmem_shared>>
      tpu.wait_indirect_dma semaphore(%run_scoped3A_493 : memref<!tpu.dma_semaphore, #tpu.memory_space<semaphore_mem>>) src(%arg10 : memref<128x64xf32, #tpu.memory_space<vmem>>) dst(%dma_wait3A_505 : memref<10112x64xf32, #tpu.memory_space<vmem_shared>>)
      tpu.yield
    }) : () -> ()
    %dma_wait3A_482 = arith.constant 1 : i32
    %dma_wait3A_483 = arith.constant 7 : i32
    %dma_wait3A_484 = arith.constant 0 : i32
    %dma_wait3A_485 = tpu.memref_slice %arg8[%dma_wait3A_482, %dma_wait3A_483, %dma_wait3A_484] : memref<2x8x128xi32, #tpu.memory_space<vmem>> -> memref<1x1x128xi32, #tpu.memory_space<vmem>>
    %dma_wait3A_486 = tpu.memref_squeeze %dma_wait3A_485 : memref<1x1x128xi32, #tpu.memory_space<vmem>> -> memref<128xi32, #tpu.memory_space<vmem>>
    %dma_wait3A_487 = arith.constant 0 : i32
    %dma_wait3A_488 = arith.constant 0 : i32
    %dma_wait3A_489 = tpu.memref_slice %arg7[%dma_wait3A_487, %dma_wait3A_488] : memref<10112x64xf32, #tpu.memory_space<vmem_shared>> -> memref<10112x64xf32, #tpu.memory_space<vmem_shared>>
    tpu.wait_indirect_dma semaphore(%arg13 : memref<!tpu.dma_semaphore, #tpu.memory_space<semaphore_mem>>) src(%dma_wait3A_489 : memref<10112x64xf32, #tpu.memory_space<vmem_shared>>) dst(%arg11 : memref<128x64xf32, #tpu.memory_space<vmem>>)
    %run_scoped3A_490 = arith.constant 1 : i32
    %run_scoped3A_491 = arith.constant 7 : i32
    "tpu.region"() ({
      %run_scoped3A_493 = tpu.sem_alloc : memref<!tpu.dma_semaphore, #tpu.memory_space<semaphore_mem>>
      %dma_start3A_494 = arith.constant 0 : i32
      %dma_start3A_495 = tpu.memref_slice %arg9[%run_scoped3A_490, %run_scoped3A_491, %dma_start3A_494] : memref<2x8x128xi32, #tpu.memory_space<vmem>> -> memref<1x1x128xi32, #tpu.memory_space<vmem>>
      %dma_start3A_496 = tpu.memref_squeeze %dma_start3A_495 : memref<1x1x128xi32, #tpu.memory_space<vmem>> -> memref<128xi32, #tpu.memory_space<vmem>>
      %dma_start3A_497 = arith.constant 0 : i32
      %dma_start3A_498 = arith.constant 0 : i32
      %dma_start3A_499 = tpu.memref_slice %arg6[%dma_start3A_497, %dma_start3A_498] : memref<10112x64xf32, #tpu.memory_space<vmem_shared>> -> memref<10112x64xf32, #tpu.memory_space<vmem_shared>>
      tpu.enqueue_indirect_dma source(%arg11 : memref<128x64xf32, #tpu.memory_space<vmem>>) target(%dma_start3A_499 : memref<10112x64xf32, #tpu.memory_space<vmem_shared>>) offsets(%dma_start3A_496 : memref<128xi32, #tpu.memory_space<vmem>>) semaphore(%run_scoped3A_493 : memref<!tpu.dma_semaphore, #tpu.memory_space<semaphore_mem>>) {add = true}
      %dma_wait3A_500 = arith.constant 0 : i32
      %dma_wait3A_501 = tpu.memref_slice %arg9[%run_scoped3A_490, %run_scoped3A_491, %dma_wait3A_500] : memref<2x8x128xi32, #tpu.memory_space<vmem>> -> memref<1x1x128xi32, #tpu.memory_space<vmem>>
      %dma_wait3A_502 = tpu.memref_squeeze %dma_wait3A_501 : memref<1x1x128xi32, #tpu.memory_space<vmem>> -> memref<128xi32, #tpu.memory_space<vmem>>
      %dma_wait3A_503 = arith.constant 0 : i32
      %dma_wait3A_504 = arith.constant 0 : i32
      %dma_wait3A_505 = tpu.memref_slice %arg6[%dma_wait3A_503, %dma_wait3A_504] : memref<10112x64xf32, #tpu.memory_space<vmem_shared>> -> memref<10112x64xf32, #tpu.memory_space<vmem_shared>>
      tpu.wait_indirect_dma semaphore(%run_scoped3A_493 : memref<!tpu.dma_semaphore, #tpu.memory_space<semaphore_mem>>) src(%arg11 : memref<128x64xf32, #tpu.memory_space<vmem>>) dst(%dma_wait3A_505 : memref<10112x64xf32, #tpu.memory_space<vmem_shared>>)
      tpu.yield
    }) : () -> ()
    %barrier3A_492 = arith.constant 0 : index
    tpu.barrier barrier_id(%barrier3A_492)
    "tpu.region"() ({
      %run_scoped3A_493 = tpu.sem_alloc : memref<!tpu.dma_semaphore, #tpu.memory_space<semaphore_mem>>
      %dma_start3A_494 = arith.constant 0 : i32
      %dma_start3A_495 = arith.constant 0 : i32
      %dma_start3A_496 = tpu.memref_slice %arg5[%arg0, %dma_start3A_494, %dma_start3A_495] : memref<2x10112x64xf32, #tpu.memory_space<hbm>> -> memref<1x10112x64xf32, #tpu.memory_space<hbm>>
      %dma_start3A_497 = tpu.memref_squeeze %dma_start3A_496 : memref<1x10112x64xf32, #tpu.memory_space<hbm>> -> memref<10112x64xf32, #tpu.memory_space<hbm>>
      %dma_start3A_498 = arith.constant 0 : i32
      %dma_start3A_499 = tpu.memref_slice %dma_start3A_497[%mul3A_2, %dma_start3A_498] : memref<10112x64xf32, #tpu.memory_space<hbm>> -> memref<632x64xf32, #tpu.memory_space<hbm>>
      %dma_start3A_500 = arith.constant 0 : i32
      %dma_start3A_501 = tpu.memref_slice %arg6[%mul3A_2, %dma_start3A_500] : memref<10112x64xf32, #tpu.memory_space<vmem_shared>> -> memref<632x64xf32, #tpu.memory_space<vmem_shared>>
      tpu.enqueue_dma source(%dma_start3A_501 : memref<632x64xf32, #tpu.memory_space<vmem_shared>>) target(%dma_start3A_499 : memref<632x64xf32, #tpu.memory_space<hbm>>) target_semaphore(%run_scoped3A_493 : memref<!tpu.dma_semaphore, #tpu.memory_space<semaphore_mem>>)
      %dma_wait3A_502 = arith.constant 0 : i32
      %dma_wait3A_503 = arith.constant 0 : i32
      %dma_wait3A_504 = tpu.memref_slice %arg5[%arg0, %dma_wait3A_502, %dma_wait3A_503] : memref<2x10112x64xf32, #tpu.memory_space<hbm>> -> memref<1x10112x64xf32, #tpu.memory_space<hbm>>
      %dma_wait3A_505 = tpu.memref_squeeze %dma_wait3A_504 : memref<1x10112x64xf32, #tpu.memory_space<hbm>> -> memref<10112x64xf32, #tpu.memory_space<hbm>>
      %dma_wait3A_506 = arith.constant 0 : i32
      %dma_wait3A_507 = tpu.memref_slice %dma_wait3A_505[%mul3A_2, %dma_wait3A_506] : memref<10112x64xf32, #tpu.memory_space<hbm>> -> memref<632x64xf32, #tpu.memory_space<hbm>>
      %dma_wait3A_508 = arith.constant 0 : i32
      %dma_wait3A_509 = tpu.memref_slice %arg6[%mul3A_2, %dma_wait3A_508] : memref<10112x64xf32, #tpu.memory_space<vmem_shared>> -> memref<632x64xf32, #tpu.memory_space<vmem_shared>>
      tpu.wait_dma2 semaphore(%run_scoped3A_493 : memref<!tpu.dma_semaphore, #tpu.memory_space<semaphore_mem>>) src(%dma_wait3A_509 : memref<632x64xf32, #tpu.memory_space<vmem_shared>>) dst(%dma_wait3A_507 : memref<632x64xf32, #tpu.memory_space<hbm>>)
      tpu.yield
    }) : () -> ()
    return
  }
}

module attributes {stable_mosaic.version = 14 : i64} {
  func.func @_tc_layer1_body(%arg0: memref<2x10112x64xf32, #tpu.memory_space<vmem>>, %arg1: memref<32x10112xf32, #tpu.memory_space<vmem>>, %arg2: memref<10112x128xf32, #tpu.memory_space<vmem>>, %arg3: memref<256x128xf32, #tpu.memory_space<vmem>>, %arg4: memref<256xf32, #tpu.memory_space<vmem>>, %arg5: memref<256x128xf32, #tpu.memory_space<vmem>>, %arg6: memref<128x256xf32, #tpu.memory_space<vmem>>, %arg7: memref<128x256xf32, #tpu.memory_space<vmem>>, %arg8: memref<128xf32, #tpu.memory_space<vmem>>, %arg9: memref<2x10112x64xf32, #tpu.memory_space<vmem>>, %arg10: memref<10112x128xf32, #tpu.memory_space<vmem>>, %arg11: memref<10112x1xf32, #tpu.memory_space<vmem>>) attributes {dimension_semantics = [], scalar_prefetch = 0 : i64, scratch_operands = 0 : i64, tpu.core_type = #tpu.core_type<tc>} {
    %get3A = arith.constant 0 : index
    %get3A_0 = arith.constant 0 : index
    %get3A_1 = arith.constant 0 : index
    %get3A_2 = vector.load %arg0[%get3A, %get3A_0, %get3A_1] : memref<2x10112x64xf32, #tpu.memory_space<vmem>>, vector<1x10112x64xf32>
    %get3A_3 = vector.shape_cast %get3A_2 : vector<1x10112x64xf32> to vector<10112x64xf32>
    %get3A_4 = arith.constant 1 : index
    %get3A_5 = arith.constant 0 : index
    %get3A_6 = arith.constant 0 : index
    %get3A_7 = vector.load %arg0[%get3A_4, %get3A_5, %get3A_6] : memref<2x10112x64xf32, #tpu.memory_space<vmem>>, vector<1x10112x64xf32>
    %get3A_8 = vector.shape_cast %get3A_7 : vector<1x10112x64xf32> to vector<10112x64xf32>
    %concatenate3A = tpu.concatenate %get3A_3, %get3A_8 in 1 : vector<10112x64xf32>, vector<10112x64xf32> -> vector<10112x128xf32>
    %get3A_9 = arith.constant 0 : index
    %get3A_10 = arith.constant 0 : index
    %get3A_11 = vector.load %arg1[%get3A_9, %get3A_10] : memref<32x10112xf32, #tpu.memory_space<vmem>>, vector<32x10112xf32>
    %reduce_sum3A = arith.constant dense<0.000000e+00> : vector<10112xf32>
    %reduce_sum3A_12 = vector.multi_reduction <add>, %get3A_11, %reduce_sum3A [0] : vector<32x10112xf32> to vector<10112xf32>
    %mul3A = arith.constant 5.000000e-01 : f32
    %mul3A_13 = vector.broadcast %mul3A : f32 to vector<10112xf32>
    %mul3A_14 = arith.mulf %reduce_sum3A_12, %mul3A_13 : vector<10112xf32>
    %max3A = arith.constant 1.000000e+00 : f32
    %max3A_15 = vector.broadcast %max3A : f32 to vector<10112xf32>
    %max3A_16 = arith.maximumf %mul3A_14, %max3A_15 : vector<10112xf32>
    %div3A = arith.constant 1.000000e+00 : f32
    %div3A_17 = vector.broadcast %div3A : f32 to vector<10112xf32>
    %div3A_18 = arith.divf %div3A_17, %max3A_16 : vector<10112xf32>
    %broadcast_in_dim3A = vector.shape_cast %div3A_18 : vector<10112xf32> to vector<10112x1xf32>
    %mul3A_19 = vector.broadcast %broadcast_in_dim3A : vector<10112x1xf32> to vector<10112x128xf32>
    %mul3A_20 = arith.mulf %concatenate3A, %mul3A_19 : vector<10112x128xf32>
    %get3A_21 = arith.constant 0 : index
    %get3A_22 = arith.constant 0 : index
    %get3A_23 = vector.load %arg3[%get3A_21, %get3A_22] : memref<256x128xf32, #tpu.memory_space<vmem>>, vector<256x128xf32>
    %convert_element_type3A = arith.truncf %mul3A_20 : vector<10112x128xf32> to vector<10112x128xbf16>
    %convert_element_type3A_24 = arith.truncf %get3A_23 : vector<256x128xf32> to vector<256x128xbf16>
    %dot_general3A = arith.constant dense<0.000000e+00> : vector<10112x256xf32>
    %dot_general3A_25 = tpu.matmul %convert_element_type3A, %convert_element_type3A_24, %dot_general3A {dimension_numbers = #tpu.dot_dimension_numbers<[1], [1], [0], [0], [0, 0, 1, 0], [], []>, transpose_lhs_hint = false} : vector<10112x128xbf16>, vector<256x128xbf16>, vector<10112x256xf32> -> vector<10112x256xf32>
    %get3A_26 = arith.constant 0 : index
    %get3A_27 = vector.load %arg4[%get3A_26] : memref<256xf32, #tpu.memory_space<vmem>>, vector<256xf32>
    %broadcast_in_dim3A_28 = vector.shape_cast %get3A_27 : vector<256xf32> to vector<1x256xf32>
    %add3A = vector.broadcast %broadcast_in_dim3A_28 : vector<1x256xf32> to vector<10112x256xf32>
    %add3A_29 = arith.addf %dot_general3A_25, %add3A : vector<10112x256xf32>
    %get3A_30 = arith.constant 0 : index
    %get3A_31 = arith.constant 0 : index
    %get3A_32 = vector.load %arg2[%get3A_30, %get3A_31] : memref<10112x128xf32, #tpu.memory_space<vmem>>, vector<10112x128xf32>
    %get3A_33 = arith.constant 0 : index
    %get3A_34 = arith.constant 0 : index
    %get3A_35 = vector.load %arg5[%get3A_33, %get3A_34] : memref<256x128xf32, #tpu.memory_space<vmem>>, vector<256x128xf32>
    %convert_element_type3A_36 = arith.truncf %get3A_32 : vector<10112x128xf32> to vector<10112x128xbf16>
    %convert_element_type3A_37 = arith.truncf %get3A_35 : vector<256x128xf32> to vector<256x128xbf16>
    %dot_general3A_38 = arith.constant dense<0.000000e+00> : vector<10112x256xf32>
    %dot_general3A_39 = tpu.matmul %convert_element_type3A_36, %convert_element_type3A_37, %dot_general3A_38 {dimension_numbers = #tpu.dot_dimension_numbers<[1], [1], [0], [0], [0, 0, 1, 0], [], []>, transpose_lhs_hint = false} : vector<10112x128xbf16>, vector<256x128xbf16>, vector<10112x256xf32> -> vector<10112x256xf32>
    %add3A_40 = arith.addf %add3A_29, %dot_general3A_39 : vector<10112x256xf32>
    %max3A_41 = arith.constant 0.000000e+00 : f32
    %max3A_42 = vector.broadcast %max3A_41 : f32 to vector<10112x256xf32>
    %max3A_43 = arith.maximumf %add3A_40, %max3A_42 : vector<10112x256xf32>
    %get3A_44 = arith.constant 0 : index
    %get3A_45 = arith.constant 0 : index
    %get3A_46 = vector.load %arg6[%get3A_44, %get3A_45] : memref<128x256xf32, #tpu.memory_space<vmem>>, vector<128x256xf32>
    %slice3A = vector.extract_strided_slice %get3A_46 {offsets = [0, 0], sizes = [64, 256], strides = [1, 1]} : vector<128x256xf32> to vector<64x256xf32>
    %convert_element_type3A_47 = arith.truncf %max3A_43 : vector<10112x256xf32> to vector<10112x256xbf16>
    %convert_element_type3A_48 = arith.truncf %slice3A : vector<64x256xf32> to vector<64x256xbf16>
    %dot_general3A_49 = arith.constant dense<0.000000e+00> : vector<10112x64xf32>
    %dot_general3A_50 = tpu.matmul %convert_element_type3A_47, %convert_element_type3A_48, %dot_general3A_49 {dimension_numbers = #tpu.dot_dimension_numbers<[1], [1], [0], [0], [0, 0, 1, 0], [], []>, transpose_lhs_hint = false} : vector<10112x256xbf16>, vector<64x256xbf16>, vector<10112x64xf32> -> vector<10112x64xf32>
    %swap3A = arith.constant 0 : index
    %swap3A_51 = arith.constant 0 : index
    %swap3A_52 = arith.constant 0 : index
    %swap3A_53 = vector.load %arg9[%swap3A, %swap3A_51, %swap3A_52] : memref<2x10112x64xf32, #tpu.memory_space<vmem>>, vector<1x10112x64xf32>
    %swap3A_54 = vector.shape_cast %swap3A_53 : vector<1x10112x64xf32> to vector<10112x64xf32>
    %swap3A_55 = vector.shape_cast %dot_general3A_50 : vector<10112x64xf32> to vector<1x10112x64xf32>
    tpu.vector_store %arg9[%swap3A, %swap3A_51, %swap3A_52], %swap3A_55 {strides = array<i32>} : memref<2x10112x64xf32, #tpu.memory_space<vmem>>, vector<1x10112x64xf32>,
    %get3A_56 = arith.constant 0 : index
    %get3A_57 = arith.constant 0 : index
    %get3A_58 = vector.load %arg6[%get3A_56, %get3A_57] : memref<128x256xf32, #tpu.memory_space<vmem>>, vector<128x256xf32>
    %slice3A_59 = vector.extract_strided_slice %get3A_58 {offsets = [64, 0], sizes = [64, 256], strides = [1, 1]} : vector<128x256xf32> to vector<64x256xf32>
    %convert_element_type3A_60 = arith.truncf %max3A_43 : vector<10112x256xf32> to vector<10112x256xbf16>
    %convert_element_type3A_61 = arith.truncf %slice3A_59 : vector<64x256xf32> to vector<64x256xbf16>
    %dot_general3A_62 = arith.constant dense<0.000000e+00> : vector<10112x64xf32>
    %dot_general3A_63 = tpu.matmul %convert_element_type3A_60, %convert_element_type3A_61, %dot_general3A_62 {dimension_numbers = #tpu.dot_dimension_numbers<[1], [1], [0], [0], [0, 0, 1, 0], [], []>, transpose_lhs_hint = false} : vector<10112x256xbf16>, vector<64x256xbf16>, vector<10112x64xf32> -> vector<10112x64xf32>
    %swap3A_64 = arith.constant 1 : index
    %swap3A_65 = arith.constant 0 : index
    %swap3A_66 = arith.constant 0 : index
    %swap3A_67 = vector.load %arg9[%swap3A_64, %swap3A_65, %swap3A_66] : memref<2x10112x64xf32, #tpu.memory_space<vmem>>, vector<1x10112x64xf32>
    %swap3A_68 = vector.shape_cast %swap3A_67 : vector<1x10112x64xf32> to vector<10112x64xf32>
    %swap3A_69 = vector.shape_cast %dot_general3A_63 : vector<10112x64xf32> to vector<1x10112x64xf32>
    tpu.vector_store %arg9[%swap3A_64, %swap3A_65, %swap3A_66], %swap3A_69 {strides = array<i32>} : memref<2x10112x64xf32, #tpu.memory_space<vmem>>, vector<1x10112x64xf32>,
    %get3A_70 = arith.constant 0 : index
    %get3A_71 = arith.constant 0 : index
    %get3A_72 = vector.load %arg7[%get3A_70, %get3A_71] : memref<128x256xf32, #tpu.memory_space<vmem>>, vector<128x256xf32>
    %convert_element_type3A_73 = arith.truncf %max3A_43 : vector<10112x256xf32> to vector<10112x256xbf16>
    %convert_element_type3A_74 = arith.truncf %get3A_72 : vector<128x256xf32> to vector<128x256xbf16>
    %dot_general3A_75 = arith.constant dense<0.000000e+00> : vector<10112x128xf32>
    %dot_general3A_76 = tpu.matmul %convert_element_type3A_73, %convert_element_type3A_74, %dot_general3A_75 {dimension_numbers = #tpu.dot_dimension_numbers<[1], [1], [0], [0], [0, 0, 1, 0], [], []>, transpose_lhs_hint = false} : vector<10112x256xbf16>, vector<128x256xbf16>, vector<10112x128xf32> -> vector<10112x128xf32>
    %get3A_77 = arith.constant 0 : index
    %get3A_78 = vector.load %arg8[%get3A_77] : memref<128xf32, #tpu.memory_space<vmem>>, vector<128xf32>
    %broadcast_in_dim3A_79 = vector.shape_cast %get3A_78 : vector<128xf32> to vector<1x128xf32>
    %add3A_80 = vector.broadcast %broadcast_in_dim3A_79 : vector<1x128xf32> to vector<10112x128xf32>
    %add3A_81 = arith.addf %dot_general3A_76, %add3A_80 : vector<10112x128xf32>
    %swap3A_82 = arith.constant 0 : index
    %swap3A_83 = arith.constant 0 : index
    %swap3A_84 = vector.load %arg10[%swap3A_82, %swap3A_83] : memref<10112x128xf32, #tpu.memory_space<vmem>>, vector<10112x128xf32>
    tpu.vector_store %arg10[%swap3A_82, %swap3A_83], %add3A_81 {strides = array<i32>} : memref<10112x128xf32, #tpu.memory_space<vmem>>, vector<10112x128xf32>,
    %broadcast_in_dim3A_85 = vector.shape_cast %div3A_18 : vector<10112xf32> to vector<10112x1xf32>
    %swap3A_86 = arith.constant 0 : index
    %swap3A_87 = arith.constant 0 : index
    %swap3A_88 = vector.load %arg11[%swap3A_86, %swap3A_87] : memref<10112x1xf32, #tpu.memory_space<vmem>>, vector<10112x1xf32>
    tpu.vector_store %arg11[%swap3A_86, %swap3A_87], %broadcast_in_dim3A_85 {strides = array<i32>} : memref<10112x1xf32, #tpu.memory_space<vmem>>, vector<10112x1xf32>,
    return
  }
}

module attributes {stable_mosaic.version = 14 : i64} {
  func.func @_tc_final_body(%arg0: memref<2x10112x64xf32, #tpu.memory_space<vmem>>, %arg1: memref<10112x1xf32, #tpu.memory_space<vmem>>, %arg2: memref<10112x128xf32, #tpu.memory_space<vmem>>, %arg3: memref<10000x128xf32, #tpu.memory_space<vmem>>) attributes {dimension_semantics = [], scalar_prefetch = 0 : i64, scratch_operands = 0 : i64, tpu.core_type = #tpu.core_type<tc>} {
    %get3A = arith.constant 0 : index
    %get3A_0 = arith.constant 0 : index
    %get3A_1 = arith.constant 0 : index
    %get3A_2 = vector.load %arg0[%get3A, %get3A_0, %get3A_1] : memref<2x10112x64xf32, #tpu.memory_space<vmem>>, vector<1x10000x64xf32>
    %get3A_3 = vector.shape_cast %get3A_2 : vector<1x10000x64xf32> to vector<10000x64xf32>
    %get3A_4 = arith.constant 1 : index
    %get3A_5 = arith.constant 0 : index
    %get3A_6 = arith.constant 0 : index
    %get3A_7 = vector.load %arg0[%get3A_4, %get3A_5, %get3A_6] : memref<2x10112x64xf32, #tpu.memory_space<vmem>>, vector<1x10000x64xf32>
    %get3A_8 = vector.shape_cast %get3A_7 : vector<1x10000x64xf32> to vector<10000x64xf32>
    %concatenate3A = tpu.concatenate %get3A_3, %get3A_8 in 1 : vector<10000x64xf32>, vector<10000x64xf32> -> vector<10000x128xf32>
    %get3A_9 = arith.constant 0 : index
    %get3A_10 = arith.constant 0 : index
    %get3A_11 = vector.load %arg1[%get3A_9, %get3A_10] : memref<10112x1xf32, #tpu.memory_space<vmem>>, vector<10112x1xf32>
    %slice3A = vector.extract_strided_slice %get3A_11 {offsets = [0, 0], sizes = [10000, 1], strides = [1, 1]} : vector<10112x1xf32> to vector<10000x1xf32>
    %mul3A = vector.broadcast %slice3A : vector<10000x1xf32> to vector<10000x128xf32>
    %mul3A_12 = arith.mulf %concatenate3A, %mul3A : vector<10000x128xf32>
    %get3A_13 = arith.constant 0 : index
    %get3A_14 = arith.constant 0 : index
    %get3A_15 = vector.load %arg2[%get3A_13, %get3A_14] : memref<10112x128xf32, #tpu.memory_space<vmem>>, vector<10112x128xf32>
    %slice3A_16 = vector.extract_strided_slice %get3A_15 {offsets = [0, 0], sizes = [10000, 128], strides = [1, 1]} : vector<10112x128xf32> to vector<10000x128xf32>
    %add3A = arith.addf %mul3A_12, %slice3A_16 : vector<10000x128xf32>
    %swap3A = arith.constant 0 : index
    %swap3A_17 = arith.constant 0 : index
    %swap3A_18 = vector.load %arg3[%swap3A, %swap3A_17] : memref<10000x128xf32, #tpu.memory_space<vmem>>, vector<10000x128xf32>
    tpu.vector_store %arg3[%swap3A, %swap3A_17], %add3A {strides = array<i32>} : memref<10000x128xf32, #tpu.memory_space<vmem>>, vector<10000x128xf32>,
    return
  }
}

</mosaic_0001>

<sc_bundles>
// kernel: _run.6.cloned.1.call-start
scs
__scs_entry_jumppad:
0x0: {  	(pc) =	sbr.rel $0x88, $3  }
0x1: {  	(tag) =	ssettag $0x0;
	lr =	simm.s32 $0x1  }
0x2: {  	[smem:$0x3F99] =	sst lr;
	_ =	strace $0xD0000000  }
0x3: {  	_ = 	snop  }
0x4: {  	_ = 	snop  }
0x5: {  	_ = 	snop  }
0x6: {  	_ = 	snop  }
0x7: {  	_ = 	snop  }
__scs_overlays_trampoline_lowered:
0x8: {  	[smem:$0x3FA8] =	sst s0  }
0x9: {  	[smem:$0x3FA9] =	sst s1  }
0xa: {  	[smem:$0x3FAA] =	sst s2  }
0xb: {  	[smem:$0x3FAB] =	sst s3  }
0xc: {  	[smem:$0x3FAC] =	sst s4  }
0xd: {  	[smem:$0x3FAD] =	sst s5  }
0xe: {  	[smem:$0x3FAE] =	sst s6  }
0xf: {  	[smem:$0x3FAF] =	sst s7  }
0x10: {  	[smem:$0x3FB0] =	sst s8  }
0x11: {  	[smem:$0x3FB1] =	sst s9;
	s0 =	simm.s32 @!p0 $0x0  }
0x12: {  	s1 =	sld [smem:$0x3F97];
	s0 =	simm.s32 @p0 $0x1  }
0x13: {  	[smem:$0x3FB2] =	sst s0;
	s0 =	simm.s32 @!p1 $0x0  }
0x14: {  	s2 =	sld [smem:$0x3F96];
	s0 =	simm.s32 @p1 $0x1  }
0x15: {  	[smem:$0x3FB3] =	sst s0;
	s0 =	simm.s32 @!p2 $0x0  }
0x16: {  	s3 =	sld [smem:$0x3FDB];
	s0 =	simm.s32 @p2 $0x1  }
0x17: {  	s4 =	simm.s32 $0x1BF5;
	[smem:$0x3FB5] =	sst s0  }
0x18: {  	s0 =	sld [smem:$0x3F98];
	_ =	swait.ge [sflag:s4], $0x0  }
0x19: {  	s7 =	sld [smem:$0x3F99]  }
0x1a: {  	s8 =	sadd.s32 $0xFFFFE003, lr  }
0x1b: {  	s9 =	sadd.s32 $0xFFFFFEF7, lr;
	s5 =	simm.s32 $0xFFFFFFFF;
	p2 =	slt.u32 s8, $0xFFFFF086  }
0x1c: {  	p1 =	slt.u32 s9, $0xF7A;
	s5 =	simm.s32 @!p2 $0x0  }
0x1d: {  	s5 =	simm.s32 @p1 $0x1;
	p0 =	seq.s32 s7, s2  }
0x1e: {  	s7 =	smul.u32 @!p0 $0xF7A, s2;
	p2 =	seq.s32 @!p0 s5, $0x0  }
0x1f: {  	s9 =	smul.u32 $0xF7A, s1;
	s8 =	simm.s32 @!p0 $0x1BF5;
	p2 =	por !p2, p0  }
0x20: {  	[sflag:s8] =	ssyncset.s32 @!p0 $0xFFFFF086;
	s6 =	sadd.s32 @!p0 s3, s7;
	s7 =	simm.s32 @!p0 $0x108  }
0x21: {  	s3 =	sadd.s32 s3, s9;
	s6 =	sadd.s32 @!p0 $0x88, s6;
	s7 =	simm.s32 @p2 $0x1082  }
0x22: {  	[simem:s7], [sflag:s8] =	dma.local @!p0 [hbm:s6], $0xF7A  }
0x23: {  	s9 =	sor.u32 $0xD0000000, s2;
	s6 =	simm.s32 $0x108;
	_ =	swait.ge @!p0 [sflag:s8], $0x0  }
0x24: {  	s3 =	sadd.s32 $0x88, s3;
	s6 =	simm.s32 @!p1 $0x1082;
	[sflag:s4] =	ssyncset.s32 $0xFFFFF086  }
0x25: {  	[simem:s6], [sflag:s4] =	dma.local [hbm:s3], $0xF7A  }
0x26: {  	[smem:$0x3F99] =	sst s1;
	(tag) =	ssettag s2;
	_ =	strace s9  }
0x27: {  	s1 =	sld [smem:$0x3FA9]  }
0x28: {  	s2 =	sld [smem:$0x3FAA]  }
0x29: {  	s4 =	sld [smem:$0x3FAC]  }
0x2a: {  	p0 =	seq.s32 s5, $0x0;
	s5 =	sld [smem:$0x3FAD]  }
0x2b: {  	s6 =	sld [smem:$0x3FAE]  }
0x2c: {  	s7 =	sld [smem:$0x3FAF]  }
0x2d: {  	s3 =	simm.s32 $0x108;
	s8 =	sld [smem:$0x3FB0]  }
0x2e: {  	s3 =	simm.s32 @!p0 $0x1082;
	s9 =	sld [smem:$0x3FB1]  }
0x2f: {  	lr =	sadd.s32 s0, s3;
	s0 =	sld [smem:$0x3FA8]  }
0x30: {  	s3 =	sld [smem:$0x3FAB]  }
0x31: {  	[smem:$0x3FB4] =	sst s10  }
0x32: {  	s10 =	sld [smem:$0x3FB2];
	_ =	sdelay $0x3  }
0x33: {  	p0 =	seq.s32 s10, $0x1;
	s10 =	sld [smem:$0x3FB4];
	_ =	sdelay $0x3  }
0x34: {  	[smem:$0x3FB4] =	sst s10  }
0x35: {  	s10 =	sld [smem:$0x3FB3];
	_ =	sdelay $0x3  }
0x36: {  	p1 =	seq.s32 s10, $0x1;
	s10 =	sld [smem:$0x3FB4];
	_ =	sdelay $0x3  }
0x37: {  	[smem:$0x3FB4] =	sst s10  }
0x38: {  	s10 =	sld [smem:$0x3FB5]  }
0x39: {  	_ = 	snop;
	(pc) =	sbr.ind lr, $3  }
0x3a: {  	_ = 	snop  }
0x3b: {  	_ = 	snop  }
0x3c: {  	p2 =	seq.s32 s10, $0x1;
	s10 =	sld [smem:$0x3FB4]  }
0x3d: {  	_ =	shalt  }
0x3e: {  	_ =	shalt  }
0x3f: {  	_ =	shalt  }
0x40: {  	_ =	shalt  }
0x41: {  	_ =	shalt  }
0x42: {  	_ =	shalt  }
0x43: {  	_ =	shalt  }
0x44: {  	_ =	shalt  }
0x45: {  	_ =	shalt  }
0x46: {  	_ =	shalt  }
0x47: {  	_ =	shalt  }
0x48: {  	_ =	shalt  }
0x49: {  	_ =	shalt  }
0x4a: {  	_ =	shalt  }
0x4b: {  	_ =	shalt  }
0x4c: {  	_ =	shalt  }
0x4d: {  	_ =	shalt  }
0x4e: {  	_ =	shalt  }
0x4f: {  	_ =	shalt  }
0x50: {  	_ =	shalt  }
0x51: {  	_ =	shalt  }
0x52: {  	_ =	shalt  }
0x53: {  	_ =	shalt  }
0x54: {  	_ =	shalt  }
0x55: {  	_ =	shalt  }
0x56: {  	_ =	shalt  }
0x57: {  	_ =	shalt  }
0x58: {  	_ =	shalt  }
0x59: {  	_ =	shalt  }
0x5a: {  	_ =	shalt  }
0x5b: {  	_ =	shalt  }
0x5c: {  	_ =	shalt  }
0x5d: {  	_ =	shalt  }
0x5e: {  	_ =	shalt  }
0x5f: {  	_ =	shalt  }
0x60: {  	_ =	shalt  }
0x61: {  	_ =	shalt  }
0x62: {  	_ =	shalt  }
0x63: {  	_ =	shalt  }
0x64: {  	_ =	shalt  }
0x65: {  	_ =	shalt  }
0x66: {  	_ =	shalt  }
0x67: {  	_ =	shalt  }
0x68: {  	_ =	shalt  }
0x69: {  	_ =	shalt  }
0x6a: {  	_ =	shalt  }
0x6b: {  	_ =	shalt  }
0x6c: {  	_ =	shalt  }
0x6d: {  	_ =	shalt  }
0x6e: {  	_ =	shalt  }
0x6f: {  	_ =	shalt  }
0x70: {  	_ =	shalt  }
0x71: {  	_ =	shalt  }
0x72: {  	_ =	shalt  }
0x73: {  	_ =	shalt  }
0x74: {  	_ =	shalt  }
0x75: {  	_ =	shalt  }
0x76: {  	_ =	shalt  }
0x77: {  	_ =	shalt  }
0x78: {  	_ =	shalt  }
0x79: {  	_ =	shalt  }
0x7a: {  	_ =	shalt  }
0x7b: {  	_ =	shalt  }
0x7c: {  	_ =	shalt  }
0x7d: {  	_ =	shalt  }
0x7e: {  	_ =	shalt  }
0x7f: {  	_ =	shalt  }
0x80: {  	_ =	shalt  }
0x81: {  	_ =	shalt  }
0x82: {  	_ =	shalt  }
0x83: {  	_ =	shalt  }
0x84: {  	_ =	shalt  }
0x85: {  	_ =	shalt  }
0x86: {  	_ =	shalt  }
0x87: {  	_ =	shalt  }
.Lfunc_end0:
.L_simem_size_0:
called_computation_lowered:
.L_overlay_start_0:
0x88: {  	s2 =	sld [smem:$0x3FD9]  }
0x89: {  	s3 =	sld [smem:$0x3FFE];
	_ =	sdelay $0x1  }
0x8a: {  	s1 =	srdreg.scid  }
0x8b: {  	s0 =	sand.u32 $0x1, s1  }
0x8c: {  	s17 =	sshll.u32 s0, $0xA;
	s2 =	sadd.s32 s3, s2  }
0x8d: {  	s2 =	sadd.s32 s2, s17  }
0x8e: {  	[smem:$0x3FC0] =	sst s2  }
0x8f: {  	_ = 	snop  }
0x90: {  	s2 =	sld [smem:$0x3FD0];
	(tm) =	ssettm $0x1  }
0x91: {  	s18 =	sld [smem:$0x3FFB];
	_ =	sdelay $0x3  }
0x92: {  	_ =	strace s18  }
0x93: {  	s3 =	sld [smem:$0x3FFC];
	_ =	sdelay $0x3  }
0x94: {  	_ =	strace s3  }
0x95: {  	s3 =	sld [smem:$0x3FFD];
	_ =	sdelay $0x3  }
0x96: {  	_ =	strace s3  }
0x97: {  	_ =	strace $0x8FFFFFFF  }
0x98: {  	s19 =	sld [smem:$0x3FDB];
	_ =	sdelay $0x1  }
0x99: {  	s4 =	simm.s32 $_scs_section_size  }
0x9a: {  	s5 =	simm.s32 $_size__tile_overlayer_lowered;
	s6 =	simm.s32 $_tile_overlayer_lowered  }
0x9b: {  	s22 =	simm.s32 $0x1BFF;
	s21 =	sshll.u32 s6, $0x1;
	s3 =	sadd.s32 s4, s19  }
0x9c: {  	s7 =	simm.s32 $0x0;
	s20 =	sshll.u32 s5, $0x1;
	s5 =	sadd.s32 s21, s3  }
0x9d: {  	[timem:s7], [sflag:s22] =	dma.local [hbm:s5], s20  }
0x9e: {  	_ =	swait.ge [sflag:s22], s20  }
0x9f: {  	s4 =	ssub.s32 $0x0, s20;
	[sflag:s22] =	ssyncset.done $0x0  }
0xa0: {  	[sflag:s22] =	ssyncadd.s32 s4;
	_ =	sdelay $0x1  }
0xa1: {  	s23 =	simm.s32 $0x1B8B  }
0xa2: {  	_ =	swait.ge [sflag:s23], $0x1  }
0xa3: {  	[sflag:s23] =	ssyncset.done $0x0  }
0xa4: {  	s25 =	simm.s32 $0x1B8E;
	s24 =	sld [smem:$0x3FFE];
	[sflag:s23] =	ssyncadd.s32 $0xFFFFFFFF  }
0xa5: {  	s26 =	simm.s32 $execute0_lowered;
	[smem:$0x3FD2] =	sst s25  }
0xa6: {  	s5 =	sshll.u32 s26, $0x1;
	_ =	strace $0x80000046;
	[dreg:$0x1] =	wrdreg $0xFFFFFFFF  }
0xa7: {  	s28 =	simm.s32 $_size_execute0_lowered;
	s3 =	sadd.s32 s3, s5;
	[dreg:$0x0] =	wrdreg $0x0  }
0xa8: {  	s5 =	sshll.u32 s28, $0x1;
	[dreg:$0x2] =	wrdreg s3  }
0xa9: {  	[dreg:$0x3] =	wrdreg s5  }
0xaa: {  	[dreg:$0x4] =	wrdreg $0xC0  }
0xab: {  	_ =	task [dreg:s7], $0x5FFFF  }
0xac: {  	[dreg:$0x1] =	wrdreg $0xFFFFFFFF  }
0xad: {  	[dreg:$0x0] =	wrdreg $0x60  }
0xae: {  	[dreg:$0x2] =	wrdreg s24  }
0xaf: {  	[dreg:$0x3] =	wrdreg s2  }
0xb0: {  	[dreg:$0x4] =	wrdreg $0x0  }
0xb1: {  	[dreg:$0x5] =	wrdreg $0x9E000  }
0xb2: {  	[dreg:$0x6] =	wrdreg $0x9  }
0xb3: {  	_ =	task.clear_ibuf [dreg:s7], $0x7FFFF;
	_ =	strace $0x90000046  }
0xb4: {  	s29 =	simm.s32 $0x9;
	_ =	strace $0x80000048  }
0xb5: {  	_ =	swait.ge [sflag:s29], $0x1  }
0xb6: {  	[sflag:s29] =	ssyncadd.s32 $0xFFFFFFFF  }
0xb7: {  	_ =	strace $0x90000048  }
0xb8: {  	_ =	sfence  }
0xb9: {  	s30 =	sld [smem:$0x0];
	_ =	sdelay $0x2  }
0xba: {  	s31 =	sshll.u32 s1, $0xD;
	s1 =	sshrl.u32 s1, $0x2  }
0xbb: {  	s3 =	sand.u32 $0x4000, s31;
	s1 =	sadd.s32 s1, s30  }
0xbc: {  	s0 =	sor.u32 s3, s0;
	s1 =	sshll.u32 s1, $0x11  }
0xbd: {  	s0 =	sor.u32 s1, s0  }
0xbe: {  	s0 =	sadd.s32 $0x8F2B, s0  }
0xbf: {  	[sflag:s0] =	ssyncadd.remote.s32 $0x1  }
0xc0: {  	_ =	sfence.sel $0xFFFF  }
0xc1: {  	[dreg:$0x0] =	wrdreg $0xFFFFFFFF;
	(pc) =	sbr.abs _section_cstart, $3  }
0xc2: {  	[dreg:$0x1] =	wrdreg $0xFFFFFFFF  }
0xc3: {  	_ =	task.clear_ibuf [dreg:s7], $0x2FFFF;
	_ =	strace $0x9FFFFFFF  }
0xc4: {  	(tm) =	ssettm $0x7FFFFFFF  }
0xc5: {  	_ =	shalt  }
tec
execute0_lowered:
.L_overlay_start_1:
0x0: {  	(tag) =	ssettag $0x1  }
0x1: {  	s0 =	rddreg [dreg:$0x0]  }
0x2: {  	s1 =	rddreg [dreg:$0x1]  }
0x3: {  	s2 =	rddreg [dreg:$0x2]  }
0x4: {  	s3 =	rddreg [dreg:$0x3];
	s4 =	simm.s32 $0x0;
	s14 =	stileid.u32  }
0x5: {  	s5 =	srdreg.scid;
	s28 =	simm.s32 $0x18C00;
	s6 =	smul.u32 $0xA00, s14  }
0x6: {  	s29 =	simm.s32 $0x1;
	s30 =	simm.s32 $0x1CC00;
	s17 =	smul.u32 $0x13C00, s14  }
0x7: {  	s31 =	simm.s32 $0x2;
	[smem:$0x7FF] =	sst s4;
	s18 =	smul.u32 $0x4F000, s14  }
0x8: {  	s5 =	sand.u32 $0x1, s5;
	s8 =	sshrl.u32 s14, $0x2;
	s19 =	smul.u32 $0x2780, s14  }
0x9: {  	s9 =	sshll.u32 s14, $0x8;
	s23 =	sshll.u32 s14, $0x6;
	s7 =	smul.u32 $0x27800, s5  }
0xa: {  	s8 =	smul.u32 $0x13C00, s8;
	s10 =	sshll.u32 s5, $0x7;
	s9 =	sand.u32 $0x300, s9  }
0xb: {  	_ =	strace $0x80000047;
	s5 =	ssub.s32 $0x2, s5;
	s11 =	sadd.s32 s6, s0  }
0xc: {  	s9 =	sor.u32 s10, s9;
	s20 =	sshrl.u32 s5, $0x1;
	s21 =	sshrl.u32 s18, $0x2  }
0xd: {  	s26 =	sadd.s32 s17, s2;
	s18 =	simm.s32 $0x14C00;
	s12 =	sadd.s32 s7, s0  }
0xe: {  	s16 =	sor.u32 s8, s9;
	s13 =	ssub.s32 s5, s20;
	s5 =	sadd.s32 s21, s2  }
0xf: {  	s9 =	sadd.s32 s1, s6;
	s10 =	sadd.s32 $0x1A00, s11;
	s20 =	simm.s32 $0x14400  }
0x10: {  	s21 =	simm.s32 $0x14000;
	s1 =	simm.s32 $0x0;
	s7 =	sshrl.u32 s16, $0x3  }
0x11: {  	s16 =	sadd.s32 s17, s3;
	s22 =	sadd.s32 s19, s12;
	s24 =	sadd.s32 $0x10000, s5  }
0x12: {  	s25 =	sadd.s32 $0x64800, s12;
	s12 =	smax.u32 s13, $0x1;
	s13 =	sadd.s32 $0x4000, s5  }
0x13: {  	s14 =	sadd.s32 $0x8000, s5;
	s15 =	sadd.s32 $0xC000, s5;
	s17 =	simm.s32 $0x4  }
0x14: {  	s0 =	sadd.s32 s7, s0;
	s7 =	sadd.s32 $0xBA00, s22;
	[dreg:$0x6] =	wrdreg s24  }
0x15: {  	s16 =	sshrl.u32 s16, $0x3;
	s22 =	simm.s32 $0x14800;
	s24 =	simm.s32 $0x3  }
0x16: {  	[dreg:$0x5] =	wrdreg s7;
	s7 =	sor.u32 $0x1C04, s23;
	s11 =	sadd.s32 $0x5AA00, s0  }
0x17: {  	v0 =	vimm.f32 $0.0e+00;
	v1 =	vimm.f32 $1.000000000e+00;
	s23 =	sadd.s32 s19, s25;
	s25 =	sshrl.u32 s26, $0x3;
	s26 =	simm.s32 $0x80  }
.LBB2_1:
0x18: {  	s0 =	rddreg [dreg:$0x5]  }
0x19: {  	[spmem:s16], [sflag:s7] =	dma.local [hbm:s0], $0x2780  }
0x1a: {  	_ =	swait.ge [sflag:s17], $0x2780  }
0x1b: {  	[sflag:s17] =	ssyncset.done $0x0  }
0x1c: {  	s0 =	simm.s32 $0x0;
	[sflag:s17] =	ssyncadd.s32 $0xFFFFD880  }
.LBB2_2:
0x1d: {  	p0 =	sne.s32 s0, $0xFE00  }
.Ltmp0:
0x1e: {  	s6 =	sshra.s32 s0, $0x2;
	(pc) =	sbr.rel @p0 .LBB2_2-.Ltmp0, $4  }
0x1f: {  	[tilespmem:s6+$0x14C00] =	vst v0  }
0x20: {  	[tilespmem:s6+$0x14C10] =	vst v0  }
0x21: {  	[tilespmem:s6+$0x14C20] =	vst v0  }
0x22: {  	s0 =	sadd.s32 $0x200, s0;
	[tilespmem:s6+$0x14C30] =	vst v0  }
0x23: {  	s0 =	simm.s32 $0x40;
	s6 =	simm.s32 $0x0  }
.LBB2_4:
0x24: {  	p0 =	sne.s32 s0, $0x9DC0;
	[tilespmem:s6+$0x1CC00] =	vst v0;
	s6 =	smov.u32 s0;
	s0 =	sadd.s32 $0x40, s0  }
.Ltmp1:
0x25: {  	(pc) =	sbr.rel @p0 .LBB2_4-.Ltmp1, $2  }
0x26: {  	_ =	sdelay $0x2  }
0x27: {  	s6 =	sshra.s32 s6, $0x2  }
0x28: {  	[tilespmem:s6+$0x1CC00] =	vst v0  }
0x29: {  	[spmem:s5] =	stream.linear.scatter [tilespmem:s18], [sflag:$0x4], $0x4000, $0x38;
	[tilespmem:$0x1F380] =	vst v63  }
0x2a: {  	_ =	swait.ge [sflag:s17], $0x4000  }
0x2b: {  	[sflag:s17] =	ssyncset.done $0x0  }
0x2c: {  	[sflag:s17] =	ssyncadd.s32 $0xFFFFC000  }
0x2d: {  	[spmem:s13] =	stream.linear.scatter [tilespmem:s18], [sflag:$0x4], $0x4000, $0x38;
	[tilespmem:$0x1F380] =	vst v63  }
0x2e: {  	_ =	swait.ge [sflag:s17], $0x4000  }
0x2f: {  	[sflag:s17] =	ssyncset.done $0x0  }
0x30: {  	[sflag:s17] =	ssyncadd.s32 $0xFFFFC000  }
0x31: {  	[spmem:s14] =	stream.linear.scatter [tilespmem:s18], [sflag:$0x4], $0x4000, $0x38;
	[tilespmem:$0x1F380] =	vst v63  }
0x32: {  	_ =	swait.ge [sflag:s17], $0x4000  }
0x33: {  	[sflag:s17] =	ssyncset.done $0x0  }
0x34: {  	[sflag:s17] =	ssyncadd.s32 $0xFFFFC000  }
0x35: {  	[spmem:s15] =	stream.linear.scatter [tilespmem:s18], [sflag:$0x4], $0x4000, $0x38;
	[tilespmem:$0x1F380] =	vst v63  }
0x36: {  	_ =	swait.ge [sflag:s17], $0x4000  }
0x37: {  	[sflag:s17] =	ssyncset.done $0x0  }
0x38: {  	s0 =	rddreg [dreg:$0x6];
	[sflag:s17] =	ssyncadd.s32 $0xFFFFC000  }
0x39: {  	[spmem:s0] =	stream.linear.scatter [tilespmem:s18], [sflag:$0x4], $0x3C00, $0x38;
	[tilespmem:$0x1F380] =	vst v63  }
0x3a: {  	_ =	swait.ge [sflag:s17], $0x3C00  }
0x3b: {  	[sflag:s17] =	ssyncset.done $0x0  }
0x3c: {  	[sflag:s17] =	ssyncadd.s32 $0xFFFFC400  }
0x3d: {  	s8 =	simm.s32 $0x13C00;
	s0 =	simm.s32 $0x0;
	[bflag:$0x0] =	sbarrier.arrive $0xFFFF  }
0x3e: {  	[tilespmem:s8], [sflag:$0x3] =	stream.linear.gather [hbm4b:s9+s0], $0x400, $0x38;
	[tilespmem:$0x1F380] =	vst v63  }
0x3f: {  	_ = 	snop  }
0x40: {  	[tilespmem:s20], [sflag:$0x3] =	stream.linear.gather [hbm4b:s10+s0], $0x400, $0x38;
	[tilespmem:$0x1F380] =	vst v63  }
0x41: {  	s20 =	sadd.s32 $0x80, s9  }
0x42: {  	[tilespmem:s21], [sflag:$0x3] =	stream.linear.gather [hbm4b:s20+s0], $0x400, $0x38;
	[tilespmem:$0x1F380] =	vst v63  }
0x43: {  	s21 =	sadd.s32 $0x80, s10  }
0x44: {  	[tilespmem:s22], [sflag:$0x3] =	stream.linear.gather [hbm4b:s21+s0], $0x400, $0x38;
	[tilespmem:$0x1F380] =	vst v63  }
0x45: {  	_ =	swait.ge [sflag:s24], $0x400  }
0x46: {  	[sflag:s24] =	ssyncset.done $0x0  }
0x47: {  	[sflag:s24] =	ssyncadd.s32 $0xFFFFFC00  }
0x48: {  	_ =	swait.ge [sflag:s24], $0x400  }
0x49: {  	[sflag:s24] =	ssyncset.done $0x0  }
0x4a: {  	[sflag:s24] =	ssyncadd.s32 $0xFFFFFC00  }
0x4b: {  	[tilespmem:s18], [sflag:$0x1] =	stream.indirect.gather [spmem:s3], $0x40, s8, s26, $0xb8;
	[tilespmem:$0x1F380] =	vst v63  }
0x4c: {  	s6 =	sadd.s32 $0x100, s9;
	s8 =	sadd.s32 $0x100, s10  }
.LBB2_6:
0x4d: {  	s19 =	sand.u32 $0x400, s0  }
0x4e: {  	s20 =	sadd.s32 $0x13C80, s19  }
0x4f: {  	[tilespmem:s28], [sflag:$0x2] =	stream.indirect.gather [spmem:s3], $0x40, s20, s26, $0xb8;
	[tilespmem:$0x1F380] =	vst v63  }
0x50: {  	_ =	swait.ge [sflag:s29], $0x2000  }
0x51: {  	[sflag:s29] =	ssyncset.done $0x0  }
0x52: {  	s20 =	sadd.s32 $0x14400, s19;
	[sflag:s29] =	ssyncadd.s32 $0xFFFFE000  }
0x53: {  	[spmem:s2] =	stream.indirect.scatter.add.f32 [tilespmem:s18], [sflag:$0x4], $0x40, s20, s26, $0xb8;
	[tilespmem:$0x1F380] =	vst v63  }
0x54: {  	_ =	swait.ge [sflag:s17], $0x2000  }
0x55: {  	[sflag:s17] =	ssyncset.done $0x0  }
0x56: {  	[sflag:s17] =	ssyncadd.s32 $0xFFFFE000  }
0x57: {  	v2 =	vld [tilespmem:s19+$0x14400];
	_ =	sdelay $0x7  }
0x58: {  	[tilespmem:v2+s30+$0x0] =	vst.idx.add.f32.msk $0xffff, v1  }
0x59: {  	v2 =	vld [tilespmem:s19+$0x14410];
	_ =	sdelay $0x7  }
0x5a: {  	[tilespmem:v2+s30+$0x0] =	vst.idx.add.f32.msk $0xffff, v1  }
0x5b: {  	v2 =	vld [tilespmem:s19+$0x14420];
	_ =	sdelay $0x7  }
0x5c: {  	[tilespmem:v2+s30+$0x0] =	vst.idx.add.f32.msk $0xffff, v1  }
0x5d: {  	v2 =	vld [tilespmem:s19+$0x14430];
	_ =	sdelay $0x7  }
0x5e: {  	[tilespmem:v2+s30+$0x0] =	vst.idx.add.f32.msk $0xffff, v1  }
0x5f: {  	v2 =	vld [tilespmem:s19+$0x14440];
	_ =	sdelay $0x7  }
0x60: {  	[tilespmem:v2+s30+$0x0] =	vst.idx.add.f32.msk $0xffff, v1  }
0x61: {  	v2 =	vld [tilespmem:s19+$0x14450];
	_ =	sdelay $0x7  }
0x62: {  	[tilespmem:v2+s30+$0x0] =	vst.idx.add.f32.msk $0xffff, v1  }
0x63: {  	v2 =	vld [tilespmem:s19+$0x14460];
	_ =	sdelay $0x7  }
0x64: {  	[tilespmem:v2+s30+$0x0] =	vst.idx.add.f32.msk $0xffff, v1  }
0x65: {  	v2 =	vld [tilespmem:s19+$0x14470];
	_ =	sdelay $0x7  }
0x66: {  	s21 =	sadd.s32 $0x13D00, s19;
	[tilespmem:v2+s30+$0x0] =	vst.idx.add.f32.msk $0xffff, v1  }
0x67: {  	[tilespmem:s18], [sflag:$0x1] =	stream.indirect.gather [spmem:s3], $0x40, s21, s26, $0xb8;
	[tilespmem:$0x1F380] =	vst v63  }
0x68: {  	_ =	swait.ge [sflag:s31], $0x2000  }
0x69: {  	[sflag:s31] =	ssyncset.done $0x0  }
0x6a: {  	s21 =	sadd.s32 $0x14480, s19;
	[sflag:s31] =	ssyncadd.s32 $0xFFFFE000  }
0x6b: {  	[spmem:s2] =	stream.indirect.scatter.add.f32 [tilespmem:s28], [sflag:$0x4], $0x40, s21, s26, $0xb8;
	[tilespmem:$0x1F380] =	vst v63  }
0x6c: {  	_ =	swait.ge [sflag:s17], $0x2000  }
0x6d: {  	[sflag:s17] =	ssyncset.done $0x0  }
0x6e: {  	[sflag:s17] =	ssyncadd.s32 $0xFFFFE000  }
0x6f: {  	v2 =	vld [tilespmem:s19+$0x14480];
	_ =	sdelay $0x7  }
0x70: {  	[tilespmem:v2+s30+$0x0] =	vst.idx.add.f32.msk $0xffff, v1  }
0x71: {  	v2 =	vld [tilespmem:s19+$0x14490];
	_ =	sdelay $0x7  }
0x72: {  	[tilespmem:v2+s30+$0x0] =	vst.idx.add.f32.msk $0xffff, v1  }
0x73: {  	v2 =	vld [tilespmem:s19+$0x144A0];
	_ =	sdelay $0x7  }
0x74: {  	[tilespmem:v2+s30+$0x0] =	vst.idx.add.f32.msk $0xffff, v1  }
0x75: {  	v2 =	vld [tilespmem:s19+$0x144B0];
	_ =	sdelay $0x7  }
0x76: {  	[tilespmem:v2+s30+$0x0] =	vst.idx.add.f32.msk $0xffff, v1  }
0x77: {  	v2 =	vld [tilespmem:s19+$0x144C0];
	_ =	sdelay $0x7  }
0x78: {  	[tilespmem:v2+s30+$0x0] =	vst.idx.add.f32.msk $0xffff, v1  }
0x79: {  	v2 =	vld [tilespmem:s19+$0x144D0];
	_ =	sdelay $0x7  }
0x7a: {  	[tilespmem:v2+s30+$0x0] =	vst.idx.add.f32.msk $0xffff, v1  }
0x7b: {  	v2 =	vld [tilespmem:s19+$0x144E0];
	_ =	sdelay $0x7  }
0x7c: {  	[tilespmem:v2+s30+$0x0] =	vst.idx.add.f32.msk $0xffff, v1  }
0x7d: {  	v2 =	vld [tilespmem:s19+$0x144F0];
	_ =	sdelay $0x7  }
0x7e: {  	s21 =	sadd.s32 $0x13D80, s19;
	[tilespmem:v2+s30+$0x0] =	vst.idx.add.f32.msk $0xffff, v1  }
0x7f: {  	[tilespmem:s28], [sflag:$0x2] =	stream.indirect.gather [spmem:s3], $0x40, s21, s26, $0xb8;
	[tilespmem:$0x1F380] =	vst v63  }
0x80: {  	_ =	swait.ge [sflag:s29], $0x2000  }
0x81: {  	[sflag:s29] =	ssyncset.done $0x0  }
0x82: {  	s21 =	sadd.s32 $0x14500, s19;
	[sflag:s29] =	ssyncadd.s32 $0xFFFFE000  }
0x83: {  	[spmem:s2] =	stream.indirect.scatter.add.f32 [tilespmem:s18], [sflag:$0x4], $0x40, s21, s26, $0xb8;
	[tilespmem:$0x1F380] =	vst v63  }
0x84: {  	_ =	swait.ge [sflag:s17], $0x2000  }
0x85: {  	[sflag:s17] =	ssyncset.done $0x0  }
0x86: {  	[sflag:s17] =	ssyncadd.s32 $0xFFFFE000  }
0x87: {  	v2 =	vld [tilespmem:s19+$0x14500];
	_ =	sdelay $0x7  }
0x88: {  	[tilespmem:v2+s30+$0x0] =	vst.idx.add.f32.msk $0xffff, v1  }
0x89: {  	v2 =	vld [tilespmem:s19+$0x14510];
	_ =	sdelay $0x7  }
0x8a: {  	[tilespmem:v2+s30+$0x0] =	vst.idx.add.f32.msk $0xffff, v1  }
0x8b: {  	v2 =	vld [tilespmem:s19+$0x14520];
	_ =	sdelay $0x7  }
0x8c: {  	[tilespmem:v2+s30+$0x0] =	vst.idx.add.f32.msk $0xffff, v1  }
0x8d: {  	v2 =	vld [tilespmem:s19+$0x14530];
	_ =	sdelay $0x7  }
0x8e: {  	[tilespmem:v2+s30+$0x0] =	vst.idx.add.f32.msk $0xffff, v1  }
0x8f: {  	v2 =	vld [tilespmem:s19+$0x14540];
	_ =	sdelay $0x7  }
0x90: {  	[tilespmem:v2+s30+$0x0] =	vst.idx.add.f32.msk $0xffff, v1  }
0x91: {  	v2 =	vld [tilespmem:s19+$0x14550];
	_ =	sdelay $0x7  }
0x92: {  	[tilespmem:v2+s30+$0x0] =	vst.idx.add.f32.msk $0xffff, v1  }
0x93: {  	v2 =	vld [tilespmem:s19+$0x14560];
	_ =	sdelay $0x7  }
0x94: {  	[tilespmem:v2+s30+$0x0] =	vst.idx.add.f32.msk $0xffff, v1  }
0x95: {  	v2 =	vld [tilespmem:s19+$0x14570];
	_ =	sdelay $0x7  }
0x96: {  	s21 =	sadd.s32 $0x13E00, s19;
	[tilespmem:v2+s30+$0x0] =	vst.idx.add.f32.msk $0xffff, v1  }
0x97: {  	[tilespmem:s18], [sflag:$0x1] =	stream.indirect.gather [spmem:s3], $0x40, s21, s26, $0xb8;
	[tilespmem:$0x1F380] =	vst v63  }
0x98: {  	_ =	swait.ge [sflag:s31], $0x2000  }
0x99: {  	[sflag:s31] =	ssyncset.done $0x0  }
0x9a: {  	s21 =	sadd.s32 $0x14580, s19;
	[sflag:s31] =	ssyncadd.s32 $0xFFFFE000  }
0x9b: {  	[spmem:s2] =	stream.indirect.scatter.add.f32 [tilespmem:s28], [sflag:$0x4], $0x40, s21, s26, $0xb8;
	[tilespmem:$0x1F380] =	vst v63  }
0x9c: {  	_ =	swait.ge [sflag:s17], $0x2000  }
0x9d: {  	[sflag:s17] =	ssyncset.done $0x0  }
0x9e: {  	[sflag:s17] =	ssyncadd.s32 $0xFFFFE000  }
0x9f: {  	v2 =	vld [tilespmem:s19+$0x14580];
	_ =	sdelay $0x7  }
0xa0: {  	[tilespmem:v2+s30+$0x0] =	vst.idx.add.f32.msk $0xffff, v1  }
0xa1: {  	v2 =	vld [tilespmem:s19+$0x14590];
	_ =	sdelay $0x7  }
0xa2: {  	[tilespmem:v2+s30+$0x0] =	vst.idx.add.f32.msk $0xffff, v1  }
0xa3: {  	v2 =	vld [tilespmem:s19+$0x145A0];
	_ =	sdelay $0x7  }
0xa4: {  	[tilespmem:v2+s30+$0x0] =	vst.idx.add.f32.msk $0xffff, v1  }
0xa5: {  	v2 =	vld [tilespmem:s19+$0x145B0];
	_ =	sdelay $0x7  }
0xa6: {  	[tilespmem:v2+s30+$0x0] =	vst.idx.add.f32.msk $0xffff, v1  }
0xa7: {  	v2 =	vld [tilespmem:s19+$0x145C0];
	_ =	sdelay $0x7  }
0xa8: {  	[tilespmem:v2+s30+$0x0] =	vst.idx.add.f32.msk $0xffff, v1  }
0xa9: {  	v2 =	vld [tilespmem:s19+$0x145D0];
	_ =	sdelay $0x7  }
0xaa: {  	[tilespmem:v2+s30+$0x0] =	vst.idx.add.f32.msk $0xffff, v1  }
0xab: {  	v2 =	vld [tilespmem:s19+$0x145E0];
	_ =	sdelay $0x7  }
0xac: {  	[tilespmem:v2+s30+$0x0] =	vst.idx.add.f32.msk $0xffff, v1  }
0xad: {  	v2 =	vld [tilespmem:s19+$0x145F0];
	_ =	sdelay $0x7  }
0xae: {  	s21 =	sadd.s32 $0x13E80, s19;
	[tilespmem:v2+s30+$0x0] =	vst.idx.add.f32.msk $0xffff, v1  }
0xaf: {  	[tilespmem:s28], [sflag:$0x2] =	stream.indirect.gather [spmem:s3], $0x40, s21, s26, $0xb8;
	[tilespmem:$0x1F380] =	vst v63  }
0xb0: {  	_ =	swait.ge [sflag:s29], $0x2000  }
0xb1: {  	[sflag:s29] =	ssyncset.done $0x0  }
0xb2: {  	s21 =	sadd.s32 $0x14600, s19;
	[sflag:s29] =	ssyncadd.s32 $0xFFFFE000  }
0xb3: {  	[spmem:s2] =	stream.indirect.scatter.add.f32 [tilespmem:s18], [sflag:$0x4], $0x40, s21, s26, $0xb8;
	[tilespmem:$0x1F380] =	vst v63  }
0xb4: {  	_ =	swait.ge [sflag:s17], $0x2000  }
0xb5: {  	[sflag:s17] =	ssyncset.done $0x0  }
0xb6: {  	[sflag:s17] =	ssyncadd.s32 $0xFFFFE000  }
0xb7: {  	v2 =	vld [tilespmem:s19+$0x14600];
	_ =	sdelay $0x7  }
0xb8: {  	[tilespmem:v2+s30+$0x0] =	vst.idx.add.f32.msk $0xffff, v1  }
0xb9: {  	v2 =	vld [tilespmem:s19+$0x14610];
	_ =	sdelay $0x7  }
0xba: {  	[tilespmem:v2+s30+$0x0] =	vst.idx.add.f32.msk $0xffff, v1  }
0xbb: {  	v2 =	vld [tilespmem:s19+$0x14620];
	_ =	sdelay $0x7  }
0xbc: {  	[tilespmem:v2+s30+$0x0] =	vst.idx.add.f32.msk $0xffff, v1  }
0xbd: {  	v2 =	vld [tilespmem:s19+$0x14630];
	_ =	sdelay $0x7  }
0xbe: {  	[tilespmem:v2+s30+$0x0] =	vst.idx.add.f32.msk $0xffff, v1  }
0xbf: {  	v2 =	vld [tilespmem:s19+$0x14640];
	_ =	sdelay $0x7  }
0xc0: {  	[tilespmem:v2+s30+$0x0] =	vst.idx.add.f32.msk $0xffff, v1  }
0xc1: {  	v2 =	vld [tilespmem:s19+$0x14650];
	_ =	sdelay $0x7  }
0xc2: {  	[tilespmem:v2+s30+$0x0] =	vst.idx.add.f32.msk $0xffff, v1  }
0xc3: {  	v2 =	vld [tilespmem:s19+$0x14660];
	_ =	sdelay $0x7  }
0xc4: {  	[tilespmem:v2+s30+$0x0] =	vst.idx.add.f32.msk $0xffff, v1  }
0xc5: {  	v2 =	vld [tilespmem:s19+$0x14670];
	_ =	sdelay $0x7  }
0xc6: {  	s21 =	sadd.s32 $0x13F00, s19;
	[tilespmem:v2+s30+$0x0] =	vst.idx.add.f32.msk $0xffff, v1  }
0xc7: {  	[tilespmem:s18], [sflag:$0x1] =	stream.indirect.gather [spmem:s3], $0x40, s21, s26, $0xb8;
	[tilespmem:$0x1F380] =	vst v63  }
0xc8: {  	_ =	swait.ge [sflag:s31], $0x2000  }
0xc9: {  	[sflag:s31] =	ssyncset.done $0x0  }
0xca: {  	s21 =	sadd.s32 $0x14680, s19;
	[sflag:s31] =	ssyncadd.s32 $0xFFFFE000  }
0xcb: {  	[spmem:s2] =	stream.indirect.scatter.add.f32 [tilespmem:s28], [sflag:$0x4], $0x40, s21, s26, $0xb8;
	[tilespmem:$0x1F380] =	vst v63  }
0xcc: {  	_ =	swait.ge [sflag:s17], $0x2000  }
0xcd: {  	[sflag:s17] =	ssyncset.done $0x0  }
0xce: {  	[sflag:s17] =	ssyncadd.s32 $0xFFFFE000  }
0xcf: {  	v2 =	vld [tilespmem:s19+$0x14680];
	_ =	sdelay $0x7  }
0xd0: {  	[tilespmem:v2+s30+$0x0] =	vst.idx.add.f32.msk $0xffff, v1  }
0xd1: {  	v2 =	vld [tilespmem:s19+$0x14690];
	_ =	sdelay $0x7  }
0xd2: {  	[tilespmem:v2+s30+$0x0] =	vst.idx.add.f32.msk $0xffff, v1  }
0xd3: {  	v2 =	vld [tilespmem:s19+$0x146A0];
	_ =	sdelay $0x7  }
0xd4: {  	[tilespmem:v2+s30+$0x0] =	vst.idx.add.f32.msk $0xffff, v1  }
0xd5: {  	v2 =	vld [tilespmem:s19+$0x146B0];
	_ =	sdelay $0x7  }
0xd6: {  	[tilespmem:v2+s30+$0x0] =	vst.idx.add.f32.msk $0xffff, v1  }
0xd7: {  	v2 =	vld [tilespmem:s19+$0x146C0];
	_ =	sdelay $0x7  }
0xd8: {  	[tilespmem:v2+s30+$0x0] =	vst.idx.add.f32.msk $0xffff, v1  }
0xd9: {  	v2 =	vld [tilespmem:s19+$0x146D0];
	_ =	sdelay $0x7  }
0xda: {  	[tilespmem:v2+s30+$0x0] =	vst.idx.add.f32.msk $0xffff, v1  }
0xdb: {  	v2 =	vld [tilespmem:s19+$0x146E0];
	_ =	sdelay $0x7  }
0xdc: {  	[tilespmem:v2+s30+$0x0] =	vst.idx.add.f32.msk $0xffff, v1  }
0xdd: {  	v2 =	vld [tilespmem:s19+$0x146F0];
	_ =	sdelay $0x7  }
0xde: {  	[tilespmem:v2+s30+$0x0] =	vst.idx.add.f32.msk $0xffff, v1  }
0xdf: {  	_ =	swait.ge [sflag:s24], $0x400  }
0xe0: {  	[sflag:s24] =	ssyncset.done $0x0  }
0xe1: {  	[sflag:s24] =	ssyncadd.s32 $0xFFFFFC00  }
0xe2: {  	_ =	swait.ge [sflag:s24], $0x400  }
0xe3: {  	[sflag:s24] =	ssyncset.done $0x0  }
0xe4: {  	s21 =	sadd.s32 $0x13F80, s19;
	[sflag:s24] =	ssyncadd.s32 $0xFFFFFC00  }
0xe5: {  	[tilespmem:s28], [sflag:$0x2] =	stream.indirect.gather [spmem:s3], $0x40, s21, s26, $0xb8;
	[tilespmem:$0x1F380] =	vst v63  }
0xe6: {  	_ =	swait.ge [sflag:s29], $0x2000  }
0xe7: {  	[sflag:s29] =	ssyncset.done $0x0  }
0xe8: {  	s21 =	sadd.s32 $0x14700, s19;
	[sflag:s29] =	ssyncadd.s32 $0xFFFFE000  }
0xe9: {  	[spmem:s2] =	stream.indirect.scatter.add.f32 [tilespmem:s18], [sflag:$0x4], $0x40, s21, s26, $0xb8;
	[tilespmem:$0x1F380] =	vst v63  }
0xea: {  	_ =	swait.ge [sflag:s17], $0x2000  }
0xeb: {  	[sflag:s17] =	ssyncset.done $0x0  }
0xec: {  	[sflag:s17] =	ssyncadd.s32 $0xFFFFE000  }
0xed: {  	v2 =	vld [tilespmem:s19+$0x14700];
	_ =	sdelay $0x7  }
0xee: {  	[tilespmem:v2+s30+$0x0] =	vst.idx.add.f32.msk $0xffff, v1  }
0xef: {  	v2 =	vld [tilespmem:s19+$0x14710];
	_ =	sdelay $0x7  }
0xf0: {  	[tilespmem:v2+s30+$0x0] =	vst.idx.add.f32.msk $0xffff, v1  }
0xf1: {  	v2 =	vld [tilespmem:s19+$0x14720];
	_ =	sdelay $0x7  }
0xf2: {  	[tilespmem:v2+s30+$0x0] =	vst.idx.add.f32.msk $0xffff, v1  }
0xf3: {  	v2 =	vld [tilespmem:s19+$0x14730];
	_ =	sdelay $0x7  }
0xf4: {  	[tilespmem:v2+s30+$0x0] =	vst.idx.add.f32.msk $0xffff, v1  }
0xf5: {  	v2 =	vld [tilespmem:s19+$0x14740];
	_ =	sdelay $0x7  }
0xf6: {  	[tilespmem:v2+s30+$0x0] =	vst.idx.add.f32.msk $0xffff, v1  }
0xf7: {  	v2 =	vld [tilespmem:s19+$0x14750];
	_ =	sdelay $0x7  }
0xf8: {  	[tilespmem:v2+s30+$0x0] =	vst.idx.add.f32.msk $0xffff, v1  }
0xf9: {  	v2 =	vld [tilespmem:s19+$0x14760];
	_ =	sdelay $0x7  }
0xfa: {  	[tilespmem:v2+s30+$0x0] =	vst.idx.add.f32.msk $0xffff, v1  }
0xfb: {  	v2 =	vld [tilespmem:s19+$0x14770];
	_ =	sdelay $0x7  }
0xfc: {  	s21 =	ssub.s32 $0x14000, s19;
	[tilespmem:v2+s30+$0x0] =	vst.idx.add.f32.msk $0xffff, v1  }
0xfd: {  	[tilespmem:s18], [sflag:$0x1] =	stream.indirect.gather [spmem:s3], $0x40, s21, s26, $0xb8;
	[tilespmem:$0x1F380] =	vst v63  }
0xfe: {  	_ =	swait.ge [sflag:s31], $0x2000  }
0xff: {  	[sflag:s31] =	ssyncset.done $0x0  }
0x100: {  	s21 =	sadd.s32 $0x14780, s19;
	[sflag:s31] =	ssyncadd.s32 $0xFFFFE000  }
0x101: {  	[spmem:s2] =	stream.indirect.scatter.add.f32 [tilespmem:s28], [sflag:$0x4], $0x40, s21, s26, $0xb8;
	[tilespmem:$0x1F380] =	vst v63  }
0x102: {  	_ =	swait.ge [sflag:s17], $0x2000  }
0x103: {  	[sflag:s17] =	ssyncset.done $0x0  }
0x104: {  	[sflag:s17] =	ssyncadd.s32 $0xFFFFE000  }
0x105: {  	v2 =	vld [tilespmem:s19+$0x14780];
	_ =	sdelay $0x7  }
0x106: {  	[tilespmem:v2+s30+$0x0] =	vst.idx.add.f32.msk $0xffff, v1  }
0x107: {  	v2 =	vld [tilespmem:s19+$0x14790];
	_ =	sdelay $0x7  }
0x108: {  	[tilespmem:v2+s30+$0x0] =	vst.idx.add.f32.msk $0xffff, v1  }
0x109: {  	v2 =	vld [tilespmem:s19+$0x147A0];
	_ =	sdelay $0x7  }
0x10a: {  	[tilespmem:v2+s30+$0x0] =	vst.idx.add.f32.msk $0xffff, v1  }
0x10b: {  	v2 =	vld [tilespmem:s19+$0x147B0];
	_ =	sdelay $0x7  }
0x10c: {  	[tilespmem:v2+s30+$0x0] =	vst.idx.add.f32.msk $0xffff, v1  }
0x10d: {  	v2 =	vld [tilespmem:s19+$0x147C0];
	_ =	sdelay $0x7  }
0x10e: {  	[tilespmem:v2+s30+$0x0] =	vst.idx.add.f32.msk $0xffff, v1  }
0x10f: {  	v2 =	vld [tilespmem:s19+$0x147D0];
	_ =	sdelay $0x7  }
0x110: {  	[tilespmem:v2+s30+$0x0] =	vst.idx.add.f32.msk $0xffff, v1  }
0x111: {  	v2 =	vld [tilespmem:s19+$0x147E0];
	_ =	sdelay $0x7  }
0x112: {  	[tilespmem:v2+s30+$0x0] =	vst.idx.add.f32.msk $0xffff, v1  }
0x113: {  	v2 =	vld [tilespmem:s19+$0x147F0];
	_ =	sdelay $0x6  }
0x114: {  	p0 =	sne.s32 s0, $0x4400  }
.Ltmp2:
0x115: {  	s19 =	sadd.s32 $0x13C00, s19;
	[tilespmem:v2+s30+$0x0] =	vst.idx.add.f32.msk $0xffff, v1;
	(pc) =	sbr.rel @p0 .LBB2_6-.Ltmp2, $4  }
0x116: {  	[tilespmem:s19], [sflag:$0x3] =	stream.linear.gather [hbm4b:s6+s4], $0x400, $0x38;
	[tilespmem:$0x1F380] =	vst v63  }
0x117: {  	_ = 	snop  }
0x118: {  	[tilespmem:s20], [sflag:$0x3] =	stream.linear.gather [hbm4b:s8+s4], $0x400, $0x38;
	[tilespmem:$0x1F380] =	vst v63  }
0x119: {  	s0 =	sadd.s32 $0x400, s0;
	s6 =	sadd.s32 $0x80, s6;
	s8 =	sadd.s32 $0x80, s8  }
0x11a: {  	s0 =	simm.s32 $0x13C80  }
0x11b: {  	[tilespmem:s28], [sflag:$0x2] =	stream.indirect.gather [spmem:s3], $0x40, s0, s26, $0xb8;
	[tilespmem:$0x1F380] =	vst v63  }
0x11c: {  	_ =	swait.ge [sflag:s29], $0x2000  }
0x11d: {  	[sflag:s29] =	ssyncset.done $0x0  }
0x11e: {  	s20 =	simm.s32 $0x14400;
	[sflag:s29] =	ssyncadd.s32 $0xFFFFE000  }
0x11f: {  	[spmem:s2] =	stream.indirect.scatter.add.f32 [tilespmem:s18], [sflag:$0x4], $0x40, s20, s26, $0xb8;
	[tilespmem:$0x1F380] =	vst v63  }
0x120: {  	_ =	swait.ge [sflag:s17], $0x2000  }
0x121: {  	[sflag:s17] =	ssyncset.done $0x0  }
0x122: {  	[sflag:s17] =	ssyncadd.s32 $0xFFFFE000  }
0x123: {  	v2 =	vld [tilespmem:$0x14400];
	_ =	sdelay $0x7  }
0x124: {  	[tilespmem:v2+s30+$0x0] =	vst.idx.add.f32.msk $0xffff, v1  }
0x125: {  	v2 =	vld [tilespmem:$0x14410];
	_ =	sdelay $0x7  }
0x126: {  	[tilespmem:v2+s30+$0x0] =	vst.idx.add.f32.msk $0xffff, v1  }
0x127: {  	v2 =	vld [tilespmem:$0x14420];
	_ =	sdelay $0x7  }
0x128: {  	[tilespmem:v2+s30+$0x0] =	vst.idx.add.f32.msk $0xffff, v1  }
0x129: {  	v2 =	vld [tilespmem:$0x14430];
	_ =	sdelay $0x7  }
0x12a: {  	[tilespmem:v2+s30+$0x0] =	vst.idx.add.f32.msk $0xffff, v1  }
0x12b: {  	v2 =	vld [tilespmem:$0x14440];
	_ =	sdelay $0x7  }
0x12c: {  	[tilespmem:v2+s30+$0x0] =	vst.idx.add.f32.msk $0xffff, v1  }
0x12d: {  	v2 =	vld [tilespmem:$0x14450];
	_ =	sdelay $0x7  }
0x12e: {  	[tilespmem:v2+s30+$0x0] =	vst.idx.add.f32.msk $0xffff, v1  }
0x12f: {  	v2 =	vld [tilespmem:$0x14460];
	_ =	sdelay $0x7  }
0x130: {  	[tilespmem:v2+s30+$0x0] =	vst.idx.add.f32.msk $0xffff, v1  }
0x131: {  	v2 =	vld [tilespmem:$0x14470];
	_ =	sdelay $0x7  }
0x132: {  	s19 =	simm.s32 $0x13D00;
	[tilespmem:v2+s30+$0x0] =	vst.idx.add.f32.msk $0xffff, v1  }
0x133: {  	[tilespmem:s18], [sflag:$0x1] =	stream.indirect.gather [spmem:s3], $0x40, s19, s26, $0xb8;
	[tilespmem:$0x1F380] =	vst v63  }
0x134: {  	_ =	swait.ge [sflag:s31], $0x2000  }
0x135: {  	[sflag:s31] =	ssyncset.done $0x0  }
0x136: {  	s21 =	simm.s32 $0x14480;
	[sflag:s31] =	ssyncadd.s32 $0xFFFFE000  }
0x137: {  	[spmem:s2] =	stream.indirect.scatter.add.f32 [tilespmem:s28], [sflag:$0x4], $0x40, s21, s26, $0xb8;
	[tilespmem:$0x1F380] =	vst v63  }
0x138: {  	_ =	swait.ge [sflag:s17], $0x2000  }
0x139: {  	[sflag:s17] =	ssyncset.done $0x0  }
0x13a: {  	[sflag:s17] =	ssyncadd.s32 $0xFFFFE000  }
0x13b: {  	v2 =	vld [tilespmem:$0x14480];
	_ =	sdelay $0x7  }
0x13c: {  	[tilespmem:v2+s30+$0x0] =	vst.idx.add.f32.msk $0xffff, v1  }
0x13d: {  	v2 =	vld [tilespmem:$0x14490];
	_ =	sdelay $0x7  }
0x13e: {  	[tilespmem:v2+s30+$0x0] =	vst.idx.add.f32.msk $0xffff, v1  }
0x13f: {  	v2 =	vld [tilespmem:$0x144A0];
	_ =	sdelay $0x7  }
0x140: {  	[tilespmem:v2+s30+$0x0] =	vst.idx.add.f32.msk $0xffff, v1  }
0x141: {  	v2 =	vld [tilespmem:$0x144B0];
	_ =	sdelay $0x7  }
0x142: {  	[tilespmem:v2+s30+$0x0] =	vst.idx.add.f32.msk $0xffff, v1  }
0x143: {  	v2 =	vld [tilespmem:$0x144C0];
	_ =	sdelay $0x7  }
0x144: {  	[tilespmem:v2+s30+$0x0] =	vst.idx.add.f32.msk $0xffff, v1  }
0x145: {  	v2 =	vld [tilespmem:$0x144D0];
	_ =	sdelay $0x7  }
0x146: {  	[tilespmem:v2+s30+$0x0] =	vst.idx.add.f32.msk $0xffff, v1  }
0x147: {  	v2 =	vld [tilespmem:$0x144E0];
	_ =	sdelay $0x7  }
0x148: {  	[tilespmem:v2+s30+$0x0] =	vst.idx.add.f32.msk $0xffff, v1  }
0x149: {  	v2 =	vld [tilespmem:$0x144F0];
	_ =	sdelay $0x7  }
0x14a: {  	s6 =	simm.s32 $0x13D80;
	[tilespmem:v2+s30+$0x0] =	vst.idx.add.f32.msk $0xffff, v1  }
0x14b: {  	[tilespmem:s28], [sflag:$0x2] =	stream.indirect.gather [spmem:s3], $0x40, s6, s26, $0xb8;
	[tilespmem:$0x1F380] =	vst v63  }
0x14c: {  	_ =	swait.ge [sflag:s29], $0x2000  }
0x14d: {  	[sflag:s29] =	ssyncset.done $0x0  }
0x14e: {  	s8 =	simm.s32 $0x14500;
	[sflag:s29] =	ssyncadd.s32 $0xFFFFE000  }
0x14f: {  	[spmem:s2] =	stream.indirect.scatter.add.f32 [tilespmem:s18], [sflag:$0x4], $0x40, s8, s26, $0xb8;
	[tilespmem:$0x1F380] =	vst v63  }
0x150: {  	_ =	swait.ge [sflag:s17], $0x2000  }
0x151: {  	[sflag:s17] =	ssyncset.done $0x0  }
0x152: {  	[sflag:s17] =	ssyncadd.s32 $0xFFFFE000  }
0x153: {  	v2 =	vld [tilespmem:$0x14500];
	_ =	sdelay $0x7  }
0x154: {  	[tilespmem:v2+s30+$0x0] =	vst.idx.add.f32.msk $0xffff, v1  }
0x155: {  	v2 =	vld [tilespmem:$0x14510];
	_ =	sdelay $0x7  }
0x156: {  	[tilespmem:v2+s30+$0x0] =	vst.idx.add.f32.msk $0xffff, v1  }
0x157: {  	v2 =	vld [tilespmem:$0x14520];
	_ =	sdelay $0x7  }
0x158: {  	[tilespmem:v2+s30+$0x0] =	vst.idx.add.f32.msk $0xffff, v1  }
0x159: {  	v2 =	vld [tilespmem:$0x14530];
	_ =	sdelay $0x7  }
0x15a: {  	[tilespmem:v2+s30+$0x0] =	vst.idx.add.f32.msk $0xffff, v1  }
0x15b: {  	v2 =	vld [tilespmem:$0x14540];
	_ =	sdelay $0x7  }
0x15c: {  	[tilespmem:v2+s30+$0x0] =	vst.idx.add.f32.msk $0xffff, v1  }
0x15d: {  	v2 =	vld [tilespmem:$0x14550];
	_ =	sdelay $0x7  }
0x15e: {  	[tilespmem:v2+s30+$0x0] =	vst.idx.add.f32.msk $0xffff, v1  }
0x15f: {  	v2 =	vld [tilespmem:$0x14560];
	_ =	sdelay $0x7  }
0x160: {  	[tilespmem:v2+s30+$0x0] =	vst.idx.add.f32.msk $0xffff, v1  }
0x161: {  	v2 =	vld [tilespmem:$0x14570];
	_ =	sdelay $0x7  }
0x162: {  	s19 =	simm.s32 $0x13E00;
	[tilespmem:v2+s30+$0x0] =	vst.idx.add.f32.msk $0xffff, v1  }
0x163: {  	[tilespmem:s18], [sflag:$0x1] =	stream.indirect.gather [spmem:s3], $0x40, s19, s26, $0xb8;
	[tilespmem:$0x1F380] =	vst v63  }
0x164: {  	_ =	swait.ge [sflag:s31], $0x2000  }
0x165: {  	[sflag:s31] =	ssyncset.done $0x0  }
0x166: {  	s21 =	simm.s32 $0x14580;
	[sflag:s31] =	ssyncadd.s32 $0xFFFFE000  }
0x167: {  	[spmem:s2] =	stream.indirect.scatter.add.f32 [tilespmem:s28], [sflag:$0x4], $0x40, s21, s26, $0xb8;
	[tilespmem:$0x1F380] =	vst v63  }
0x168: {  	_ =	swait.ge [sflag:s17], $0x2000  }
0x169: {  	[sflag:s17] =	ssyncset.done $0x0  }
0x16a: {  	[sflag:s17] =	ssyncadd.s32 $0xFFFFE000  }
0x16b: {  	v2 =	vld [tilespmem:$0x14580];
	_ =	sdelay $0x7  }
0x16c: {  	[tilespmem:v2+s30+$0x0] =	vst.idx.add.f32.msk $0xffff, v1  }
0x16d: {  	v2 =	vld [tilespmem:$0x14590];
	_ =	sdelay $0x7  }
0x16e: {  	[tilespmem:v2+s30+$0x0] =	vst.idx.add.f32.msk $0xffff, v1  }
0x16f: {  	v2 =	vld [tilespmem:$0x145A0];
	_ =	sdelay $0x7  }
0x170: {  	[tilespmem:v2+s30+$0x0] =	vst.idx.add.f32.msk $0xffff, v1  }
0x171: {  	v2 =	vld [tilespmem:$0x145B0];
	_ =	sdelay $0x7  }
0x172: {  	[tilespmem:v2+s30+$0x0] =	vst.idx.add.f32.msk $0xffff, v1  }
0x173: {  	v2 =	vld [tilespmem:$0x145C0];
	_ =	sdelay $0x7  }
0x174: {  	[tilespmem:v2+s30+$0x0] =	vst.idx.add.f32.msk $0xffff, v1  }
0x175: {  	v2 =	vld [tilespmem:$0x145D0];
	_ =	sdelay $0x7  }
0x176: {  	[tilespmem:v2+s30+$0x0] =	vst.idx.add.f32.msk $0xffff, v1  }
0x177: {  	v2 =	vld [tilespmem:$0x145E0];
	_ =	sdelay $0x7  }
0x178: {  	[tilespmem:v2+s30+$0x0] =	vst.idx.add.f32.msk $0xffff, v1  }
0x179: {  	v2 =	vld [tilespmem:$0x145F0];
	_ =	sdelay $0x7  }
0x17a: {  	s6 =	simm.s32 $0x13E80;
	[tilespmem:v2+s30+$0x0] =	vst.idx.add.f32.msk $0xffff, v1  }
0x17b: {  	[tilespmem:s28], [sflag:$0x2] =	stream.indirect.gather [spmem:s3], $0x40, s6, s26, $0xb8;
	[tilespmem:$0x1F380] =	vst v63  }
0x17c: {  	_ =	swait.ge [sflag:s29], $0x2000  }
0x17d: {  	[sflag:s29] =	ssyncset.done $0x0  }
0x17e: {  	s8 =	simm.s32 $0x14600;
	[sflag:s29] =	ssyncadd.s32 $0xFFFFE000  }
0x17f: {  	[spmem:s2] =	stream.indirect.scatter.add.f32 [tilespmem:s18], [sflag:$0x4], $0x40, s8, s26, $0xb8;
	[tilespmem:$0x1F380] =	vst v63  }
0x180: {  	_ =	swait.ge [sflag:s17], $0x2000  }
0x181: {  	[sflag:s17] =	ssyncset.done $0x0  }
0x182: {  	[sflag:s17] =	ssyncadd.s32 $0xFFFFE000  }
0x183: {  	v2 =	vld [tilespmem:$0x14600];
	_ =	sdelay $0x7  }
0x184: {  	[tilespmem:v2+s30+$0x0] =	vst.idx.add.f32.msk $0xffff, v1  }
0x185: {  	v2 =	vld [tilespmem:$0x14610];
	_ =	sdelay $0x7  }
0x186: {  	[tilespmem:v2+s30+$0x0] =	vst.idx.add.f32.msk $0xffff, v1  }
0x187: {  	v2 =	vld [tilespmem:$0x14620];
	_ =	sdelay $0x7  }
0x188: {  	[tilespmem:v2+s30+$0x0] =	vst.idx.add.f32.msk $0xffff, v1  }
0x189: {  	v2 =	vld [tilespmem:$0x14630];
	_ =	sdelay $0x7  }
0x18a: {  	[tilespmem:v2+s30+$0x0] =	vst.idx.add.f32.msk $0xffff, v1  }
0x18b: {  	v2 =	vld [tilespmem:$0x14640];
	_ =	sdelay $0x7  }
0x18c: {  	[tilespmem:v2+s30+$0x0] =	vst.idx.add.f32.msk $0xffff, v1  }
0x18d: {  	v2 =	vld [tilespmem:$0x14650];
	_ =	sdelay $0x7  }
0x18e: {  	[tilespmem:v2+s30+$0x0] =	vst.idx.add.f32.msk $0xffff, v1  }
0x18f: {  	v2 =	vld [tilespmem:$0x14660];
	_ =	sdelay $0x7  }
0x190: {  	[tilespmem:v2+s30+$0x0] =	vst.idx.add.f32.msk $0xffff, v1  }
0x191: {  	v2 =	vld [tilespmem:$0x14670];
	_ =	sdelay $0x7  }
0x192: {  	s19 =	simm.s32 $0x13F00;
	[tilespmem:v2+s30+$0x0] =	vst.idx.add.f32.msk $0xffff, v1  }
0x193: {  	[tilespmem:s18], [sflag:$0x1] =	stream.indirect.gather [spmem:s3], $0x40, s19, s26, $0xb8;
	[tilespmem:$0x1F380] =	vst v63  }
0x194: {  	_ =	swait.ge [sflag:s31], $0x2000  }
0x195: {  	[sflag:s31] =	ssyncset.done $0x0  }
0x196: {  	s21 =	simm.s32 $0x14680;
	[sflag:s31] =	ssyncadd.s32 $0xFFFFE000  }
0x197: {  	[spmem:s2] =	stream.indirect.scatter.add.f32 [tilespmem:s28], [sflag:$0x4], $0x40, s21, s26, $0xb8;
	[tilespmem:$0x1F380] =	vst v63  }
0x198: {  	_ =	swait.ge [sflag:s17], $0x2000  }
0x199: {  	[sflag:s17] =	ssyncset.done $0x0  }
0x19a: {  	[sflag:s17] =	ssyncadd.s32 $0xFFFFE000  }
0x19b: {  	v2 =	vld [tilespmem:$0x14680];
	_ =	sdelay $0x7  }
0x19c: {  	[tilespmem:v2+s30+$0x0] =	vst.idx.add.f32.msk $0xffff, v1  }
0x19d: {  	v2 =	vld [tilespmem:$0x14690];
	_ =	sdelay $0x7  }
0x19e: {  	[tilespmem:v2+s30+$0x0] =	vst.idx.add.f32.msk $0xffff, v1  }
0x19f: {  	v2 =	vld [tilespmem:$0x146A0];
	_ =	sdelay $0x7  }
0x1a0: {  	[tilespmem:v2+s30+$0x0] =	vst.idx.add.f32.msk $0xffff, v1  }
0x1a1: {  	v2 =	vld [tilespmem:$0x146B0];
	_ =	sdelay $0x7  }
0x1a2: {  	[tilespmem:v2+s30+$0x0] =	vst.idx.add.f32.msk $0xffff, v1  }
0x1a3: {  	v2 =	vld [tilespmem:$0x146C0];
	_ =	sdelay $0x7  }
0x1a4: {  	[tilespmem:v2+s30+$0x0] =	vst.idx.add.f32.msk $0xffff, v1  }
0x1a5: {  	v2 =	vld [tilespmem:$0x146D0];
	_ =	sdelay $0x7  }
0x1a6: {  	[tilespmem:v2+s30+$0x0] =	vst.idx.add.f32.msk $0xffff, v1  }
0x1a7: {  	v2 =	vld [tilespmem:$0x146E0];
	_ =	sdelay $0x7  }
0x1a8: {  	[tilespmem:v2+s30+$0x0] =	vst.idx.add.f32.msk $0xffff, v1  }
0x1a9: {  	v2 =	vld [tilespmem:$0x146F0];
	_ =	sdelay $0x7  }
0x1aa: {  	[tilespmem:v2+s30+$0x0] =	vst.idx.add.f32.msk $0xffff, v1  }
0x1ab: {  	_ =	swait.ge [sflag:s24], $0x400  }
0x1ac: {  	[sflag:s24] =	ssyncset.done $0x0  }
0x1ad: {  	[sflag:s24] =	ssyncadd.s32 $0xFFFFFC00  }
0x1ae: {  	_ =	swait.ge [sflag:s24], $0x400  }
0x1af: {  	[sflag:s24] =	ssyncset.done $0x0  }
0x1b0: {  	s6 =	simm.s32 $0x13F80;
	[sflag:s24] =	ssyncadd.s32 $0xFFFFFC00  }
0x1b1: {  	[tilespmem:s28], [sflag:$0x2] =	stream.indirect.gather [spmem:s3], $0x40, s6, s26, $0xb8;
	[tilespmem:$0x1F380] =	vst v63  }
0x1b2: {  	_ =	swait.ge [sflag:s29], $0x2000  }
0x1b3: {  	[sflag:s29] =	ssyncset.done $0x0  }
0x1b4: {  	s8 =	simm.s32 $0x14700;
	[sflag:s29] =	ssyncadd.s32 $0xFFFFE000  }
0x1b5: {  	[spmem:s2] =	stream.indirect.scatter.add.f32 [tilespmem:s18], [sflag:$0x4], $0x40, s8, s26, $0xb8;
	[tilespmem:$0x1F380] =	vst v63  }
0x1b6: {  	_ =	swait.ge [sflag:s17], $0x2000  }
0x1b7: {  	[sflag:s17] =	ssyncset.done $0x0  }
0x1b8: {  	[sflag:s17] =	ssyncadd.s32 $0xFFFFE000  }
0x1b9: {  	v2 =	vld [tilespmem:$0x14700];
	_ =	sdelay $0x7  }
0x1ba: {  	[tilespmem:v2+s30+$0x0] =	vst.idx.add.f32.msk $0xffff, v1  }
0x1bb: {  	v2 =	vld [tilespmem:$0x14710];
	_ =	sdelay $0x7  }
0x1bc: {  	[tilespmem:v2+s30+$0x0] =	vst.idx.add.f32.msk $0xffff, v1  }
0x1bd: {  	v2 =	vld [tilespmem:$0x14720];
	_ =	sdelay $0x7  }
0x1be: {  	[tilespmem:v2+s30+$0x0] =	vst.idx.add.f32.msk $0xffff, v1  }
0x1bf: {  	v2 =	vld [tilespmem:$0x14730];
	_ =	sdelay $0x7  }
0x1c0: {  	[tilespmem:v2+s30+$0x0] =	vst.idx.add.f32.msk $0xffff, v1  }
0x1c1: {  	v2 =	vld [tilespmem:$0x14740];
	_ =	sdelay $0x7  }
0x1c2: {  	[tilespmem:v2+s30+$0x0] =	vst.idx.add.f32.msk $0xffff, v1  }
0x1c3: {  	v2 =	vld [tilespmem:$0x14750];
	_ =	sdelay $0x7  }
0x1c4: {  	[tilespmem:v2+s30+$0x0] =	vst.idx.add.f32.msk $0xffff, v1  }
0x1c5: {  	v2 =	vld [tilespmem:$0x14760];
	_ =	sdelay $0x7  }
0x1c6: {  	[tilespmem:v2+s30+$0x0] =	vst.idx.add.f32.msk $0xffff, v1  }
0x1c7: {  	v2 =	vld [tilespmem:$0x14770];
	_ =	sdelay $0x7  }
0x1c8: {  	s21 =	simm.s32 $0x14000;
	[tilespmem:v2+s30+$0x0] =	vst.idx.add.f32.msk $0xffff, v1  }
0x1c9: {  	[tilespmem:s18], [sflag:$0x1] =	stream.indirect.gather [spmem:s3], $0x40, s21, s26, $0xb8;
	[tilespmem:$0x1F380] =	vst v63  }
0x1ca: {  	_ =	swait.ge [sflag:s31], $0x2000  }
0x1cb: {  	[sflag:s31] =	ssyncset.done $0x0  }
0x1cc: {  	s19 =	simm.s32 $0x14780;
	[sflag:s31] =	ssyncadd.s32 $0xFFFFE000  }
0x1cd: {  	[spmem:s2] =	stream.indirect.scatter.add.f32 [tilespmem:s28], [sflag:$0x4], $0x40, s19, s26, $0xb8;
	[tilespmem:$0x1F380] =	vst v63  }
0x1ce: {  	_ =	swait.ge [sflag:s17], $0x2000  }
0x1cf: {  	[sflag:s17] =	ssyncset.done $0x0  }
0x1d0: {  	[sflag:s17] =	ssyncadd.s32 $0xFFFFE000  }
0x1d1: {  	v2 =	vld [tilespmem:$0x14780];
	_ =	sdelay $0x7  }
0x1d2: {  	[tilespmem:v2+s30+$0x0] =	vst.idx.add.f32.msk $0xffff, v1  }
0x1d3: {  	v2 =	vld [tilespmem:$0x14790];
	_ =	sdelay $0x7  }
0x1d4: {  	[tilespmem:v2+s30+$0x0] =	vst.idx.add.f32.msk $0xffff, v1  }
0x1d5: {  	v2 =	vld [tilespmem:$0x147A0];
	_ =	sdelay $0x7  }
0x1d6: {  	[tilespmem:v2+s30+$0x0] =	vst.idx.add.f32.msk $0xffff, v1  }
0x1d7: {  	v2 =	vld [tilespmem:$0x147B0];
	_ =	sdelay $0x7  }
0x1d8: {  	[tilespmem:v2+s30+$0x0] =	vst.idx.add.f32.msk $0xffff, v1  }
0x1d9: {  	v2 =	vld [tilespmem:$0x147C0];
	_ =	sdelay $0x7  }
0x1da: {  	[tilespmem:v2+s30+$0x0] =	vst.idx.add.f32.msk $0xffff, v1  }
0x1db: {  	v2 =	vld [tilespmem:$0x147D0];
	_ =	sdelay $0x7  }
0x1dc: {  	[tilespmem:v2+s30+$0x0] =	vst.idx.add.f32.msk $0xffff, v1  }
0x1dd: {  	v2 =	vld [tilespmem:$0x147E0];
	_ =	sdelay $0x7  }
0x1de: {  	[tilespmem:v2+s30+$0x0] =	vst.idx.add.f32.msk $0xffff, v1  }
0x1df: {  	v2 =	vld [tilespmem:$0x147F0];
	_ =	sdelay $0x7  }
0x1e0: {  	s6 =	simm.s32 $0x14080;
	[tilespmem:v2+s30+$0x0] =	vst.idx.add.f32.msk $0xffff, v1  }
0x1e1: {  	[tilespmem:s28], [sflag:$0x2] =	stream.indirect.gather [spmem:s3], $0x40, s6, s26, $0xb8;
	[tilespmem:$0x1F380] =	vst v63  }
0x1e2: {  	_ =	swait.ge [sflag:s29], $0x2000  }
0x1e3: {  	[sflag:s29] =	ssyncset.done $0x0  }
0x1e4: {  	[sflag:s29] =	ssyncadd.s32 $0xFFFFE000  }
0x1e5: {  	[spmem:s2] =	stream.indirect.scatter.add.f32 [tilespmem:s18], [sflag:$0x4], $0x40, s22, s26, $0xb8;
	[tilespmem:$0x1F380] =	vst v63  }
0x1e6: {  	_ =	swait.ge [sflag:s17], $0x2000  }
0x1e7: {  	[sflag:s17] =	ssyncset.done $0x0  }
0x1e8: {  	[sflag:s17] =	ssyncadd.s32 $0xFFFFE000  }
0x1e9: {  	v2 =	vld [tilespmem:$0x14800];
	_ =	sdelay $0x7  }
0x1ea: {  	[tilespmem:v2+s30+$0x0] =	vst.idx.add.f32.msk $0xffff, v1  }
0x1eb: {  	v2 =	vld [tilespmem:$0x14810];
	_ =	sdelay $0x7  }
0x1ec: {  	[tilespmem:v2+s30+$0x0] =	vst.idx.add.f32.msk $0xffff, v1  }
0x1ed: {  	v2 =	vld [tilespmem:$0x14820];
	_ =	sdelay $0x7  }
0x1ee: {  	[tilespmem:v2+s30+$0x0] =	vst.idx.add.f32.msk $0xffff, v1  }
0x1ef: {  	v2 =	vld [tilespmem:$0x14830];
	_ =	sdelay $0x7  }
0x1f0: {  	[tilespmem:v2+s30+$0x0] =	vst.idx.add.f32.msk $0xffff, v1  }
0x1f1: {  	v2 =	vld [tilespmem:$0x14840];
	_ =	sdelay $0x7  }
0x1f2: {  	[tilespmem:v2+s30+$0x0] =	vst.idx.add.f32.msk $0xffff, v1  }
0x1f3: {  	v2 =	vld [tilespmem:$0x14850];
	_ =	sdelay $0x7  }
0x1f4: {  	[tilespmem:v2+s30+$0x0] =	vst.idx.add.f32.msk $0xffff, v1  }
0x1f5: {  	v2 =	vld [tilespmem:$0x14860];
	_ =	sdelay $0x7  }
0x1f6: {  	[tilespmem:v2+s30+$0x0] =	vst.idx.add.f32.msk $0xffff, v1  }
0x1f7: {  	v2 =	vld [tilespmem:$0x14870];
	_ =	sdelay $0x7  }
0x1f8: {  	s8 =	simm.s32 $0x14100;
	[tilespmem:v2+s30+$0x0] =	vst.idx.add.f32.msk $0xffff, v1  }
0x1f9: {  	[tilespmem:s18], [sflag:$0x1] =	stream.indirect.gather [spmem:s3], $0x40, s8, s26, $0xb8;
	[tilespmem:$0x1F380] =	vst v63  }
0x1fa: {  	_ =	swait.ge [sflag:s31], $0x2000  }
0x1fb: {  	[sflag:s31] =	ssyncset.done $0x0  }
0x1fc: {  	s19 =	simm.s32 $0x14880;
	[sflag:s31] =	ssyncadd.s32 $0xFFFFE000  }
0x1fd: {  	[spmem:s2] =	stream.indirect.scatter.add.f32 [tilespmem:s28], [sflag:$0x4], $0x40, s19, s26, $0xb8;
	[tilespmem:$0x1F380] =	vst v63  }
0x1fe: {  	_ =	swait.ge [sflag:s17], $0x2000  }
0x1ff: {  	[sflag:s17] =	ssyncset.done $0x0  }
0x200: {  	[sflag:s17] =	ssyncadd.s32 $0xFFFFE000  }
0x201: {  	v2 =	vld [tilespmem:$0x14880];
	_ =	sdelay $0x7  }
0x202: {  	[tilespmem:v2+s30+$0x0] =	vst.idx.add.f32.msk $0xffff, v1  }
0x203: {  	v2 =	vld [tilespmem:$0x14890];
	_ =	sdelay $0x7  }
0x204: {  	[tilespmem:v2+s30+$0x0] =	vst.idx.add.f32.msk $0xffff, v1  }
0x205: {  	v2 =	vld [tilespmem:$0x148A0];
	_ =	sdelay $0x7  }
0x206: {  	[tilespmem:v2+s30+$0x0] =	vst.idx.add.f32.msk $0xffff, v1  }
0x207: {  	v2 =	vld [tilespmem:$0x148B0];
	_ =	sdelay $0x7  }
0x208: {  	[tilespmem:v2+s30+$0x0] =	vst.idx.add.f32.msk $0xffff, v1  }
0x209: {  	v2 =	vld [tilespmem:$0x148C0];
	_ =	sdelay $0x7  }
0x20a: {  	[tilespmem:v2+s30+$0x0] =	vst.idx.add.f32.msk $0xffff, v1  }
0x20b: {  	v2 =	vld [tilespmem:$0x148D0];
	_ =	sdelay $0x7  }
0x20c: {  	[tilespmem:v2+s30+$0x0] =	vst.idx.add.f32.msk $0xffff, v1  }
0x20d: {  	v2 =	vld [tilespmem:$0x148E0];
	_ =	sdelay $0x7  }
0x20e: {  	[tilespmem:v2+s30+$0x0] =	vst.idx.add.f32.msk $0xffff, v1  }
0x20f: {  	v2 =	vld [tilespmem:$0x148F0];
	_ =	sdelay $0x7  }
0x210: {  	s6 =	simm.s32 $0x14180;
	[tilespmem:v2+s30+$0x0] =	vst.idx.add.f32.msk $0xffff, v1  }
0x211: {  	[tilespmem:s28], [sflag:$0x2] =	stream.indirect.gather [spmem:s3], $0x40, s6, s26, $0xb8;
	[tilespmem:$0x1F380] =	vst v63  }
0x212: {  	_ =	swait.ge [sflag:s29], $0x2000  }
0x213: {  	[sflag:s29] =	ssyncset.done $0x0  }
0x214: {  	s8 =	simm.s32 $0x14900;
	[sflag:s29] =	ssyncadd.s32 $0xFFFFE000  }
0x215: {  	[spmem:s2] =	stream.indirect.scatter.add.f32 [tilespmem:s18], [sflag:$0x4], $0x40, s8, s26, $0xb8;
	[tilespmem:$0x1F380] =	vst v63  }
0x216: {  	_ =	swait.ge [sflag:s17], $0x2000  }
0x217: {  	[sflag:s17] =	ssyncset.done $0x0  }
0x218: {  	[sflag:s17] =	ssyncadd.s32 $0xFFFFE000  }
0x219: {  	v2 =	vld [tilespmem:$0x14900];
	_ =	sdelay $0x7  }
0x21a: {  	[tilespmem:v2+s30+$0x0] =	vst.idx.add.f32.msk $0xffff, v1  }
0x21b: {  	v2 =	vld [tilespmem:$0x14910];
	_ =	sdelay $0x7  }
0x21c: {  	[tilespmem:v2+s30+$0x0] =	vst.idx.add.f32.msk $0xffff, v1  }
0x21d: {  	v2 =	vld [tilespmem:$0x14920];
	_ =	sdelay $0x7  }
0x21e: {  	[tilespmem:v2+s30+$0x0] =	vst.idx.add.f32.msk $0xffff, v1  }
0x21f: {  	v2 =	vld [tilespmem:$0x14930];
	_ =	sdelay $0x7  }
0x220: {  	[tilespmem:v2+s30+$0x0] =	vst.idx.add.f32.msk $0xffff, v1  }
0x221: {  	v2 =	vld [tilespmem:$0x14940];
	_ =	sdelay $0x7  }
0x222: {  	[tilespmem:v2+s30+$0x0] =	vst.idx.add.f32.msk $0xffff, v1  }
0x223: {  	v2 =	vld [tilespmem:$0x14950];
	_ =	sdelay $0x7  }
0x224: {  	[tilespmem:v2+s30+$0x0] =	vst.idx.add.f32.msk $0xffff, v1  }
0x225: {  	v2 =	vld [tilespmem:$0x14960];
	_ =	sdelay $0x7  }
0x226: {  	[tilespmem:v2+s30+$0x0] =	vst.idx.add.f32.msk $0xffff, v1  }
0x227: {  	v2 =	vld [tilespmem:$0x14970];
	_ =	sdelay $0x7  }
0x228: {  	s19 =	simm.s32 $0x14200;
	[tilespmem:v2+s30+$0x0] =	vst.idx.add.f32.msk $0xffff, v1  }
0x229: {  	[tilespmem:s18], [sflag:$0x1] =	stream.indirect.gather [spmem:s3], $0x40, s19, s26, $0xb8;
	[tilespmem:$0x1F380] =	vst v63  }
0x22a: {  	_ =	swait.ge [sflag:s31], $0x2000  }
0x22b: {  	[sflag:s31] =	ssyncset.done $0x0  }
0x22c: {  	s6 =	simm.s32 $0x14980;
	[sflag:s31] =	ssyncadd.s32 $0xFFFFE000  }
0x22d: {  	[spmem:s2] =	stream.indirect.scatter.add.f32 [tilespmem:s28], [sflag:$0x4], $0x40, s6, s26, $0xb8;
	[tilespmem:$0x1F380] =	vst v63  }
0x22e: {  	_ =	swait.ge [sflag:s17], $0x2000  }
0x22f: {  	[sflag:s17] =	ssyncset.done $0x0  }
0x230: {  	[sflag:s17] =	ssyncadd.s32 $0xFFFFE000  }
0x231: {  	v2 =	vld [tilespmem:$0x14980];
	_ =	sdelay $0x7  }
0x232: {  	[tilespmem:v2+s30+$0x0] =	vst.idx.add.f32.msk $0xffff, v1  }
0x233: {  	v2 =	vld [tilespmem:$0x14990];
	_ =	sdelay $0x7  }
0x234: {  	[tilespmem:v2+s30+$0x0] =	vst.idx.add.f32.msk $0xffff, v1  }
0x235: {  	v2 =	vld [tilespmem:$0x149A0];
	_ =	sdelay $0x7  }
0x236: {  	[tilespmem:v2+s30+$0x0] =	vst.idx.add.f32.msk $0xffff, v1  }
0x237: {  	v2 =	vld [tilespmem:$0x149B0];
	_ =	sdelay $0x7  }
0x238: {  	[tilespmem:v2+s30+$0x0] =	vst.idx.add.f32.msk $0xffff, v1  }
0x239: {  	v2 =	vld [tilespmem:$0x149C0];
	_ =	sdelay $0x7  }
0x23a: {  	[tilespmem:v2+s30+$0x0] =	vst.idx.add.f32.msk $0xffff, v1  }
0x23b: {  	v2 =	vld [tilespmem:$0x149D0];
	_ =	sdelay $0x7  }
0x23c: {  	[tilespmem:v2+s30+$0x0] =	vst.idx.add.f32.msk $0xffff, v1  }
0x23d: {  	v2 =	vld [tilespmem:$0x149E0];
	_ =	sdelay $0x7  }
0x23e: {  	[tilespmem:v2+s30+$0x0] =	vst.idx.add.f32.msk $0xffff, v1  }
0x23f: {  	v2 =	vld [tilespmem:$0x149F0];
	_ =	sdelay $0x7  }
0x240: {  	s8 =	simm.s32 $0x14280;
	[tilespmem:v2+s30+$0x0] =	vst.idx.add.f32.msk $0xffff, v1  }
0x241: {  	[tilespmem:s28], [sflag:$0x2] =	stream.indirect.gather [spmem:s3], $0x40, s8, s26, $0xb8;
	[tilespmem:$0x1F380] =	vst v63  }
0x242: {  	_ =	swait.ge [sflag:s29], $0x2000  }
0x243: {  	[sflag:s29] =	ssyncset.done $0x0  }
0x244: {  	s19 =	simm.s32 $0x14A00;
	[sflag:s29] =	ssyncadd.s32 $0xFFFFE000  }
0x245: {  	[spmem:s2] =	stream.indirect.scatter.add.f32 [tilespmem:s18], [sflag:$0x4], $0x40, s19, s26, $0xb8;
	[tilespmem:$0x1F380] =	vst v63  }
0x246: {  	_ =	swait.ge [sflag:s17], $0x2000  }
0x247: {  	[sflag:s17] =	ssyncset.done $0x0  }
0x248: {  	[sflag:s17] =	ssyncadd.s32 $0xFFFFE000  }
0x249: {  	v2 =	vld [tilespmem:$0x14A00];
	_ =	sdelay $0x7  }
0x24a: {  	[tilespmem:v2+s30+$0x0] =	vst.idx.add.f32.msk $0xffff, v1  }
0x24b: {  	v2 =	vld [tilespmem:$0x14A10];
	_ =	sdelay $0x7  }
0x24c: {  	[tilespmem:v2+s30+$0x0] =	vst.idx.add.f32.msk $0xffff, v1  }
0x24d: {  	v2 =	vld [tilespmem:$0x14A20];
	_ =	sdelay $0x7  }
0x24e: {  	[tilespmem:v2+s30+$0x0] =	vst.idx.add.f32.msk $0xffff, v1  }
0x24f: {  	v2 =	vld [tilespmem:$0x14A30];
	_ =	sdelay $0x7  }
0x250: {  	[tilespmem:v2+s30+$0x0] =	vst.idx.add.f32.msk $0xffff, v1  }
0x251: {  	v2 =	vld [tilespmem:$0x14A40];
	_ =	sdelay $0x7  }
0x252: {  	[tilespmem:v2+s30+$0x0] =	vst.idx.add.f32.msk $0xffff, v1  }
0x253: {  	v2 =	vld [tilespmem:$0x14A50];
	_ =	sdelay $0x7  }
0x254: {  	[tilespmem:v2+s30+$0x0] =	vst.idx.add.f32.msk $0xffff, v1  }
0x255: {  	v2 =	vld [tilespmem:$0x14A60];
	_ =	sdelay $0x7  }
0x256: {  	[tilespmem:v2+s30+$0x0] =	vst.idx.add.f32.msk $0xffff, v1  }
0x257: {  	v2 =	vld [tilespmem:$0x14A70];
	_ =	sdelay $0x7  }
0x258: {  	s6 =	simm.s32 $0x14300;
	[tilespmem:v2+s30+$0x0] =	vst.idx.add.f32.msk $0xffff, v1  }
0x259: {  	[tilespmem:s18], [sflag:$0x1] =	stream.indirect.gather [spmem:s3], $0x40, s6, s26, $0xb8;
	[tilespmem:$0x1F380] =	vst v63  }
0x25a: {  	_ =	swait.ge [sflag:s31], $0x2000  }
0x25b: {  	[sflag:s31] =	ssyncset.done $0x0  }
0x25c: {  	s8 =	simm.s32 $0x14A80;
	[sflag:s31] =	ssyncadd.s32 $0xFFFFE000  }
0x25d: {  	[spmem:s2] =	stream.indirect.scatter.add.f32 [tilespmem:s28], [sflag:$0x4], $0x40, s8, s26, $0xb8;
	[tilespmem:$0x1F380] =	vst v63  }
0x25e: {  	_ =	swait.ge [sflag:s17], $0x2000  }
0x25f: {  	[sflag:s17] =	ssyncset.done $0x0  }
0x260: {  	[sflag:s17] =	ssyncadd.s32 $0xFFFFE000  }
0x261: {  	v2 =	vld [tilespmem:$0x14A80];
	_ =	sdelay $0x7  }
0x262: {  	[tilespmem:v2+s30+$0x0] =	vst.idx.add.f32.msk $0xffff, v1  }
0x263: {  	v2 =	vld [tilespmem:$0x14A90];
	_ =	sdelay $0x7  }
0x264: {  	[tilespmem:v2+s30+$0x0] =	vst.idx.add.f32.msk $0xffff, v1  }
0x265: {  	v2 =	vld [tilespmem:$0x14AA0];
	_ =	sdelay $0x7  }
0x266: {  	[tilespmem:v2+s30+$0x0] =	vst.idx.add.f32.msk $0xffff, v1  }
0x267: {  	v2 =	vld [tilespmem:$0x14AB0];
	_ =	sdelay $0x7  }
0x268: {  	[tilespmem:v2+s30+$0x0] =	vst.idx.add.f32.msk $0xffff, v1  }
0x269: {  	v2 =	vld [tilespmem:$0x14AC0];
	_ =	sdelay $0x7  }
0x26a: {  	[tilespmem:v2+s30+$0x0] =	vst.idx.add.f32.msk $0xffff, v1  }
0x26b: {  	v2 =	vld [tilespmem:$0x14AD0];
	_ =	sdelay $0x7  }
0x26c: {  	[tilespmem:v2+s30+$0x0] =	vst.idx.add.f32.msk $0xffff, v1  }
0x26d: {  	v2 =	vld [tilespmem:$0x14AE0];
	_ =	sdelay $0x7  }
0x26e: {  	[tilespmem:v2+s30+$0x0] =	vst.idx.add.f32.msk $0xffff, v1  }
0x26f: {  	v2 =	vld [tilespmem:$0x14AF0];
	_ =	sdelay $0x7  }
0x270: {  	s19 =	simm.s32 $0x14380;
	[tilespmem:v2+s30+$0x0] =	vst.idx.add.f32.msk $0xffff, v1  }
0x271: {  	[tilespmem:s28], [sflag:$0x2] =	stream.indirect.gather [spmem:s3], $0x40, s19, s26, $0xb8;
	[tilespmem:$0x1F380] =	vst v63  }
0x272: {  	_ =	swait.ge [sflag:s29], $0x2000  }
0x273: {  	[sflag:s29] =	ssyncset.done $0x0  }
0x274: {  	s6 =	simm.s32 $0x14B00;
	[sflag:s29] =	ssyncadd.s32 $0xFFFFE000  }
0x275: {  	[spmem:s2] =	stream.indirect.scatter.add.f32 [tilespmem:s18], [sflag:$0x4], $0x40, s6, s26, $0xb8;
	[tilespmem:$0x1F380] =	vst v63  }
0x276: {  	_ =	swait.ge [sflag:s17], $0x2000  }
0x277: {  	[sflag:s17] =	ssyncset.done $0x0  }
0x278: {  	[sflag:s17] =	ssyncadd.s32 $0xFFFFE000  }
0x279: {  	v2 =	vld [tilespmem:$0x14B00];
	_ =	sdelay $0x7  }
0x27a: {  	[tilespmem:v2+s30+$0x0] =	vst.idx.add.f32.msk $0xffff, v1  }
0x27b: {  	v2 =	vld [tilespmem:$0x14B10];
	_ =	sdelay $0x7  }
0x27c: {  	[tilespmem:v2+s30+$0x0] =	vst.idx.add.f32.msk $0xffff, v1  }
0x27d: {  	v2 =	vld [tilespmem:$0x14B20];
	_ =	sdelay $0x7  }
0x27e: {  	[tilespmem:v2+s30+$0x0] =	vst.idx.add.f32.msk $0xffff, v1  }
0x27f: {  	v2 =	vld [tilespmem:$0x14B30];
	_ =	sdelay $0x7  }
0x280: {  	[tilespmem:v2+s30+$0x0] =	vst.idx.add.f32.msk $0xffff, v1  }
0x281: {  	v2 =	vld [tilespmem:$0x14B40];
	_ =	sdelay $0x7  }
0x282: {  	[tilespmem:v2+s30+$0x0] =	vst.idx.add.f32.msk $0xffff, v1  }
0x283: {  	v2 =	vld [tilespmem:$0x14B50];
	_ =	sdelay $0x7  }
0x284: {  	[tilespmem:v2+s30+$0x0] =	vst.idx.add.f32.msk $0xffff, v1  }
0x285: {  	v2 =	vld [tilespmem:$0x14B60];
	_ =	sdelay $0x7  }
0x286: {  	[tilespmem:v2+s30+$0x0] =	vst.idx.add.f32.msk $0xffff, v1  }
0x287: {  	v2 =	vld [tilespmem:$0x14B70];
	_ =	sdelay $0x7  }
0x288: {  	[tilespmem:v2+s30+$0x0] =	vst.idx.add.f32.msk $0xffff, v1  }
0x289: {  	_ =	swait.ge [sflag:s31], $0x2000  }
0x28a: {  	[sflag:s31] =	ssyncset.done $0x0  }
0x28b: {  	s8 =	simm.s32 $0x14B80;
	[sflag:s31] =	ssyncadd.s32 $0xFFFFE000  }
0x28c: {  	[spmem:s2] =	stream.indirect.scatter.add.f32 [tilespmem:s28], [sflag:$0x4], $0x40, s8, s26, $0xb8;
	[tilespmem:$0x1F380] =	vst v63  }
0x28d: {  	_ =	swait.ge [sflag:s17], $0x2000  }
0x28e: {  	[sflag:s17] =	ssyncset.done $0x0  }
0x28f: {  	[sflag:s17] =	ssyncadd.s32 $0xFFFFE000  }
0x290: {  	v2 =	vld [tilespmem:$0x14B80];
	_ =	sdelay $0x7  }
0x291: {  	[tilespmem:v2+s30+$0x0] =	vst.idx.add.f32.msk $0xffff, v1  }
0x292: {  	v2 =	vld [tilespmem:$0x14B90];
	_ =	sdelay $0x7  }
0x293: {  	[tilespmem:v2+s30+$0x0] =	vst.idx.add.f32.msk $0xffff, v1  }
0x294: {  	v2 =	vld [tilespmem:$0x14BA0];
	_ =	sdelay $0x7  }
0x295: {  	[tilespmem:v2+s30+$0x0] =	vst.idx.add.f32.msk $0xffff, v1  }
0x296: {  	v2 =	vld [tilespmem:$0x14BB0];
	_ =	sdelay $0x7  }
0x297: {  	[tilespmem:v2+s30+$0x0] =	vst.idx.add.f32.msk $0xffff, v1  }
0x298: {  	v2 =	vld [tilespmem:$0x14BC0];
	_ =	sdelay $0x7  }
0x299: {  	[tilespmem:v2+s30+$0x0] =	vst.idx.add.f32.msk $0xffff, v1  }
0x29a: {  	v2 =	vld [tilespmem:$0x14BD0];
	_ =	sdelay $0x7  }
0x29b: {  	[tilespmem:v2+s30+$0x0] =	vst.idx.add.f32.msk $0xffff, v1  }
0x29c: {  	v2 =	vld [tilespmem:$0x14BE0];
	_ =	sdelay $0x7  }
0x29d: {  	[tilespmem:v2+s30+$0x0] =	vst.idx.add.f32.msk $0xffff, v1  }
0x29e: {  	v2 =	vld [tilespmem:$0x14BF0];
	_ =	sdelay $0x7  }
0x29f: {  	[tilespmem:v2+s30+$0x0] =	vst.idx.add.f32.msk $0xffff, v1  }
0x2a0: {  	[bflag:$0x0] =	sbarrier.arrive $0xFFFF  }
0x2a1: {  	[hbm:s23], [sflag:s7] =	dma.local [spmem:s25], $0x2780  }
0x2a2: {  	s1 =	sadd.s32 $0x1, s1;
	_ =	swait.ge [sflag:s17], $0x2780  }
0x2a3: {  	p0 =	sne.s32 s1, s12;
	[sflag:s17] =	ssyncset.done $0x0  }
.Ltmp3:
0x2a4: {  	s19 =	simm.s32 $0x400;
	[sflag:s17] =	ssyncadd.s32 $0xFFFFD880;
	(pc) =	sbr.rel @p0 .LBB2_1-.Ltmp3, $4  }
0x2a5: {  	[hbm4b:s11+s26] =	stream.strided.scatter [tilespmem:s30], [sflag:$0x4], $0x2780, s19, s26, $0x38;
	[tilespmem:$0x1F380] =	vst v63  }
0x2a6: {  	_ =	swait.ge [sflag:s17], $0x2780  }
0x2a7: {  	[sflag:s17] =	ssyncset.done $0x0  }
0x2a8: {  	[sflag:s17] =	ssyncadd.s32 $0xFFFFD880  }
0x2a9: {  	_ =	sfence.sel $0x180000  }
0x2aa: {  	[bflag:$0x0] =	sbarrier.arrive $0xFFFF  }
0x2ab: {  	_ =	strace $0x90000047  }
0x2ac: {  	s0 =	stileid.u32;
	[bflag:$0x2] =	sbarrier.arrive $0xFFFF  }
0x2ad: {  	p0 =	sne.s32 s0, $0x0;
	s0 =	rddreg [dreg:$0x4]  }
0x2ae: {  	s0 =	sadd.s32 @!p0 $0x100000, s0  }
0x2af: {  	[sflag:s0] =	ssyncadd.tile.s32 @!p0 $0x1;
	_ =	shalt  }
.Lfunc_end2:
_tile_overlayer_lowered:
.L_overlay_start_2:
0x2b0: {  	(tag) =	ssettag $0x2  }
0x2b1: {  	s0 =	rddreg [dreg:$0x0];
	s2 =	stileid.u32  }
0x2b2: {  	s1 =	rddreg [dreg:$0x1];
	p0 =	sne.s32 s2, $0x0  }
0x2b3: {  	s3 =	rddreg [dreg:$0x2];
	[bflag:$0x3] =	sbarrier.arrive $0xFFFF;
	s2 =	simm.s32 @!p0 $0x1C04  }
0x2b4: {  	[timem:s3], [sflag:s2] =	dma.local @!p0 [hbm:s0], s1  }
0x2b5: {  	s0 =	simm.s32 @!p0 $0x4  }
0x2b6: {  	_ =	swait.ge @!p0 [sflag:s0], s1  }
0x2b7: {  	s1 =	ssub.s32 @!p0 $0x0, s1;
	[sflag:s0] =	ssyncset.done @!p0 $0x0  }
0x2b8: {  	[sflag:s0] =	ssyncadd.s32 @!p0 s1  }
0x2b9: {  	[bflag:$0x3] =	sbarrier.arrive $0xFFFF  }
0x2ba: {  	_ =	shalt  }

// kernel: _run.9.cloned.1.call-start
scs
__scs_entry_jumppad:
0x0: {  	(pc) =	sbr.rel $0x88, $3  }
0x1: {  	(tag) =	ssettag $0x0;
	lr =	simm.s32 $0x1  }
0x2: {  	[smem:$0x3F99] =	sst lr;
	_ =	strace $0xD0000000  }
0x3: {  	_ = 	snop  }
0x4: {  	_ = 	snop  }
0x5: {  	_ = 	snop  }
0x6: {  	_ = 	snop  }
0x7: {  	_ = 	snop  }
__scs_overlays_trampoline_lowered:
0x8: {  	[smem:$0x3FA8] =	sst s0  }
0x9: {  	[smem:$0x3FA9] =	sst s1  }
0xa: {  	[smem:$0x3FAA] =	sst s2  }
0xb: {  	[smem:$0x3FAB] =	sst s3  }
0xc: {  	[smem:$0x3FAC] =	sst s4  }
0xd: {  	[smem:$0x3FAD] =	sst s5  }
0xe: {  	[smem:$0x3FAE] =	sst s6  }
0xf: {  	[smem:$0x3FAF] =	sst s7  }
0x10: {  	[smem:$0x3FB0] =	sst s8  }
0x11: {  	[smem:$0x3FB1] =	sst s9;
	s0 =	simm.s32 @!p0 $0x0  }
0x12: {  	s1 =	sld [smem:$0x3F97];
	s0 =	simm.s32 @p0 $0x1  }
0x13: {  	[smem:$0x3FB2] =	sst s0;
	s0 =	simm.s32 @!p1 $0x0  }
0x14: {  	s2 =	sld [smem:$0x3F96];
	s0 =	simm.s32 @p1 $0x1  }
0x15: {  	[smem:$0x3FB3] =	sst s0;
	s0 =	simm.s32 @!p2 $0x0  }
0x16: {  	s3 =	sld [smem:$0x3FDB];
	s0 =	simm.s32 @p2 $0x1  }
0x17: {  	s4 =	simm.s32 $0x1BF5;
	[smem:$0x3FB5] =	sst s0  }
0x18: {  	s0 =	sld [smem:$0x3F98];
	_ =	swait.ge [sflag:s4], $0x0  }
0x19: {  	s7 =	sld [smem:$0x3F99]  }
0x1a: {  	s8 =	sadd.s32 $0xFFFFE003, lr  }
0x1b: {  	s9 =	sadd.s32 $0xFFFFFEF7, lr;
	s5 =	simm.s32 $0xFFFFFFFF;
	p2 =	slt.u32 s8, $0xFFFFF086  }
0x1c: {  	p1 =	slt.u32 s9, $0xF7A;
	s5 =	simm.s32 @!p2 $0x0  }
0x1d: {  	s5 =	simm.s32 @p1 $0x1;
	p0 =	seq.s32 s7, s2  }
0x1e: {  	s7 =	smul.u32 @!p0 $0xF7A, s2;
	p2 =	seq.s32 @!p0 s5, $0x0  }
0x1f: {  	s9 =	smul.u32 $0xF7A, s1;
	s8 =	simm.s32 @!p0 $0x1BF5;
	p2 =	por !p2, p0  }
0x20: {  	[sflag:s8] =	ssyncset.s32 @!p0 $0xFFFFF086;
	s6 =	sadd.s32 @!p0 s3, s7;
	s7 =	simm.s32 @!p0 $0x108  }
0x21: {  	s3 =	sadd.s32 s3, s9;
	s6 =	sadd.s32 @!p0 $0x88, s6;
	s7 =	simm.s32 @p2 $0x1082  }
0x22: {  	[simem:s7], [sflag:s8] =	dma.local @!p0 [hbm:s6], $0xF7A  }
0x23: {  	s9 =	sor.u32 $0xD0000000, s2;
	s6 =	simm.s32 $0x108;
	_ =	swait.ge @!p0 [sflag:s8], $0x0  }
0x24: {  	s3 =	sadd.s32 $0x88, s3;
	s6 =	simm.s32 @!p1 $0x1082;
	[sflag:s4] =	ssyncset.s32 $0xFFFFF086  }
0x25: {  	[simem:s6], [sflag:s4] =	dma.local [hbm:s3], $0xF7A  }
0x26: {  	[smem:$0x3F99] =	sst s1;
	(tag) =	ssettag s2;
	_ =	strace s9  }
0x27: {  	s1 =	sld [smem:$0x3FA9]  }
0x28: {  	s2 =	sld [smem:$0x3FAA]  }
0x29: {  	s4 =	sld [smem:$0x3FAC]  }
0x2a: {  	p0 =	seq.s32 s5, $0x0;
	s5 =	sld [smem:$0x3FAD]  }
0x2b: {  	s6 =	sld [smem:$0x3FAE]  }
0x2c: {  	s7 =	sld [smem:$0x3FAF]  }
0x2d: {  	s3 =	simm.s32 $0x108;
	s8 =	sld [smem:$0x3FB0]  }
0x2e: {  	s3 =	simm.s32 @!p0 $0x1082;
	s9 =	sld [smem:$0x3FB1]  }
0x2f: {  	lr =	sadd.s32 s0, s3;
	s0 =	sld [smem:$0x3FA8]  }
0x30: {  	s3 =	sld [smem:$0x3FAB]  }
0x31: {  	[smem:$0x3FB4] =	sst s10  }
0x32: {  	s10 =	sld [smem:$0x3FB2];
	_ =	sdelay $0x3  }
0x33: {  	p0 =	seq.s32 s10, $0x1;
	s10 =	sld [smem:$0x3FB4];
	_ =	sdelay $0x3  }
0x34: {  	[smem:$0x3FB4] =	sst s10  }
0x35: {  	s10 =	sld [smem:$0x3FB3];
	_ =	sdelay $0x3  }
0x36: {  	p1 =	seq.s32 s10, $0x1;
	s10 =	sld [smem:$0x3FB4];
	_ =	sdelay $0x3  }
0x37: {  	[smem:$0x3FB4] =	sst s10  }
0x38: {  	s10 =	sld [smem:$0x3FB5]  }
0x39: {  	_ = 	snop;
	(pc) =	sbr.ind lr, $3  }
0x3a: {  	_ = 	snop  }
0x3b: {  	_ = 	snop  }
0x3c: {  	p2 =	seq.s32 s10, $0x1;
	s10 =	sld [smem:$0x3FB4]  }
0x3d: {  	_ =	shalt  }
0x3e: {  	_ =	shalt  }
0x3f: {  	_ =	shalt  }
0x40: {  	_ =	shalt  }
0x41: {  	_ =	shalt  }
0x42: {  	_ =	shalt  }
0x43: {  	_ =	shalt  }
0x44: {  	_ =	shalt  }
0x45: {  	_ =	shalt  }
0x46: {  	_ =	shalt  }
0x47: {  	_ =	shalt  }
0x48: {  	_ =	shalt  }
0x49: {  	_ =	shalt  }
0x4a: {  	_ =	shalt  }
0x4b: {  	_ =	shalt  }
0x4c: {  	_ =	shalt  }
0x4d: {  	_ =	shalt  }
0x4e: {  	_ =	shalt  }
0x4f: {  	_ =	shalt  }
0x50: {  	_ =	shalt  }
0x51: {  	_ =	shalt  }
0x52: {  	_ =	shalt  }
0x53: {  	_ =	shalt  }
0x54: {  	_ =	shalt  }
0x55: {  	_ =	shalt  }
0x56: {  	_ =	shalt  }
0x57: {  	_ =	shalt  }
0x58: {  	_ =	shalt  }
0x59: {  	_ =	shalt  }
0x5a: {  	_ =	shalt  }
0x5b: {  	_ =	shalt  }
0x5c: {  	_ =	shalt  }
0x5d: {  	_ =	shalt  }
0x5e: {  	_ =	shalt  }
0x5f: {  	_ =	shalt  }
0x60: {  	_ =	shalt  }
0x61: {  	_ =	shalt  }
0x62: {  	_ =	shalt  }
0x63: {  	_ =	shalt  }
0x64: {  	_ =	shalt  }
0x65: {  	_ =	shalt  }
0x66: {  	_ =	shalt  }
0x67: {  	_ =	shalt  }
0x68: {  	_ =	shalt  }
0x69: {  	_ =	shalt  }
0x6a: {  	_ =	shalt  }
0x6b: {  	_ =	shalt  }
0x6c: {  	_ =	shalt  }
0x6d: {  	_ =	shalt  }
0x6e: {  	_ =	shalt  }
0x6f: {  	_ =	shalt  }
0x70: {  	_ =	shalt  }
0x71: {  	_ =	shalt  }
0x72: {  	_ =	shalt  }
0x73: {  	_ =	shalt  }
0x74: {  	_ =	shalt  }
0x75: {  	_ =	shalt  }
0x76: {  	_ =	shalt  }
0x77: {  	_ =	shalt  }
0x78: {  	_ =	shalt  }
0x79: {  	_ =	shalt  }
0x7a: {  	_ =	shalt  }
0x7b: {  	_ =	shalt  }
0x7c: {  	_ =	shalt  }
0x7d: {  	_ =	shalt  }
0x7e: {  	_ =	shalt  }
0x7f: {  	_ =	shalt  }
0x80: {  	_ =	shalt  }
0x81: {  	_ =	shalt  }
0x82: {  	_ =	shalt  }
0x83: {  	_ =	shalt  }
0x84: {  	_ =	shalt  }
0x85: {  	_ =	shalt  }
0x86: {  	_ =	shalt  }
0x87: {  	_ =	shalt  }
.Lfunc_end0:
.L_simem_size_0:
called_computation.1_lowered:
.L_overlay_start_0:
0x88: {  	s2 =	sld [smem:$0x3FD9]  }
0x89: {  	s3 =	sld [smem:$0x3FFE];
	_ =	sdelay $0x1  }
0x8a: {  	s1 =	srdreg.scid  }
0x8b: {  	s0 =	sand.u32 $0x1, s1  }
0x8c: {  	s17 =	sshll.u32 s0, $0xA;
	s2 =	sadd.s32 s3, s2  }
0x8d: {  	s2 =	sadd.s32 s2, s17  }
0x8e: {  	[smem:$0x3FC0] =	sst s2  }
0x8f: {  	_ = 	snop  }
0x90: {  	s2 =	sld [smem:$0x3FD0];
	(tm) =	ssettm $0x1  }
0x91: {  	s18 =	sld [smem:$0x3FFB];
	_ =	sdelay $0x3  }
0x92: {  	_ =	strace s18  }
0x93: {  	s3 =	sld [smem:$0x3FFC];
	_ =	sdelay $0x3  }
0x94: {  	_ =	strace s3  }
0x95: {  	s3 =	sld [smem:$0x3FFD];
	_ =	sdelay $0x3  }
0x96: {  	_ =	strace s3  }
0x97: {  	_ =	strace $0x8FFFFFFF  }
0x98: {  	s19 =	sld [smem:$0x3FDB];
	_ =	sdelay $0x1  }
0x99: {  	s4 =	simm.s32 $_scs_section_size  }
0x9a: {  	s5 =	simm.s32 $_size__tile_overlayer_lowered;
	s6 =	simm.s32 $_tile_overlayer_lowered  }
0x9b: {  	s22 =	simm.s32 $0x1BFF;
	s21 =	sshll.u32 s6, $0x1;
	s3 =	sadd.s32 s4, s19  }
0x9c: {  	s7 =	simm.s32 $0x0;
	s20 =	sshll.u32 s5, $0x1;
	s5 =	sadd.s32 s21, s3  }
0x9d: {  	[timem:s7], [sflag:s22] =	dma.local [hbm:s5], s20  }
0x9e: {  	_ =	swait.ge [sflag:s22], s20  }
0x9f: {  	s4 =	ssub.s32 $0x0, s20;
	[sflag:s22] =	ssyncset.done $0x0  }
0xa0: {  	[sflag:s22] =	ssyncadd.s32 s4;
	_ =	sdelay $0x1  }
0xa1: {  	s23 =	simm.s32 $0x1B8B  }
0xa2: {  	_ =	swait.ge [sflag:s23], $0x1  }
0xa3: {  	[sflag:s23] =	ssyncset.done $0x0  }
0xa4: {  	s25 =	simm.s32 $0x1B8E;
	s24 =	sld [smem:$0x3FFE];
	[sflag:s23] =	ssyncadd.s32 $0xFFFFFFFF  }
0xa5: {  	s26 =	simm.s32 $execute0_lowered;
	[smem:$0x3FD2] =	sst s25  }
0xa6: {  	s5 =	sshll.u32 s26, $0x1;
	_ =	strace $0x80000049;
	[dreg:$0x1] =	wrdreg $0xFFFFFFFF  }
0xa7: {  	s28 =	simm.s32 $_size_execute0_lowered;
	s3 =	sadd.s32 s3, s5;
	[dreg:$0x0] =	wrdreg $0x0  }
0xa8: {  	s5 =	sshll.u32 s28, $0x1;
	[dreg:$0x2] =	wrdreg s3  }
0xa9: {  	[dreg:$0x3] =	wrdreg s5  }
0xaa: {  	[dreg:$0x4] =	wrdreg $0xC0  }
0xab: {  	_ =	task [dreg:s7], $0x5FFFF  }
0xac: {  	[dreg:$0x1] =	wrdreg $0xFFFFFFFF  }
0xad: {  	[dreg:$0x0] =	wrdreg $0x60  }
0xae: {  	[dreg:$0x2] =	wrdreg s24  }
0xaf: {  	[dreg:$0x3] =	wrdreg s2  }
0xb0: {  	[dreg:$0x4] =	wrdreg $0x0  }
0xb1: {  	[dreg:$0x5] =	wrdreg $0x9E000  }
0xb2: {  	[dreg:$0x6] =	wrdreg $0x9  }
0xb3: {  	_ =	task.clear_ibuf [dreg:s7], $0x7FFFF;
	_ =	strace $0x90000049  }
0xb4: {  	s29 =	simm.s32 $0x9;
	_ =	strace $0x8000004B  }
0xb5: {  	_ =	swait.ge [sflag:s29], $0x1  }
0xb6: {  	[sflag:s29] =	ssyncadd.s32 $0xFFFFFFFF  }
0xb7: {  	_ =	strace $0x9000004B  }
0xb8: {  	_ =	sfence  }
0xb9: {  	s30 =	sld [smem:$0x0];
	_ =	sdelay $0x2  }
0xba: {  	s31 =	sshll.u32 s1, $0xD;
	s1 =	sshrl.u32 s1, $0x2  }
0xbb: {  	s3 =	sand.u32 $0x4000, s31;
	s1 =	sadd.s32 s1, s30  }
0xbc: {  	s0 =	sor.u32 s3, s0;
	s1 =	sshll.u32 s1, $0x11  }
0xbd: {  	s0 =	sor.u32 s1, s0  }
0xbe: {  	s0 =	sadd.s32 $0x8F2B, s0  }
0xbf: {  	[sflag:s0] =	ssyncadd.remote.s32 $0x1  }
0xc0: {  	_ =	sfence.sel $0xFFFF  }
0xc1: {  	[dreg:$0x0] =	wrdreg $0xFFFFFFFF;
	(pc) =	sbr.abs _section_cstart, $3  }
0xc2: {  	[dreg:$0x1] =	wrdreg $0xFFFFFFFF  }
0xc3: {  	_ =	task.clear_ibuf [dreg:s7], $0x2FFFF;
	_ =	strace $0x9FFFFFFF  }
0xc4: {  	(tm) =	ssettm $0x7FFFFFFF  }
0xc5: {  	_ =	shalt  }
tec
execute0_lowered:
.L_overlay_start_1:
0x0: {  	(tag) =	ssettag $0x1  }
0x1: {  	s0 =	rddreg [dreg:$0x0]  }
0x2: {  	s1 =	rddreg [dreg:$0x1]  }
0x3: {  	s2 =	rddreg [dreg:$0x2]  }
0x4: {  	s3 =	rddreg [dreg:$0x3]  }
0x5: {  	s12 =	stileid.u32;
	s5 =	srdreg.scid;
	s4 =	simm.s32 $0x0  }
0x6: {  	s16 =	simm.s32 $0x4;
	s17 =	simm.s32 $0x14C00;
	s6 =	smul.u32 $0xA00, s12  }
0x7: {  	s19 =	simm.s32 $0x14000;
	s21 =	simm.s32 $0x14800;
	s8 =	smul.u32 $0x13C00, s12  }
0x8: {  	s28 =	simm.s32 $0x1;
	s29 =	simm.s32 $0x2;
	s9 =	smul.u32 $0x4F000, s12  }
0x9: {  	s30 =	simm.s32 $0x0;
	s5 =	sand.u32 $0x1, s5;
	s18 =	smul.u32 $0x2780, s12  }
0xa: {  	[smem:$0x7FF] =	sst s4;
	s25 =	sshll.u32 s12, $0x6;
	s7 =	smul.u32 $0x27800, s5  }
0xb: {  	_ =	strace $0x8000004A;
	s5 =	ssub.s32 $0x2, s5;
	s10 =	sadd.s32 s6, s0  }
0xc: {  	s22 =	sshrl.u32 s5, $0x1;
	s15 =	sadd.s32 s8, s3;
	s23 =	sshrl.u32 s9, $0x2  }
0xd: {  	s9 =	sadd.s32 s1, s6;
	s31 =	sadd.s32 s8, s2;
	s8 =	simm.s32 $0x14400  }
0xe: {  	s0 =	sadd.s32 s7, s0;
	s11 =	ssub.s32 s5, s22;
	s5 =	sadd.s32 s23, s2  }
0xf: {  	s10 =	sadd.s32 $0x1A00, s10;
	s15 =	sshrl.u32 s15, $0x3;
	s22 =	simm.s32 $0x3  }
0x10: {  	s24 =	sadd.s32 s18, s0;
	s26 =	sadd.s32 $0x10000, s5;
	s0 =	sadd.s32 $0x5AA00, s0  }
0x11: {  	s11 =	smax.u32 s11, $0x1;
	s12 =	sadd.s32 $0x4000, s5;
	s13 =	sadd.s32 $0x8000, s5  }
0x12: {  	s14 =	sadd.s32 $0xC000, s5;
	s7 =	sadd.s32 $0xBA00, s24;
	[dreg:$0x6] =	wrdreg s26  }
0x13: {  	s23 =	sadd.s32 s18, s0;
	s24 =	simm.s32 $0x80;
	s26 =	simm.s32 $0x18C00  }
0x14: {  	v0 =	vimm.f32 $0.0e+00;
	[dreg:$0x5] =	wrdreg s7;
	s7 =	sor.u32 $0x1C04, s25;
	s25 =	sshrl.u32 s31, $0x3  }
.LBB2_1:
0x15: {  	s0 =	rddreg [dreg:$0x5]  }
0x16: {  	[spmem:s15], [sflag:s7] =	dma.local [hbm:s0], $0x2780  }
0x17: {  	_ =	swait.ge [sflag:s16], $0x2780  }
0x18: {  	[sflag:s16] =	ssyncset.done $0x0  }
0x19: {  	s1 =	simm.s32 $0x200;
	s0 =	simm.s32 $0x0;
	[sflag:s16] =	ssyncadd.s32 $0xFFFFD880  }
.LBB2_2:
0x1a: {  	p0 =	sne.s32 s1, $0xFE00;
	[tilespmem:s0+$0x14C30] =	vst v0;
	s6 =	smov.u32 s1;
	s1 =	sadd.s32 $0x200, s1  }
.Ltmp0:
0x1b: {  	[tilespmem:s0+$0x14C20] =	vst v0;
	(pc) =	sbr.rel @p0 .LBB2_2-.Ltmp0, $3  }
0x1c: {  	[tilespmem:s0+$0x14C00] =	vst v0  }
0x1d: {  	[tilespmem:s0+$0x14C10] =	vst v0;
	_ =	sdelay $0x1  }
0x1e: {  	s0 =	sshra.s32 s6, $0x2  }
0x1f: {  	[tilespmem:s0+$0x14C30] =	vst v0  }
0x20: {  	[tilespmem:s0+$0x14C20] =	vst v0  }
0x21: {  	[tilespmem:s0+$0x14C00] =	vst v0  }
0x22: {  	[tilespmem:s0+$0x14C10] =	vst v0  }
0x23: {  	[spmem:s5] =	stream.linear.scatter [tilespmem:s17], [sflag:$0x4], $0x4000, $0x38;
	[tilespmem:$0x1CC00] =	vst v63  }
0x24: {  	_ =	swait.ge [sflag:s16], $0x4000  }
0x25: {  	[sflag:s16] =	ssyncset.done $0x0  }
0x26: {  	[sflag:s16] =	ssyncadd.s32 $0xFFFFC000  }
0x27: {  	[spmem:s12] =	stream.linear.scatter [tilespmem:s17], [sflag:$0x4], $0x4000, $0x38;
	[tilespmem:$0x1CC00] =	vst v63  }
0x28: {  	_ =	swait.ge [sflag:s16], $0x4000  }
0x29: {  	[sflag:s16] =	ssyncset.done $0x0  }
0x2a: {  	[sflag:s16] =	ssyncadd.s32 $0xFFFFC000  }
0x2b: {  	[spmem:s13] =	stream.linear.scatter [tilespmem:s17], [sflag:$0x4], $0x4000, $0x38;
	[tilespmem:$0x1CC00] =	vst v63  }
0x2c: {  	_ =	swait.ge [sflag:s16], $0x4000  }
0x2d: {  	[sflag:s16] =	ssyncset.done $0x0  }
0x2e: {  	[sflag:s16] =	ssyncadd.s32 $0xFFFFC000  }
0x2f: {  	[spmem:s14] =	stream.linear.scatter [tilespmem:s17], [sflag:$0x4], $0x4000, $0x38;
	[tilespmem:$0x1CC00] =	vst v63  }
0x30: {  	_ =	swait.ge [sflag:s16], $0x4000  }
0x31: {  	[sflag:s16] =	ssyncset.done $0x0  }
0x32: {  	s6 =	rddreg [dreg:$0x6];
	[sflag:s16] =	ssyncadd.s32 $0xFFFFC000  }
0x33: {  	[spmem:s6] =	stream.linear.scatter [tilespmem:s17], [sflag:$0x4], $0x3C00, $0x38;
	[tilespmem:$0x1CC00] =	vst v63  }
0x34: {  	_ =	swait.ge [sflag:s16], $0x3C00  }
0x35: {  	[sflag:s16] =	ssyncset.done $0x0  }
0x36: {  	[sflag:s16] =	ssyncadd.s32 $0xFFFFC400  }
0x37: {  	s18 =	simm.s32 $0x0;
	s6 =	simm.s32 $0x13C00;
	[bflag:$0x0] =	sbarrier.arrive $0xFFFF  }
0x38: {  	[tilespmem:s6], [sflag:$0x3] =	stream.linear.gather [hbm4b:s9+s18], $0x400, $0x38;
	[tilespmem:$0x1CC00] =	vst v63  }
0x39: {  	_ = 	snop  }
0x3a: {  	[tilespmem:s8], [sflag:$0x3] =	stream.linear.gather [hbm4b:s10+s18], $0x400, $0x38;
	[tilespmem:$0x1CC00] =	vst v63  }
0x3b: {  	s1 =	sadd.s32 $0x80, s9  }
0x3c: {  	[tilespmem:s19], [sflag:$0x3] =	stream.linear.gather [hbm4b:s1+s18], $0x400, $0x38;
	[tilespmem:$0x1CC00] =	vst v63  }
0x3d: {  	s20 =	sadd.s32 $0x80, s10  }
0x3e: {  	[tilespmem:s21], [sflag:$0x3] =	stream.linear.gather [hbm4b:s20+s18], $0x400, $0x38;
	[tilespmem:$0x1CC00] =	vst v63  }
0x3f: {  	_ =	swait.ge [sflag:s22], $0x400  }
0x40: {  	[sflag:s22] =	ssyncset.done $0x0  }
0x41: {  	[sflag:s22] =	ssyncadd.s32 $0xFFFFFC00  }
0x42: {  	_ =	swait.ge [sflag:s22], $0x400  }
0x43: {  	[sflag:s22] =	ssyncset.done $0x0  }
0x44: {  	s0 =	sand.u32 $0x400, s18;
	[sflag:s22] =	ssyncadd.s32 $0xFFFFFC00  }
0x45: {  	[tilespmem:s17], [sflag:$0x1] =	stream.indirect.gather [spmem:s3], $0x40, s6, s24, $0xb8;
	[tilespmem:$0x1CC00] =	vst v63  }
0x46: {  	s8 =	sadd.s32 $0x13C80, s0  }
0x47: {  	[tilespmem:s26], [sflag:$0x2] =	stream.indirect.gather [spmem:s3], $0x40, s8, s24, $0xb8;
	[tilespmem:$0x1CC00] =	vst v63  }
0x48: {  	_ =	swait.ge [sflag:s28], $0x2000  }
0x49: {  	[sflag:s28] =	ssyncset.done $0x0  }
0x4a: {  	s6 =	sadd.s32 $0x14400, s0;
	[sflag:s28] =	ssyncadd.s32 $0xFFFFE000  }
0x4b: {  	[spmem:s2] =	stream.indirect.scatter.add.f32 [tilespmem:s17], [sflag:$0x4], $0x40, s6, s24, $0xb8;
	[tilespmem:$0x1CC00] =	vst v63  }
0x4c: {  	_ =	swait.ge [sflag:s16], $0x2000  }
0x4d: {  	[sflag:s16] =	ssyncset.done $0x0  }
0x4e: {  	s18 =	sadd.s32 $0x13D00, s0;
	[sflag:s16] =	ssyncadd.s32 $0xFFFFE000  }
0x4f: {  	[tilespmem:s17], [sflag:$0x1] =	stream.indirect.gather [spmem:s3], $0x40, s18, s24, $0xb8;
	[tilespmem:$0x1CC00] =	vst v63  }
0x50: {  	_ =	swait.ge [sflag:s29], $0x2000  }
0x51: {  	[sflag:s29] =	ssyncset.done $0x0  }
0x52: {  	s19 =	sadd.s32 $0x14480, s0;
	[sflag:s29] =	ssyncadd.s32 $0xFFFFE000  }
0x53: {  	[spmem:s2] =	stream.indirect.scatter.add.f32 [tilespmem:s26], [sflag:$0x4], $0x40, s19, s24, $0xb8;
	[tilespmem:$0x1CC00] =	vst v63  }
0x54: {  	_ =	swait.ge [sflag:s16], $0x2000  }
0x55: {  	[sflag:s16] =	ssyncset.done $0x0  }
0x56: {  	s20 =	sadd.s32 $0x13D80, s0;
	[sflag:s16] =	ssyncadd.s32 $0xFFFFE000  }
0x57: {  	[tilespmem:s26], [sflag:$0x2] =	stream.indirect.gather [spmem:s3], $0x40, s20, s24, $0xb8;
	[tilespmem:$0x1CC00] =	vst v63  }
0x58: {  	_ =	swait.ge [sflag:s28], $0x2000  }
0x59: {  	[sflag:s28] =	ssyncset.done $0x0  }
0x5a: {  	s8 =	sadd.s32 $0x14500, s0;
	[sflag:s28] =	ssyncadd.s32 $0xFFFFE000  }
0x5b: {  	[spmem:s2] =	stream.indirect.scatter.add.f32 [tilespmem:s17], [sflag:$0x4], $0x40, s8, s24, $0xb8;
	[tilespmem:$0x1CC00] =	vst v63  }
0x5c: {  	_ =	swait.ge [sflag:s16], $0x2000  }
0x5d: {  	[sflag:s16] =	ssyncset.done $0x0  }
0x5e: {  	s18 =	sadd.s32 $0x13E00, s0;
	[sflag:s16] =	ssyncadd.s32 $0xFFFFE000  }
0x5f: {  	[tilespmem:s17], [sflag:$0x1] =	stream.indirect.gather [spmem:s3], $0x40, s18, s24, $0xb8;
	[tilespmem:$0x1CC00] =	vst v63  }
0x60: {  	_ =	swait.ge [sflag:s29], $0x2000  }
0x61: {  	[sflag:s29] =	ssyncset.done $0x0  }
0x62: {  	s19 =	sadd.s32 $0x14580, s0;
	[sflag:s29] =	ssyncadd.s32 $0xFFFFE000  }
0x63: {  	[spmem:s2] =	stream.indirect.scatter.add.f32 [tilespmem:s26], [sflag:$0x4], $0x40, s19, s24, $0xb8;
	[tilespmem:$0x1CC00] =	vst v63  }
0x64: {  	_ =	swait.ge [sflag:s16], $0x2000  }
0x65: {  	[sflag:s16] =	ssyncset.done $0x0  }
0x66: {  	s20 =	sadd.s32 $0x13E80, s0;
	[sflag:s16] =	ssyncadd.s32 $0xFFFFE000  }
0x67: {  	[tilespmem:s26], [sflag:$0x2] =	stream.indirect.gather [spmem:s3], $0x40, s20, s24, $0xb8;
	[tilespmem:$0x1CC00] =	vst v63  }
0x68: {  	_ =	swait.ge [sflag:s28], $0x2000  }
0x69: {  	[sflag:s28] =	ssyncset.done $0x0  }
0x6a: {  	s8 =	sadd.s32 $0x14600, s0;
	[sflag:s28] =	ssyncadd.s32 $0xFFFFE000  }
0x6b: {  	[spmem:s2] =	stream.indirect.scatter.add.f32 [tilespmem:s17], [sflag:$0x4], $0x40, s8, s24, $0xb8;
	[tilespmem:$0x1CC00] =	vst v63  }
0x6c: {  	_ =	swait.ge [sflag:s16], $0x2000  }
0x6d: {  	[sflag:s16] =	ssyncset.done $0x0  }
0x6e: {  	s18 =	sadd.s32 $0x13F00, s0;
	[sflag:s16] =	ssyncadd.s32 $0xFFFFE000  }
0x6f: {  	[tilespmem:s17], [sflag:$0x1] =	stream.indirect.gather [spmem:s3], $0x40, s18, s24, $0xb8;
	[tilespmem:$0x1CC00] =	vst v63  }
0x70: {  	_ =	swait.ge [sflag:s29], $0x2000  }
0x71: {  	[sflag:s29] =	ssyncset.done $0x0  }
0x72: {  	s19 =	sadd.s32 $0x14680, s0;
	[sflag:s29] =	ssyncadd.s32 $0xFFFFE000  }
0x73: {  	[spmem:s2] =	stream.indirect.scatter.add.f32 [tilespmem:s26], [sflag:$0x4], $0x40, s19, s24, $0xb8;
	[tilespmem:$0x1CC00] =	vst v63  }
0x74: {  	_ =	swait.ge [sflag:s16], $0x2000  }
0x75: {  	[sflag:s16] =	ssyncset.done $0x0  }
0x76: {  	[sflag:s16] =	ssyncadd.s32 $0xFFFFE000  }
0x77: {  	_ =	swait.ge [sflag:s22], $0x400  }
0x78: {  	[sflag:s22] =	ssyncset.done $0x0  }
0x79: {  	[sflag:s22] =	ssyncadd.s32 $0xFFFFFC00  }
0x7a: {  	_ =	swait.ge [sflag:s22], $0x400  }
0x7b: {  	[sflag:s22] =	ssyncset.done $0x0  }
0x7c: {  	s20 =	sadd.s32 $0x13F80, s0;
	[sflag:s22] =	ssyncadd.s32 $0xFFFFFC00  }
0x7d: {  	[tilespmem:s26], [sflag:$0x2] =	stream.indirect.gather [spmem:s3], $0x40, s20, s24, $0xb8;
	[tilespmem:$0x1CC00] =	vst v63  }
0x7e: {  	_ =	swait.ge [sflag:s28], $0x2000  }
0x7f: {  	[sflag:s28] =	ssyncset.done $0x0  }
0x80: {  	s8 =	sadd.s32 $0x14700, s0;
	[sflag:s28] =	ssyncadd.s32 $0xFFFFE000  }
0x81: {  	[spmem:s2] =	stream.indirect.scatter.add.f32 [tilespmem:s17], [sflag:$0x4], $0x40, s8, s24, $0xb8;
	[tilespmem:$0x1CC00] =	vst v63  }
0x82: {  	_ =	swait.ge [sflag:s16], $0x2000  }
0x83: {  	[sflag:s16] =	ssyncset.done $0x0  }
0x84: {  	s18 =	ssub.s32 $0x14000, s0;
	[sflag:s16] =	ssyncadd.s32 $0xFFFFE000  }
0x85: {  	[tilespmem:s17], [sflag:$0x1] =	stream.indirect.gather [spmem:s3], $0x40, s18, s24, $0xb8;
	[tilespmem:$0x1CC00] =	vst v63  }
0x86: {  	_ =	swait.ge [sflag:s29], $0x2000  }
0x87: {  	[sflag:s29] =	ssyncset.done $0x0  }
0x88: {  	s19 =	sadd.s32 $0x14780, s0;
	[sflag:s29] =	ssyncadd.s32 $0xFFFFE000  }
0x89: {  	[spmem:s2] =	stream.indirect.scatter.add.f32 [tilespmem:s26], [sflag:$0x4], $0x40, s19, s24, $0xb8;
	[tilespmem:$0x1CC00] =	vst v63  }
0x8a: {  	s20 =	sadd.s32 $0x100, s9;
	_ =	swait.ge [sflag:s16], $0x2000  }
0x8b: {  	s0 =	sadd.s32 $0x13C00, s0;
	s1 =	sadd.s32 $0x80, s20;
	[sflag:s16] =	ssyncset.done $0x0  }
0x8c: {  	s8 =	sadd.s32 $0x100, s10;
	s18 =	simm.s32 $0x400;
	[sflag:s16] =	ssyncadd.s32 $0xFFFFE000  }
0x8d: {  	[tilespmem:s0], [sflag:$0x3] =	stream.linear.gather [hbm4b:s20+s4], $0x400, $0x38;
	[tilespmem:$0x1CC00] =	vst v63  }
0x8e: {  	s31 =	sand.u32 $0x400, s18;
	s18 =	simm.s32 $0x800;
	s0 =	sadd.s32 $0x80, s8  }
.LBB2_4:
0x8f: {  	[tilespmem:s6], [sflag:$0x3] =	stream.linear.gather [hbm4b:s8+s4], $0x400, $0x38;
	[tilespmem:$0x1CC00] =	vst v63  }
0x90: {  	s6 =	smov.u32 s18;
	s8 =	smov.u32 s0  }
0x91: {  	s20 =	sadd.s32 $0x400, s18;
	s19 =	sand.u32 $0x400, s6;
	s6 =	sadd.s32 $0x13C80, s31  }
0x92: {  	[tilespmem:s26], [sflag:$0x2] =	stream.indirect.gather [spmem:s3], $0x40, s6, s24, $0xb8;
	[tilespmem:$0x1CC00] =	vst v63  }
0x93: {  	p0 =	sne.s32 s18, $0x4400;
	_ =	swait.ge [sflag:s28], $0x2000  }
0x94: {  	[sflag:s28] =	ssyncset.done $0x0  }
0x95: {  	s6 =	sadd.s32 $0x14400, s31;
	[sflag:s28] =	ssyncadd.s32 $0xFFFFE000  }
0x96: {  	[spmem:s2] =	stream.indirect.scatter.add.f32 [tilespmem:s17], [sflag:$0x4], $0x40, s6, s24, $0xb8;
	[tilespmem:$0x1CC00] =	vst v63  }
0x97: {  	_ =	swait.ge [sflag:s16], $0x2000  }
0x98: {  	[sflag:s16] =	ssyncset.done $0x0  }
0x99: {  	s18 =	sadd.s32 $0x13D00, s31;
	[sflag:s16] =	ssyncadd.s32 $0xFFFFE000  }
0x9a: {  	[tilespmem:s17], [sflag:$0x1] =	stream.indirect.gather [spmem:s3], $0x40, s18, s24, $0xb8;
	[tilespmem:$0x1CC00] =	vst v63  }
0x9b: {  	_ =	swait.ge [sflag:s29], $0x2000  }
0x9c: {  	[sflag:s29] =	ssyncset.done $0x0  }
0x9d: {  	s18 =	sadd.s32 $0x14480, s31;
	[sflag:s29] =	ssyncadd.s32 $0xFFFFE000  }
0x9e: {  	[spmem:s2] =	stream.indirect.scatter.add.f32 [tilespmem:s26], [sflag:$0x4], $0x40, s18, s24, $0xb8;
	[tilespmem:$0x1CC00] =	vst v63  }
0x9f: {  	_ =	swait.ge [sflag:s16], $0x2000  }
0xa0: {  	[sflag:s16] =	ssyncset.done $0x0  }
0xa1: {  	s18 =	sadd.s32 $0x13D80, s31;
	[sflag:s16] =	ssyncadd.s32 $0xFFFFE000  }
0xa2: {  	[tilespmem:s26], [sflag:$0x2] =	stream.indirect.gather [spmem:s3], $0x40, s18, s24, $0xb8;
	[tilespmem:$0x1CC00] =	vst v63  }
0xa3: {  	_ =	swait.ge [sflag:s28], $0x2000  }
0xa4: {  	[sflag:s28] =	ssyncset.done $0x0  }
0xa5: {  	s18 =	sadd.s32 $0x14500, s31;
	[sflag:s28] =	ssyncadd.s32 $0xFFFFE000  }
0xa6: {  	[spmem:s2] =	stream.indirect.scatter.add.f32 [tilespmem:s17], [sflag:$0x4], $0x40, s18, s24, $0xb8;
	[tilespmem:$0x1CC00] =	vst v63  }
0xa7: {  	_ =	swait.ge [sflag:s16], $0x2000  }
0xa8: {  	[sflag:s16] =	ssyncset.done $0x0  }
0xa9: {  	s18 =	sadd.s32 $0x13E00, s31;
	[sflag:s16] =	ssyncadd.s32 $0xFFFFE000  }
0xaa: {  	[tilespmem:s17], [sflag:$0x1] =	stream.indirect.gather [spmem:s3], $0x40, s18, s24, $0xb8;
	[tilespmem:$0x1CC00] =	vst v63  }
0xab: {  	_ =	swait.ge [sflag:s29], $0x2000  }
0xac: {  	[sflag:s29] =	ssyncset.done $0x0  }
0xad: {  	s18 =	sadd.s32 $0x14580, s31;
	[sflag:s29] =	ssyncadd.s32 $0xFFFFE000  }
0xae: {  	[spmem:s2] =	stream.indirect.scatter.add.f32 [tilespmem:s26], [sflag:$0x4], $0x40, s18, s24, $0xb8;
	[tilespmem:$0x1CC00] =	vst v63  }
0xaf: {  	_ =	swait.ge [sflag:s16], $0x2000  }
0xb0: {  	[sflag:s16] =	ssyncset.done $0x0  }
0xb1: {  	s18 =	sadd.s32 $0x13E80, s31;
	[sflag:s16] =	ssyncadd.s32 $0xFFFFE000  }
0xb2: {  	[tilespmem:s26], [sflag:$0x2] =	stream.indirect.gather [spmem:s3], $0x40, s18, s24, $0xb8;
	[tilespmem:$0x1CC00] =	vst v63  }
0xb3: {  	_ =	swait.ge [sflag:s28], $0x2000  }
0xb4: {  	[sflag:s28] =	ssyncset.done $0x0  }
0xb5: {  	s18 =	sadd.s32 $0x14600, s31;
	[sflag:s28] =	ssyncadd.s32 $0xFFFFE000  }
0xb6: {  	[spmem:s2] =	stream.indirect.scatter.add.f32 [tilespmem:s17], [sflag:$0x4], $0x40, s18, s24, $0xb8;
	[tilespmem:$0x1CC00] =	vst v63  }
0xb7: {  	_ =	swait.ge [sflag:s16], $0x2000  }
0xb8: {  	[sflag:s16] =	ssyncset.done $0x0  }
0xb9: {  	s18 =	sadd.s32 $0x13F00, s31;
	[sflag:s16] =	ssyncadd.s32 $0xFFFFE000  }
0xba: {  	[tilespmem:s17], [sflag:$0x1] =	stream.indirect.gather [spmem:s3], $0x40, s18, s24, $0xb8;
	[tilespmem:$0x1CC00] =	vst v63  }
0xbb: {  	_ =	swait.ge [sflag:s29], $0x2000  }
0xbc: {  	[sflag:s29] =	ssyncset.done $0x0  }
0xbd: {  	s18 =	sadd.s32 $0x14680, s31;
	[sflag:s29] =	ssyncadd.s32 $0xFFFFE000  }
0xbe: {  	[spmem:s2] =	stream.indirect.scatter.add.f32 [tilespmem:s26], [sflag:$0x4], $0x40, s18, s24, $0xb8;
	[tilespmem:$0x1CC00] =	vst v63  }
0xbf: {  	_ =	swait.ge [sflag:s16], $0x2000  }
0xc0: {  	[sflag:s16] =	ssyncset.done $0x0  }
0xc1: {  	[sflag:s16] =	ssyncadd.s32 $0xFFFFE000  }
0xc2: {  	_ =	swait.ge [sflag:s22], $0x400  }
0xc3: {  	[sflag:s22] =	ssyncset.done $0x0  }
0xc4: {  	[sflag:s22] =	ssyncadd.s32 $0xFFFFFC00  }
0xc5: {  	_ =	swait.ge [sflag:s22], $0x400  }
0xc6: {  	[sflag:s22] =	ssyncset.done $0x0  }
0xc7: {  	s18 =	sadd.s32 $0x13F80, s31;
	[sflag:s22] =	ssyncadd.s32 $0xFFFFFC00  }
0xc8: {  	[tilespmem:s26], [sflag:$0x2] =	stream.indirect.gather [spmem:s3], $0x40, s18, s24, $0xb8;
	[tilespmem:$0x1CC00] =	vst v63  }
0xc9: {  	_ =	swait.ge [sflag:s28], $0x2000  }
0xca: {  	[sflag:s28] =	ssyncset.done $0x0  }
0xcb: {  	s18 =	sadd.s32 $0x14700, s31;
	[sflag:s28] =	ssyncadd.s32 $0xFFFFE000  }
0xcc: {  	[spmem:s2] =	stream.indirect.scatter.add.f32 [tilespmem:s17], [sflag:$0x4], $0x40, s18, s24, $0xb8;
	[tilespmem:$0x1CC00] =	vst v63  }
0xcd: {  	_ =	swait.ge [sflag:s16], $0x2000  }
0xce: {  	[sflag:s16] =	ssyncset.done $0x0  }
0xcf: {  	s18 =	ssub.s32 $0x14000, s31;
	[sflag:s16] =	ssyncadd.s32 $0xFFFFE000  }
0xd0: {  	[tilespmem:s17], [sflag:$0x1] =	stream.indirect.gather [spmem:s3], $0x40, s18, s24, $0xb8;
	[tilespmem:$0x1CC00] =	vst v63  }
0xd1: {  	_ =	swait.ge [sflag:s29], $0x2000  }
0xd2: {  	[sflag:s29] =	ssyncset.done $0x0  }
0xd3: {  	s18 =	sadd.s32 $0x14780, s31;
	[sflag:s29] =	ssyncadd.s32 $0xFFFFE000  }
0xd4: {  	[spmem:s2] =	stream.indirect.scatter.add.f32 [tilespmem:s26], [sflag:$0x4], $0x40, s18, s24, $0xb8;
	[tilespmem:$0x1CC00] =	vst v63  }
.Ltmp1:
0xd5: {  	_ =	swait.ge [sflag:s16], $0x2000;
	(pc) =	sbr.rel @p0 .LBB2_4-.Ltmp1, $4  }
0xd6: {  	[sflag:s16] =	ssyncset.done $0x0  }
0xd7: {  	s18 =	sadd.s32 $0x13C00, s31;
	s31 =	smov.u32 s19;
	[sflag:s16] =	ssyncadd.s32 $0xFFFFE000  }
0xd8: {  	[tilespmem:s18], [sflag:$0x3] =	stream.linear.gather [hbm4b:s1+s4], $0x400, $0x38;
	[tilespmem:$0x1CC00] =	vst v63  }
0xd9: {  	s0 =	sadd.s32 $0x80, s0;
	s1 =	sadd.s32 $0x80, s1;
	s18 =	smov.u32 s20  }
0xda: {  	[tilespmem:s6], [sflag:$0x3] =	stream.linear.gather [hbm4b:s8+s4], $0x400, $0x38;
	[tilespmem:$0x1CC00] =	vst v63  }
0xdb: {  	s8 =	sadd.s32 $0x13C80, s31  }
0xdc: {  	[tilespmem:s26], [sflag:$0x2] =	stream.indirect.gather [spmem:s3], $0x40, s8, s24, $0xb8;
	[tilespmem:$0x1CC00] =	vst v63  }
0xdd: {  	_ =	swait.ge [sflag:s28], $0x2000  }
0xde: {  	[sflag:s28] =	ssyncset.done $0x0  }
0xdf: {  	s6 =	sadd.s32 $0x14400, s31;
	[sflag:s28] =	ssyncadd.s32 $0xFFFFE000  }
0xe0: {  	[spmem:s2] =	stream.indirect.scatter.add.f32 [tilespmem:s17], [sflag:$0x4], $0x40, s6, s24, $0xb8;
	[tilespmem:$0x1CC00] =	vst v63  }
0xe1: {  	_ =	swait.ge [sflag:s16], $0x2000  }
0xe2: {  	[sflag:s16] =	ssyncset.done $0x0  }
0xe3: {  	s18 =	sadd.s32 $0x13D00, s31;
	[sflag:s16] =	ssyncadd.s32 $0xFFFFE000  }
0xe4: {  	[tilespmem:s17], [sflag:$0x1] =	stream.indirect.gather [spmem:s3], $0x40, s18, s24, $0xb8;
	[tilespmem:$0x1CC00] =	vst v63  }
0xe5: {  	_ =	swait.ge [sflag:s29], $0x2000  }
0xe6: {  	[sflag:s29] =	ssyncset.done $0x0  }
0xe7: {  	s19 =	sadd.s32 $0x14480, s31;
	[sflag:s29] =	ssyncadd.s32 $0xFFFFE000  }
0xe8: {  	[spmem:s2] =	stream.indirect.scatter.add.f32 [tilespmem:s26], [sflag:$0x4], $0x40, s19, s24, $0xb8;
	[tilespmem:$0x1CC00] =	vst v63  }
0xe9: {  	_ =	swait.ge [sflag:s16], $0x2000  }
0xea: {  	[sflag:s16] =	ssyncset.done $0x0  }
0xeb: {  	s20 =	sadd.s32 $0x13D80, s31;
	[sflag:s16] =	ssyncadd.s32 $0xFFFFE000  }
0xec: {  	[tilespmem:s26], [sflag:$0x2] =	stream.indirect.gather [spmem:s3], $0x40, s20, s24, $0xb8;
	[tilespmem:$0x1CC00] =	vst v63  }
0xed: {  	_ =	swait.ge [sflag:s28], $0x2000  }
0xee: {  	[sflag:s28] =	ssyncset.done $0x0  }
0xef: {  	s18 =	sadd.s32 $0x14500, s31;
	[sflag:s28] =	ssyncadd.s32 $0xFFFFE000  }
0xf0: {  	[spmem:s2] =	stream.indirect.scatter.add.f32 [tilespmem:s17], [sflag:$0x4], $0x40, s18, s24, $0xb8;
	[tilespmem:$0x1CC00] =	vst v63  }
0xf1: {  	_ =	swait.ge [sflag:s16], $0x2000  }
0xf2: {  	[sflag:s16] =	ssyncset.done $0x0  }
0xf3: {  	s19 =	sadd.s32 $0x13E00, s31;
	[sflag:s16] =	ssyncadd.s32 $0xFFFFE000  }
0xf4: {  	[tilespmem:s17], [sflag:$0x1] =	stream.indirect.gather [spmem:s3], $0x40, s19, s24, $0xb8;
	[tilespmem:$0x1CC00] =	vst v63  }
0xf5: {  	_ =	swait.ge [sflag:s29], $0x2000  }
0xf6: {  	[sflag:s29] =	ssyncset.done $0x0  }
0xf7: {  	s20 =	sadd.s32 $0x14580, s31;
	[sflag:s29] =	ssyncadd.s32 $0xFFFFE000  }
0xf8: {  	[spmem:s2] =	stream.indirect.scatter.add.f32 [tilespmem:s26], [sflag:$0x4], $0x40, s20, s24, $0xb8;
	[tilespmem:$0x1CC00] =	vst v63  }
0xf9: {  	_ =	swait.ge [sflag:s16], $0x2000  }
0xfa: {  	[sflag:s16] =	ssyncset.done $0x0  }
0xfb: {  	s18 =	sadd.s32 $0x13E80, s31;
	[sflag:s16] =	ssyncadd.s32 $0xFFFFE000  }
0xfc: {  	[tilespmem:s26], [sflag:$0x2] =	stream.indirect.gather [spmem:s3], $0x40, s18, s24, $0xb8;
	[tilespmem:$0x1CC00] =	vst v63  }
0xfd: {  	_ =	swait.ge [sflag:s28], $0x2000  }
0xfe: {  	[sflag:s28] =	ssyncset.done $0x0  }
0xff: {  	s19 =	sadd.s32 $0x14600, s31;
	[sflag:s28] =	ssyncadd.s32 $0xFFFFE000  }
0x100: {  	[spmem:s2] =	stream.indirect.scatter.add.f32 [tilespmem:s17], [sflag:$0x4], $0x40, s19, s24, $0xb8;
	[tilespmem:$0x1CC00] =	vst v63  }
0x101: {  	_ =	swait.ge [sflag:s16], $0x2000  }
0x102: {  	[sflag:s16] =	ssyncset.done $0x0  }
0x103: {  	s20 =	sadd.s32 $0x13F00, s31;
	[sflag:s16] =	ssyncadd.s32 $0xFFFFE000  }
0x104: {  	[tilespmem:s17], [sflag:$0x1] =	stream.indirect.gather [spmem:s3], $0x40, s20, s24, $0xb8;
	[tilespmem:$0x1CC00] =	vst v63  }
0x105: {  	_ =	swait.ge [sflag:s29], $0x2000  }
0x106: {  	[sflag:s29] =	ssyncset.done $0x0  }
0x107: {  	s18 =	sadd.s32 $0x14680, s31;
	[sflag:s29] =	ssyncadd.s32 $0xFFFFE000  }
0x108: {  	[spmem:s2] =	stream.indirect.scatter.add.f32 [tilespmem:s26], [sflag:$0x4], $0x40, s18, s24, $0xb8;
	[tilespmem:$0x1CC00] =	vst v63  }
0x109: {  	_ =	swait.ge [sflag:s16], $0x2000  }
0x10a: {  	[sflag:s16] =	ssyncset.done $0x0  }
0x10b: {  	[sflag:s16] =	ssyncadd.s32 $0xFFFFE000  }
0x10c: {  	_ =	swait.ge [sflag:s22], $0x400  }
0x10d: {  	[sflag:s22] =	ssyncset.done $0x0  }
0x10e: {  	[sflag:s22] =	ssyncadd.s32 $0xFFFFFC00  }
0x10f: {  	_ =	swait.ge [sflag:s22], $0x400  }
0x110: {  	[sflag:s22] =	ssyncset.done $0x0  }
0x111: {  	s19 =	sadd.s32 $0x13F80, s31;
	[sflag:s22] =	ssyncadd.s32 $0xFFFFFC00  }
0x112: {  	[tilespmem:s26], [sflag:$0x2] =	stream.indirect.gather [spmem:s3], $0x40, s19, s24, $0xb8;
	[tilespmem:$0x1CC00] =	vst v63  }
0x113: {  	_ =	swait.ge [sflag:s28], $0x2000  }
0x114: {  	[sflag:s28] =	ssyncset.done $0x0  }
0x115: {  	s20 =	sadd.s32 $0x14700, s31;
	[sflag:s28] =	ssyncadd.s32 $0xFFFFE000  }
0x116: {  	[spmem:s2] =	stream.indirect.scatter.add.f32 [tilespmem:s17], [sflag:$0x4], $0x40, s20, s24, $0xb8;
	[tilespmem:$0x1CC00] =	vst v63  }
0x117: {  	_ =	swait.ge [sflag:s16], $0x2000  }
0x118: {  	[sflag:s16] =	ssyncset.done $0x0  }
0x119: {  	s18 =	ssub.s32 $0x14000, s31;
	[sflag:s16] =	ssyncadd.s32 $0xFFFFE000  }
0x11a: {  	[tilespmem:s17], [sflag:$0x1] =	stream.indirect.gather [spmem:s3], $0x40, s18, s24, $0xb8;
	[tilespmem:$0x1CC00] =	vst v63  }
0x11b: {  	_ =	swait.ge [sflag:s29], $0x2000  }
0x11c: {  	[sflag:s29] =	ssyncset.done $0x0  }
0x11d: {  	s19 =	sadd.s32 $0x14780, s31;
	[sflag:s29] =	ssyncadd.s32 $0xFFFFE000  }
0x11e: {  	[spmem:s2] =	stream.indirect.scatter.add.f32 [tilespmem:s26], [sflag:$0x4], $0x40, s19, s24, $0xb8;
	[tilespmem:$0x1CC00] =	vst v63  }
0x11f: {  	_ =	swait.ge [sflag:s16], $0x2000  }
0x120: {  	[sflag:s16] =	ssyncset.done $0x0  }
0x121: {  	s20 =	sadd.s32 $0x13C00, s31;
	[sflag:s16] =	ssyncadd.s32 $0xFFFFE000  }
0x122: {  	[tilespmem:s20], [sflag:$0x3] =	stream.linear.gather [hbm4b:s1+s4], $0x400, $0x38;
	[tilespmem:$0x1CC00] =	vst v63  }
0x123: {  	_ = 	snop  }
0x124: {  	[tilespmem:s6], [sflag:$0x3] =	stream.linear.gather [hbm4b:s0+s4], $0x400, $0x38;
	[tilespmem:$0x1CC00] =	vst v63  }
0x125: {  	s31 =	simm.s32 $0x13C80  }
0x126: {  	[tilespmem:s26], [sflag:$0x2] =	stream.indirect.gather [spmem:s3], $0x40, s31, s24, $0xb8;
	[tilespmem:$0x1CC00] =	vst v63  }
0x127: {  	_ =	swait.ge [sflag:s28], $0x2000  }
0x128: {  	[sflag:s28] =	ssyncset.done $0x0  }
0x129: {  	s8 =	simm.s32 $0x14400;
	[sflag:s28] =	ssyncadd.s32 $0xFFFFE000  }
0x12a: {  	[spmem:s2] =	stream.indirect.scatter.add.f32 [tilespmem:s17], [sflag:$0x4], $0x40, s8, s24, $0xb8;
	[tilespmem:$0x1CC00] =	vst v63  }
0x12b: {  	_ =	swait.ge [sflag:s16], $0x2000  }
0x12c: {  	[sflag:s16] =	ssyncset.done $0x0  }
0x12d: {  	s1 =	simm.s32 $0x13D00;
	[sflag:s16] =	ssyncadd.s32 $0xFFFFE000  }
0x12e: {  	[tilespmem:s17], [sflag:$0x1] =	stream.indirect.gather [spmem:s3], $0x40, s1, s24, $0xb8;
	[tilespmem:$0x1CC00] =	vst v63  }
0x12f: {  	_ =	swait.ge [sflag:s29], $0x2000  }
0x130: {  	[sflag:s29] =	ssyncset.done $0x0  }
0x131: {  	s6 =	simm.s32 $0x14480;
	[sflag:s29] =	ssyncadd.s32 $0xFFFFE000  }
0x132: {  	[spmem:s2] =	stream.indirect.scatter.add.f32 [tilespmem:s26], [sflag:$0x4], $0x40, s6, s24, $0xb8;
	[tilespmem:$0x1CC00] =	vst v63  }
0x133: {  	_ =	swait.ge [sflag:s16], $0x2000  }
0x134: {  	[sflag:s16] =	ssyncset.done $0x0  }
0x135: {  	s18 =	simm.s32 $0x13D80;
	[sflag:s16] =	ssyncadd.s32 $0xFFFFE000  }
0x136: {  	[tilespmem:s26], [sflag:$0x2] =	stream.indirect.gather [spmem:s3], $0x40, s18, s24, $0xb8;
	[tilespmem:$0x1CC00] =	vst v63  }
0x137: {  	_ =	swait.ge [sflag:s28], $0x2000  }
0x138: {  	[sflag:s28] =	ssyncset.done $0x0  }
0x139: {  	s19 =	simm.s32 $0x14500;
	[sflag:s28] =	ssyncadd.s32 $0xFFFFE000  }
0x13a: {  	[spmem:s2] =	stream.indirect.scatter.add.f32 [tilespmem:s17], [sflag:$0x4], $0x40, s19, s24, $0xb8;
	[tilespmem:$0x1CC00] =	vst v63  }
0x13b: {  	_ =	swait.ge [sflag:s16], $0x2000  }
0x13c: {  	[sflag:s16] =	ssyncset.done $0x0  }
0x13d: {  	s20 =	simm.s32 $0x13E00;
	[sflag:s16] =	ssyncadd.s32 $0xFFFFE000  }
0x13e: {  	[tilespmem:s17], [sflag:$0x1] =	stream.indirect.gather [spmem:s3], $0x40, s20, s24, $0xb8;
	[tilespmem:$0x1CC00] =	vst v63  }
0x13f: {  	_ =	swait.ge [sflag:s29], $0x2000  }
0x140: {  	[sflag:s29] =	ssyncset.done $0x0  }
0x141: {  	s31 =	simm.s32 $0x14580;
	[sflag:s29] =	ssyncadd.s32 $0xFFFFE000  }
0x142: {  	[spmem:s2] =	stream.indirect.scatter.add.f32 [tilespmem:s26], [sflag:$0x4], $0x40, s31, s24, $0xb8;
	[tilespmem:$0x1CC00] =	vst v63  }
0x143: {  	_ =	swait.ge [sflag:s16], $0x2000  }
0x144: {  	[sflag:s16] =	ssyncset.done $0x0  }
0x145: {  	s1 =	simm.s32 $0x13E80;
	[sflag:s16] =	ssyncadd.s32 $0xFFFFE000  }
0x146: {  	[tilespmem:s26], [sflag:$0x2] =	stream.indirect.gather [spmem:s3], $0x40, s1, s24, $0xb8;
	[tilespmem:$0x1CC00] =	vst v63  }
0x147: {  	_ =	swait.ge [sflag:s28], $0x2000  }
0x148: {  	[sflag:s28] =	ssyncset.done $0x0  }
0x149: {  	s6 =	simm.s32 $0x14600;
	[sflag:s28] =	ssyncadd.s32 $0xFFFFE000  }
0x14a: {  	[spmem:s2] =	stream.indirect.scatter.add.f32 [tilespmem:s17], [sflag:$0x4], $0x40, s6, s24, $0xb8;
	[tilespmem:$0x1CC00] =	vst v63  }
0x14b: {  	_ =	swait.ge [sflag:s16], $0x2000  }
0x14c: {  	[sflag:s16] =	ssyncset.done $0x0  }
0x14d: {  	s18 =	simm.s32 $0x13F00;
	[sflag:s16] =	ssyncadd.s32 $0xFFFFE000  }
0x14e: {  	[tilespmem:s17], [sflag:$0x1] =	stream.indirect.gather [spmem:s3], $0x40, s18, s24, $0xb8;
	[tilespmem:$0x1CC00] =	vst v63  }
0x14f: {  	_ =	swait.ge [sflag:s29], $0x2000  }
0x150: {  	[sflag:s29] =	ssyncset.done $0x0  }
0x151: {  	s19 =	simm.s32 $0x14680;
	[sflag:s29] =	ssyncadd.s32 $0xFFFFE000  }
0x152: {  	[spmem:s2] =	stream.indirect.scatter.add.f32 [tilespmem:s26], [sflag:$0x4], $0x40, s19, s24, $0xb8;
	[tilespmem:$0x1CC00] =	vst v63  }
0x153: {  	_ =	swait.ge [sflag:s16], $0x2000  }
0x154: {  	[sflag:s16] =	ssyncset.done $0x0  }
0x155: {  	[sflag:s16] =	ssyncadd.s32 $0xFFFFE000  }
0x156: {  	_ =	swait.ge [sflag:s22], $0x400  }
0x157: {  	[sflag:s22] =	ssyncset.done $0x0  }
0x158: {  	[sflag:s22] =	ssyncadd.s32 $0xFFFFFC00  }
0x159: {  	_ =	swait.ge [sflag:s22], $0x400  }
0x15a: {  	[sflag:s22] =	ssyncset.done $0x0  }
0x15b: {  	s20 =	simm.s32 $0x13F80;
	[sflag:s22] =	ssyncadd.s32 $0xFFFFFC00  }
0x15c: {  	[tilespmem:s26], [sflag:$0x2] =	stream.indirect.gather [spmem:s3], $0x40, s20, s24, $0xb8;
	[tilespmem:$0x1CC00] =	vst v63  }
0x15d: {  	_ =	swait.ge [sflag:s28], $0x2000  }
0x15e: {  	[sflag:s28] =	ssyncset.done $0x0  }
0x15f: {  	s31 =	simm.s32 $0x14700;
	[sflag:s28] =	ssyncadd.s32 $0xFFFFE000  }
0x160: {  	[spmem:s2] =	stream.indirect.scatter.add.f32 [tilespmem:s17], [sflag:$0x4], $0x40, s31, s24, $0xb8;
	[tilespmem:$0x1CC00] =	vst v63  }
0x161: {  	_ =	swait.ge [sflag:s16], $0x2000  }
0x162: {  	[sflag:s16] =	ssyncset.done $0x0  }
0x163: {  	s19 =	simm.s32 $0x14000;
	[sflag:s16] =	ssyncadd.s32 $0xFFFFE000  }
0x164: {  	[tilespmem:s17], [sflag:$0x1] =	stream.indirect.gather [spmem:s3], $0x40, s19, s24, $0xb8;
	[tilespmem:$0x1CC00] =	vst v63  }
0x165: {  	_ =	swait.ge [sflag:s29], $0x2000  }
0x166: {  	[sflag:s29] =	ssyncset.done $0x0  }
0x167: {  	s1 =	simm.s32 $0x14780;
	[sflag:s29] =	ssyncadd.s32 $0xFFFFE000  }
0x168: {  	[spmem:s2] =	stream.indirect.scatter.add.f32 [tilespmem:s26], [sflag:$0x4], $0x40, s1, s24, $0xb8;
	[tilespmem:$0x1CC00] =	vst v63  }
0x169: {  	_ =	swait.ge [sflag:s16], $0x2000  }
0x16a: {  	[sflag:s16] =	ssyncset.done $0x0  }
0x16b: {  	s6 =	simm.s32 $0x14080;
	[sflag:s16] =	ssyncadd.s32 $0xFFFFE000  }
0x16c: {  	[tilespmem:s26], [sflag:$0x2] =	stream.indirect.gather [spmem:s3], $0x40, s6, s24, $0xb8;
	[tilespmem:$0x1CC00] =	vst v63  }
0x16d: {  	_ =	swait.ge [sflag:s28], $0x2000  }
0x16e: {  	[sflag:s28] =	ssyncset.done $0x0  }
0x16f: {  	[sflag:s28] =	ssyncadd.s32 $0xFFFFE000  }
0x170: {  	[spmem:s2] =	stream.indirect.scatter.add.f32 [tilespmem:s17], [sflag:$0x4], $0x40, s21, s24, $0xb8;
	[tilespmem:$0x1CC00] =	vst v63  }
0x171: {  	_ =	swait.ge [sflag:s16], $0x2000  }
0x172: {  	[sflag:s16] =	ssyncset.done $0x0  }
0x173: {  	s18 =	simm.s32 $0x14100;
	[sflag:s16] =	ssyncadd.s32 $0xFFFFE000  }
0x174: {  	[tilespmem:s17], [sflag:$0x1] =	stream.indirect.gather [spmem:s3], $0x40, s18, s24, $0xb8;
	[tilespmem:$0x1CC00] =	vst v63  }
0x175: {  	_ =	swait.ge [sflag:s29], $0x2000  }
0x176: {  	[sflag:s29] =	ssyncset.done $0x0  }
0x177: {  	s20 =	simm.s32 $0x14880;
	[sflag:s29] =	ssyncadd.s32 $0xFFFFE000  }
0x178: {  	[spmem:s2] =	stream.indirect.scatter.add.f32 [tilespmem:s26], [sflag:$0x4], $0x40, s20, s24, $0xb8;
	[tilespmem:$0x1CC00] =	vst v63  }
0x179: {  	_ =	swait.ge [sflag:s16], $0x2000  }
0x17a: {  	[sflag:s16] =	ssyncset.done $0x0  }
0x17b: {  	s31 =	simm.s32 $0x14180;
	[sflag:s16] =	ssyncadd.s32 $0xFFFFE000  }
0x17c: {  	[tilespmem:s26], [sflag:$0x2] =	stream.indirect.gather [spmem:s3], $0x40, s31, s24, $0xb8;
	[tilespmem:$0x1CC00] =	vst v63  }
0x17d: {  	_ =	swait.ge [sflag:s28], $0x2000  }
0x17e: {  	[sflag:s28] =	ssyncset.done $0x0  }
0x17f: {  	s1 =	simm.s32 $0x14900;
	[sflag:s28] =	ssyncadd.s32 $0xFFFFE000  }
0x180: {  	[spmem:s2] =	stream.indirect.scatter.add.f32 [tilespmem:s17], [sflag:$0x4], $0x40, s1, s24, $0xb8;
	[tilespmem:$0x1CC00] =	vst v63  }
0x181: {  	_ =	swait.ge [sflag:s16], $0x2000  }
0x182: {  	[sflag:s16] =	ssyncset.done $0x0  }
0x183: {  	s6 =	simm.s32 $0x14200;
	[sflag:s16] =	ssyncadd.s32 $0xFFFFE000  }
0x184: {  	[tilespmem:s17], [sflag:$0x1] =	stream.indirect.gather [spmem:s3], $0x40, s6, s24, $0xb8;
	[tilespmem:$0x1CC00] =	vst v63  }
0x185: {  	_ =	swait.ge [sflag:s29], $0x2000  }
0x186: {  	[sflag:s29] =	ssyncset.done $0x0  }
0x187: {  	s18 =	simm.s32 $0x14980;
	[sflag:s29] =	ssyncadd.s32 $0xFFFFE000  }
0x188: {  	[spmem:s2] =	stream.indirect.scatter.add.f32 [tilespmem:s26], [sflag:$0x4], $0x40, s18, s24, $0xb8;
	[tilespmem:$0x1CC00] =	vst v63  }
0x189: {  	_ =	swait.ge [sflag:s16], $0x2000  }
0x18a: {  	[sflag:s16] =	ssyncset.done $0x0  }
0x18b: {  	s20 =	simm.s32 $0x14280;
	[sflag:s16] =	ssyncadd.s32 $0xFFFFE000  }
0x18c: {  	[tilespmem:s26], [sflag:$0x2] =	stream.indirect.gather [spmem:s3], $0x40, s20, s24, $0xb8;
	[tilespmem:$0x1CC00] =	vst v63  }
0x18d: {  	_ =	swait.ge [sflag:s28], $0x2000  }
0x18e: {  	[sflag:s28] =	ssyncset.done $0x0  }
0x18f: {  	s31 =	simm.s32 $0x14A00;
	[sflag:s28] =	ssyncadd.s32 $0xFFFFE000  }
0x190: {  	[spmem:s2] =	stream.indirect.scatter.add.f32 [tilespmem:s17], [sflag:$0x4], $0x40, s31, s24, $0xb8;
	[tilespmem:$0x1CC00] =	vst v63  }
0x191: {  	_ =	swait.ge [sflag:s16], $0x2000  }
0x192: {  	[sflag:s16] =	ssyncset.done $0x0  }
0x193: {  	s1 =	simm.s32 $0x14300;
	[sflag:s16] =	ssyncadd.s32 $0xFFFFE000  }
0x194: {  	[tilespmem:s17], [sflag:$0x1] =	stream.indirect.gather [spmem:s3], $0x40, s1, s24, $0xb8;
	[tilespmem:$0x1CC00] =	vst v63  }
0x195: {  	_ =	swait.ge [sflag:s29], $0x2000  }
0x196: {  	[sflag:s29] =	ssyncset.done $0x0  }
0x197: {  	s6 =	simm.s32 $0x14A80;
	[sflag:s29] =	ssyncadd.s32 $0xFFFFE000  }
0x198: {  	[spmem:s2] =	stream.indirect.scatter.add.f32 [tilespmem:s26], [sflag:$0x4], $0x40, s6, s24, $0xb8;
	[tilespmem:$0x1CC00] =	vst v63  }
0x199: {  	_ =	swait.ge [sflag:s16], $0x2000  }
0x19a: {  	[sflag:s16] =	ssyncset.done $0x0  }
0x19b: {  	s18 =	simm.s32 $0x14380;
	[sflag:s16] =	ssyncadd.s32 $0xFFFFE000  }
0x19c: {  	[tilespmem:s26], [sflag:$0x2] =	stream.indirect.gather [spmem:s3], $0x40, s18, s24, $0xb8;
	[tilespmem:$0x1CC00] =	vst v63  }
0x19d: {  	_ =	swait.ge [sflag:s28], $0x2000  }
0x19e: {  	[sflag:s28] =	ssyncset.done $0x0  }
0x19f: {  	s20 =	simm.s32 $0x14B00;
	[sflag:s28] =	ssyncadd.s32 $0xFFFFE000  }
0x1a0: {  	[spmem:s2] =	stream.indirect.scatter.add.f32 [tilespmem:s17], [sflag:$0x4], $0x40, s20, s24, $0xb8;
	[tilespmem:$0x1CC00] =	vst v63  }
0x1a1: {  	_ =	swait.ge [sflag:s16], $0x2000  }
0x1a2: {  	[sflag:s16] =	ssyncset.done $0x0  }
0x1a3: {  	[sflag:s16] =	ssyncadd.s32 $0xFFFFE000  }
0x1a4: {  	_ =	swait.ge [sflag:s29], $0x2000  }
0x1a5: {  	[sflag:s29] =	ssyncset.done $0x0  }
0x1a6: {  	s31 =	simm.s32 $0x14B80;
	[sflag:s29] =	ssyncadd.s32 $0xFFFFE000  }
0x1a7: {  	[spmem:s2] =	stream.indirect.scatter.add.f32 [tilespmem:s26], [sflag:$0x4], $0x40, s31, s24, $0xb8;
	[tilespmem:$0x1CC00] =	vst v63  }
0x1a8: {  	_ =	swait.ge [sflag:s16], $0x2000  }
0x1a9: {  	s30 =	sadd.s32 $0x1, s30;
	[sflag:s16] =	ssyncset.done $0x0  }
0x1aa: {  	p0 =	sne.s32 s30, s11;
	[sflag:s16] =	ssyncadd.s32 $0xFFFFE000  }
.Ltmp2:
0x1ab: {  	[bflag:$0x0] =	sbarrier.arrive $0xFFFF;
	(pc) =	sbr.rel @p0 .LBB2_1-.Ltmp2, $4  }
0x1ac: {  	[hbm:s23], [sflag:s7] =	dma.local [spmem:s25], $0x2780  }
0x1ad: {  	_ =	swait.ge [sflag:s16], $0x2780  }
0x1ae: {  	[sflag:s16] =	ssyncset.done $0x0  }
0x1af: {  	[sflag:s16] =	ssyncadd.s32 $0xFFFFD880  }
0x1b0: {  	_ =	sfence.sel $0x180000  }
0x1b1: {  	[bflag:$0x0] =	sbarrier.arrive $0xFFFF  }
0x1b2: {  	_ =	strace $0x9000004A  }
0x1b3: {  	s0 =	stileid.u32;
	[bflag:$0x2] =	sbarrier.arrive $0xFFFF  }
0x1b4: {  	p0 =	sne.s32 s0, $0x0;
	s0 =	rddreg [dreg:$0x4]  }
0x1b5: {  	s0 =	sadd.s32 @!p0 $0x100000, s0  }
0x1b6: {  	[sflag:s0] =	ssyncadd.tile.s32 @!p0 $0x1;
	_ =	shalt  }
.Lfunc_end2:
_tile_overlayer_lowered:
.L_overlay_start_2:
0x1b7: {  	(tag) =	ssettag $0x2  }
0x1b8: {  	s0 =	rddreg [dreg:$0x0];
	s2 =	stileid.u32  }
0x1b9: {  	s1 =	rddreg [dreg:$0x1];
	p0 =	sne.s32 s2, $0x0  }
0x1ba: {  	s3 =	rddreg [dreg:$0x2];
	[bflag:$0x3] =	sbarrier.arrive $0xFFFF;
	s2 =	simm.s32 @!p0 $0x1C04  }
0x1bb: {  	[timem:s3], [sflag:s2] =	dma.local @!p0 [hbm:s0], s1  }
0x1bc: {  	s0 =	simm.s32 @!p0 $0x4  }
0x1bd: {  	_ =	swait.ge @!p0 [sflag:s0], s1  }
0x1be: {  	s1 =	ssub.s32 @!p0 $0x0, s1;
	[sflag:s0] =	ssyncset.done @!p0 $0x0  }
0x1bf: {  	[sflag:s0] =	ssyncadd.s32 @!p0 s1  }
0x1c0: {  	[bflag:$0x3] =	sbarrier.arrive $0xFFFF  }
0x1c1: {  	_ =	shalt  }

</sc_bundles>
